<compile_context>
chip_gen: v7x
topology: tpu7x:2x2x1
jax: 0.10.2.dev20260603
libtpu: 0.0.44.dev20260713+nightly
codegen_flags: <defaults>
</compile_context>

<pallas_src>
import jax
import jax.numpy as jnp
from jax import lax
from jax.experimental import pallas as pl
from jax.experimental.pallas import tpu as pltpu
from jax.experimental.pallas import tpu_sc as plsc

N = 10000
E = 320000
D = 128
DE = 4
DG = 16
G = 64
H1A = 4 * DE
H1N = 4 * D

NC = 2
NS = 16
NP = 10240
EPC = E // NC
KE = 6400
NCH = EPC // KE

NB = 5120
NBLK = NP // NB
EB = E // NBLK


def _pre_body(x_ref, eat_ref, w1ax_ref, b1a_ref, w1ae_ref,
              pt_ref, epret_ref):
    pt_ref[...] = lax.dot_general(
        w1ax_ref[...], x_ref[...], (((0,), (1,)), ((), ()))) + b1a_ref[...]
    epret_ref[...] = lax.dot_general(
        w1ae_ref[...], eat_ref[...],
        (((0,), (0,)), ((), ()))).astype(jnp.bfloat16)


def _tc_pre(x, eat, w1ax, b1a, w1ae):
    row_blk = lambda i: (i, 0)
    col_blk = lambda i: (0, i)
    full = lambda i: (0, 0)
    return pl.pallas_call(
        _pre_body,
        grid=(NBLK,),
        in_specs=[
            pl.BlockSpec((NB, D), row_blk),
            pl.BlockSpec((DE, EB), col_blk),
            pl.BlockSpec((D, H1A), full),
            pl.BlockSpec((H1A, 1), full),
            pl.BlockSpec((DE, H1A), full),
        ],
        out_specs=[
            pl.BlockSpec((H1A, NB), col_blk),
            pl.BlockSpec((H1A, EB), col_blk),
        ],
        out_shape=[
            jax.ShapeDtypeStruct((H1A, NP), jnp.float32),
            jax.ShapeDtypeStruct((H1A, E), jnp.bfloat16),
        ],
    )(x, eat, w1ax, b1a, w1ae)


def _sc_body(pt_hbm, epret_hbm, ec_hbm, out_hbm,
             pcol, acc, cnt,
             idx_a, col_a, ep_a, idx_b, col_b, ep_b,
             psem, sem_a, sem_b):
    c = lax.axis_index("c")
    s = lax.axis_index("s")

    zero16 = jnp.zeros((16,), jnp.float32)
    ones16 = jnp.full((16,), 1.0, jnp.float32)

    ph = pltpu.async_copy(pt_hbm.at[pl.ds(s * NP, NP)], pcol, psem)

    ebase = c * EPC
    bufs = ((idx_a, col_a, ep_a, sem_a), (idx_b, col_b, ep_b, sem_b))

    def start(g, buf):
        base = ebase + jnp.minimum(g, NCH - 1) * KE
        iv, cv, ev, sm = buf
        return (
            pltpu.async_copy(ec_hbm.at[pl.ds(base, KE)], iv, sm),
            pltpu.async_copy(ec_hbm.at[pl.ds(E + base, KE)], cv, sm),
            pltpu.async_copy(epret_hbm.at[pl.ds(s * E + base, KE)], ev, sm),
        )

    def wait(buf):
        iv, cv, ev, sm = buf
        pltpu.make_async_copy(ec_hbm.at[pl.ds(0, KE)], iv, sm).wait()
        pltpu.make_async_copy(ec_hbm.at[pl.ds(0, KE)], cv, sm).wait()
        pltpu.make_async_copy(epret_hbm.at[pl.ds(0, KE)], ev, sm).wait()

    start(0, bufs[0])
    start(1, bufs[1])

    @plsc.parallel_loop(0, NP // 16, 1, unroll=4)
    def _zero(j):
        acc[pl.ds(j * 16, 16)] = zero16
        cnt[pl.ds(j * 16, 16)] = zero16

    ph.wait()

    def compute(g, buf):
        iv, cv, ev, _ = buf
        wait(buf)

        @plsc.parallel_loop(0, KE // 256, 1, unroll=1)
        def _ew(t):
            for k in range(8):
                o = t * 256 + k * 16
                ia, ib = plsc.unpack(iv[pl.ds(o, 32)],
                                     format=plsc.PackFormat.INTERLEAVED,
                                     preferred_element_type=jnp.int32)
                ca, cb = plsc.unpack(cv[pl.ds(o, 32)],
                                     format=plsc.PackFormat.INTERLEAVED,
                                     preferred_element_type=jnp.int32)
                ea, eb = plsc.unpack(ev[pl.ds(o, 32)],
                                     format=plsc.PackFormat.INTERLEAVED,
                                     preferred_element_type=jnp.float32)
                ga = plsc.load_gather(pcol, [ia])
                plsc.addupdate_scatter(acc, [ca], jnp.maximum(ga + ea, 0.0))
                gb = plsc.load_gather(pcol, [ib])
                plsc.addupdate_scatter(acc, [cb], jnp.maximum(gb + eb, 0.0))

        @pl.when(s == g % NS)
        def _count():
            @plsc.parallel_loop(0, KE // 256, 1, unroll=1)
            def _cw(t):
                for k in range(8):
                    o = t * 256 + k * 16
                    ca, cb = plsc.unpack(cv[pl.ds(o, 32)],
                                         format=plsc.PackFormat.INTERLEAVED,
                                         preferred_element_type=jnp.int32)
                    plsc.addupdate_scatter(cnt, [ca], ones16)
                    plsc.addupdate_scatter(cnt, [cb], ones16)

    @pl.loop(0, NCH // 2)
    def _pair(j):
        g = j * 2
        compute(g, bufs[0])
        start(g + 2, bufs[0])
        compute(g + 1, bufs[1])
        start(g + 3, bufs[1])

    compute(NCH - 1, bufs[0])
    wait(bufs[1])

    pltpu.sync_copy(acc, out_hbm.at[pl.ds((c * 32 + s) * NP, NP)])
    pltpu.sync_copy(cnt, out_hbm.at[pl.ds((c * 32 + 16 + s) * NP, NP)])


def _sc_edge(pt_flat, epret_flat, ec):
    run = pl.kernel(
        _sc_body,
        out_type=jax.ShapeDtypeStruct((NC * 32 * NP,), jnp.float32),
        mesh=plsc.VectorSubcoreMesh(core_axis_name="c", subcore_axis_name="s",
                                    num_cores=NC, num_subcores=NS),
        scratch_types=[
            pltpu.VMEM((NP,), jnp.float32),
            pltpu.VMEM((NP,), jnp.float32),
            pltpu.VMEM((NP,), jnp.float32),
            pltpu.VMEM((KE,), jnp.int16),
            pltpu.VMEM((KE,), jnp.int16),
            pltpu.VMEM((KE,), jnp.bfloat16),
            pltpu.VMEM((KE,), jnp.int16),
            pltpu.VMEM((KE,), jnp.int16),
            pltpu.VMEM((KE,), jnp.bfloat16),
            pltpu.SemaphoreType.DMA,
            pltpu.SemaphoreType.DMA,
            pltpu.SemaphoreType.DMA,
        ],
        compiler_params=pltpu.CompilerParams(needs_layout_passes=False),
    )
    return run(pt_flat, epret_flat, ec)


def _post_body(a2_ref, x_ref, b_ref, w1nx_ref, u_ref, w1nu_ref, b1n_ref,
               w2a_ref, b2a_ref, w1na_ref,
               w2n_ref, b2n_ref, gamma_ref, beta_ref, out_ref):
    a = a2_ref[0] + a2_ref[1]
    st = a[:H1A, :]
    cntt = jnp.sum(a[H1A:2 * H1A, :], axis=0, keepdims=True)
    inv = 1.0 / jnp.maximum(cntt, 1.0)
    w2ap = w2a_ref[...] @ w1na_ref[...]
    b2ap = b2a_ref[...] @ w1na_ref[...]
    m = lax.dot_general(st * inv, w2ap, (((0,), (0,)), ((), ())))
    bterm = lax.dot_general(cntt * inv, b2ap, (((0,), (0,)), ((), ())))
    oh = (b_ref[...] == lax.broadcasted_iota(jnp.int32, (1, G), 1)
          ).astype(jnp.float32)
    uw = u_ref[...] @ w1nu_ref[...]
    x = x_ref[...]
    z1 = x @ w1nx_ref[...] + oh @ uw + b1n_ref[...] + m + bterm
    h = jnp.maximum(z1, 0.0)
    y = h @ w2n_ref[...] + b2n_ref[...] + x
    mu = jnp.mean(y, axis=1, keepdims=True)
    yc = y - mu
    var = jnp.mean(yc * yc, axis=1, keepdims=True)
    out_ref[...] = yc * lax.rsqrt(var + 1e-5) * gamma_ref[...] + beta_ref[...]


def _tc_post(a2, x, batch2, w1nx, u, w1nu, b1n, w2a, b2a, w1na,
             w2n, b2n, gamma, beta):
    row_blk = lambda i: (i, 0)
    full = lambda i: (0, 0)
    return pl.pallas_call(
        _post_body,
        grid=(NBLK,),
        in_specs=[
            pl.BlockSpec((NC, 32, NB), lambda i: (0, 0, i)),
            pl.BlockSpec((NB, D), row_blk),
            pl.BlockSpec((NB, 1), row_blk),
            pl.BlockSpec((D, H1N), full),
            pl.BlockSpec((G, DG), full),
            pl.BlockSpec((DG, H1N), full),
            pl.BlockSpec((1, H1N), full),
            pl.BlockSpec((H1A, DE), full),
            pl.BlockSpec((1, DE), full),
            pl.BlockSpec((DE, H1N), full),
            pl.BlockSpec((H1N, D), full),
            pl.BlockSpec((1, D), full),
            pl.BlockSpec((1, D), full),
            pl.BlockSpec((1, D), full),
        ],
        out_specs=pl.BlockSpec((NB, D), row_blk),
        out_shape=jax.ShapeDtypeStruct((N, D), jnp.float32),
    )(a2, x, batch2, w1nx, u, w1nu, b1n, w2a, b2a, w1na,
      w2n, b2n, gamma, beta)


def kernel(x, edge_index, edge_attr, u, batch,
           W1a, b1a, W2a, b2a, W1n, b1n, W2n, b2n, gamma, beta):
    ec = edge_index.astype(jnp.int16).reshape(2 * E)

    w1ax = W1a[:D]
    w1ae = W1a[D:]
    w1nx = W1n[:D]
    w1na = W1n[D:D + DE]
    w1nu = W1n[D + DE:]

    batch2 = batch.reshape(N, 1).astype(jnp.int32)

    eat = edge_attr.T
    pt, epret = _tc_pre(x, eat, w1ax, b1a.reshape(H1A, 1), w1ae)

    out_flat = _sc_edge(pt.reshape(H1A * NP), epret.reshape(H1A * E), ec)
    a2 = out_flat.reshape(NC, 32, NP)

    return _tc_post(a2, x, batch2, w1nx, u, w1nu, b1n.reshape(1, H1N),
                    W2a, b2a.reshape(1, DE), w1na,
                    W2n, b2n.reshape(1, D), gamma.reshape(1, D),
                    beta.reshape(1, D))

# --- scband reference (transcript-rebuilt; emitter-appended) ---
"""Pipeline reference for scband-node-update-53730040873194 (READ-ONLY COPY).

The authoritative reference and input builder live on the scoring server;
editing this copy changes nothing except your own understanding.
"""

import jax, jax.numpy as jnp
import numpy as np

N = 10000
E = 320000
D = 128
DE = 4
DG = 16
G = 64


def setup_inputs(seed: int = 0) -> dict:
    key = jax.random.key(seed)
    ks = jax.random.split(key, 16)
    x = jax.random.normal(ks[0], (N, D), dtype=jnp.float32)
    edge_index = jax.random.randint(ks[1], (2, E), 0, N)
    edge_attr = jax.random.normal(ks[2], (E, DE), dtype=jnp.float32)
    u = jax.random.normal(ks[3], (G, DG), dtype=jnp.float32)
    batch = jnp.sort(jax.random.randint(ks[4], (N,), 0, G))

    def lin(k, fin, fout):
        return (jax.random.normal(k, (fin, fout), dtype=jnp.float32) / np.sqrt(fin)).astype(jnp.float32)

    W1a = lin(ks[5], D + DE, 4 * DE)
    b1a = jnp.zeros((4 * DE,), jnp.float32)
    W2a = lin(ks[6], 4 * DE, DE)
    b2a = jnp.zeros((DE,), jnp.float32)
    W1n = lin(ks[7], D + DE + DG, 4 * D)
    b1n = jnp.zeros((4 * D,), jnp.float32)
    W2n = lin(ks[8], 4 * D, D)
    b2n = jnp.zeros((D,), jnp.float32)
    gamma = jnp.ones((D,), jnp.float32)
    beta = jnp.zeros((D,), jnp.float32)
    return {"x": x, "edge_index": edge_index, "edge_attr": edge_attr, "u": u, "batch": batch,
            "W1a": W1a, "b1a": b1a, "W2a": W2a, "b2a": b2a,
            "W1n": W1n, "b1n": b1n, "W2n": W2n, "b2n": b2n,
            "gamma": gamma, "beta": beta}


def reference(x, edge_index, edge_attr, u, batch, W1a, b1a, W2a, b2a, W1n, b1n, W2n, b2n, gamma, beta):
    row = edge_index[0]
    col = edge_index[1]
    # edge message MLP over [x[row], edge_attr]
    h = jnp.concatenate([x[row], edge_attr], axis=1)
    h = jnp.maximum(h @ W1a + b1a, 0.0) @ W2a + b2a
    # scatter-mean to destination nodes
    s = jax.ops.segment_sum(h, col, num_segments=x.shape[0])
    cnt = jax.ops.segment_sum(jnp.ones((h.shape[0],), h.dtype), col, num_segments=x.shape[0])
    agg = s / jnp.maximum(cnt, 1.0)[:, None]
    # node update MLP over [x, agg, u[batch]]
    z = jnp.concatenate([x, agg, u[batch]], axis=1)
    z = jnp.maximum(z @ W1n + b1n, 0.0) @ W2n + b2n
    # residual + layernorm (node-wise, elementwise affine); dropout_prob=0.0 -> identity
    y = z + x
    mu = jnp.mean(y, axis=-1, keepdims=True)
    var = jnp.var(y, axis=-1, keepdims=True)
    out = (y - mu) / jnp.sqrt(var + 1e-5) * gamma + beta
    return out

if __name__ == "__main__":
    import jax
    _d = setup_inputs()
    print(jax.jit(kernel)(*tuple(_d.values())))

</pallas_src>

<mosaic_0001>
#map = affine_map<(d0, d1) -> (0)>
module attributes {stable_mosaic.version = 14 : i64} {
  func.func @_sc_body(%arg0: i32, %arg1: i32, %arg2: memref<163840xf32, #tpu.memory_space<hbm>>, %arg3: memref<5120000xbf16, #tpu.memory_space<hbm>>, %arg4: memref<640000xi16, #tpu.memory_space<hbm>>, %arg5: memref<655360xf32, #tpu.memory_space<hbm>>, %arg6: memref<10240xf32, #tpu.memory_space<vmem>>, %arg7: memref<10240xf32, #tpu.memory_space<vmem>>, %arg8: memref<10240xf32, #tpu.memory_space<vmem>>, %arg9: memref<6400xi16, #tpu.memory_space<vmem>>, %arg10: memref<6400xi16, #tpu.memory_space<vmem>>, %arg11: memref<6400xbf16, #tpu.memory_space<vmem>>, %arg12: memref<6400xi16, #tpu.memory_space<vmem>>, %arg13: memref<6400xi16, #tpu.memory_space<vmem>>, %arg14: memref<6400xbf16, #tpu.memory_space<vmem>>, %arg15: memref<!tpu.dma_semaphore, #tpu.memory_space<semaphore_mem>>, %arg16: memref<!tpu.dma_semaphore, #tpu.memory_space<semaphore_mem>>, %arg17: memref<!tpu.dma_semaphore, #tpu.memory_space<semaphore_mem>>) attributes {dimension_semantics = [#tpu.dimension_semantics<core_parallel>, #tpu.dimension_semantics<subcore_parallel>], iteration_bounds = array<i64: 2, 16>, scalar_prefetch = 0 : i64, scratch_operands = 12 : i64, tpu.core_type = #tpu.core_type<sc_vector_subcore>, window_params = [{transform_indices = #map}, {transform_indices = #map}, {transform_indices = #map}, {transform_indices = #map}]} {
    %broadcast_in_dim3A = arith.constant 0.000000e+00 : f32
    %broadcast_in_dim3A_0 = vector.broadcast %broadcast_in_dim3A : f32 to vector<16xf32>
    %broadcast_in_dim3A_1 = arith.constant 1.000000e+00 : f32
    %broadcast_in_dim3A_2 = vector.broadcast %broadcast_in_dim3A_1 : f32 to vector<16xf32>
    %mul3A = arith.constant 10240 : i32
    %mul3A_3 = arith.muli %arg1, %mul3A : i32
    %dma_start3A = tpu.memref_slice %arg2[%mul3A_3] : memref<163840xf32, #tpu.memory_space<hbm>> -> memref<10240xf32, #tpu.memory_space<hbm>>
    %dma_start3A_4 = tpu.memref_slice %arg2[%mul3A_3] : memref<163840xf32, #tpu.memory_space<hbm>> -> memref<10240xf32, #tpu.memory_space<hbm>>
    tpu.enqueue_dma source(%dma_start3A_4 : memref<10240xf32, #tpu.memory_space<hbm>>) target(%arg6 : memref<10240xf32, #tpu.memory_space<vmem>>) target_semaphore(%arg15 : memref<!tpu.dma_semaphore, #tpu.memory_space<semaphore_mem>>)
    %mul3A_5 = arith.constant 160000 : i32
    %mul3A_6 = arith.muli %arg0, %mul3A_5 : i32
    %min3A = arith.constant 0 : i32
    %min3A_7 = arith.constant 24 : i32
    %min3A_8 = arith.minsi %min3A, %min3A_7 : i32
    %mul3A_9 = arith.constant 6400 : i32
    %mul3A_10 = arith.muli %min3A_8, %mul3A_9 : i32
    %add3A = arith.addi %mul3A_6, %mul3A_10 : i32
    %dma_start3A_11 = tpu.memref_slice %arg4[%add3A] : memref<640000xi16, #tpu.memory_space<hbm>> -> memref<6400xi16, #tpu.memory_space<hbm>>
    %dma_start3A_12 = tpu.memref_slice %arg4[%add3A] : memref<640000xi16, #tpu.memory_space<hbm>> -> memref<6400xi16, #tpu.memory_space<hbm>>
    tpu.enqueue_dma source(%dma_start3A_12 : memref<6400xi16, #tpu.memory_space<hbm>>) target(%arg9 : memref<6400xi16, #tpu.memory_space<vmem>>) target_semaphore(%arg16 : memref<!tpu.dma_semaphore, #tpu.memory_space<semaphore_mem>>)
    %add3A_13 = arith.constant 320000 : i32
    %add3A_14 = arith.addi %add3A_13, %add3A : i32
    %dma_start3A_15 = tpu.memref_slice %arg4[%add3A_14] : memref<640000xi16, #tpu.memory_space<hbm>> -> memref<6400xi16, #tpu.memory_space<hbm>>
    %dma_start3A_16 = tpu.memref_slice %arg4[%add3A_14] : memref<640000xi16, #tpu.memory_space<hbm>> -> memref<6400xi16, #tpu.memory_space<hbm>>
    tpu.enqueue_dma source(%dma_start3A_16 : memref<6400xi16, #tpu.memory_space<hbm>>) target(%arg10 : memref<6400xi16, #tpu.memory_space<vmem>>) target_semaphore(%arg16 : memref<!tpu.dma_semaphore, #tpu.memory_space<semaphore_mem>>)
    %mul3A_17 = arith.constant 320000 : i32
    %mul3A_18 = arith.muli %arg1, %mul3A_17 : i32
    %add3A_19 = arith.addi %mul3A_18, %add3A : i32
    %dma_start3A_20 = tpu.memref_slice %arg3[%add3A_19] : memref<5120000xbf16, #tpu.memory_space<hbm>> -> memref<6400xbf16, #tpu.memory_space<hbm>>
    %dma_start3A_21 = tpu.memref_slice %arg3[%add3A_19] : memref<5120000xbf16, #tpu.memory_space<hbm>> -> memref<6400xbf16, #tpu.memory_space<hbm>>
    tpu.enqueue_dma source(%dma_start3A_21 : memref<6400xbf16, #tpu.memory_space<hbm>>) target(%arg11 : memref<6400xbf16, #tpu.memory_space<vmem>>) target_semaphore(%arg16 : memref<!tpu.dma_semaphore, #tpu.memory_space<semaphore_mem>>)
    %min3A_22 = arith.constant 1 : i32
    %min3A_23 = arith.constant 24 : i32
    %min3A_24 = arith.minsi %min3A_22, %min3A_23 : i32
    %mul3A_25 = arith.constant 6400 : i32
    %mul3A_26 = arith.muli %min3A_24, %mul3A_25 : i32
    %add3A_27 = arith.addi %mul3A_6, %mul3A_26 : i32
    %dma_start3A_28 = tpu.memref_slice %arg4[%add3A_27] : memref<640000xi16, #tpu.memory_space<hbm>> -> memref<6400xi16, #tpu.memory_space<hbm>>
    %dma_start3A_29 = tpu.memref_slice %arg4[%add3A_27] : memref<640000xi16, #tpu.memory_space<hbm>> -> memref<6400xi16, #tpu.memory_space<hbm>>
    tpu.enqueue_dma source(%dma_start3A_29 : memref<6400xi16, #tpu.memory_space<hbm>>) target(%arg12 : memref<6400xi16, #tpu.memory_space<vmem>>) target_semaphore(%arg17 : memref<!tpu.dma_semaphore, #tpu.memory_space<semaphore_mem>>)
    %add3A_30 = arith.constant 320000 : i32
    %add3A_31 = arith.addi %add3A_30, %add3A_27 : i32
    %dma_start3A_32 = tpu.memref_slice %arg4[%add3A_31] : memref<640000xi16, #tpu.memory_space<hbm>> -> memref<6400xi16, #tpu.memory_space<hbm>>
    %dma_start3A_33 = tpu.memref_slice %arg4[%add3A_31] : memref<640000xi16, #tpu.memory_space<hbm>> -> memref<6400xi16, #tpu.memory_space<hbm>>
    tpu.enqueue_dma source(%dma_start3A_33 : memref<6400xi16, #tpu.memory_space<hbm>>) target(%arg13 : memref<6400xi16, #tpu.memory_space<vmem>>) target_semaphore(%arg17 : memref<!tpu.dma_semaphore, #tpu.memory_space<semaphore_mem>>)
    %mul3A_34 = arith.constant 320000 : i32
    %mul3A_35 = arith.muli %arg1, %mul3A_34 : i32
    %add3A_36 = arith.addi %mul3A_35, %add3A_27 : i32
    %dma_start3A_37 = tpu.memref_slice %arg3[%add3A_36] : memref<5120000xbf16, #tpu.memory_space<hbm>> -> memref<6400xbf16, #tpu.memory_space<hbm>>
    %dma_start3A_38 = tpu.memref_slice %arg3[%add3A_36] : memref<5120000xbf16, #tpu.memory_space<hbm>> -> memref<6400xbf16, #tpu.memory_space<hbm>>
    tpu.enqueue_dma source(%dma_start3A_38 : memref<6400xbf16, #tpu.memory_space<hbm>>) target(%arg14 : memref<6400xbf16, #tpu.memory_space<vmem>>) target_semaphore(%arg17 : memref<!tpu.dma_semaphore, #tpu.memory_space<semaphore_mem>>)
    %parallel_loop3A = arith.constant 0 : i32
    %parallel_loop3A_39 = arith.constant 640 : i32
    %parallel_loop3A_40 = arith.constant 1 : i32
    scf.for %parallel_loop3A_87 = %parallel_loop3A to %parallel_loop3A_39 step %parallel_loop3A_40  : i32 {
      %parallel_loop3A_88 = arith.constant 16 : i32
      %parallel_loop3A_89 = arith.muli %parallel_loop3A_87, %parallel_loop3A_88 : i32
      %parallel_loop3A_90 = arith.index_cast %parallel_loop3A_89 : i32 to index
      %parallel_loop3A_91 = tpu.vector_load %arg7[%parallel_loop3A_90] {strides = array<i32>} : memref<10240xf32, #tpu.memory_space<vmem>>, vector<16xf32>,
      tpu.vector_store %arg7[%parallel_loop3A_90], %broadcast_in_dim3A_0 {strides = array<i32>} : memref<10240xf32, #tpu.memory_space<vmem>>, vector<16xf32>,
      %parallel_loop3A_92 = arith.constant 16 : i32
      %parallel_loop3A_93 = arith.muli %parallel_loop3A_87, %parallel_loop3A_92 : i32
      %parallel_loop3A_94 = arith.index_cast %parallel_loop3A_93 : i32 to index
      %parallel_loop3A_95 = tpu.vector_load %arg8[%parallel_loop3A_94] {strides = array<i32>} : memref<10240xf32, #tpu.memory_space<vmem>>, vector<16xf32>,
      tpu.vector_store %arg8[%parallel_loop3A_94], %broadcast_in_dim3A_0 {strides = array<i32>} : memref<10240xf32, #tpu.memory_space<vmem>>, vector<16xf32>,
    } {sc.loop_unroll_factor = 4 : i64, sc.parallel_access}
    %dma_wait3A = tpu.memref_slice %arg2[%mul3A_3] : memref<163840xf32, #tpu.memory_space<hbm>> -> memref<10240xf32, #tpu.memory_space<hbm>>
    %dma_wait3A_41 = tpu.memref_slice %arg2[%mul3A_3] : memref<163840xf32, #tpu.memory_space<hbm>> -> memref<10240xf32, #tpu.memory_space<hbm>>
    tpu.wait_dma2 semaphore(%arg15 : memref<!tpu.dma_semaphore, #tpu.memory_space<semaphore_mem>>) src(%dma_wait3A_41 : memref<10240xf32, #tpu.memory_space<hbm>>) dst(%arg6 : memref<10240xf32, #tpu.memory_space<vmem>>)
    %scan3A = arith.constant 0 : i32
    %scan3A_42 = arith.constant 12 : i32
    %scan3A_43 = arith.addi %scan3A, %scan3A_42 : i32
    %scan3A_44 = arith.constant 1 : i32
    scf.for %scan3A_87 = %scan3A to %scan3A_43 step %scan3A_44  : i32 {
      %mul3A_88 = arith.constant 1 : i32
      %mul3A_89 = arith.muli %scan3A_87, %mul3A_88 : i32
      %add3A_90 = arith.constant 0 : i32
      %add3A_91 = arith.addi %add3A_90, %mul3A_89 : i32
      %mul3A_92 = arith.constant 2 : i32
      %mul3A_93 = arith.muli %add3A_91, %mul3A_92 : i32
      %dma_wait3A_94 = arith.constant 0 : i32
      %dma_wait3A_95 = tpu.memref_slice %arg4[%dma_wait3A_94] : memref<640000xi16, #tpu.memory_space<hbm>> -> memref<6400xi16, #tpu.memory_space<hbm>>
      %dma_wait3A_96 = arith.constant 0 : i32
      %dma_wait3A_97 = tpu.memref_slice %arg4[%dma_wait3A_96] : memref<640000xi16, #tpu.memory_space<hbm>> -> memref<6400xi16, #tpu.memory_space<hbm>>
      tpu.wait_dma2 semaphore(%arg16 : memref<!tpu.dma_semaphore, #tpu.memory_space<semaphore_mem>>) src(%dma_wait3A_97 : memref<6400xi16, #tpu.memory_space<hbm>>) dst(%arg9 : memref<6400xi16, #tpu.memory_space<vmem>>)
      %dma_wait3A_98 = arith.constant 0 : i32
      %dma_wait3A_99 = tpu.memref_slice %arg4[%dma_wait3A_98] : memref<640000xi16, #tpu.memory_space<hbm>> -> memref<6400xi16, #tpu.memory_space<hbm>>
      %dma_wait3A_100 = arith.constant 0 : i32
      %dma_wait3A_101 = tpu.memref_slice %arg4[%dma_wait3A_100] : memref<640000xi16, #tpu.memory_space<hbm>> -> memref<6400xi16, #tpu.memory_space<hbm>>
      tpu.wait_dma2 semaphore(%arg16 : memref<!tpu.dma_semaphore, #tpu.memory_space<semaphore_mem>>) src(%dma_wait3A_101 : memref<6400xi16, #tpu.memory_space<hbm>>) dst(%arg10 : memref<6400xi16, #tpu.memory_space<vmem>>)
      %dma_wait3A_102 = arith.constant 0 : i32
      %dma_wait3A_103 = tpu.memref_slice %arg3[%dma_wait3A_102] : memref<5120000xbf16, #tpu.memory_space<hbm>> -> memref<6400xbf16, #tpu.memory_space<hbm>>
      %dma_wait3A_104 = arith.constant 0 : i32
      %dma_wait3A_105 = tpu.memref_slice %arg3[%dma_wait3A_104] : memref<5120000xbf16, #tpu.memory_space<hbm>> -> memref<6400xbf16, #tpu.memory_space<hbm>>
      tpu.wait_dma2 semaphore(%arg16 : memref<!tpu.dma_semaphore, #tpu.memory_space<semaphore_mem>>) src(%dma_wait3A_105 : memref<6400xbf16, #tpu.memory_space<hbm>>) dst(%arg11 : memref<6400xbf16, #tpu.memory_space<vmem>>)
      %parallel_loop3A_106 = arith.constant 0 : i32
      %parallel_loop3A_107 = arith.constant 25 : i32
      %parallel_loop3A_108 = arith.constant 1 : i32
      scf.for %parallel_loop3A_196 = %parallel_loop3A_106 to %parallel_loop3A_107 step %parallel_loop3A_108  : i32 {
        %parallel_loop3A_197 = arith.constant 256 : i32
        %parallel_loop3A_198 = arith.muli %parallel_loop3A_196, %parallel_loop3A_197 : i32
        %parallel_loop3A_199 = arith.constant 0 : i32
        %parallel_loop3A_200 = arith.addi %parallel_loop3A_198, %parallel_loop3A_199 : i32
        %parallel_loop3A_201 = arith.index_cast %parallel_loop3A_200 : i32 to index
        %parallel_loop3A_202 = tpu.vector_load %arg9[%parallel_loop3A_201] {strides = array<i32>} : memref<6400xi16, #tpu.memory_space<vmem>>, vector<32xi16>,
        %parallel_loop3A_203 = tpu.unpack_subelements %parallel_loop3A_202, 0 {pack_format = #tpu.pack_format<interleaved>} : vector<32xi16> -> vector<16xi32>
        %parallel_loop3A_204 = tpu.unpack_subelements %parallel_loop3A_202, 1 {pack_format = #tpu.pack_format<interleaved>} : vector<32xi16> -> vector<16xi32>
        %parallel_loop3A_205 = arith.index_cast %parallel_loop3A_200 : i32 to index
        %parallel_loop3A_206 = tpu.vector_load %arg10[%parallel_loop3A_205] {strides = array<i32>} : memref<6400xi16, #tpu.memory_space<vmem>>, vector<32xi16>,
        %parallel_loop3A_207 = tpu.unpack_subelements %parallel_loop3A_206, 0 {pack_format = #tpu.pack_format<interleaved>} : vector<32xi16> -> vector<16xi32>
        %parallel_loop3A_208 = tpu.unpack_subelements %parallel_loop3A_206, 1 {pack_format = #tpu.pack_format<interleaved>} : vector<32xi16> -> vector<16xi32>
        %parallel_loop3A_209 = arith.index_cast %parallel_loop3A_200 : i32 to index
        %parallel_loop3A_210 = tpu.vector_load %arg11[%parallel_loop3A_209] {strides = array<i32>} : memref<6400xbf16, #tpu.memory_space<vmem>>, vector<32xbf16>,
        %parallel_loop3A_211 = tpu.unpack_subelements %parallel_loop3A_210, 0 {pack_format = #tpu.pack_format<interleaved>} : vector<32xbf16> -> vector<16xf32>
        %parallel_loop3A_212 = tpu.unpack_subelements %parallel_loop3A_210, 1 {pack_format = #tpu.pack_format<interleaved>} : vector<32xbf16> -> vector<16xf32>
        %parallel_loop3A_213 = tpu.vector_load_idx %arg6[%parallel_loop3A_203] : memref<10240xf32, #tpu.memory_space<vmem>>[vector<16xi32>], vector<16xf32>,
        %parallel_loop3A_214 = arith.addf %parallel_loop3A_213, %parallel_loop3A_211 : vector<16xf32>
        %parallel_loop3A_215 = arith.constant 0.000000e+00 : f32
        %parallel_loop3A_216 = vector.broadcast %parallel_loop3A_215 : f32 to vector<16xf32>
        %parallel_loop3A_217 = arith.maximumf %parallel_loop3A_214, %parallel_loop3A_216 : vector<16xf32>
        tpu.vector_store_idx %arg7[%parallel_loop3A_207], %parallel_loop3A_217 {add = true} : memref<10240xf32, #tpu.memory_space<vmem>>[vector<16xi32>], vector<16xf32>,
        %parallel_loop3A_218 = tpu.vector_load_idx %arg6[%parallel_loop3A_204] : memref<10240xf32, #tpu.memory_space<vmem>>[vector<16xi32>], vector<16xf32>,
        %parallel_loop3A_219 = arith.addf %parallel_loop3A_218, %parallel_loop3A_212 : vector<16xf32>
        %parallel_loop3A_220 = arith.constant 0.000000e+00 : f32
        %parallel_loop3A_221 = vector.broadcast %parallel_loop3A_220 : f32 to vector<16xf32>
        %parallel_loop3A_222 = arith.maximumf %parallel_loop3A_219, %parallel_loop3A_221 : vector<16xf32>
        tpu.vector_store_idx %arg7[%parallel_loop3A_208], %parallel_loop3A_222 {add = true} : memref<10240xf32, #tpu.memory_space<vmem>>[vector<16xi32>], vector<16xf32>,
        %parallel_loop3A_223 = arith.constant 256 : i32
        %parallel_loop3A_224 = arith.muli %parallel_loop3A_196, %parallel_loop3A_223 : i32
        %parallel_loop3A_225 = arith.constant 16 : i32
        %parallel_loop3A_226 = arith.addi %parallel_loop3A_224, %parallel_loop3A_225 : i32
        %parallel_loop3A_227 = arith.index_cast %parallel_loop3A_226 : i32 to index
        %parallel_loop3A_228 = tpu.vector_load %arg9[%parallel_loop3A_227] {strides = array<i32>} : memref<6400xi16, #tpu.memory_space<vmem>>, vector<32xi16>,
        %parallel_loop3A_229 = tpu.unpack_subelements %parallel_loop3A_228, 0 {pack_format = #tpu.pack_format<interleaved>} : vector<32xi16> -> vector<16xi32>
        %parallel_loop3A_230 = tpu.unpack_subelements %parallel_loop3A_228, 1 {pack_format = #tpu.pack_format<interleaved>} : vector<32xi16> -> vector<16xi32>
        %parallel_loop3A_231 = arith.index_cast %parallel_loop3A_226 : i32 to index
        %parallel_loop3A_232 = tpu.vector_load %arg10[%parallel_loop3A_231] {strides = array<i32>} : memref<6400xi16, #tpu.memory_space<vmem>>, vector<32xi16>,
        %parallel_loop3A_233 = tpu.unpack_subelements %parallel_loop3A_232, 0 {pack_format = #tpu.pack_format<interleaved>} : vector<32xi16> -> vector<16xi32>
        %parallel_loop3A_234 = tpu.unpack_subelements %parallel_loop3A_232, 1 {pack_format = #tpu.pack_format<interleaved>} : vector<32xi16> -> vector<16xi32>
        %parallel_loop3A_235 = arith.index_cast %parallel_loop3A_226 : i32 to index
        %parallel_loop3A_236 = tpu.vector_load %arg11[%parallel_loop3A_235] {strides = array<i32>} : memref<6400xbf16, #tpu.memory_space<vmem>>, vector<32xbf16>,
        %parallel_loop3A_237 = tpu.unpack_subelements %parallel_loop3A_236, 0 {pack_format = #tpu.pack_format<interleaved>} : vector<32xbf16> -> vector<16xf32>
        %parallel_loop3A_238 = tpu.unpack_subelements %parallel_loop3A_236, 1 {pack_format = #tpu.pack_format<interleaved>} : vector<32xbf16> -> vector<16xf32>
        %parallel_loop3A_239 = tpu.vector_load_idx %arg6[%parallel_loop3A_229] : memref<10240xf32, #tpu.memory_space<vmem>>[vector<16xi32>], vector<16xf32>,
        %parallel_loop3A_240 = arith.addf %parallel_loop3A_239, %parallel_loop3A_237 : vector<16xf32>
        %parallel_loop3A_241 = arith.constant 0.000000e+00 : f32
        %parallel_loop3A_242 = vector.broadcast %parallel_loop3A_241 : f32 to vector<16xf32>
        %parallel_loop3A_243 = arith.maximumf %parallel_loop3A_240, %parallel_loop3A_242 : vector<16xf32>
        tpu.vector_store_idx %arg7[%parallel_loop3A_233], %parallel_loop3A_243 {add = true} : memref<10240xf32, #tpu.memory_space<vmem>>[vector<16xi32>], vector<16xf32>,
        %parallel_loop3A_244 = tpu.vector_load_idx %arg6[%parallel_loop3A_230] : memref<10240xf32, #tpu.memory_space<vmem>>[vector<16xi32>], vector<16xf32>,
        %parallel_loop3A_245 = arith.addf %parallel_loop3A_244, %parallel_loop3A_238 : vector<16xf32>
        %parallel_loop3A_246 = arith.constant 0.000000e+00 : f32
        %parallel_loop3A_247 = vector.broadcast %parallel_loop3A_246 : f32 to vector<16xf32>
        %parallel_loop3A_248 = arith.maximumf %parallel_loop3A_245, %parallel_loop3A_247 : vector<16xf32>
        tpu.vector_store_idx %arg7[%parallel_loop3A_234], %parallel_loop3A_248 {add = true} : memref<10240xf32, #tpu.memory_space<vmem>>[vector<16xi32>], vector<16xf32>,
        %parallel_loop3A_249 = arith.constant 256 : i32
        %parallel_loop3A_250 = arith.muli %parallel_loop3A_196, %parallel_loop3A_249 : i32
        %parallel_loop3A_251 = arith.constant 32 : i32
        %parallel_loop3A_252 = arith.addi %parallel_loop3A_250, %parallel_loop3A_251 : i32
        %parallel_loop3A_253 = arith.index_cast %parallel_loop3A_252 : i32 to index
        %parallel_loop3A_254 = tpu.vector_load %arg9[%parallel_loop3A_253] {strides = array<i32>} : memref<6400xi16, #tpu.memory_space<vmem>>, vector<32xi16>,
        %parallel_loop3A_255 = tpu.unpack_subelements %parallel_loop3A_254, 0 {pack_format = #tpu.pack_format<interleaved>} : vector<32xi16> -> vector<16xi32>
        %parallel_loop3A_256 = tpu.unpack_subelements %parallel_loop3A_254, 1 {pack_format = #tpu.pack_format<interleaved>} : vector<32xi16> -> vector<16xi32>
        %parallel_loop3A_257 = arith.index_cast %parallel_loop3A_252 : i32 to index
        %parallel_loop3A_258 = tpu.vector_load %arg10[%parallel_loop3A_257] {strides = array<i32>} : memref<6400xi16, #tpu.memory_space<vmem>>, vector<32xi16>,
        %parallel_loop3A_259 = tpu.unpack_subelements %parallel_loop3A_258, 0 {pack_format = #tpu.pack_format<interleaved>} : vector<32xi16> -> vector<16xi32>
        %parallel_loop3A_260 = tpu.unpack_subelements %parallel_loop3A_258, 1 {pack_format = #tpu.pack_format<interleaved>} : vector<32xi16> -> vector<16xi32>
        %parallel_loop3A_261 = arith.index_cast %parallel_loop3A_252 : i32 to index
        %parallel_loop3A_262 = tpu.vector_load %arg11[%parallel_loop3A_261] {strides = array<i32>} : memref<6400xbf16, #tpu.memory_space<vmem>>, vector<32xbf16>,
        %parallel_loop3A_263 = tpu.unpack_subelements %parallel_loop3A_262, 0 {pack_format = #tpu.pack_format<interleaved>} : vector<32xbf16> -> vector<16xf32>
        %parallel_loop3A_264 = tpu.unpack_subelements %parallel_loop3A_262, 1 {pack_format = #tpu.pack_format<interleaved>} : vector<32xbf16> -> vector<16xf32>
        %parallel_loop3A_265 = tpu.vector_load_idx %arg6[%parallel_loop3A_255] : memref<10240xf32, #tpu.memory_space<vmem>>[vector<16xi32>], vector<16xf32>,
        %parallel_loop3A_266 = arith.addf %parallel_loop3A_265, %parallel_loop3A_263 : vector<16xf32>
        %parallel_loop3A_267 = arith.constant 0.000000e+00 : f32
        %parallel_loop3A_268 = vector.broadcast %parallel_loop3A_267 : f32 to vector<16xf32>
        %parallel_loop3A_269 = arith.maximumf %parallel_loop3A_266, %parallel_loop3A_268 : vector<16xf32>
        tpu.vector_store_idx %arg7[%parallel_loop3A_259], %parallel_loop3A_269 {add = true} : memref<10240xf32, #tpu.memory_space<vmem>>[vector<16xi32>], vector<16xf32>,
        %parallel_loop3A_270 = tpu.vector_load_idx %arg6[%parallel_loop3A_256] : memref<10240xf32, #tpu.memory_space<vmem>>[vector<16xi32>], vector<16xf32>,
        %parallel_loop3A_271 = arith.addf %parallel_loop3A_270, %parallel_loop3A_264 : vector<16xf32>
        %parallel_loop3A_272 = arith.constant 0.000000e+00 : f32
        %parallel_loop3A_273 = vector.broadcast %parallel_loop3A_272 : f32 to vector<16xf32>
        %parallel_loop3A_274 = arith.maximumf %parallel_loop3A_271, %parallel_loop3A_273 : vector<16xf32>
        tpu.vector_store_idx %arg7[%parallel_loop3A_260], %parallel_loop3A_274 {add = true} : memref<10240xf32, #tpu.memory_space<vmem>>[vector<16xi32>], vector<16xf32>,
        %parallel_loop3A_275 = arith.constant 256 : i32
        %parallel_loop3A_276 = arith.muli %parallel_loop3A_196, %parallel_loop3A_275 : i32
        %parallel_loop3A_277 = arith.constant 48 : i32
        %parallel_loop3A_278 = arith.addi %parallel_loop3A_276, %parallel_loop3A_277 : i32
        %parallel_loop3A_279 = arith.index_cast %parallel_loop3A_278 : i32 to index
        %parallel_loop3A_280 = tpu.vector_load %arg9[%parallel_loop3A_279] {strides = array<i32>} : memref<6400xi16, #tpu.memory_space<vmem>>, vector<32xi16>,
        %parallel_loop3A_281 = tpu.unpack_subelements %parallel_loop3A_280, 0 {pack_format = #tpu.pack_format<interleaved>} : vector<32xi16> -> vector<16xi32>
        %parallel_loop3A_282 = tpu.unpack_subelements %parallel_loop3A_280, 1 {pack_format = #tpu.pack_format<interleaved>} : vector<32xi16> -> vector<16xi32>
        %parallel_loop3A_283 = arith.index_cast %parallel_loop3A_278 : i32 to index
        %parallel_loop3A_284 = tpu.vector_load %arg10[%parallel_loop3A_283] {strides = array<i32>} : memref<6400xi16, #tpu.memory_space<vmem>>, vector<32xi16>,
        %parallel_loop3A_285 = tpu.unpack_subelements %parallel_loop3A_284, 0 {pack_format = #tpu.pack_format<interleaved>} : vector<32xi16> -> vector<16xi32>
        %parallel_loop3A_286 = tpu.unpack_subelements %parallel_loop3A_284, 1 {pack_format = #tpu.pack_format<interleaved>} : vector<32xi16> -> vector<16xi32>
        %parallel_loop3A_287 = arith.index_cast %parallel_loop3A_278 : i32 to index
        %parallel_loop3A_288 = tpu.vector_load %arg11[%parallel_loop3A_287] {strides = array<i32>} : memref<6400xbf16, #tpu.memory_space<vmem>>, vector<32xbf16>,
        %parallel_loop3A_289 = tpu.unpack_subelements %parallel_loop3A_288, 0 {pack_format = #tpu.pack_format<interleaved>} : vector<32xbf16> -> vector<16xf32>
        %parallel_loop3A_290 = tpu.unpack_subelements %parallel_loop3A_288, 1 {pack_format = #tpu.pack_format<interleaved>} : vector<32xbf16> -> vector<16xf32>
        %parallel_loop3A_291 = tpu.vector_load_idx %arg6[%parallel_loop3A_281] : memref<10240xf32, #tpu.memory_space<vmem>>[vector<16xi32>], vector<16xf32>,
        %parallel_loop3A_292 = arith.addf %parallel_loop3A_291, %parallel_loop3A_289 : vector<16xf32>
        %parallel_loop3A_293 = arith.constant 0.000000e+00 : f32
        %parallel_loop3A_294 = vector.broadcast %parallel_loop3A_293 : f32 to vector<16xf32>
        %parallel_loop3A_295 = arith.maximumf %parallel_loop3A_292, %parallel_loop3A_294 : vector<16xf32>
        tpu.vector_store_idx %arg7[%parallel_loop3A_285], %parallel_loop3A_295 {add = true} : memref<10240xf32, #tpu.memory_space<vmem>>[vector<16xi32>], vector<16xf32>,
        %parallel_loop3A_296 = tpu.vector_load_idx %arg6[%parallel_loop3A_282] : memref<10240xf32, #tpu.memory_space<vmem>>[vector<16xi32>], vector<16xf32>,
        %parallel_loop3A_297 = arith.addf %parallel_loop3A_296, %parallel_loop3A_290 : vector<16xf32>
        %parallel_loop3A_298 = arith.constant 0.000000e+00 : f32
        %parallel_loop3A_299 = vector.broadcast %parallel_loop3A_298 : f32 to vector<16xf32>
        %parallel_loop3A_300 = arith.maximumf %parallel_loop3A_297, %parallel_loop3A_299 : vector<16xf32>
        tpu.vector_store_idx %arg7[%parallel_loop3A_286], %parallel_loop3A_300 {add = true} : memref<10240xf32, #tpu.memory_space<vmem>>[vector<16xi32>], vector<16xf32>,
        %parallel_loop3A_301 = arith.constant 256 : i32
        %parallel_loop3A_302 = arith.muli %parallel_loop3A_196, %parallel_loop3A_301 : i32
        %parallel_loop3A_303 = arith.constant 64 : i32
        %parallel_loop3A_304 = arith.addi %parallel_loop3A_302, %parallel_loop3A_303 : i32
        %parallel_loop3A_305 = arith.index_cast %parallel_loop3A_304 : i32 to index
        %parallel_loop3A_306 = tpu.vector_load %arg9[%parallel_loop3A_305] {strides = array<i32>} : memref<6400xi16, #tpu.memory_space<vmem>>, vector<32xi16>,
        %parallel_loop3A_307 = tpu.unpack_subelements %parallel_loop3A_306, 0 {pack_format = #tpu.pack_format<interleaved>} : vector<32xi16> -> vector<16xi32>
        %parallel_loop3A_308 = tpu.unpack_subelements %parallel_loop3A_306, 1 {pack_format = #tpu.pack_format<interleaved>} : vector<32xi16> -> vector<16xi32>
        %parallel_loop3A_309 = arith.index_cast %parallel_loop3A_304 : i32 to index
        %parallel_loop3A_310 = tpu.vector_load %arg10[%parallel_loop3A_309] {strides = array<i32>} : memref<6400xi16, #tpu.memory_space<vmem>>, vector<32xi16>,
        %parallel_loop3A_311 = tpu.unpack_subelements %parallel_loop3A_310, 0 {pack_format = #tpu.pack_format<interleaved>} : vector<32xi16> -> vector<16xi32>
        %parallel_loop3A_312 = tpu.unpack_subelements %parallel_loop3A_310, 1 {pack_format = #tpu.pack_format<interleaved>} : vector<32xi16> -> vector<16xi32>
        %parallel_loop3A_313 = arith.index_cast %parallel_loop3A_304 : i32 to index
        %parallel_loop3A_314 = tpu.vector_load %arg11[%parallel_loop3A_313] {strides = array<i32>} : memref<6400xbf16, #tpu.memory_space<vmem>>, vector<32xbf16>,
        %parallel_loop3A_315 = tpu.unpack_subelements %parallel_loop3A_314, 0 {pack_format = #tpu.pack_format<interleaved>} : vector<32xbf16> -> vector<16xf32>
        %parallel_loop3A_316 = tpu.unpack_subelements %parallel_loop3A_314, 1 {pack_format = #tpu.pack_format<interleaved>} : vector<32xbf16> -> vector<16xf32>
        %parallel_loop3A_317 = tpu.vector_load_idx %arg6[%parallel_loop3A_307] : memref<10240xf32, #tpu.memory_space<vmem>>[vector<16xi32>], vector<16xf32>,
        %parallel_loop3A_318 = arith.addf %parallel_loop3A_317, %parallel_loop3A_315 : vector<16xf32>
        %parallel_loop3A_319 = arith.constant 0.000000e+00 : f32
        %parallel_loop3A_320 = vector.broadcast %parallel_loop3A_319 : f32 to vector<16xf32>
        %parallel_loop3A_321 = arith.maximumf %parallel_loop3A_318, %parallel_loop3A_320 : vector<16xf32>
        tpu.vector_store_idx %arg7[%parallel_loop3A_311], %parallel_loop3A_321 {add = true} : memref<10240xf32, #tpu.memory_space<vmem>>[vector<16xi32>], vector<16xf32>,
        %parallel_loop3A_322 = tpu.vector_load_idx %arg6[%parallel_loop3A_308] : memref<10240xf32, #tpu.memory_space<vmem>>[vector<16xi32>], vector<16xf32>,
        %parallel_loop3A_323 = arith.addf %parallel_loop3A_322, %parallel_loop3A_316 : vector<16xf32>
        %parallel_loop3A_324 = arith.constant 0.000000e+00 : f32
        %parallel_loop3A_325 = vector.broadcast %parallel_loop3A_324 : f32 to vector<16xf32>
        %parallel_loop3A_326 = arith.maximumf %parallel_loop3A_323, %parallel_loop3A_325 : vector<16xf32>
        tpu.vector_store_idx %arg7[%parallel_loop3A_312], %parallel_loop3A_326 {add = true} : memref<10240xf32, #tpu.memory_space<vmem>>[vector<16xi32>], vector<16xf32>,
        %parallel_loop3A_327 = arith.constant 256 : i32
        %parallel_loop3A_328 = arith.muli %parallel_loop3A_196, %parallel_loop3A_327 : i32
        %parallel_loop3A_329 = arith.constant 80 : i32
        %parallel_loop3A_330 = arith.addi %parallel_loop3A_328, %parallel_loop3A_329 : i32
        %parallel_loop3A_331 = arith.index_cast %parallel_loop3A_330 : i32 to index
        %parallel_loop3A_332 = tpu.vector_load %arg9[%parallel_loop3A_331] {strides = array<i32>} : memref<6400xi16, #tpu.memory_space<vmem>>, vector<32xi16>,
        %parallel_loop3A_333 = tpu.unpack_subelements %parallel_loop3A_332, 0 {pack_format = #tpu.pack_format<interleaved>} : vector<32xi16> -> vector<16xi32>
        %parallel_loop3A_334 = tpu.unpack_subelements %parallel_loop3A_332, 1 {pack_format = #tpu.pack_format<interleaved>} : vector<32xi16> -> vector<16xi32>
        %parallel_loop3A_335 = arith.index_cast %parallel_loop3A_330 : i32 to index
        %parallel_loop3A_336 = tpu.vector_load %arg10[%parallel_loop3A_335] {strides = array<i32>} : memref<6400xi16, #tpu.memory_space<vmem>>, vector<32xi16>,
        %parallel_loop3A_337 = tpu.unpack_subelements %parallel_loop3A_336, 0 {pack_format = #tpu.pack_format<interleaved>} : vector<32xi16> -> vector<16xi32>
        %parallel_loop3A_338 = tpu.unpack_subelements %parallel_loop3A_336, 1 {pack_format = #tpu.pack_format<interleaved>} : vector<32xi16> -> vector<16xi32>
        %parallel_loop3A_339 = arith.index_cast %parallel_loop3A_330 : i32 to index
        %parallel_loop3A_340 = tpu.vector_load %arg11[%parallel_loop3A_339] {strides = array<i32>} : memref<6400xbf16, #tpu.memory_space<vmem>>, vector<32xbf16>,
        %parallel_loop3A_341 = tpu.unpack_subelements %parallel_loop3A_340, 0 {pack_format = #tpu.pack_format<interleaved>} : vector<32xbf16> -> vector<16xf32>
        %parallel_loop3A_342 = tpu.unpack_subelements %parallel_loop3A_340, 1 {pack_format = #tpu.pack_format<interleaved>} : vector<32xbf16> -> vector<16xf32>
        %parallel_loop3A_343 = tpu.vector_load_idx %arg6[%parallel_loop3A_333] : memref<10240xf32, #tpu.memory_space<vmem>>[vector<16xi32>], vector<16xf32>,
        %parallel_loop3A_344 = arith.addf %parallel_loop3A_343, %parallel_loop3A_341 : vector<16xf32>
        %parallel_loop3A_345 = arith.constant 0.000000e+00 : f32
        %parallel_loop3A_346 = vector.broadcast %parallel_loop3A_345 : f32 to vector<16xf32>
        %parallel_loop3A_347 = arith.maximumf %parallel_loop3A_344, %parallel_loop3A_346 : vector<16xf32>
        tpu.vector_store_idx %arg7[%parallel_loop3A_337], %parallel_loop3A_347 {add = true} : memref<10240xf32, #tpu.memory_space<vmem>>[vector<16xi32>], vector<16xf32>,
        %parallel_loop3A_348 = tpu.vector_load_idx %arg6[%parallel_loop3A_334] : memref<10240xf32, #tpu.memory_space<vmem>>[vector<16xi32>], vector<16xf32>,
        %parallel_loop3A_349 = arith.addf %parallel_loop3A_348, %parallel_loop3A_342 : vector<16xf32>
        %parallel_loop3A_350 = arith.constant 0.000000e+00 : f32
        %parallel_loop3A_351 = vector.broadcast %parallel_loop3A_350 : f32 to vector<16xf32>
        %parallel_loop3A_352 = arith.maximumf %parallel_loop3A_349, %parallel_loop3A_351 : vector<16xf32>
        tpu.vector_store_idx %arg7[%parallel_loop3A_338], %parallel_loop3A_352 {add = true} : memref<10240xf32, #tpu.memory_space<vmem>>[vector<16xi32>], vector<16xf32>,
        %parallel_loop3A_353 = arith.constant 256 : i32
        %parallel_loop3A_354 = arith.muli %parallel_loop3A_196, %parallel_loop3A_353 : i32
        %parallel_loop3A_355 = arith.constant 96 : i32
        %parallel_loop3A_356 = arith.addi %parallel_loop3A_354, %parallel_loop3A_355 : i32
        %parallel_loop3A_357 = arith.index_cast %parallel_loop3A_356 : i32 to index
        %parallel_loop3A_358 = tpu.vector_load %arg9[%parallel_loop3A_357] {strides = array<i32>} : memref<6400xi16, #tpu.memory_space<vmem>>, vector<32xi16>,
        %parallel_loop3A_359 = tpu.unpack_subelements %parallel_loop3A_358, 0 {pack_format = #tpu.pack_format<interleaved>} : vector<32xi16> -> vector<16xi32>
        %parallel_loop3A_360 = tpu.unpack_subelements %parallel_loop3A_358, 1 {pack_format = #tpu.pack_format<interleaved>} : vector<32xi16> -> vector<16xi32>
        %parallel_loop3A_361 = arith.index_cast %parallel_loop3A_356 : i32 to index
        %parallel_loop3A_362 = tpu.vector_load %arg10[%parallel_loop3A_361] {strides = array<i32>} : memref<6400xi16, #tpu.memory_space<vmem>>, vector<32xi16>,
        %parallel_loop3A_363 = tpu.unpack_subelements %parallel_loop3A_362, 0 {pack_format = #tpu.pack_format<interleaved>} : vector<32xi16> -> vector<16xi32>
        %parallel_loop3A_364 = tpu.unpack_subelements %parallel_loop3A_362, 1 {pack_format = #tpu.pack_format<interleaved>} : vector<32xi16> -> vector<16xi32>
        %parallel_loop3A_365 = arith.index_cast %parallel_loop3A_356 : i32 to index
        %parallel_loop3A_366 = tpu.vector_load %arg11[%parallel_loop3A_365] {strides = array<i32>} : memref<6400xbf16, #tpu.memory_space<vmem>>, vector<32xbf16>,
        %parallel_loop3A_367 = tpu.unpack_subelements %parallel_loop3A_366, 0 {pack_format = #tpu.pack_format<interleaved>} : vector<32xbf16> -> vector<16xf32>
        %parallel_loop3A_368 = tpu.unpack_subelements %parallel_loop3A_366, 1 {pack_format = #tpu.pack_format<interleaved>} : vector<32xbf16> -> vector<16xf32>
        %parallel_loop3A_369 = tpu.vector_load_idx %arg6[%parallel_loop3A_359] : memref<10240xf32, #tpu.memory_space<vmem>>[vector<16xi32>], vector<16xf32>,
        %parallel_loop3A_370 = arith.addf %parallel_loop3A_369, %parallel_loop3A_367 : vector<16xf32>
        %parallel_loop3A_371 = arith.constant 0.000000e+00 : f32
        %parallel_loop3A_372 = vector.broadcast %parallel_loop3A_371 : f32 to vector<16xf32>
        %parallel_loop3A_373 = arith.maximumf %parallel_loop3A_370, %parallel_loop3A_372 : vector<16xf32>
        tpu.vector_store_idx %arg7[%parallel_loop3A_363], %parallel_loop3A_373 {add = true} : memref<10240xf32, #tpu.memory_space<vmem>>[vector<16xi32>], vector<16xf32>,
        %parallel_loop3A_374 = tpu.vector_load_idx %arg6[%parallel_loop3A_360] : memref<10240xf32, #tpu.memory_space<vmem>>[vector<16xi32>], vector<16xf32>,
        %parallel_loop3A_375 = arith.addf %parallel_loop3A_374, %parallel_loop3A_368 : vector<16xf32>
        %parallel_loop3A_376 = arith.constant 0.000000e+00 : f32
        %parallel_loop3A_377 = vector.broadcast %parallel_loop3A_376 : f32 to vector<16xf32>
        %parallel_loop3A_378 = arith.maximumf %parallel_loop3A_375, %parallel_loop3A_377 : vector<16xf32>
        tpu.vector_store_idx %arg7[%parallel_loop3A_364], %parallel_loop3A_378 {add = true} : memref<10240xf32, #tpu.memory_space<vmem>>[vector<16xi32>], vector<16xf32>,
        %parallel_loop3A_379 = arith.constant 256 : i32
        %parallel_loop3A_380 = arith.muli %parallel_loop3A_196, %parallel_loop3A_379 : i32
        %parallel_loop3A_381 = arith.constant 112 : i32
        %parallel_loop3A_382 = arith.addi %parallel_loop3A_380, %parallel_loop3A_381 : i32
        %parallel_loop3A_383 = arith.index_cast %parallel_loop3A_382 : i32 to index
        %parallel_loop3A_384 = tpu.vector_load %arg9[%parallel_loop3A_383] {strides = array<i32>} : memref<6400xi16, #tpu.memory_space<vmem>>, vector<32xi16>,
        %parallel_loop3A_385 = tpu.unpack_subelements %parallel_loop3A_384, 0 {pack_format = #tpu.pack_format<interleaved>} : vector<32xi16> -> vector<16xi32>
        %parallel_loop3A_386 = tpu.unpack_subelements %parallel_loop3A_384, 1 {pack_format = #tpu.pack_format<interleaved>} : vector<32xi16> -> vector<16xi32>
        %parallel_loop3A_387 = arith.index_cast %parallel_loop3A_382 : i32 to index
        %parallel_loop3A_388 = tpu.vector_load %arg10[%parallel_loop3A_387] {strides = array<i32>} : memref<6400xi16, #tpu.memory_space<vmem>>, vector<32xi16>,
        %parallel_loop3A_389 = tpu.unpack_subelements %parallel_loop3A_388, 0 {pack_format = #tpu.pack_format<interleaved>} : vector<32xi16> -> vector<16xi32>
        %parallel_loop3A_390 = tpu.unpack_subelements %parallel_loop3A_388, 1 {pack_format = #tpu.pack_format<interleaved>} : vector<32xi16> -> vector<16xi32>
        %parallel_loop3A_391 = arith.index_cast %parallel_loop3A_382 : i32 to index
        %parallel_loop3A_392 = tpu.vector_load %arg11[%parallel_loop3A_391] {strides = array<i32>} : memref<6400xbf16, #tpu.memory_space<vmem>>, vector<32xbf16>,
        %parallel_loop3A_393 = tpu.unpack_subelements %parallel_loop3A_392, 0 {pack_format = #tpu.pack_format<interleaved>} : vector<32xbf16> -> vector<16xf32>
        %parallel_loop3A_394 = tpu.unpack_subelements %parallel_loop3A_392, 1 {pack_format = #tpu.pack_format<interleaved>} : vector<32xbf16> -> vector<16xf32>
        %parallel_loop3A_395 = tpu.vector_load_idx %arg6[%parallel_loop3A_385] : memref<10240xf32, #tpu.memory_space<vmem>>[vector<16xi32>], vector<16xf32>,
        %parallel_loop3A_396 = arith.addf %parallel_loop3A_395, %parallel_loop3A_393 : vector<16xf32>
        %parallel_loop3A_397 = arith.constant 0.000000e+00 : f32
        %parallel_loop3A_398 = vector.broadcast %parallel_loop3A_397 : f32 to vector<16xf32>
        %parallel_loop3A_399 = arith.maximumf %parallel_loop3A_396, %parallel_loop3A_398 : vector<16xf32>
        tpu.vector_store_idx %arg7[%parallel_loop3A_389], %parallel_loop3A_399 {add = true} : memref<10240xf32, #tpu.memory_space<vmem>>[vector<16xi32>], vector<16xf32>,
        %parallel_loop3A_400 = tpu.vector_load_idx %arg6[%parallel_loop3A_386] : memref<10240xf32, #tpu.memory_space<vmem>>[vector<16xi32>], vector<16xf32>,
        %parallel_loop3A_401 = arith.addf %parallel_loop3A_400, %parallel_loop3A_394 : vector<16xf32>
        %parallel_loop3A_402 = arith.constant 0.000000e+00 : f32
        %parallel_loop3A_403 = vector.broadcast %parallel_loop3A_402 : f32 to vector<16xf32>
        %parallel_loop3A_404 = arith.maximumf %parallel_loop3A_401, %parallel_loop3A_403 : vector<16xf32>
        tpu.vector_store_idx %arg7[%parallel_loop3A_390], %parallel_loop3A_404 {add = true} : memref<10240xf32, #tpu.memory_space<vmem>>[vector<16xi32>], vector<16xf32>,
      } {sc.loop_unroll_factor = 1 : i64, sc.parallel_access}
      %jit3A = arith.constant 16 : i32
      %eq3A_109 = arith.constant 0 : i32
      %eq3A_110 = arith.cmpi eq, %jit3A, %eq3A_109 : i32
      %jit3A_111 = arith.constant 1 : i32
      %select_n3A = arith.select %eq3A_110, %jit3A_111, %jit3A : i32
      %rem3A = arith.remsi %mul3A_93, %select_n3A : i32
      %ne3A = arith.constant 0 : i32
      %ne3A_112 = arith.cmpi ne, %rem3A, %ne3A : i32
      %lt3A = arith.constant 0 : i32
      %lt3A_113 = arith.cmpi slt, %rem3A, %lt3A : i32
      %lt3A_114 = arith.constant 0 : i32
      %lt3A_115 = arith.cmpi slt, %select_n3A, %lt3A_114 : i32
      %ne3A_116 = arith.xori %lt3A_113, %lt3A_115 : i1
      %and3A = arith.andi %ne3A_116, %ne3A_112 : i1
      %add3A_117 = arith.addi %rem3A, %select_n3A : i32
      %select_n3A_118 = arith.select %and3A, %add3A_117, %rem3A : i32
      %eq3A_119 = arith.cmpi eq, %arg1, %select_n3A_118 : i32
      %convert_element_type3A_120 = arith.extui %eq3A_119 : i1 to i32
      %cond3A_121 = arith.constant 0 : i32
      %cond3A_122 = arith.cmpi ne, %convert_element_type3A_120, %cond3A_121 : i32
      scf.if %cond3A_122 {
        %parallel_loop3A_196 = arith.constant 0 : i32
        %parallel_loop3A_197 = arith.constant 25 : i32
        %parallel_loop3A_198 = arith.constant 1 : i32
        scf.for %parallel_loop3A_199 = %parallel_loop3A_196 to %parallel_loop3A_197 step %parallel_loop3A_198  : i32 {
          %parallel_loop3A_200 = arith.constant 256 : i32
          %parallel_loop3A_201 = arith.muli %parallel_loop3A_199, %parallel_loop3A_200 : i32
          %parallel_loop3A_202 = arith.constant 0 : i32
          %parallel_loop3A_203 = arith.addi %parallel_loop3A_201, %parallel_loop3A_202 : i32
          %parallel_loop3A_204 = arith.index_cast %parallel_loop3A_203 : i32 to index
          %parallel_loop3A_205 = tpu.vector_load %arg10[%parallel_loop3A_204] {strides = array<i32>} : memref<6400xi16, #tpu.memory_space<vmem>>, vector<32xi16>,
          %parallel_loop3A_206 = tpu.unpack_subelements %parallel_loop3A_205, 0 {pack_format = #tpu.pack_format<interleaved>} : vector<32xi16> -> vector<16xi32>
          %parallel_loop3A_207 = tpu.unpack_subelements %parallel_loop3A_205, 1 {pack_format = #tpu.pack_format<interleaved>} : vector<32xi16> -> vector<16xi32>
          tpu.vector_store_idx %arg8[%parallel_loop3A_206], %broadcast_in_dim3A_2 {add = true} : memref<10240xf32, #tpu.memory_space<vmem>>[vector<16xi32>], vector<16xf32>,
          tpu.vector_store_idx %arg8[%parallel_loop3A_207], %broadcast_in_dim3A_2 {add = true} : memref<10240xf32, #tpu.memory_space<vmem>>[vector<16xi32>], vector<16xf32>,
          %parallel_loop3A_208 = arith.constant 256 : i32
          %parallel_loop3A_209 = arith.muli %parallel_loop3A_199, %parallel_loop3A_208 : i32
          %parallel_loop3A_210 = arith.constant 16 : i32
          %parallel_loop3A_211 = arith.addi %parallel_loop3A_209, %parallel_loop3A_210 : i32
          %parallel_loop3A_212 = arith.index_cast %parallel_loop3A_211 : i32 to index
          %parallel_loop3A_213 = tpu.vector_load %arg10[%parallel_loop3A_212] {strides = array<i32>} : memref<6400xi16, #tpu.memory_space<vmem>>, vector<32xi16>,
          %parallel_loop3A_214 = tpu.unpack_subelements %parallel_loop3A_213, 0 {pack_format = #tpu.pack_format<interleaved>} : vector<32xi16> -> vector<16xi32>
          %parallel_loop3A_215 = tpu.unpack_subelements %parallel_loop3A_213, 1 {pack_format = #tpu.pack_format<interleaved>} : vector<32xi16> -> vector<16xi32>
          tpu.vector_store_idx %arg8[%parallel_loop3A_214], %broadcast_in_dim3A_2 {add = true} : memref<10240xf32, #tpu.memory_space<vmem>>[vector<16xi32>], vector<16xf32>,
          tpu.vector_store_idx %arg8[%parallel_loop3A_215], %broadcast_in_dim3A_2 {add = true} : memref<10240xf32, #tpu.memory_space<vmem>>[vector<16xi32>], vector<16xf32>,
          %parallel_loop3A_216 = arith.constant 256 : i32
          %parallel_loop3A_217 = arith.muli %parallel_loop3A_199, %parallel_loop3A_216 : i32
          %parallel_loop3A_218 = arith.constant 32 : i32
          %parallel_loop3A_219 = arith.addi %parallel_loop3A_217, %parallel_loop3A_218 : i32
          %parallel_loop3A_220 = arith.index_cast %parallel_loop3A_219 : i32 to index
          %parallel_loop3A_221 = tpu.vector_load %arg10[%parallel_loop3A_220] {strides = array<i32>} : memref<6400xi16, #tpu.memory_space<vmem>>, vector<32xi16>,
          %parallel_loop3A_222 = tpu.unpack_subelements %parallel_loop3A_221, 0 {pack_format = #tpu.pack_format<interleaved>} : vector<32xi16> -> vector<16xi32>
          %parallel_loop3A_223 = tpu.unpack_subelements %parallel_loop3A_221, 1 {pack_format = #tpu.pack_format<interleaved>} : vector<32xi16> -> vector<16xi32>
          tpu.vector_store_idx %arg8[%parallel_loop3A_222], %broadcast_in_dim3A_2 {add = true} : memref<10240xf32, #tpu.memory_space<vmem>>[vector<16xi32>], vector<16xf32>,
          tpu.vector_store_idx %arg8[%parallel_loop3A_223], %broadcast_in_dim3A_2 {add = true} : memref<10240xf32, #tpu.memory_space<vmem>>[vector<16xi32>], vector<16xf32>,
          %parallel_loop3A_224 = arith.constant 256 : i32
          %parallel_loop3A_225 = arith.muli %parallel_loop3A_199, %parallel_loop3A_224 : i32
          %parallel_loop3A_226 = arith.constant 48 : i32
          %parallel_loop3A_227 = arith.addi %parallel_loop3A_225, %parallel_loop3A_226 : i32
          %parallel_loop3A_228 = arith.index_cast %parallel_loop3A_227 : i32 to index
          %parallel_loop3A_229 = tpu.vector_load %arg10[%parallel_loop3A_228] {strides = array<i32>} : memref<6400xi16, #tpu.memory_space<vmem>>, vector<32xi16>,
          %parallel_loop3A_230 = tpu.unpack_subelements %parallel_loop3A_229, 0 {pack_format = #tpu.pack_format<interleaved>} : vector<32xi16> -> vector<16xi32>
          %parallel_loop3A_231 = tpu.unpack_subelements %parallel_loop3A_229, 1 {pack_format = #tpu.pack_format<interleaved>} : vector<32xi16> -> vector<16xi32>
          tpu.vector_store_idx %arg8[%parallel_loop3A_230], %broadcast_in_dim3A_2 {add = true} : memref<10240xf32, #tpu.memory_space<vmem>>[vector<16xi32>], vector<16xf32>,
          tpu.vector_store_idx %arg8[%parallel_loop3A_231], %broadcast_in_dim3A_2 {add = true} : memref<10240xf32, #tpu.memory_space<vmem>>[vector<16xi32>], vector<16xf32>,
          %parallel_loop3A_232 = arith.constant 256 : i32
          %parallel_loop3A_233 = arith.muli %parallel_loop3A_199, %parallel_loop3A_232 : i32
          %parallel_loop3A_234 = arith.constant 64 : i32
          %parallel_loop3A_235 = arith.addi %parallel_loop3A_233, %parallel_loop3A_234 : i32
          %parallel_loop3A_236 = arith.index_cast %parallel_loop3A_235 : i32 to index
          %parallel_loop3A_237 = tpu.vector_load %arg10[%parallel_loop3A_236] {strides = array<i32>} : memref<6400xi16, #tpu.memory_space<vmem>>, vector<32xi16>,
          %parallel_loop3A_238 = tpu.unpack_subelements %parallel_loop3A_237, 0 {pack_format = #tpu.pack_format<interleaved>} : vector<32xi16> -> vector<16xi32>
          %parallel_loop3A_239 = tpu.unpack_subelements %parallel_loop3A_237, 1 {pack_format = #tpu.pack_format<interleaved>} : vector<32xi16> -> vector<16xi32>
          tpu.vector_store_idx %arg8[%parallel_loop3A_238], %broadcast_in_dim3A_2 {add = true} : memref<10240xf32, #tpu.memory_space<vmem>>[vector<16xi32>], vector<16xf32>,
          tpu.vector_store_idx %arg8[%parallel_loop3A_239], %broadcast_in_dim3A_2 {add = true} : memref<10240xf32, #tpu.memory_space<vmem>>[vector<16xi32>], vector<16xf32>,
          %parallel_loop3A_240 = arith.constant 256 : i32
          %parallel_loop3A_241 = arith.muli %parallel_loop3A_199, %parallel_loop3A_240 : i32
          %parallel_loop3A_242 = arith.constant 80 : i32
          %parallel_loop3A_243 = arith.addi %parallel_loop3A_241, %parallel_loop3A_242 : i32
          %parallel_loop3A_244 = arith.index_cast %parallel_loop3A_243 : i32 to index
          %parallel_loop3A_245 = tpu.vector_load %arg10[%parallel_loop3A_244] {strides = array<i32>} : memref<6400xi16, #tpu.memory_space<vmem>>, vector<32xi16>,
          %parallel_loop3A_246 = tpu.unpack_subelements %parallel_loop3A_245, 0 {pack_format = #tpu.pack_format<interleaved>} : vector<32xi16> -> vector<16xi32>
          %parallel_loop3A_247 = tpu.unpack_subelements %parallel_loop3A_245, 1 {pack_format = #tpu.pack_format<interleaved>} : vector<32xi16> -> vector<16xi32>
          tpu.vector_store_idx %arg8[%parallel_loop3A_246], %broadcast_in_dim3A_2 {add = true} : memref<10240xf32, #tpu.memory_space<vmem>>[vector<16xi32>], vector<16xf32>,
          tpu.vector_store_idx %arg8[%parallel_loop3A_247], %broadcast_in_dim3A_2 {add = true} : memref<10240xf32, #tpu.memory_space<vmem>>[vector<16xi32>], vector<16xf32>,
          %parallel_loop3A_248 = arith.constant 256 : i32
          %parallel_loop3A_249 = arith.muli %parallel_loop3A_199, %parallel_loop3A_248 : i32
          %parallel_loop3A_250 = arith.constant 96 : i32
          %parallel_loop3A_251 = arith.addi %parallel_loop3A_249, %parallel_loop3A_250 : i32
          %parallel_loop3A_252 = arith.index_cast %parallel_loop3A_251 : i32 to index
          %parallel_loop3A_253 = tpu.vector_load %arg10[%parallel_loop3A_252] {strides = array<i32>} : memref<6400xi16, #tpu.memory_space<vmem>>, vector<32xi16>,
          %parallel_loop3A_254 = tpu.unpack_subelements %parallel_loop3A_253, 0 {pack_format = #tpu.pack_format<interleaved>} : vector<32xi16> -> vector<16xi32>
          %parallel_loop3A_255 = tpu.unpack_subelements %parallel_loop3A_253, 1 {pack_format = #tpu.pack_format<interleaved>} : vector<32xi16> -> vector<16xi32>
          tpu.vector_store_idx %arg8[%parallel_loop3A_254], %broadcast_in_dim3A_2 {add = true} : memref<10240xf32, #tpu.memory_space<vmem>>[vector<16xi32>], vector<16xf32>,
          tpu.vector_store_idx %arg8[%parallel_loop3A_255], %broadcast_in_dim3A_2 {add = true} : memref<10240xf32, #tpu.memory_space<vmem>>[vector<16xi32>], vector<16xf32>,
          %parallel_loop3A_256 = arith.constant 256 : i32
          %parallel_loop3A_257 = arith.muli %parallel_loop3A_199, %parallel_loop3A_256 : i32
          %parallel_loop3A_258 = arith.constant 112 : i32
          %parallel_loop3A_259 = arith.addi %parallel_loop3A_257, %parallel_loop3A_258 : i32
          %parallel_loop3A_260 = arith.index_cast %parallel_loop3A_259 : i32 to index
          %parallel_loop3A_261 = tpu.vector_load %arg10[%parallel_loop3A_260] {strides = array<i32>} : memref<6400xi16, #tpu.memory_space<vmem>>, vector<32xi16>,
          %parallel_loop3A_262 = tpu.unpack_subelements %parallel_loop3A_261, 0 {pack_format = #tpu.pack_format<interleaved>} : vector<32xi16> -> vector<16xi32>
          %parallel_loop3A_263 = tpu.unpack_subelements %parallel_loop3A_261, 1 {pack_format = #tpu.pack_format<interleaved>} : vector<32xi16> -> vector<16xi32>
          tpu.vector_store_idx %arg8[%parallel_loop3A_262], %broadcast_in_dim3A_2 {add = true} : memref<10240xf32, #tpu.memory_space<vmem>>[vector<16xi32>], vector<16xf32>,
          tpu.vector_store_idx %arg8[%parallel_loop3A_263], %broadcast_in_dim3A_2 {add = true} : memref<10240xf32, #tpu.memory_space<vmem>>[vector<16xi32>], vector<16xf32>,
        } {sc.loop_unroll_factor = 1 : i64, sc.parallel_access}
      } else {
      }
      %add3A_123 = arith.constant 2 : i32
      %add3A_124 = arith.addi %mul3A_93, %add3A_123 : i32
      %min3A_125 = arith.constant 24 : i32
      %min3A_126 = arith.minsi %add3A_124, %min3A_125 : i32
      %mul3A_127 = arith.constant 6400 : i32
      %mul3A_128 = arith.muli %min3A_126, %mul3A_127 : i32
      %add3A_129 = arith.addi %mul3A_6, %mul3A_128 : i32
      %dma_start3A_130 = tpu.memref_slice %arg4[%add3A_129] : memref<640000xi16, #tpu.memory_space<hbm>> -> memref<6400xi16, #tpu.memory_space<hbm>>
      %dma_start3A_131 = tpu.memref_slice %arg4[%add3A_129] : memref<640000xi16, #tpu.memory_space<hbm>> -> memref<6400xi16, #tpu.memory_space<hbm>>
      tpu.enqueue_dma source(%dma_start3A_131 : memref<6400xi16, #tpu.memory_space<hbm>>) target(%arg9 : memref<6400xi16, #tpu.memory_space<vmem>>) target_semaphore(%arg16 : memref<!tpu.dma_semaphore, #tpu.memory_space<semaphore_mem>>)
      %add3A_132 = arith.constant 320000 : i32
      %add3A_133 = arith.addi %add3A_132, %add3A_129 : i32
      %dma_start3A_134 = tpu.memref_slice %arg4[%add3A_133] : memref<640000xi16, #tpu.memory_space<hbm>> -> memref<6400xi16, #tpu.memory_space<hbm>>
      %dma_start3A_135 = tpu.memref_slice %arg4[%add3A_133] : memref<640000xi16, #tpu.memory_space<hbm>> -> memref<6400xi16, #tpu.memory_space<hbm>>
      tpu.enqueue_dma source(%dma_start3A_135 : memref<6400xi16, #tpu.memory_space<hbm>>) target(%arg10 : memref<6400xi16, #tpu.memory_space<vmem>>) target_semaphore(%arg16 : memref<!tpu.dma_semaphore, #tpu.memory_space<semaphore_mem>>)
      %mul3A_136 = arith.constant 320000 : i32
      %mul3A_137 = arith.muli %arg1, %mul3A_136 : i32
      %add3A_138 = arith.addi %mul3A_137, %add3A_129 : i32
      %dma_start3A_139 = tpu.memref_slice %arg3[%add3A_138] : memref<5120000xbf16, #tpu.memory_space<hbm>> -> memref<6400xbf16, #tpu.memory_space<hbm>>
      %dma_start3A_140 = tpu.memref_slice %arg3[%add3A_138] : memref<5120000xbf16, #tpu.memory_space<hbm>> -> memref<6400xbf16, #tpu.memory_space<hbm>>
      tpu.enqueue_dma source(%dma_start3A_140 : memref<6400xbf16, #tpu.memory_space<hbm>>) target(%arg11 : memref<6400xbf16, #tpu.memory_space<vmem>>) target_semaphore(%arg16 : memref<!tpu.dma_semaphore, #tpu.memory_space<semaphore_mem>>)
      %add3A_141 = arith.constant 1 : i32
      %add3A_142 = arith.addi %mul3A_93, %add3A_141 : i32
      %dma_wait3A_143 = arith.constant 0 : i32
      %dma_wait3A_144 = tpu.memref_slice %arg4[%dma_wait3A_143] : memref<640000xi16, #tpu.memory_space<hbm>> -> memref<6400xi16, #tpu.memory_space<hbm>>
      %dma_wait3A_145 = arith.constant 0 : i32
      %dma_wait3A_146 = tpu.memref_slice %arg4[%dma_wait3A_145] : memref<640000xi16, #tpu.memory_space<hbm>> -> memref<6400xi16, #tpu.memory_space<hbm>>
      tpu.wait_dma2 semaphore(%arg17 : memref<!tpu.dma_semaphore, #tpu.memory_space<semaphore_mem>>) src(%dma_wait3A_146 : memref<6400xi16, #tpu.memory_space<hbm>>) dst(%arg12 : memref<6400xi16, #tpu.memory_space<vmem>>)
      %dma_wait3A_147 = arith.constant 0 : i32
      %dma_wait3A_148 = tpu.memref_slice %arg4[%dma_wait3A_147] : memref<640000xi16, #tpu.memory_space<hbm>> -> memref<6400xi16, #tpu.memory_space<hbm>>
      %dma_wait3A_149 = arith.constant 0 : i32
      %dma_wait3A_150 = tpu.memref_slice %arg4[%dma_wait3A_149] : memref<640000xi16, #tpu.memory_space<hbm>> -> memref<6400xi16, #tpu.memory_space<hbm>>
      tpu.wait_dma2 semaphore(%arg17 : memref<!tpu.dma_semaphore, #tpu.memory_space<semaphore_mem>>) src(%dma_wait3A_150 : memref<6400xi16, #tpu.memory_space<hbm>>) dst(%arg13 : memref<6400xi16, #tpu.memory_space<vmem>>)
      %dma_wait3A_151 = arith.constant 0 : i32
      %dma_wait3A_152 = tpu.memref_slice %arg3[%dma_wait3A_151] : memref<5120000xbf16, #tpu.memory_space<hbm>> -> memref<6400xbf16, #tpu.memory_space<hbm>>
      %dma_wait3A_153 = arith.constant 0 : i32
      %dma_wait3A_154 = tpu.memref_slice %arg3[%dma_wait3A_153] : memref<5120000xbf16, #tpu.memory_space<hbm>> -> memref<6400xbf16, #tpu.memory_space<hbm>>
      tpu.wait_dma2 semaphore(%arg17 : memref<!tpu.dma_semaphore, #tpu.memory_space<semaphore_mem>>) src(%dma_wait3A_154 : memref<6400xbf16, #tpu.memory_space<hbm>>) dst(%arg14 : memref<6400xbf16, #tpu.memory_space<vmem>>)
      %parallel_loop3A_155 = arith.constant 0 : i32
      %parallel_loop3A_156 = arith.constant 25 : i32
      %parallel_loop3A_157 = arith.constant 1 : i32
      scf.for %parallel_loop3A_196 = %parallel_loop3A_155 to %parallel_loop3A_156 step %parallel_loop3A_157  : i32 {
        %parallel_loop3A_197 = arith.constant 256 : i32
        %parallel_loop3A_198 = arith.muli %parallel_loop3A_196, %parallel_loop3A_197 : i32
        %parallel_loop3A_199 = arith.constant 0 : i32
        %parallel_loop3A_200 = arith.addi %parallel_loop3A_198, %parallel_loop3A_199 : i32
        %parallel_loop3A_201 = arith.index_cast %parallel_loop3A_200 : i32 to index
        %parallel_loop3A_202 = tpu.vector_load %arg12[%parallel_loop3A_201] {strides = array<i32>} : memref<6400xi16, #tpu.memory_space<vmem>>, vector<32xi16>,
        %parallel_loop3A_203 = tpu.unpack_subelements %parallel_loop3A_202, 0 {pack_format = #tpu.pack_format<interleaved>} : vector<32xi16> -> vector<16xi32>
        %parallel_loop3A_204 = tpu.unpack_subelements %parallel_loop3A_202, 1 {pack_format = #tpu.pack_format<interleaved>} : vector<32xi16> -> vector<16xi32>
        %parallel_loop3A_205 = arith.index_cast %parallel_loop3A_200 : i32 to index
        %parallel_loop3A_206 = tpu.vector_load %arg13[%parallel_loop3A_205] {strides = array<i32>} : memref<6400xi16, #tpu.memory_space<vmem>>, vector<32xi16>,
        %parallel_loop3A_207 = tpu.unpack_subelements %parallel_loop3A_206, 0 {pack_format = #tpu.pack_format<interleaved>} : vector<32xi16> -> vector<16xi32>
        %parallel_loop3A_208 = tpu.unpack_subelements %parallel_loop3A_206, 1 {pack_format = #tpu.pack_format<interleaved>} : vector<32xi16> -> vector<16xi32>
        %parallel_loop3A_209 = arith.index_cast %parallel_loop3A_200 : i32 to index
        %parallel_loop3A_210 = tpu.vector_load %arg14[%parallel_loop3A_209] {strides = array<i32>} : memref<6400xbf16, #tpu.memory_space<vmem>>, vector<32xbf16>,
        %parallel_loop3A_211 = tpu.unpack_subelements %parallel_loop3A_210, 0 {pack_format = #tpu.pack_format<interleaved>} : vector<32xbf16> -> vector<16xf32>
        %parallel_loop3A_212 = tpu.unpack_subelements %parallel_loop3A_210, 1 {pack_format = #tpu.pack_format<interleaved>} : vector<32xbf16> -> vector<16xf32>
        %parallel_loop3A_213 = tpu.vector_load_idx %arg6[%parallel_loop3A_203] : memref<10240xf32, #tpu.memory_space<vmem>>[vector<16xi32>], vector<16xf32>,
        %parallel_loop3A_214 = arith.addf %parallel_loop3A_213, %parallel_loop3A_211 : vector<16xf32>
        %parallel_loop3A_215 = arith.constant 0.000000e+00 : f32
        %parallel_loop3A_216 = vector.broadcast %parallel_loop3A_215 : f32 to vector<16xf32>
        %parallel_loop3A_217 = arith.maximumf %parallel_loop3A_214, %parallel_loop3A_216 : vector<16xf32>
        tpu.vector_store_idx %arg7[%parallel_loop3A_207], %parallel_loop3A_217 {add = true} : memref<10240xf32, #tpu.memory_space<vmem>>[vector<16xi32>], vector<16xf32>,
        %parallel_loop3A_218 = tpu.vector_load_idx %arg6[%parallel_loop3A_204] : memref<10240xf32, #tpu.memory_space<vmem>>[vector<16xi32>], vector<16xf32>,
        %parallel_loop3A_219 = arith.addf %parallel_loop3A_218, %parallel_loop3A_212 : vector<16xf32>
        %parallel_loop3A_220 = arith.constant 0.000000e+00 : f32
        %parallel_loop3A_221 = vector.broadcast %parallel_loop3A_220 : f32 to vector<16xf32>
        %parallel_loop3A_222 = arith.maximumf %parallel_loop3A_219, %parallel_loop3A_221 : vector<16xf32>
        tpu.vector_store_idx %arg7[%parallel_loop3A_208], %parallel_loop3A_222 {add = true} : memref<10240xf32, #tpu.memory_space<vmem>>[vector<16xi32>], vector<16xf32>,
        %parallel_loop3A_223 = arith.constant 256 : i32
        %parallel_loop3A_224 = arith.muli %parallel_loop3A_196, %parallel_loop3A_223 : i32
        %parallel_loop3A_225 = arith.constant 16 : i32
        %parallel_loop3A_226 = arith.addi %parallel_loop3A_224, %parallel_loop3A_225 : i32
        %parallel_loop3A_227 = arith.index_cast %parallel_loop3A_226 : i32 to index
        %parallel_loop3A_228 = tpu.vector_load %arg12[%parallel_loop3A_227] {strides = array<i32>} : memref<6400xi16, #tpu.memory_space<vmem>>, vector<32xi16>,
        %parallel_loop3A_229 = tpu.unpack_subelements %parallel_loop3A_228, 0 {pack_format = #tpu.pack_format<interleaved>} : vector<32xi16> -> vector<16xi32>
        %parallel_loop3A_230 = tpu.unpack_subelements %parallel_loop3A_228, 1 {pack_format = #tpu.pack_format<interleaved>} : vector<32xi16> -> vector<16xi32>
        %parallel_loop3A_231 = arith.index_cast %parallel_loop3A_226 : i32 to index
        %parallel_loop3A_232 = tpu.vector_load %arg13[%parallel_loop3A_231] {strides = array<i32>} : memref<6400xi16, #tpu.memory_space<vmem>>, vector<32xi16>,
        %parallel_loop3A_233 = tpu.unpack_subelements %parallel_loop3A_232, 0 {pack_format = #tpu.pack_format<interleaved>} : vector<32xi16> -> vector<16xi32>
        %parallel_loop3A_234 = tpu.unpack_subelements %parallel_loop3A_232, 1 {pack_format = #tpu.pack_format<interleaved>} : vector<32xi16> -> vector<16xi32>
        %parallel_loop3A_235 = arith.index_cast %parallel_loop3A_226 : i32 to index
        %parallel_loop3A_236 = tpu.vector_load %arg14[%parallel_loop3A_235] {strides = array<i32>} : memref<6400xbf16, #tpu.memory_space<vmem>>, vector<32xbf16>,
        %parallel_loop3A_237 = tpu.unpack_subelements %parallel_loop3A_236, 0 {pack_format = #tpu.pack_format<interleaved>} : vector<32xbf16> -> vector<16xf32>
        %parallel_loop3A_238 = tpu.unpack_subelements %parallel_loop3A_236, 1 {pack_format = #tpu.pack_format<interleaved>} : vector<32xbf16> -> vector<16xf32>
        %parallel_loop3A_239 = tpu.vector_load_idx %arg6[%parallel_loop3A_229] : memref<10240xf32, #tpu.memory_space<vmem>>[vector<16xi32>], vector<16xf32>,
        %parallel_loop3A_240 = arith.addf %parallel_loop3A_239, %parallel_loop3A_237 : vector<16xf32>
        %parallel_loop3A_241 = arith.constant 0.000000e+00 : f32
        %parallel_loop3A_242 = vector.broadcast %parallel_loop3A_241 : f32 to vector<16xf32>
        %parallel_loop3A_243 = arith.maximumf %parallel_loop3A_240, %parallel_loop3A_242 : vector<16xf32>
        tpu.vector_store_idx %arg7[%parallel_loop3A_233], %parallel_loop3A_243 {add = true} : memref<10240xf32, #tpu.memory_space<vmem>>[vector<16xi32>], vector<16xf32>,
        %parallel_loop3A_244 = tpu.vector_load_idx %arg6[%parallel_loop3A_230] : memref<10240xf32, #tpu.memory_space<vmem>>[vector<16xi32>], vector<16xf32>,
        %parallel_loop3A_245 = arith.addf %parallel_loop3A_244, %parallel_loop3A_238 : vector<16xf32>
        %parallel_loop3A_246 = arith.constant 0.000000e+00 : f32
        %parallel_loop3A_247 = vector.broadcast %parallel_loop3A_246 : f32 to vector<16xf32>
        %parallel_loop3A_248 = arith.maximumf %parallel_loop3A_245, %parallel_loop3A_247 : vector<16xf32>
        tpu.vector_store_idx %arg7[%parallel_loop3A_234], %parallel_loop3A_248 {add = true} : memref<10240xf32, #tpu.memory_space<vmem>>[vector<16xi32>], vector<16xf32>,
        %parallel_loop3A_249 = arith.constant 256 : i32
        %parallel_loop3A_250 = arith.muli %parallel_loop3A_196, %parallel_loop3A_249 : i32
        %parallel_loop3A_251 = arith.constant 32 : i32
        %parallel_loop3A_252 = arith.addi %parallel_loop3A_250, %parallel_loop3A_251 : i32
        %parallel_loop3A_253 = arith.index_cast %parallel_loop3A_252 : i32 to index
        %parallel_loop3A_254 = tpu.vector_load %arg12[%parallel_loop3A_253] {strides = array<i32>} : memref<6400xi16, #tpu.memory_space<vmem>>, vector<32xi16>,
        %parallel_loop3A_255 = tpu.unpack_subelements %parallel_loop3A_254, 0 {pack_format = #tpu.pack_format<interleaved>} : vector<32xi16> -> vector<16xi32>
        %parallel_loop3A_256 = tpu.unpack_subelements %parallel_loop3A_254, 1 {pack_format = #tpu.pack_format<interleaved>} : vector<32xi16> -> vector<16xi32>
        %parallel_loop3A_257 = arith.index_cast %parallel_loop3A_252 : i32 to index
        %parallel_loop3A_258 = tpu.vector_load %arg13[%parallel_loop3A_257] {strides = array<i32>} : memref<6400xi16, #tpu.memory_space<vmem>>, vector<32xi16>,
        %parallel_loop3A_259 = tpu.unpack_subelements %parallel_loop3A_258, 0 {pack_format = #tpu.pack_format<interleaved>} : vector<32xi16> -> vector<16xi32>
        %parallel_loop3A_260 = tpu.unpack_subelements %parallel_loop3A_258, 1 {pack_format = #tpu.pack_format<interleaved>} : vector<32xi16> -> vector<16xi32>
        %parallel_loop3A_261 = arith.index_cast %parallel_loop3A_252 : i32 to index
        %parallel_loop3A_262 = tpu.vector_load %arg14[%parallel_loop3A_261] {strides = array<i32>} : memref<6400xbf16, #tpu.memory_space<vmem>>, vector<32xbf16>,
        %parallel_loop3A_263 = tpu.unpack_subelements %parallel_loop3A_262, 0 {pack_format = #tpu.pack_format<interleaved>} : vector<32xbf16> -> vector<16xf32>
        %parallel_loop3A_264 = tpu.unpack_subelements %parallel_loop3A_262, 1 {pack_format = #tpu.pack_format<interleaved>} : vector<32xbf16> -> vector<16xf32>
        %parallel_loop3A_265 = tpu.vector_load_idx %arg6[%parallel_loop3A_255] : memref<10240xf32, #tpu.memory_space<vmem>>[vector<16xi32>], vector<16xf32>,
        %parallel_loop3A_266 = arith.addf %parallel_loop3A_265, %parallel_loop3A_263 : vector<16xf32>
        %parallel_loop3A_267 = arith.constant 0.000000e+00 : f32
        %parallel_loop3A_268 = vector.broadcast %parallel_loop3A_267 : f32 to vector<16xf32>
        %parallel_loop3A_269 = arith.maximumf %parallel_loop3A_266, %parallel_loop3A_268 : vector<16xf32>
        tpu.vector_store_idx %arg7[%parallel_loop3A_259], %parallel_loop3A_269 {add = true} : memref<10240xf32, #tpu.memory_space<vmem>>[vector<16xi32>], vector<16xf32>,
        %parallel_loop3A_270 = tpu.vector_load_idx %arg6[%parallel_loop3A_256] : memref<10240xf32, #tpu.memory_space<vmem>>[vector<16xi32>], vector<16xf32>,
        %parallel_loop3A_271 = arith.addf %parallel_loop3A_270, %parallel_loop3A_264 : vector<16xf32>
        %parallel_loop3A_272 = arith.constant 0.000000e+00 : f32
        %parallel_loop3A_273 = vector.broadcast %parallel_loop3A_272 : f32 to vector<16xf32>
        %parallel_loop3A_274 = arith.maximumf %parallel_loop3A_271, %parallel_loop3A_273 : vector<16xf32>
        tpu.vector_store_idx %arg7[%parallel_loop3A_260], %parallel_loop3A_274 {add = true} : memref<10240xf32, #tpu.memory_space<vmem>>[vector<16xi32>], vector<16xf32>,
        %parallel_loop3A_275 = arith.constant 256 : i32
        %parallel_loop3A_276 = arith.muli %parallel_loop3A_196, %parallel_loop3A_275 : i32
        %parallel_loop3A_277 = arith.constant 48 : i32
        %parallel_loop3A_278 = arith.addi %parallel_loop3A_276, %parallel_loop3A_277 : i32
        %parallel_loop3A_279 = arith.index_cast %parallel_loop3A_278 : i32 to index
        %parallel_loop3A_280 = tpu.vector_load %arg12[%parallel_loop3A_279] {strides = array<i32>} : memref<6400xi16, #tpu.memory_space<vmem>>, vector<32xi16>,
        %parallel_loop3A_281 = tpu.unpack_subelements %parallel_loop3A_280, 0 {pack_format = #tpu.pack_format<interleaved>} : vector<32xi16> -> vector<16xi32>
        %parallel_loop3A_282 = tpu.unpack_subelements %parallel_loop3A_280, 1 {pack_format = #tpu.pack_format<interleaved>} : vector<32xi16> -> vector<16xi32>
        %parallel_loop3A_283 = arith.index_cast %parallel_loop3A_278 : i32 to index
        %parallel_loop3A_284 = tpu.vector_load %arg13[%parallel_loop3A_283] {strides = array<i32>} : memref<6400xi16, #tpu.memory_space<vmem>>, vector<32xi16>,
        %parallel_loop3A_285 = tpu.unpack_subelements %parallel_loop3A_284, 0 {pack_format = #tpu.pack_format<interleaved>} : vector<32xi16> -> vector<16xi32>
        %parallel_loop3A_286 = tpu.unpack_subelements %parallel_loop3A_284, 1 {pack_format = #tpu.pack_format<interleaved>} : vector<32xi16> -> vector<16xi32>
        %parallel_loop3A_287 = arith.index_cast %parallel_loop3A_278 : i32 to index
        %parallel_loop3A_288 = tpu.vector_load %arg14[%parallel_loop3A_287] {strides = array<i32>} : memref<6400xbf16, #tpu.memory_space<vmem>>, vector<32xbf16>,
        %parallel_loop3A_289 = tpu.unpack_subelements %parallel_loop3A_288, 0 {pack_format = #tpu.pack_format<interleaved>} : vector<32xbf16> -> vector<16xf32>
        %parallel_loop3A_290 = tpu.unpack_subelements %parallel_loop3A_288, 1 {pack_format = #tpu.pack_format<interleaved>} : vector<32xbf16> -> vector<16xf32>
        %parallel_loop3A_291 = tpu.vector_load_idx %arg6[%parallel_loop3A_281] : memref<10240xf32, #tpu.memory_space<vmem>>[vector<16xi32>], vector<16xf32>,
        %parallel_loop3A_292 = arith.addf %parallel_loop3A_291, %parallel_loop3A_289 : vector<16xf32>
        %parallel_loop3A_293 = arith.constant 0.000000e+00 : f32
        %parallel_loop3A_294 = vector.broadcast %parallel_loop3A_293 : f32 to vector<16xf32>
        %parallel_loop3A_295 = arith.maximumf %parallel_loop3A_292, %parallel_loop3A_294 : vector<16xf32>
        tpu.vector_store_idx %arg7[%parallel_loop3A_285], %parallel_loop3A_295 {add = true} : memref<10240xf32, #tpu.memory_space<vmem>>[vector<16xi32>], vector<16xf32>,
        %parallel_loop3A_296 = tpu.vector_load_idx %arg6[%parallel_loop3A_282] : memref<10240xf32, #tpu.memory_space<vmem>>[vector<16xi32>], vector<16xf32>,
        %parallel_loop3A_297 = arith.addf %parallel_loop3A_296, %parallel_loop3A_290 : vector<16xf32>
        %parallel_loop3A_298 = arith.constant 0.000000e+00 : f32
        %parallel_loop3A_299 = vector.broadcast %parallel_loop3A_298 : f32 to vector<16xf32>
        %parallel_loop3A_300 = arith.maximumf %parallel_loop3A_297, %parallel_loop3A_299 : vector<16xf32>
        tpu.vector_store_idx %arg7[%parallel_loop3A_286], %parallel_loop3A_300 {add = true} : memref<10240xf32, #tpu.memory_space<vmem>>[vector<16xi32>], vector<16xf32>,
        %parallel_loop3A_301 = arith.constant 256 : i32
        %parallel_loop3A_302 = arith.muli %parallel_loop3A_196, %parallel_loop3A_301 : i32
        %parallel_loop3A_303 = arith.constant 64 : i32
        %parallel_loop3A_304 = arith.addi %parallel_loop3A_302, %parallel_loop3A_303 : i32
        %parallel_loop3A_305 = arith.index_cast %parallel_loop3A_304 : i32 to index
        %parallel_loop3A_306 = tpu.vector_load %arg12[%parallel_loop3A_305] {strides = array<i32>} : memref<6400xi16, #tpu.memory_space<vmem>>, vector<32xi16>,
        %parallel_loop3A_307 = tpu.unpack_subelements %parallel_loop3A_306, 0 {pack_format = #tpu.pack_format<interleaved>} : vector<32xi16> -> vector<16xi32>
        %parallel_loop3A_308 = tpu.unpack_subelements %parallel_loop3A_306, 1 {pack_format = #tpu.pack_format<interleaved>} : vector<32xi16> -> vector<16xi32>
        %parallel_loop3A_309 = arith.index_cast %parallel_loop3A_304 : i32 to index
        %parallel_loop3A_310 = tpu.vector_load %arg13[%parallel_loop3A_309] {strides = array<i32>} : memref<6400xi16, #tpu.memory_space<vmem>>, vector<32xi16>,
        %parallel_loop3A_311 = tpu.unpack_subelements %parallel_loop3A_310, 0 {pack_format = #tpu.pack_format<interleaved>} : vector<32xi16> -> vector<16xi32>
        %parallel_loop3A_312 = tpu.unpack_subelements %parallel_loop3A_310, 1 {pack_format = #tpu.pack_format<interleaved>} : vector<32xi16> -> vector<16xi32>
        %parallel_loop3A_313 = arith.index_cast %parallel_loop3A_304 : i32 to index
        %parallel_loop3A_314 = tpu.vector_load %arg14[%parallel_loop3A_313] {strides = array<i32>} : memref<6400xbf16, #tpu.memory_space<vmem>>, vector<32xbf16>,
        %parallel_loop3A_315 = tpu.unpack_subelements %parallel_loop3A_314, 0 {pack_format = #tpu.pack_format<interleaved>} : vector<32xbf16> -> vector<16xf32>
        %parallel_loop3A_316 = tpu.unpack_subelements %parallel_loop3A_314, 1 {pack_format = #tpu.pack_format<interleaved>} : vector<32xbf16> -> vector<16xf32>
        %parallel_loop3A_317 = tpu.vector_load_idx %arg6[%parallel_loop3A_307] : memref<10240xf32, #tpu.memory_space<vmem>>[vector<16xi32>], vector<16xf32>,
        %parallel_loop3A_318 = arith.addf %parallel_loop3A_317, %parallel_loop3A_315 : vector<16xf32>
        %parallel_loop3A_319 = arith.constant 0.000000e+00 : f32
        %parallel_loop3A_320 = vector.broadcast %parallel_loop3A_319 : f32 to vector<16xf32>
        %parallel_loop3A_321 = arith.maximumf %parallel_loop3A_318, %parallel_loop3A_320 : vector<16xf32>
        tpu.vector_store_idx %arg7[%parallel_loop3A_311], %parallel_loop3A_321 {add = true} : memref<10240xf32, #tpu.memory_space<vmem>>[vector<16xi32>], vector<16xf32>,
        %parallel_loop3A_322 = tpu.vector_load_idx %arg6[%parallel_loop3A_308] : memref<10240xf32, #tpu.memory_space<vmem>>[vector<16xi32>], vector<16xf32>,
        %parallel_loop3A_323 = arith.addf %parallel_loop3A_322, %parallel_loop3A_316 : vector<16xf32>
        %parallel_loop3A_324 = arith.constant 0.000000e+00 : f32
        %parallel_loop3A_325 = vector.broadcast %parallel_loop3A_324 : f32 to vector<16xf32>
        %parallel_loop3A_326 = arith.maximumf %parallel_loop3A_323, %parallel_loop3A_325 : vector<16xf32>
        tpu.vector_store_idx %arg7[%parallel_loop3A_312], %parallel_loop3A_326 {add = true} : memref<10240xf32, #tpu.memory_space<vmem>>[vector<16xi32>], vector<16xf32>,
        %parallel_loop3A_327 = arith.constant 256 : i32
        %parallel_loop3A_328 = arith.muli %parallel_loop3A_196, %parallel_loop3A_327 : i32
        %parallel_loop3A_329 = arith.constant 80 : i32
        %parallel_loop3A_330 = arith.addi %parallel_loop3A_328, %parallel_loop3A_329 : i32
        %parallel_loop3A_331 = arith.index_cast %parallel_loop3A_330 : i32 to index
        %parallel_loop3A_332 = tpu.vector_load %arg12[%parallel_loop3A_331] {strides = array<i32>} : memref<6400xi16, #tpu.memory_space<vmem>>, vector<32xi16>,
        %parallel_loop3A_333 = tpu.unpack_subelements %parallel_loop3A_332, 0 {pack_format = #tpu.pack_format<interleaved>} : vector<32xi16> -> vector<16xi32>
        %parallel_loop3A_334 = tpu.unpack_subelements %parallel_loop3A_332, 1 {pack_format = #tpu.pack_format<interleaved>} : vector<32xi16> -> vector<16xi32>
        %parallel_loop3A_335 = arith.index_cast %parallel_loop3A_330 : i32 to index
        %parallel_loop3A_336 = tpu.vector_load %arg13[%parallel_loop3A_335] {strides = array<i32>} : memref<6400xi16, #tpu.memory_space<vmem>>, vector<32xi16>,
        %parallel_loop3A_337 = tpu.unpack_subelements %parallel_loop3A_336, 0 {pack_format = #tpu.pack_format<interleaved>} : vector<32xi16> -> vector<16xi32>
        %parallel_loop3A_338 = tpu.unpack_subelements %parallel_loop3A_336, 1 {pack_format = #tpu.pack_format<interleaved>} : vector<32xi16> -> vector<16xi32>
        %parallel_loop3A_339 = arith.index_cast %parallel_loop3A_330 : i32 to index
        %parallel_loop3A_340 = tpu.vector_load %arg14[%parallel_loop3A_339] {strides = array<i32>} : memref<6400xbf16, #tpu.memory_space<vmem>>, vector<32xbf16>,
        %parallel_loop3A_341 = tpu.unpack_subelements %parallel_loop3A_340, 0 {pack_format = #tpu.pack_format<interleaved>} : vector<32xbf16> -> vector<16xf32>
        %parallel_loop3A_342 = tpu.unpack_subelements %parallel_loop3A_340, 1 {pack_format = #tpu.pack_format<interleaved>} : vector<32xbf16> -> vector<16xf32>
        %parallel_loop3A_343 = tpu.vector_load_idx %arg6[%parallel_loop3A_333] : memref<10240xf32, #tpu.memory_space<vmem>>[vector<16xi32>], vector<16xf32>,
        %parallel_loop3A_344 = arith.addf %parallel_loop3A_343, %parallel_loop3A_341 : vector<16xf32>
        %parallel_loop3A_345 = arith.constant 0.000000e+00 : f32
        %parallel_loop3A_346 = vector.broadcast %parallel_loop3A_345 : f32 to vector<16xf32>
        %parallel_loop3A_347 = arith.maximumf %parallel_loop3A_344, %parallel_loop3A_346 : vector<16xf32>
        tpu.vector_store_idx %arg7[%parallel_loop3A_337], %parallel_loop3A_347 {add = true} : memref<10240xf32, #tpu.memory_space<vmem>>[vector<16xi32>], vector<16xf32>,
        %parallel_loop3A_348 = tpu.vector_load_idx %arg6[%parallel_loop3A_334] : memref<10240xf32, #tpu.memory_space<vmem>>[vector<16xi32>], vector<16xf32>,
        %parallel_loop3A_349 = arith.addf %parallel_loop3A_348, %parallel_loop3A_342 : vector<16xf32>
        %parallel_loop3A_350 = arith.constant 0.000000e+00 : f32
        %parallel_loop3A_351 = vector.broadcast %parallel_loop3A_350 : f32 to vector<16xf32>
        %parallel_loop3A_352 = arith.maximumf %parallel_loop3A_349, %parallel_loop3A_351 : vector<16xf32>
        tpu.vector_store_idx %arg7[%parallel_loop3A_338], %parallel_loop3A_352 {add = true} : memref<10240xf32, #tpu.memory_space<vmem>>[vector<16xi32>], vector<16xf32>,
        %parallel_loop3A_353 = arith.constant 256 : i32
        %parallel_loop3A_354 = arith.muli %parallel_loop3A_196, %parallel_loop3A_353 : i32
        %parallel_loop3A_355 = arith.constant 96 : i32
        %parallel_loop3A_356 = arith.addi %parallel_loop3A_354, %parallel_loop3A_355 : i32
        %parallel_loop3A_357 = arith.index_cast %parallel_loop3A_356 : i32 to index
        %parallel_loop3A_358 = tpu.vector_load %arg12[%parallel_loop3A_357] {strides = array<i32>} : memref<6400xi16, #tpu.memory_space<vmem>>, vector<32xi16>,
        %parallel_loop3A_359 = tpu.unpack_subelements %parallel_loop3A_358, 0 {pack_format = #tpu.pack_format<interleaved>} : vector<32xi16> -> vector<16xi32>
        %parallel_loop3A_360 = tpu.unpack_subelements %parallel_loop3A_358, 1 {pack_format = #tpu.pack_format<interleaved>} : vector<32xi16> -> vector<16xi32>
        %parallel_loop3A_361 = arith.index_cast %parallel_loop3A_356 : i32 to index
        %parallel_loop3A_362 = tpu.vector_load %arg13[%parallel_loop3A_361] {strides = array<i32>} : memref<6400xi16, #tpu.memory_space<vmem>>, vector<32xi16>,
        %parallel_loop3A_363 = tpu.unpack_subelements %parallel_loop3A_362, 0 {pack_format = #tpu.pack_format<interleaved>} : vector<32xi16> -> vector<16xi32>
        %parallel_loop3A_364 = tpu.unpack_subelements %parallel_loop3A_362, 1 {pack_format = #tpu.pack_format<interleaved>} : vector<32xi16> -> vector<16xi32>
        %parallel_loop3A_365 = arith.index_cast %parallel_loop3A_356 : i32 to index
        %parallel_loop3A_366 = tpu.vector_load %arg14[%parallel_loop3A_365] {strides = array<i32>} : memref<6400xbf16, #tpu.memory_space<vmem>>, vector<32xbf16>,
        %parallel_loop3A_367 = tpu.unpack_subelements %parallel_loop3A_366, 0 {pack_format = #tpu.pack_format<interleaved>} : vector<32xbf16> -> vector<16xf32>
        %parallel_loop3A_368 = tpu.unpack_subelements %parallel_loop3A_366, 1 {pack_format = #tpu.pack_format<interleaved>} : vector<32xbf16> -> vector<16xf32>
        %parallel_loop3A_369 = tpu.vector_load_idx %arg6[%parallel_loop3A_359] : memref<10240xf32, #tpu.memory_space<vmem>>[vector<16xi32>], vector<16xf32>,
        %parallel_loop3A_370 = arith.addf %parallel_loop3A_369, %parallel_loop3A_367 : vector<16xf32>
        %parallel_loop3A_371 = arith.constant 0.000000e+00 : f32
        %parallel_loop3A_372 = vector.broadcast %parallel_loop3A_371 : f32 to vector<16xf32>
        %parallel_loop3A_373 = arith.maximumf %parallel_loop3A_370, %parallel_loop3A_372 : vector<16xf32>
        tpu.vector_store_idx %arg7[%parallel_loop3A_363], %parallel_loop3A_373 {add = true} : memref<10240xf32, #tpu.memory_space<vmem>>[vector<16xi32>], vector<16xf32>,
        %parallel_loop3A_374 = tpu.vector_load_idx %arg6[%parallel_loop3A_360] : memref<10240xf32, #tpu.memory_space<vmem>>[vector<16xi32>], vector<16xf32>,
        %parallel_loop3A_375 = arith.addf %parallel_loop3A_374, %parallel_loop3A_368 : vector<16xf32>
        %parallel_loop3A_376 = arith.constant 0.000000e+00 : f32
        %parallel_loop3A_377 = vector.broadcast %parallel_loop3A_376 : f32 to vector<16xf32>
        %parallel_loop3A_378 = arith.maximumf %parallel_loop3A_375, %parallel_loop3A_377 : vector<16xf32>
        tpu.vector_store_idx %arg7[%parallel_loop3A_364], %parallel_loop3A_378 {add = true} : memref<10240xf32, #tpu.memory_space<vmem>>[vector<16xi32>], vector<16xf32>,
        %parallel_loop3A_379 = arith.constant 256 : i32
        %parallel_loop3A_380 = arith.muli %parallel_loop3A_196, %parallel_loop3A_379 : i32
        %parallel_loop3A_381 = arith.constant 112 : i32
        %parallel_loop3A_382 = arith.addi %parallel_loop3A_380, %parallel_loop3A_381 : i32
        %parallel_loop3A_383 = arith.index_cast %parallel_loop3A_382 : i32 to index
        %parallel_loop3A_384 = tpu.vector_load %arg12[%parallel_loop3A_383] {strides = array<i32>} : memref<6400xi16, #tpu.memory_space<vmem>>, vector<32xi16>,
        %parallel_loop3A_385 = tpu.unpack_subelements %parallel_loop3A_384, 0 {pack_format = #tpu.pack_format<interleaved>} : vector<32xi16> -> vector<16xi32>
        %parallel_loop3A_386 = tpu.unpack_subelements %parallel_loop3A_384, 1 {pack_format = #tpu.pack_format<interleaved>} : vector<32xi16> -> vector<16xi32>
        %parallel_loop3A_387 = arith.index_cast %parallel_loop3A_382 : i32 to index
        %parallel_loop3A_388 = tpu.vector_load %arg13[%parallel_loop3A_387] {strides = array<i32>} : memref<6400xi16, #tpu.memory_space<vmem>>, vector<32xi16>,
        %parallel_loop3A_389 = tpu.unpack_subelements %parallel_loop3A_388, 0 {pack_format = #tpu.pack_format<interleaved>} : vector<32xi16> -> vector<16xi32>
        %parallel_loop3A_390 = tpu.unpack_subelements %parallel_loop3A_388, 1 {pack_format = #tpu.pack_format<interleaved>} : vector<32xi16> -> vector<16xi32>
        %parallel_loop3A_391 = arith.index_cast %parallel_loop3A_382 : i32 to index
        %parallel_loop3A_392 = tpu.vector_load %arg14[%parallel_loop3A_391] {strides = array<i32>} : memref<6400xbf16, #tpu.memory_space<vmem>>, vector<32xbf16>,
        %parallel_loop3A_393 = tpu.unpack_subelements %parallel_loop3A_392, 0 {pack_format = #tpu.pack_format<interleaved>} : vector<32xbf16> -> vector<16xf32>
        %parallel_loop3A_394 = tpu.unpack_subelements %parallel_loop3A_392, 1 {pack_format = #tpu.pack_format<interleaved>} : vector<32xbf16> -> vector<16xf32>
        %parallel_loop3A_395 = tpu.vector_load_idx %arg6[%parallel_loop3A_385] : memref<10240xf32, #tpu.memory_space<vmem>>[vector<16xi32>], vector<16xf32>,
        %parallel_loop3A_396 = arith.addf %parallel_loop3A_395, %parallel_loop3A_393 : vector<16xf32>
        %parallel_loop3A_397 = arith.constant 0.000000e+00 : f32
        %parallel_loop3A_398 = vector.broadcast %parallel_loop3A_397 : f32 to vector<16xf32>
        %parallel_loop3A_399 = arith.maximumf %parallel_loop3A_396, %parallel_loop3A_398 : vector<16xf32>
        tpu.vector_store_idx %arg7[%parallel_loop3A_389], %parallel_loop3A_399 {add = true} : memref<10240xf32, #tpu.memory_space<vmem>>[vector<16xi32>], vector<16xf32>,
        %parallel_loop3A_400 = tpu.vector_load_idx %arg6[%parallel_loop3A_386] : memref<10240xf32, #tpu.memory_space<vmem>>[vector<16xi32>], vector<16xf32>,
        %parallel_loop3A_401 = arith.addf %parallel_loop3A_400, %parallel_loop3A_394 : vector<16xf32>
        %parallel_loop3A_402 = arith.constant 0.000000e+00 : f32
        %parallel_loop3A_403 = vector.broadcast %parallel_loop3A_402 : f32 to vector<16xf32>
        %parallel_loop3A_404 = arith.maximumf %parallel_loop3A_401, %parallel_loop3A_403 : vector<16xf32>
        tpu.vector_store_idx %arg7[%parallel_loop3A_390], %parallel_loop3A_404 {add = true} : memref<10240xf32, #tpu.memory_space<vmem>>[vector<16xi32>], vector<16xf32>,
      } {sc.loop_unroll_factor = 1 : i64, sc.parallel_access}
      %jit3A_158 = arith.constant 16 : i32
      %eq3A_159 = arith.constant 0 : i32
      %eq3A_160 = arith.cmpi eq, %jit3A_158, %eq3A_159 : i32
      %jit3A_161 = arith.constant 1 : i32
      %select_n3A_162 = arith.select %eq3A_160, %jit3A_161, %jit3A_158 : i32
      %rem3A_163 = arith.remsi %add3A_142, %select_n3A_162 : i32
      %ne3A_164 = arith.constant 0 : i32
      %ne3A_165 = arith.cmpi ne, %rem3A_163, %ne3A_164 : i32
      %lt3A_166 = arith.constant 0 : i32
      %lt3A_167 = arith.cmpi slt, %rem3A_163, %lt3A_166 : i32
      %lt3A_168 = arith.constant 0 : i32
      %lt3A_169 = arith.cmpi slt, %select_n3A_162, %lt3A_168 : i32
      %ne3A_170 = arith.xori %lt3A_167, %lt3A_169 : i1
      %and3A_171 = arith.andi %ne3A_170, %ne3A_165 : i1
      %add3A_172 = arith.addi %rem3A_163, %select_n3A_162 : i32
      %select_n3A_173 = arith.select %and3A_171, %add3A_172, %rem3A_163 : i32
      %eq3A_174 = arith.cmpi eq, %arg1, %select_n3A_173 : i32
      %convert_element_type3A_175 = arith.extui %eq3A_174 : i1 to i32
      %cond3A_176 = arith.constant 0 : i32
      %cond3A_177 = arith.cmpi ne, %convert_element_type3A_175, %cond3A_176 : i32
      scf.if %cond3A_177 {
        %parallel_loop3A_196 = arith.constant 0 : i32
        %parallel_loop3A_197 = arith.constant 25 : i32
        %parallel_loop3A_198 = arith.constant 1 : i32
        scf.for %parallel_loop3A_199 = %parallel_loop3A_196 to %parallel_loop3A_197 step %parallel_loop3A_198  : i32 {
          %parallel_loop3A_200 = arith.constant 256 : i32
          %parallel_loop3A_201 = arith.muli %parallel_loop3A_199, %parallel_loop3A_200 : i32
          %parallel_loop3A_202 = arith.constant 0 : i32
          %parallel_loop3A_203 = arith.addi %parallel_loop3A_201, %parallel_loop3A_202 : i32
          %parallel_loop3A_204 = arith.index_cast %parallel_loop3A_203 : i32 to index
          %parallel_loop3A_205 = tpu.vector_load %arg13[%parallel_loop3A_204] {strides = array<i32>} : memref<6400xi16, #tpu.memory_space<vmem>>, vector<32xi16>,
          %parallel_loop3A_206 = tpu.unpack_subelements %parallel_loop3A_205, 0 {pack_format = #tpu.pack_format<interleaved>} : vector<32xi16> -> vector<16xi32>
          %parallel_loop3A_207 = tpu.unpack_subelements %parallel_loop3A_205, 1 {pack_format = #tpu.pack_format<interleaved>} : vector<32xi16> -> vector<16xi32>
          tpu.vector_store_idx %arg8[%parallel_loop3A_206], %broadcast_in_dim3A_2 {add = true} : memref<10240xf32, #tpu.memory_space<vmem>>[vector<16xi32>], vector<16xf32>,
          tpu.vector_store_idx %arg8[%parallel_loop3A_207], %broadcast_in_dim3A_2 {add = true} : memref<10240xf32, #tpu.memory_space<vmem>>[vector<16xi32>], vector<16xf32>,
          %parallel_loop3A_208 = arith.constant 256 : i32
          %parallel_loop3A_209 = arith.muli %parallel_loop3A_199, %parallel_loop3A_208 : i32
          %parallel_loop3A_210 = arith.constant 16 : i32
          %parallel_loop3A_211 = arith.addi %parallel_loop3A_209, %parallel_loop3A_210 : i32
          %parallel_loop3A_212 = arith.index_cast %parallel_loop3A_211 : i32 to index
          %parallel_loop3A_213 = tpu.vector_load %arg13[%parallel_loop3A_212] {strides = array<i32>} : memref<6400xi16, #tpu.memory_space<vmem>>, vector<32xi16>,
          %parallel_loop3A_214 = tpu.unpack_subelements %parallel_loop3A_213, 0 {pack_format = #tpu.pack_format<interleaved>} : vector<32xi16> -> vector<16xi32>
          %parallel_loop3A_215 = tpu.unpack_subelements %parallel_loop3A_213, 1 {pack_format = #tpu.pack_format<interleaved>} : vector<32xi16> -> vector<16xi32>
          tpu.vector_store_idx %arg8[%parallel_loop3A_214], %broadcast_in_dim3A_2 {add = true} : memref<10240xf32, #tpu.memory_space<vmem>>[vector<16xi32>], vector<16xf32>,
          tpu.vector_store_idx %arg8[%parallel_loop3A_215], %broadcast_in_dim3A_2 {add = true} : memref<10240xf32, #tpu.memory_space<vmem>>[vector<16xi32>], vector<16xf32>,
          %parallel_loop3A_216 = arith.constant 256 : i32
          %parallel_loop3A_217 = arith.muli %parallel_loop3A_199, %parallel_loop3A_216 : i32
          %parallel_loop3A_218 = arith.constant 32 : i32
          %parallel_loop3A_219 = arith.addi %parallel_loop3A_217, %parallel_loop3A_218 : i32
          %parallel_loop3A_220 = arith.index_cast %parallel_loop3A_219 : i32 to index
          %parallel_loop3A_221 = tpu.vector_load %arg13[%parallel_loop3A_220] {strides = array<i32>} : memref<6400xi16, #tpu.memory_space<vmem>>, vector<32xi16>,
          %parallel_loop3A_222 = tpu.unpack_subelements %parallel_loop3A_221, 0 {pack_format = #tpu.pack_format<interleaved>} : vector<32xi16> -> vector<16xi32>
          %parallel_loop3A_223 = tpu.unpack_subelements %parallel_loop3A_221, 1 {pack_format = #tpu.pack_format<interleaved>} : vector<32xi16> -> vector<16xi32>
          tpu.vector_store_idx %arg8[%parallel_loop3A_222], %broadcast_in_dim3A_2 {add = true} : memref<10240xf32, #tpu.memory_space<vmem>>[vector<16xi32>], vector<16xf32>,
          tpu.vector_store_idx %arg8[%parallel_loop3A_223], %broadcast_in_dim3A_2 {add = true} : memref<10240xf32, #tpu.memory_space<vmem>>[vector<16xi32>], vector<16xf32>,
          %parallel_loop3A_224 = arith.constant 256 : i32
          %parallel_loop3A_225 = arith.muli %parallel_loop3A_199, %parallel_loop3A_224 : i32
          %parallel_loop3A_226 = arith.constant 48 : i32
          %parallel_loop3A_227 = arith.addi %parallel_loop3A_225, %parallel_loop3A_226 : i32
          %parallel_loop3A_228 = arith.index_cast %parallel_loop3A_227 : i32 to index
          %parallel_loop3A_229 = tpu.vector_load %arg13[%parallel_loop3A_228] {strides = array<i32>} : memref<6400xi16, #tpu.memory_space<vmem>>, vector<32xi16>,
          %parallel_loop3A_230 = tpu.unpack_subelements %parallel_loop3A_229, 0 {pack_format = #tpu.pack_format<interleaved>} : vector<32xi16> -> vector<16xi32>
          %parallel_loop3A_231 = tpu.unpack_subelements %parallel_loop3A_229, 1 {pack_format = #tpu.pack_format<interleaved>} : vector<32xi16> -> vector<16xi32>
          tpu.vector_store_idx %arg8[%parallel_loop3A_230], %broadcast_in_dim3A_2 {add = true} : memref<10240xf32, #tpu.memory_space<vmem>>[vector<16xi32>], vector<16xf32>,
          tpu.vector_store_idx %arg8[%parallel_loop3A_231], %broadcast_in_dim3A_2 {add = true} : memref<10240xf32, #tpu.memory_space<vmem>>[vector<16xi32>], vector<16xf32>,
          %parallel_loop3A_232 = arith.constant 256 : i32
          %parallel_loop3A_233 = arith.muli %parallel_loop3A_199, %parallel_loop3A_232 : i32
          %parallel_loop3A_234 = arith.constant 64 : i32
          %parallel_loop3A_235 = arith.addi %parallel_loop3A_233, %parallel_loop3A_234 : i32
          %parallel_loop3A_236 = arith.index_cast %parallel_loop3A_235 : i32 to index
          %parallel_loop3A_237 = tpu.vector_load %arg13[%parallel_loop3A_236] {strides = array<i32>} : memref<6400xi16, #tpu.memory_space<vmem>>, vector<32xi16>,
          %parallel_loop3A_238 = tpu.unpack_subelements %parallel_loop3A_237, 0 {pack_format = #tpu.pack_format<interleaved>} : vector<32xi16> -> vector<16xi32>
          %parallel_loop3A_239 = tpu.unpack_subelements %parallel_loop3A_237, 1 {pack_format = #tpu.pack_format<interleaved>} : vector<32xi16> -> vector<16xi32>
          tpu.vector_store_idx %arg8[%parallel_loop3A_238], %broadcast_in_dim3A_2 {add = true} : memref<10240xf32, #tpu.memory_space<vmem>>[vector<16xi32>], vector<16xf32>,
          tpu.vector_store_idx %arg8[%parallel_loop3A_239], %broadcast_in_dim3A_2 {add = true} : memref<10240xf32, #tpu.memory_space<vmem>>[vector<16xi32>], vector<16xf32>,
          %parallel_loop3A_240 = arith.constant 256 : i32
          %parallel_loop3A_241 = arith.muli %parallel_loop3A_199, %parallel_loop3A_240 : i32
          %parallel_loop3A_242 = arith.constant 80 : i32
          %parallel_loop3A_243 = arith.addi %parallel_loop3A_241, %parallel_loop3A_242 : i32
          %parallel_loop3A_244 = arith.index_cast %parallel_loop3A_243 : i32 to index
          %parallel_loop3A_245 = tpu.vector_load %arg13[%parallel_loop3A_244] {strides = array<i32>} : memref<6400xi16, #tpu.memory_space<vmem>>, vector<32xi16>,
          %parallel_loop3A_246 = tpu.unpack_subelements %parallel_loop3A_245, 0 {pack_format = #tpu.pack_format<interleaved>} : vector<32xi16> -> vector<16xi32>
          %parallel_loop3A_247 = tpu.unpack_subelements %parallel_loop3A_245, 1 {pack_format = #tpu.pack_format<interleaved>} : vector<32xi16> -> vector<16xi32>
          tpu.vector_store_idx %arg8[%parallel_loop3A_246], %broadcast_in_dim3A_2 {add = true} : memref<10240xf32, #tpu.memory_space<vmem>>[vector<16xi32>], vector<16xf32>,
          tpu.vector_store_idx %arg8[%parallel_loop3A_247], %broadcast_in_dim3A_2 {add = true} : memref<10240xf32, #tpu.memory_space<vmem>>[vector<16xi32>], vector<16xf32>,
          %parallel_loop3A_248 = arith.constant 256 : i32
          %parallel_loop3A_249 = arith.muli %parallel_loop3A_199, %parallel_loop3A_248 : i32
          %parallel_loop3A_250 = arith.constant 96 : i32
          %parallel_loop3A_251 = arith.addi %parallel_loop3A_249, %parallel_loop3A_250 : i32
          %parallel_loop3A_252 = arith.index_cast %parallel_loop3A_251 : i32 to index
          %parallel_loop3A_253 = tpu.vector_load %arg13[%parallel_loop3A_252] {strides = array<i32>} : memref<6400xi16, #tpu.memory_space<vmem>>, vector<32xi16>,
          %parallel_loop3A_254 = tpu.unpack_subelements %parallel_loop3A_253, 0 {pack_format = #tpu.pack_format<interleaved>} : vector<32xi16> -> vector<16xi32>
          %parallel_loop3A_255 = tpu.unpack_subelements %parallel_loop3A_253, 1 {pack_format = #tpu.pack_format<interleaved>} : vector<32xi16> -> vector<16xi32>
          tpu.vector_store_idx %arg8[%parallel_loop3A_254], %broadcast_in_dim3A_2 {add = true} : memref<10240xf32, #tpu.memory_space<vmem>>[vector<16xi32>], vector<16xf32>,
          tpu.vector_store_idx %arg8[%parallel_loop3A_255], %broadcast_in_dim3A_2 {add = true} : memref<10240xf32, #tpu.memory_space<vmem>>[vector<16xi32>], vector<16xf32>,
          %parallel_loop3A_256 = arith.constant 256 : i32
          %parallel_loop3A_257 = arith.muli %parallel_loop3A_199, %parallel_loop3A_256 : i32
          %parallel_loop3A_258 = arith.constant 112 : i32
          %parallel_loop3A_259 = arith.addi %parallel_loop3A_257, %parallel_loop3A_258 : i32
          %parallel_loop3A_260 = arith.index_cast %parallel_loop3A_259 : i32 to index
          %parallel_loop3A_261 = tpu.vector_load %arg13[%parallel_loop3A_260] {strides = array<i32>} : memref<6400xi16, #tpu.memory_space<vmem>>, vector<32xi16>,
          %parallel_loop3A_262 = tpu.unpack_subelements %parallel_loop3A_261, 0 {pack_format = #tpu.pack_format<interleaved>} : vector<32xi16> -> vector<16xi32>
          %parallel_loop3A_263 = tpu.unpack_subelements %parallel_loop3A_261, 1 {pack_format = #tpu.pack_format<interleaved>} : vector<32xi16> -> vector<16xi32>
          tpu.vector_store_idx %arg8[%parallel_loop3A_262], %broadcast_in_dim3A_2 {add = true} : memref<10240xf32, #tpu.memory_space<vmem>>[vector<16xi32>], vector<16xf32>,
          tpu.vector_store_idx %arg8[%parallel_loop3A_263], %broadcast_in_dim3A_2 {add = true} : memref<10240xf32, #tpu.memory_space<vmem>>[vector<16xi32>], vector<16xf32>,
        } {sc.loop_unroll_factor = 1 : i64, sc.parallel_access}
      } else {
      }
      %add3A_178 = arith.constant 3 : i32
      %add3A_179 = arith.addi %mul3A_93, %add3A_178 : i32
      %min3A_180 = arith.constant 24 : i32
      %min3A_181 = arith.minsi %add3A_179, %min3A_180 : i32
      %mul3A_182 = arith.constant 6400 : i32
      %mul3A_183 = arith.muli %min3A_181, %mul3A_182 : i32
      %add3A_184 = arith.addi %mul3A_6, %mul3A_183 : i32
      %dma_start3A_185 = tpu.memref_slice %arg4[%add3A_184] : memref<640000xi16, #tpu.memory_space<hbm>> -> memref<6400xi16, #tpu.memory_space<hbm>>
      %dma_start3A_186 = tpu.memref_slice %arg4[%add3A_184] : memref<640000xi16, #tpu.memory_space<hbm>> -> memref<6400xi16, #tpu.memory_space<hbm>>
      tpu.enqueue_dma source(%dma_start3A_186 : memref<6400xi16, #tpu.memory_space<hbm>>) target(%arg12 : memref<6400xi16, #tpu.memory_space<vmem>>) target_semaphore(%arg17 : memref<!tpu.dma_semaphore, #tpu.memory_space<semaphore_mem>>)
      %add3A_187 = arith.constant 320000 : i32
      %add3A_188 = arith.addi %add3A_187, %add3A_184 : i32
      %dma_start3A_189 = tpu.memref_slice %arg4[%add3A_188] : memref<640000xi16, #tpu.memory_space<hbm>> -> memref<6400xi16, #tpu.memory_space<hbm>>
      %dma_start3A_190 = tpu.memref_slice %arg4[%add3A_188] : memref<640000xi16, #tpu.memory_space<hbm>> -> memref<6400xi16, #tpu.memory_space<hbm>>
      tpu.enqueue_dma source(%dma_start3A_190 : memref<6400xi16, #tpu.memory_space<hbm>>) target(%arg13 : memref<6400xi16, #tpu.memory_space<vmem>>) target_semaphore(%arg17 : memref<!tpu.dma_semaphore, #tpu.memory_space<semaphore_mem>>)
      %mul3A_191 = arith.constant 320000 : i32
      %mul3A_192 = arith.muli %arg1, %mul3A_191 : i32
      %add3A_193 = arith.addi %mul3A_192, %add3A_184 : i32
      %dma_start3A_194 = tpu.memref_slice %arg3[%add3A_193] : memref<5120000xbf16, #tpu.memory_space<hbm>> -> memref<6400xbf16, #tpu.memory_space<hbm>>
      %dma_start3A_195 = tpu.memref_slice %arg3[%add3A_193] : memref<5120000xbf16, #tpu.memory_space<hbm>> -> memref<6400xbf16, #tpu.memory_space<hbm>>
      tpu.enqueue_dma source(%dma_start3A_195 : memref<6400xbf16, #tpu.memory_space<hbm>>) target(%arg14 : memref<6400xbf16, #tpu.memory_space<vmem>>) target_semaphore(%arg17 : memref<!tpu.dma_semaphore, #tpu.memory_space<semaphore_mem>>)
    }
    %scan3A_45 = arith.constant 12 : i32
    %dma_wait3A_46 = arith.constant 0 : i32
    %dma_wait3A_47 = tpu.memref_slice %arg4[%dma_wait3A_46] : memref<640000xi16, #tpu.memory_space<hbm>> -> memref<6400xi16, #tpu.memory_space<hbm>>
    %dma_wait3A_48 = arith.constant 0 : i32
    %dma_wait3A_49 = tpu.memref_slice %arg4[%dma_wait3A_48] : memref<640000xi16, #tpu.memory_space<hbm>> -> memref<6400xi16, #tpu.memory_space<hbm>>
    tpu.wait_dma2 semaphore(%arg16 : memref<!tpu.dma_semaphore, #tpu.memory_space<semaphore_mem>>) src(%dma_wait3A_49 : memref<6400xi16, #tpu.memory_space<hbm>>) dst(%arg9 : memref<6400xi16, #tpu.memory_space<vmem>>)
    %dma_wait3A_50 = arith.constant 0 : i32
    %dma_wait3A_51 = tpu.memref_slice %arg4[%dma_wait3A_50] : memref<640000xi16, #tpu.memory_space<hbm>> -> memref<6400xi16, #tpu.memory_space<hbm>>
    %dma_wait3A_52 = arith.constant 0 : i32
    %dma_wait3A_53 = tpu.memref_slice %arg4[%dma_wait3A_52] : memref<640000xi16, #tpu.memory_space<hbm>> -> memref<6400xi16, #tpu.memory_space<hbm>>
    tpu.wait_dma2 semaphore(%arg16 : memref<!tpu.dma_semaphore, #tpu.memory_space<semaphore_mem>>) src(%dma_wait3A_53 : memref<6400xi16, #tpu.memory_space<hbm>>) dst(%arg10 : memref<6400xi16, #tpu.memory_space<vmem>>)
    %dma_wait3A_54 = arith.constant 0 : i32
    %dma_wait3A_55 = tpu.memref_slice %arg3[%dma_wait3A_54] : memref<5120000xbf16, #tpu.memory_space<hbm>> -> memref<6400xbf16, #tpu.memory_space<hbm>>
    %dma_wait3A_56 = arith.constant 0 : i32
    %dma_wait3A_57 = tpu.memref_slice %arg3[%dma_wait3A_56] : memref<5120000xbf16, #tpu.memory_space<hbm>> -> memref<6400xbf16, #tpu.memory_space<hbm>>
    tpu.wait_dma2 semaphore(%arg16 : memref<!tpu.dma_semaphore, #tpu.memory_space<semaphore_mem>>) src(%dma_wait3A_57 : memref<6400xbf16, #tpu.memory_space<hbm>>) dst(%arg11 : memref<6400xbf16, #tpu.memory_space<vmem>>)
    %parallel_loop3A_58 = arith.constant 0 : i32
    %parallel_loop3A_59 = arith.constant 25 : i32
    %parallel_loop3A_60 = arith.constant 1 : i32
    scf.for %parallel_loop3A_87 = %parallel_loop3A_58 to %parallel_loop3A_59 step %parallel_loop3A_60  : i32 {
      %parallel_loop3A_88 = arith.constant 256 : i32
      %parallel_loop3A_89 = arith.muli %parallel_loop3A_87, %parallel_loop3A_88 : i32
      %parallel_loop3A_90 = arith.constant 0 : i32
      %parallel_loop3A_91 = arith.addi %parallel_loop3A_89, %parallel_loop3A_90 : i32
      %parallel_loop3A_92 = arith.index_cast %parallel_loop3A_91 : i32 to index
      %parallel_loop3A_93 = tpu.vector_load %arg9[%parallel_loop3A_92] {strides = array<i32>} : memref<6400xi16, #tpu.memory_space<vmem>>, vector<32xi16>,
      %parallel_loop3A_94 = tpu.unpack_subelements %parallel_loop3A_93, 0 {pack_format = #tpu.pack_format<interleaved>} : vector<32xi16> -> vector<16xi32>
      %parallel_loop3A_95 = tpu.unpack_subelements %parallel_loop3A_93, 1 {pack_format = #tpu.pack_format<interleaved>} : vector<32xi16> -> vector<16xi32>
      %parallel_loop3A_96 = arith.index_cast %parallel_loop3A_91 : i32 to index
      %parallel_loop3A_97 = tpu.vector_load %arg10[%parallel_loop3A_96] {strides = array<i32>} : memref<6400xi16, #tpu.memory_space<vmem>>, vector<32xi16>,
      %parallel_loop3A_98 = tpu.unpack_subelements %parallel_loop3A_97, 0 {pack_format = #tpu.pack_format<interleaved>} : vector<32xi16> -> vector<16xi32>
      %parallel_loop3A_99 = tpu.unpack_subelements %parallel_loop3A_97, 1 {pack_format = #tpu.pack_format<interleaved>} : vector<32xi16> -> vector<16xi32>
      %parallel_loop3A_100 = arith.index_cast %parallel_loop3A_91 : i32 to index
      %parallel_loop3A_101 = tpu.vector_load %arg11[%parallel_loop3A_100] {strides = array<i32>} : memref<6400xbf16, #tpu.memory_space<vmem>>, vector<32xbf16>,
      %parallel_loop3A_102 = tpu.unpack_subelements %parallel_loop3A_101, 0 {pack_format = #tpu.pack_format<interleaved>} : vector<32xbf16> -> vector<16xf32>
      %parallel_loop3A_103 = tpu.unpack_subelements %parallel_loop3A_101, 1 {pack_format = #tpu.pack_format<interleaved>} : vector<32xbf16> -> vector<16xf32>
      %parallel_loop3A_104 = tpu.vector_load_idx %arg6[%parallel_loop3A_94] : memref<10240xf32, #tpu.memory_space<vmem>>[vector<16xi32>], vector<16xf32>,
      %parallel_loop3A_105 = arith.addf %parallel_loop3A_104, %parallel_loop3A_102 : vector<16xf32>
      %parallel_loop3A_106 = arith.constant 0.000000e+00 : f32
      %parallel_loop3A_107 = vector.broadcast %parallel_loop3A_106 : f32 to vector<16xf32>
      %parallel_loop3A_108 = arith.maximumf %parallel_loop3A_105, %parallel_loop3A_107 : vector<16xf32>
      tpu.vector_store_idx %arg7[%parallel_loop3A_98], %parallel_loop3A_108 {add = true} : memref<10240xf32, #tpu.memory_space<vmem>>[vector<16xi32>], vector<16xf32>,
      %parallel_loop3A_109 = tpu.vector_load_idx %arg6[%parallel_loop3A_95] : memref<10240xf32, #tpu.memory_space<vmem>>[vector<16xi32>], vector<16xf32>,
      %parallel_loop3A_110 = arith.addf %parallel_loop3A_109, %parallel_loop3A_103 : vector<16xf32>
      %parallel_loop3A_111 = arith.constant 0.000000e+00 : f32
      %parallel_loop3A_112 = vector.broadcast %parallel_loop3A_111 : f32 to vector<16xf32>
      %parallel_loop3A_113 = arith.maximumf %parallel_loop3A_110, %parallel_loop3A_112 : vector<16xf32>
      tpu.vector_store_idx %arg7[%parallel_loop3A_99], %parallel_loop3A_113 {add = true} : memref<10240xf32, #tpu.memory_space<vmem>>[vector<16xi32>], vector<16xf32>,
      %parallel_loop3A_114 = arith.constant 256 : i32
      %parallel_loop3A_115 = arith.muli %parallel_loop3A_87, %parallel_loop3A_114 : i32
      %parallel_loop3A_116 = arith.constant 16 : i32
      %parallel_loop3A_117 = arith.addi %parallel_loop3A_115, %parallel_loop3A_116 : i32
      %parallel_loop3A_118 = arith.index_cast %parallel_loop3A_117 : i32 to index
      %parallel_loop3A_119 = tpu.vector_load %arg9[%parallel_loop3A_118] {strides = array<i32>} : memref<6400xi16, #tpu.memory_space<vmem>>, vector<32xi16>,
      %parallel_loop3A_120 = tpu.unpack_subelements %parallel_loop3A_119, 0 {pack_format = #tpu.pack_format<interleaved>} : vector<32xi16> -> vector<16xi32>
      %parallel_loop3A_121 = tpu.unpack_subelements %parallel_loop3A_119, 1 {pack_format = #tpu.pack_format<interleaved>} : vector<32xi16> -> vector<16xi32>
      %parallel_loop3A_122 = arith.index_cast %parallel_loop3A_117 : i32 to index
      %parallel_loop3A_123 = tpu.vector_load %arg10[%parallel_loop3A_122] {strides = array<i32>} : memref<6400xi16, #tpu.memory_space<vmem>>, vector<32xi16>,
      %parallel_loop3A_124 = tpu.unpack_subelements %parallel_loop3A_123, 0 {pack_format = #tpu.pack_format<interleaved>} : vector<32xi16> -> vector<16xi32>
      %parallel_loop3A_125 = tpu.unpack_subelements %parallel_loop3A_123, 1 {pack_format = #tpu.pack_format<interleaved>} : vector<32xi16> -> vector<16xi32>
      %parallel_loop3A_126 = arith.index_cast %parallel_loop3A_117 : i32 to index
      %parallel_loop3A_127 = tpu.vector_load %arg11[%parallel_loop3A_126] {strides = array<i32>} : memref<6400xbf16, #tpu.memory_space<vmem>>, vector<32xbf16>,
      %parallel_loop3A_128 = tpu.unpack_subelements %parallel_loop3A_127, 0 {pack_format = #tpu.pack_format<interleaved>} : vector<32xbf16> -> vector<16xf32>
      %parallel_loop3A_129 = tpu.unpack_subelements %parallel_loop3A_127, 1 {pack_format = #tpu.pack_format<interleaved>} : vector<32xbf16> -> vector<16xf32>
      %parallel_loop3A_130 = tpu.vector_load_idx %arg6[%parallel_loop3A_120] : memref<10240xf32, #tpu.memory_space<vmem>>[vector<16xi32>], vector<16xf32>,
      %parallel_loop3A_131 = arith.addf %parallel_loop3A_130, %parallel_loop3A_128 : vector<16xf32>
      %parallel_loop3A_132 = arith.constant 0.000000e+00 : f32
      %parallel_loop3A_133 = vector.broadcast %parallel_loop3A_132 : f32 to vector<16xf32>
      %parallel_loop3A_134 = arith.maximumf %parallel_loop3A_131, %parallel_loop3A_133 : vector<16xf32>
      tpu.vector_store_idx %arg7[%parallel_loop3A_124], %parallel_loop3A_134 {add = true} : memref<10240xf32, #tpu.memory_space<vmem>>[vector<16xi32>], vector<16xf32>,
      %parallel_loop3A_135 = tpu.vector_load_idx %arg6[%parallel_loop3A_121] : memref<10240xf32, #tpu.memory_space<vmem>>[vector<16xi32>], vector<16xf32>,
      %parallel_loop3A_136 = arith.addf %parallel_loop3A_135, %parallel_loop3A_129 : vector<16xf32>
      %parallel_loop3A_137 = arith.constant 0.000000e+00 : f32
      %parallel_loop3A_138 = vector.broadcast %parallel_loop3A_137 : f32 to vector<16xf32>
      %parallel_loop3A_139 = arith.maximumf %parallel_loop3A_136, %parallel_loop3A_138 : vector<16xf32>
      tpu.vector_store_idx %arg7[%parallel_loop3A_125], %parallel_loop3A_139 {add = true} : memref<10240xf32, #tpu.memory_space<vmem>>[vector<16xi32>], vector<16xf32>,
      %parallel_loop3A_140 = arith.constant 256 : i32
      %parallel_loop3A_141 = arith.muli %parallel_loop3A_87, %parallel_loop3A_140 : i32
      %parallel_loop3A_142 = arith.constant 32 : i32
      %parallel_loop3A_143 = arith.addi %parallel_loop3A_141, %parallel_loop3A_142 : i32
      %parallel_loop3A_144 = arith.index_cast %parallel_loop3A_143 : i32 to index
      %parallel_loop3A_145 = tpu.vector_load %arg9[%parallel_loop3A_144] {strides = array<i32>} : memref<6400xi16, #tpu.memory_space<vmem>>, vector<32xi16>,
      %parallel_loop3A_146 = tpu.unpack_subelements %parallel_loop3A_145, 0 {pack_format = #tpu.pack_format<interleaved>} : vector<32xi16> -> vector<16xi32>
      %parallel_loop3A_147 = tpu.unpack_subelements %parallel_loop3A_145, 1 {pack_format = #tpu.pack_format<interleaved>} : vector<32xi16> -> vector<16xi32>
      %parallel_loop3A_148 = arith.index_cast %parallel_loop3A_143 : i32 to index
      %parallel_loop3A_149 = tpu.vector_load %arg10[%parallel_loop3A_148] {strides = array<i32>} : memref<6400xi16, #tpu.memory_space<vmem>>, vector<32xi16>,
      %parallel_loop3A_150 = tpu.unpack_subelements %parallel_loop3A_149, 0 {pack_format = #tpu.pack_format<interleaved>} : vector<32xi16> -> vector<16xi32>
      %parallel_loop3A_151 = tpu.unpack_subelements %parallel_loop3A_149, 1 {pack_format = #tpu.pack_format<interleaved>} : vector<32xi16> -> vector<16xi32>
      %parallel_loop3A_152 = arith.index_cast %parallel_loop3A_143 : i32 to index
      %parallel_loop3A_153 = tpu.vector_load %arg11[%parallel_loop3A_152] {strides = array<i32>} : memref<6400xbf16, #tpu.memory_space<vmem>>, vector<32xbf16>,
      %parallel_loop3A_154 = tpu.unpack_subelements %parallel_loop3A_153, 0 {pack_format = #tpu.pack_format<interleaved>} : vector<32xbf16> -> vector<16xf32>
      %parallel_loop3A_155 = tpu.unpack_subelements %parallel_loop3A_153, 1 {pack_format = #tpu.pack_format<interleaved>} : vector<32xbf16> -> vector<16xf32>
      %parallel_loop3A_156 = tpu.vector_load_idx %arg6[%parallel_loop3A_146] : memref<10240xf32, #tpu.memory_space<vmem>>[vector<16xi32>], vector<16xf32>,
      %parallel_loop3A_157 = arith.addf %parallel_loop3A_156, %parallel_loop3A_154 : vector<16xf32>
      %parallel_loop3A_158 = arith.constant 0.000000e+00 : f32
      %parallel_loop3A_159 = vector.broadcast %parallel_loop3A_158 : f32 to vector<16xf32>
      %parallel_loop3A_160 = arith.maximumf %parallel_loop3A_157, %parallel_loop3A_159 : vector<16xf32>
      tpu.vector_store_idx %arg7[%parallel_loop3A_150], %parallel_loop3A_160 {add = true} : memref<10240xf32, #tpu.memory_space<vmem>>[vector<16xi32>], vector<16xf32>,
      %parallel_loop3A_161 = tpu.vector_load_idx %arg6[%parallel_loop3A_147] : memref<10240xf32, #tpu.memory_space<vmem>>[vector<16xi32>], vector<16xf32>,
      %parallel_loop3A_162 = arith.addf %parallel_loop3A_161, %parallel_loop3A_155 : vector<16xf32>
      %parallel_loop3A_163 = arith.constant 0.000000e+00 : f32
      %parallel_loop3A_164 = vector.broadcast %parallel_loop3A_163 : f32 to vector<16xf32>
      %parallel_loop3A_165 = arith.maximumf %parallel_loop3A_162, %parallel_loop3A_164 : vector<16xf32>
      tpu.vector_store_idx %arg7[%parallel_loop3A_151], %parallel_loop3A_165 {add = true} : memref<10240xf32, #tpu.memory_space<vmem>>[vector<16xi32>], vector<16xf32>,
      %parallel_loop3A_166 = arith.constant 256 : i32
      %parallel_loop3A_167 = arith.muli %parallel_loop3A_87, %parallel_loop3A_166 : i32
      %parallel_loop3A_168 = arith.constant 48 : i32
      %parallel_loop3A_169 = arith.addi %parallel_loop3A_167, %parallel_loop3A_168 : i32
      %parallel_loop3A_170 = arith.index_cast %parallel_loop3A_169 : i32 to index
      %parallel_loop3A_171 = tpu.vector_load %arg9[%parallel_loop3A_170] {strides = array<i32>} : memref<6400xi16, #tpu.memory_space<vmem>>, vector<32xi16>,
      %parallel_loop3A_172 = tpu.unpack_subelements %parallel_loop3A_171, 0 {pack_format = #tpu.pack_format<interleaved>} : vector<32xi16> -> vector<16xi32>
      %parallel_loop3A_173 = tpu.unpack_subelements %parallel_loop3A_171, 1 {pack_format = #tpu.pack_format<interleaved>} : vector<32xi16> -> vector<16xi32>
      %parallel_loop3A_174 = arith.index_cast %parallel_loop3A_169 : i32 to index
      %parallel_loop3A_175 = tpu.vector_load %arg10[%parallel_loop3A_174] {strides = array<i32>} : memref<6400xi16, #tpu.memory_space<vmem>>, vector<32xi16>,
      %parallel_loop3A_176 = tpu.unpack_subelements %parallel_loop3A_175, 0 {pack_format = #tpu.pack_format<interleaved>} : vector<32xi16> -> vector<16xi32>
      %parallel_loop3A_177 = tpu.unpack_subelements %parallel_loop3A_175, 1 {pack_format = #tpu.pack_format<interleaved>} : vector<32xi16> -> vector<16xi32>
      %parallel_loop3A_178 = arith.index_cast %parallel_loop3A_169 : i32 to index
      %parallel_loop3A_179 = tpu.vector_load %arg11[%parallel_loop3A_178] {strides = array<i32>} : memref<6400xbf16, #tpu.memory_space<vmem>>, vector<32xbf16>,
      %parallel_loop3A_180 = tpu.unpack_subelements %parallel_loop3A_179, 0 {pack_format = #tpu.pack_format<interleaved>} : vector<32xbf16> -> vector<16xf32>
      %parallel_loop3A_181 = tpu.unpack_subelements %parallel_loop3A_179, 1 {pack_format = #tpu.pack_format<interleaved>} : vector<32xbf16> -> vector<16xf32>
      %parallel_loop3A_182 = tpu.vector_load_idx %arg6[%parallel_loop3A_172] : memref<10240xf32, #tpu.memory_space<vmem>>[vector<16xi32>], vector<16xf32>,
      %parallel_loop3A_183 = arith.addf %parallel_loop3A_182, %parallel_loop3A_180 : vector<16xf32>
      %parallel_loop3A_184 = arith.constant 0.000000e+00 : f32
      %parallel_loop3A_185 = vector.broadcast %parallel_loop3A_184 : f32 to vector<16xf32>
      %parallel_loop3A_186 = arith.maximumf %parallel_loop3A_183, %parallel_loop3A_185 : vector<16xf32>
      tpu.vector_store_idx %arg7[%parallel_loop3A_176], %parallel_loop3A_186 {add = true} : memref<10240xf32, #tpu.memory_space<vmem>>[vector<16xi32>], vector<16xf32>,
      %parallel_loop3A_187 = tpu.vector_load_idx %arg6[%parallel_loop3A_173] : memref<10240xf32, #tpu.memory_space<vmem>>[vector<16xi32>], vector<16xf32>,
      %parallel_loop3A_188 = arith.addf %parallel_loop3A_187, %parallel_loop3A_181 : vector<16xf32>
      %parallel_loop3A_189 = arith.constant 0.000000e+00 : f32
      %parallel_loop3A_190 = vector.broadcast %parallel_loop3A_189 : f32 to vector<16xf32>
      %parallel_loop3A_191 = arith.maximumf %parallel_loop3A_188, %parallel_loop3A_190 : vector<16xf32>
      tpu.vector_store_idx %arg7[%parallel_loop3A_177], %parallel_loop3A_191 {add = true} : memref<10240xf32, #tpu.memory_space<vmem>>[vector<16xi32>], vector<16xf32>,
      %parallel_loop3A_192 = arith.constant 256 : i32
      %parallel_loop3A_193 = arith.muli %parallel_loop3A_87, %parallel_loop3A_192 : i32
      %parallel_loop3A_194 = arith.constant 64 : i32
      %parallel_loop3A_195 = arith.addi %parallel_loop3A_193, %parallel_loop3A_194 : i32
      %parallel_loop3A_196 = arith.index_cast %parallel_loop3A_195 : i32 to index
      %parallel_loop3A_197 = tpu.vector_load %arg9[%parallel_loop3A_196] {strides = array<i32>} : memref<6400xi16, #tpu.memory_space<vmem>>, vector<32xi16>,
      %parallel_loop3A_198 = tpu.unpack_subelements %parallel_loop3A_197, 0 {pack_format = #tpu.pack_format<interleaved>} : vector<32xi16> -> vector<16xi32>
      %parallel_loop3A_199 = tpu.unpack_subelements %parallel_loop3A_197, 1 {pack_format = #tpu.pack_format<interleaved>} : vector<32xi16> -> vector<16xi32>
      %parallel_loop3A_200 = arith.index_cast %parallel_loop3A_195 : i32 to index
      %parallel_loop3A_201 = tpu.vector_load %arg10[%parallel_loop3A_200] {strides = array<i32>} : memref<6400xi16, #tpu.memory_space<vmem>>, vector<32xi16>,
      %parallel_loop3A_202 = tpu.unpack_subelements %parallel_loop3A_201, 0 {pack_format = #tpu.pack_format<interleaved>} : vector<32xi16> -> vector<16xi32>
      %parallel_loop3A_203 = tpu.unpack_subelements %parallel_loop3A_201, 1 {pack_format = #tpu.pack_format<interleaved>} : vector<32xi16> -> vector<16xi32>
      %parallel_loop3A_204 = arith.index_cast %parallel_loop3A_195 : i32 to index
      %parallel_loop3A_205 = tpu.vector_load %arg11[%parallel_loop3A_204] {strides = array<i32>} : memref<6400xbf16, #tpu.memory_space<vmem>>, vector<32xbf16>,
      %parallel_loop3A_206 = tpu.unpack_subelements %parallel_loop3A_205, 0 {pack_format = #tpu.pack_format<interleaved>} : vector<32xbf16> -> vector<16xf32>
      %parallel_loop3A_207 = tpu.unpack_subelements %parallel_loop3A_205, 1 {pack_format = #tpu.pack_format<interleaved>} : vector<32xbf16> -> vector<16xf32>
      %parallel_loop3A_208 = tpu.vector_load_idx %arg6[%parallel_loop3A_198] : memref<10240xf32, #tpu.memory_space<vmem>>[vector<16xi32>], vector<16xf32>,
      %parallel_loop3A_209 = arith.addf %parallel_loop3A_208, %parallel_loop3A_206 : vector<16xf32>
      %parallel_loop3A_210 = arith.constant 0.000000e+00 : f32
      %parallel_loop3A_211 = vector.broadcast %parallel_loop3A_210 : f32 to vector<16xf32>
      %parallel_loop3A_212 = arith.maximumf %parallel_loop3A_209, %parallel_loop3A_211 : vector<16xf32>
      tpu.vector_store_idx %arg7[%parallel_loop3A_202], %parallel_loop3A_212 {add = true} : memref<10240xf32, #tpu.memory_space<vmem>>[vector<16xi32>], vector<16xf32>,
      %parallel_loop3A_213 = tpu.vector_load_idx %arg6[%parallel_loop3A_199] : memref<10240xf32, #tpu.memory_space<vmem>>[vector<16xi32>], vector<16xf32>,
      %parallel_loop3A_214 = arith.addf %parallel_loop3A_213, %parallel_loop3A_207 : vector<16xf32>
      %parallel_loop3A_215 = arith.constant 0.000000e+00 : f32
      %parallel_loop3A_216 = vector.broadcast %parallel_loop3A_215 : f32 to vector<16xf32>
      %parallel_loop3A_217 = arith.maximumf %parallel_loop3A_214, %parallel_loop3A_216 : vector<16xf32>
      tpu.vector_store_idx %arg7[%parallel_loop3A_203], %parallel_loop3A_217 {add = true} : memref<10240xf32, #tpu.memory_space<vmem>>[vector<16xi32>], vector<16xf32>,
      %parallel_loop3A_218 = arith.constant 256 : i32
      %parallel_loop3A_219 = arith.muli %parallel_loop3A_87, %parallel_loop3A_218 : i32
      %parallel_loop3A_220 = arith.constant 80 : i32
      %parallel_loop3A_221 = arith.addi %parallel_loop3A_219, %parallel_loop3A_220 : i32
      %parallel_loop3A_222 = arith.index_cast %parallel_loop3A_221 : i32 to index
      %parallel_loop3A_223 = tpu.vector_load %arg9[%parallel_loop3A_222] {strides = array<i32>} : memref<6400xi16, #tpu.memory_space<vmem>>, vector<32xi16>,
      %parallel_loop3A_224 = tpu.unpack_subelements %parallel_loop3A_223, 0 {pack_format = #tpu.pack_format<interleaved>} : vector<32xi16> -> vector<16xi32>
      %parallel_loop3A_225 = tpu.unpack_subelements %parallel_loop3A_223, 1 {pack_format = #tpu.pack_format<interleaved>} : vector<32xi16> -> vector<16xi32>
      %parallel_loop3A_226 = arith.index_cast %parallel_loop3A_221 : i32 to index
      %parallel_loop3A_227 = tpu.vector_load %arg10[%parallel_loop3A_226] {strides = array<i32>} : memref<6400xi16, #tpu.memory_space<vmem>>, vector<32xi16>,
      %parallel_loop3A_228 = tpu.unpack_subelements %parallel_loop3A_227, 0 {pack_format = #tpu.pack_format<interleaved>} : vector<32xi16> -> vector<16xi32>
      %parallel_loop3A_229 = tpu.unpack_subelements %parallel_loop3A_227, 1 {pack_format = #tpu.pack_format<interleaved>} : vector<32xi16> -> vector<16xi32>
      %parallel_loop3A_230 = arith.index_cast %parallel_loop3A_221 : i32 to index
      %parallel_loop3A_231 = tpu.vector_load %arg11[%parallel_loop3A_230] {strides = array<i32>} : memref<6400xbf16, #tpu.memory_space<vmem>>, vector<32xbf16>,
      %parallel_loop3A_232 = tpu.unpack_subelements %parallel_loop3A_231, 0 {pack_format = #tpu.pack_format<interleaved>} : vector<32xbf16> -> vector<16xf32>
      %parallel_loop3A_233 = tpu.unpack_subelements %parallel_loop3A_231, 1 {pack_format = #tpu.pack_format<interleaved>} : vector<32xbf16> -> vector<16xf32>
      %parallel_loop3A_234 = tpu.vector_load_idx %arg6[%parallel_loop3A_224] : memref<10240xf32, #tpu.memory_space<vmem>>[vector<16xi32>], vector<16xf32>,
      %parallel_loop3A_235 = arith.addf %parallel_loop3A_234, %parallel_loop3A_232 : vector<16xf32>
      %parallel_loop3A_236 = arith.constant 0.000000e+00 : f32
      %parallel_loop3A_237 = vector.broadcast %parallel_loop3A_236 : f32 to vector<16xf32>
      %parallel_loop3A_238 = arith.maximumf %parallel_loop3A_235, %parallel_loop3A_237 : vector<16xf32>
      tpu.vector_store_idx %arg7[%parallel_loop3A_228], %parallel_loop3A_238 {add = true} : memref<10240xf32, #tpu.memory_space<vmem>>[vector<16xi32>], vector<16xf32>,
      %parallel_loop3A_239 = tpu.vector_load_idx %arg6[%parallel_loop3A_225] : memref<10240xf32, #tpu.memory_space<vmem>>[vector<16xi32>], vector<16xf32>,
      %parallel_loop3A_240 = arith.addf %parallel_loop3A_239, %parallel_loop3A_233 : vector<16xf32>
      %parallel_loop3A_241 = arith.constant 0.000000e+00 : f32
      %parallel_loop3A_242 = vector.broadcast %parallel_loop3A_241 : f32 to vector<16xf32>
      %parallel_loop3A_243 = arith.maximumf %parallel_loop3A_240, %parallel_loop3A_242 : vector<16xf32>
      tpu.vector_store_idx %arg7[%parallel_loop3A_229], %parallel_loop3A_243 {add = true} : memref<10240xf32, #tpu.memory_space<vmem>>[vector<16xi32>], vector<16xf32>,
      %parallel_loop3A_244 = arith.constant 256 : i32
      %parallel_loop3A_245 = arith.muli %parallel_loop3A_87, %parallel_loop3A_244 : i32
      %parallel_loop3A_246 = arith.constant 96 : i32
      %parallel_loop3A_247 = arith.addi %parallel_loop3A_245, %parallel_loop3A_246 : i32
      %parallel_loop3A_248 = arith.index_cast %parallel_loop3A_247 : i32 to index
      %parallel_loop3A_249 = tpu.vector_load %arg9[%parallel_loop3A_248] {strides = array<i32>} : memref<6400xi16, #tpu.memory_space<vmem>>, vector<32xi16>,
      %parallel_loop3A_250 = tpu.unpack_subelements %parallel_loop3A_249, 0 {pack_format = #tpu.pack_format<interleaved>} : vector<32xi16> -> vector<16xi32>
      %parallel_loop3A_251 = tpu.unpack_subelements %parallel_loop3A_249, 1 {pack_format = #tpu.pack_format<interleaved>} : vector<32xi16> -> vector<16xi32>
      %parallel_loop3A_252 = arith.index_cast %parallel_loop3A_247 : i32 to index
      %parallel_loop3A_253 = tpu.vector_load %arg10[%parallel_loop3A_252] {strides = array<i32>} : memref<6400xi16, #tpu.memory_space<vmem>>, vector<32xi16>,
      %parallel_loop3A_254 = tpu.unpack_subelements %parallel_loop3A_253, 0 {pack_format = #tpu.pack_format<interleaved>} : vector<32xi16> -> vector<16xi32>
      %parallel_loop3A_255 = tpu.unpack_subelements %parallel_loop3A_253, 1 {pack_format = #tpu.pack_format<interleaved>} : vector<32xi16> -> vector<16xi32>
      %parallel_loop3A_256 = arith.index_cast %parallel_loop3A_247 : i32 to index
      %parallel_loop3A_257 = tpu.vector_load %arg11[%parallel_loop3A_256] {strides = array<i32>} : memref<6400xbf16, #tpu.memory_space<vmem>>, vector<32xbf16>,
      %parallel_loop3A_258 = tpu.unpack_subelements %parallel_loop3A_257, 0 {pack_format = #tpu.pack_format<interleaved>} : vector<32xbf16> -> vector<16xf32>
      %parallel_loop3A_259 = tpu.unpack_subelements %parallel_loop3A_257, 1 {pack_format = #tpu.pack_format<interleaved>} : vector<32xbf16> -> vector<16xf32>
      %parallel_loop3A_260 = tpu.vector_load_idx %arg6[%parallel_loop3A_250] : memref<10240xf32, #tpu.memory_space<vmem>>[vector<16xi32>], vector<16xf32>,
      %parallel_loop3A_261 = arith.addf %parallel_loop3A_260, %parallel_loop3A_258 : vector<16xf32>
      %parallel_loop3A_262 = arith.constant 0.000000e+00 : f32
      %parallel_loop3A_263 = vector.broadcast %parallel_loop3A_262 : f32 to vector<16xf32>
      %parallel_loop3A_264 = arith.maximumf %parallel_loop3A_261, %parallel_loop3A_263 : vector<16xf32>
      tpu.vector_store_idx %arg7[%parallel_loop3A_254], %parallel_loop3A_264 {add = true} : memref<10240xf32, #tpu.memory_space<vmem>>[vector<16xi32>], vector<16xf32>,
      %parallel_loop3A_265 = tpu.vector_load_idx %arg6[%parallel_loop3A_251] : memref<10240xf32, #tpu.memory_space<vmem>>[vector<16xi32>], vector<16xf32>,
      %parallel_loop3A_266 = arith.addf %parallel_loop3A_265, %parallel_loop3A_259 : vector<16xf32>
      %parallel_loop3A_267 = arith.constant 0.000000e+00 : f32
      %parallel_loop3A_268 = vector.broadcast %parallel_loop3A_267 : f32 to vector<16xf32>
      %parallel_loop3A_269 = arith.maximumf %parallel_loop3A_266, %parallel_loop3A_268 : vector<16xf32>
      tpu.vector_store_idx %arg7[%parallel_loop3A_255], %parallel_loop3A_269 {add = true} : memref<10240xf32, #tpu.memory_space<vmem>>[vector<16xi32>], vector<16xf32>,
      %parallel_loop3A_270 = arith.constant 256 : i32
      %parallel_loop3A_271 = arith.muli %parallel_loop3A_87, %parallel_loop3A_270 : i32
      %parallel_loop3A_272 = arith.constant 112 : i32
      %parallel_loop3A_273 = arith.addi %parallel_loop3A_271, %parallel_loop3A_272 : i32
      %parallel_loop3A_274 = arith.index_cast %parallel_loop3A_273 : i32 to index
      %parallel_loop3A_275 = tpu.vector_load %arg9[%parallel_loop3A_274] {strides = array<i32>} : memref<6400xi16, #tpu.memory_space<vmem>>, vector<32xi16>,
      %parallel_loop3A_276 = tpu.unpack_subelements %parallel_loop3A_275, 0 {pack_format = #tpu.pack_format<interleaved>} : vector<32xi16> -> vector<16xi32>
      %parallel_loop3A_277 = tpu.unpack_subelements %parallel_loop3A_275, 1 {pack_format = #tpu.pack_format<interleaved>} : vector<32xi16> -> vector<16xi32>
      %parallel_loop3A_278 = arith.index_cast %parallel_loop3A_273 : i32 to index
      %parallel_loop3A_279 = tpu.vector_load %arg10[%parallel_loop3A_278] {strides = array<i32>} : memref<6400xi16, #tpu.memory_space<vmem>>, vector<32xi16>,
      %parallel_loop3A_280 = tpu.unpack_subelements %parallel_loop3A_279, 0 {pack_format = #tpu.pack_format<interleaved>} : vector<32xi16> -> vector<16xi32>
      %parallel_loop3A_281 = tpu.unpack_subelements %parallel_loop3A_279, 1 {pack_format = #tpu.pack_format<interleaved>} : vector<32xi16> -> vector<16xi32>
      %parallel_loop3A_282 = arith.index_cast %parallel_loop3A_273 : i32 to index
      %parallel_loop3A_283 = tpu.vector_load %arg11[%parallel_loop3A_282] {strides = array<i32>} : memref<6400xbf16, #tpu.memory_space<vmem>>, vector<32xbf16>,
      %parallel_loop3A_284 = tpu.unpack_subelements %parallel_loop3A_283, 0 {pack_format = #tpu.pack_format<interleaved>} : vector<32xbf16> -> vector<16xf32>
      %parallel_loop3A_285 = tpu.unpack_subelements %parallel_loop3A_283, 1 {pack_format = #tpu.pack_format<interleaved>} : vector<32xbf16> -> vector<16xf32>
      %parallel_loop3A_286 = tpu.vector_load_idx %arg6[%parallel_loop3A_276] : memref<10240xf32, #tpu.memory_space<vmem>>[vector<16xi32>], vector<16xf32>,
      %parallel_loop3A_287 = arith.addf %parallel_loop3A_286, %parallel_loop3A_284 : vector<16xf32>
      %parallel_loop3A_288 = arith.constant 0.000000e+00 : f32
      %parallel_loop3A_289 = vector.broadcast %parallel_loop3A_288 : f32 to vector<16xf32>
      %parallel_loop3A_290 = arith.maximumf %parallel_loop3A_287, %parallel_loop3A_289 : vector<16xf32>
      tpu.vector_store_idx %arg7[%parallel_loop3A_280], %parallel_loop3A_290 {add = true} : memref<10240xf32, #tpu.memory_space<vmem>>[vector<16xi32>], vector<16xf32>,
      %parallel_loop3A_291 = tpu.vector_load_idx %arg6[%parallel_loop3A_277] : memref<10240xf32, #tpu.memory_space<vmem>>[vector<16xi32>], vector<16xf32>,
      %parallel_loop3A_292 = arith.addf %parallel_loop3A_291, %parallel_loop3A_285 : vector<16xf32>
      %parallel_loop3A_293 = arith.constant 0.000000e+00 : f32
      %parallel_loop3A_294 = vector.broadcast %parallel_loop3A_293 : f32 to vector<16xf32>
      %parallel_loop3A_295 = arith.maximumf %parallel_loop3A_292, %parallel_loop3A_294 : vector<16xf32>
      tpu.vector_store_idx %arg7[%parallel_loop3A_281], %parallel_loop3A_295 {add = true} : memref<10240xf32, #tpu.memory_space<vmem>>[vector<16xi32>], vector<16xf32>,
    } {sc.loop_unroll_factor = 1 : i64, sc.parallel_access}
    %eq3A = arith.constant 8 : i32
    %eq3A_61 = arith.cmpi eq, %arg1, %eq3A : i32
    %convert_element_type3A = arith.extui %eq3A_61 : i1 to i32
    %cond3A = arith.constant 0 : i32
    %cond3A_62 = arith.cmpi ne, %convert_element_type3A, %cond3A : i32
    scf.if %cond3A_62 {
      %parallel_loop3A_87 = arith.constant 0 : i32
      %parallel_loop3A_88 = arith.constant 25 : i32
      %parallel_loop3A_89 = arith.constant 1 : i32
      scf.for %parallel_loop3A_90 = %parallel_loop3A_87 to %parallel_loop3A_88 step %parallel_loop3A_89  : i32 {
        %parallel_loop3A_91 = arith.constant 256 : i32
        %parallel_loop3A_92 = arith.muli %parallel_loop3A_90, %parallel_loop3A_91 : i32
        %parallel_loop3A_93 = arith.constant 0 : i32
        %parallel_loop3A_94 = arith.addi %parallel_loop3A_92, %parallel_loop3A_93 : i32
        %parallel_loop3A_95 = arith.index_cast %parallel_loop3A_94 : i32 to index
        %parallel_loop3A_96 = tpu.vector_load %arg10[%parallel_loop3A_95] {strides = array<i32>} : memref<6400xi16, #tpu.memory_space<vmem>>, vector<32xi16>,
        %parallel_loop3A_97 = tpu.unpack_subelements %parallel_loop3A_96, 0 {pack_format = #tpu.pack_format<interleaved>} : vector<32xi16> -> vector<16xi32>
        %parallel_loop3A_98 = tpu.unpack_subelements %parallel_loop3A_96, 1 {pack_format = #tpu.pack_format<interleaved>} : vector<32xi16> -> vector<16xi32>
        tpu.vector_store_idx %arg8[%parallel_loop3A_97], %broadcast_in_dim3A_2 {add = true} : memref<10240xf32, #tpu.memory_space<vmem>>[vector<16xi32>], vector<16xf32>,
        tpu.vector_store_idx %arg8[%parallel_loop3A_98], %broadcast_in_dim3A_2 {add = true} : memref<10240xf32, #tpu.memory_space<vmem>>[vector<16xi32>], vector<16xf32>,
        %parallel_loop3A_99 = arith.constant 256 : i32
        %parallel_loop3A_100 = arith.muli %parallel_loop3A_90, %parallel_loop3A_99 : i32
        %parallel_loop3A_101 = arith.constant 16 : i32
        %parallel_loop3A_102 = arith.addi %parallel_loop3A_100, %parallel_loop3A_101 : i32
        %parallel_loop3A_103 = arith.index_cast %parallel_loop3A_102 : i32 to index
        %parallel_loop3A_104 = tpu.vector_load %arg10[%parallel_loop3A_103] {strides = array<i32>} : memref<6400xi16, #tpu.memory_space<vmem>>, vector<32xi16>,
        %parallel_loop3A_105 = tpu.unpack_subelements %parallel_loop3A_104, 0 {pack_format = #tpu.pack_format<interleaved>} : vector<32xi16> -> vector<16xi32>
        %parallel_loop3A_106 = tpu.unpack_subelements %parallel_loop3A_104, 1 {pack_format = #tpu.pack_format<interleaved>} : vector<32xi16> -> vector<16xi32>
        tpu.vector_store_idx %arg8[%parallel_loop3A_105], %broadcast_in_dim3A_2 {add = true} : memref<10240xf32, #tpu.memory_space<vmem>>[vector<16xi32>], vector<16xf32>,
        tpu.vector_store_idx %arg8[%parallel_loop3A_106], %broadcast_in_dim3A_2 {add = true} : memref<10240xf32, #tpu.memory_space<vmem>>[vector<16xi32>], vector<16xf32>,
        %parallel_loop3A_107 = arith.constant 256 : i32
        %parallel_loop3A_108 = arith.muli %parallel_loop3A_90, %parallel_loop3A_107 : i32
        %parallel_loop3A_109 = arith.constant 32 : i32
        %parallel_loop3A_110 = arith.addi %parallel_loop3A_108, %parallel_loop3A_109 : i32
        %parallel_loop3A_111 = arith.index_cast %parallel_loop3A_110 : i32 to index
        %parallel_loop3A_112 = tpu.vector_load %arg10[%parallel_loop3A_111] {strides = array<i32>} : memref<6400xi16, #tpu.memory_space<vmem>>, vector<32xi16>,
        %parallel_loop3A_113 = tpu.unpack_subelements %parallel_loop3A_112, 0 {pack_format = #tpu.pack_format<interleaved>} : vector<32xi16> -> vector<16xi32>
        %parallel_loop3A_114 = tpu.unpack_subelements %parallel_loop3A_112, 1 {pack_format = #tpu.pack_format<interleaved>} : vector<32xi16> -> vector<16xi32>
        tpu.vector_store_idx %arg8[%parallel_loop3A_113], %broadcast_in_dim3A_2 {add = true} : memref<10240xf32, #tpu.memory_space<vmem>>[vector<16xi32>], vector<16xf32>,
        tpu.vector_store_idx %arg8[%parallel_loop3A_114], %broadcast_in_dim3A_2 {add = true} : memref<10240xf32, #tpu.memory_space<vmem>>[vector<16xi32>], vector<16xf32>,
        %parallel_loop3A_115 = arith.constant 256 : i32
        %parallel_loop3A_116 = arith.muli %parallel_loop3A_90, %parallel_loop3A_115 : i32
        %parallel_loop3A_117 = arith.constant 48 : i32
        %parallel_loop3A_118 = arith.addi %parallel_loop3A_116, %parallel_loop3A_117 : i32
        %parallel_loop3A_119 = arith.index_cast %parallel_loop3A_118 : i32 to index
        %parallel_loop3A_120 = tpu.vector_load %arg10[%parallel_loop3A_119] {strides = array<i32>} : memref<6400xi16, #tpu.memory_space<vmem>>, vector<32xi16>,
        %parallel_loop3A_121 = tpu.unpack_subelements %parallel_loop3A_120, 0 {pack_format = #tpu.pack_format<interleaved>} : vector<32xi16> -> vector<16xi32>
        %parallel_loop3A_122 = tpu.unpack_subelements %parallel_loop3A_120, 1 {pack_format = #tpu.pack_format<interleaved>} : vector<32xi16> -> vector<16xi32>
        tpu.vector_store_idx %arg8[%parallel_loop3A_121], %broadcast_in_dim3A_2 {add = true} : memref<10240xf32, #tpu.memory_space<vmem>>[vector<16xi32>], vector<16xf32>,
        tpu.vector_store_idx %arg8[%parallel_loop3A_122], %broadcast_in_dim3A_2 {add = true} : memref<10240xf32, #tpu.memory_space<vmem>>[vector<16xi32>], vector<16xf32>,
        %parallel_loop3A_123 = arith.constant 256 : i32
        %parallel_loop3A_124 = arith.muli %parallel_loop3A_90, %parallel_loop3A_123 : i32
        %parallel_loop3A_125 = arith.constant 64 : i32
        %parallel_loop3A_126 = arith.addi %parallel_loop3A_124, %parallel_loop3A_125 : i32
        %parallel_loop3A_127 = arith.index_cast %parallel_loop3A_126 : i32 to index
        %parallel_loop3A_128 = tpu.vector_load %arg10[%parallel_loop3A_127] {strides = array<i32>} : memref<6400xi16, #tpu.memory_space<vmem>>, vector<32xi16>,
        %parallel_loop3A_129 = tpu.unpack_subelements %parallel_loop3A_128, 0 {pack_format = #tpu.pack_format<interleaved>} : vector<32xi16> -> vector<16xi32>
        %parallel_loop3A_130 = tpu.unpack_subelements %parallel_loop3A_128, 1 {pack_format = #tpu.pack_format<interleaved>} : vector<32xi16> -> vector<16xi32>
        tpu.vector_store_idx %arg8[%parallel_loop3A_129], %broadcast_in_dim3A_2 {add = true} : memref<10240xf32, #tpu.memory_space<vmem>>[vector<16xi32>], vector<16xf32>,
        tpu.vector_store_idx %arg8[%parallel_loop3A_130], %broadcast_in_dim3A_2 {add = true} : memref<10240xf32, #tpu.memory_space<vmem>>[vector<16xi32>], vector<16xf32>,
        %parallel_loop3A_131 = arith.constant 256 : i32
        %parallel_loop3A_132 = arith.muli %parallel_loop3A_90, %parallel_loop3A_131 : i32
        %parallel_loop3A_133 = arith.constant 80 : i32
        %parallel_loop3A_134 = arith.addi %parallel_loop3A_132, %parallel_loop3A_133 : i32
        %parallel_loop3A_135 = arith.index_cast %parallel_loop3A_134 : i32 to index
        %parallel_loop3A_136 = tpu.vector_load %arg10[%parallel_loop3A_135] {strides = array<i32>} : memref<6400xi16, #tpu.memory_space<vmem>>, vector<32xi16>,
        %parallel_loop3A_137 = tpu.unpack_subelements %parallel_loop3A_136, 0 {pack_format = #tpu.pack_format<interleaved>} : vector<32xi16> -> vector<16xi32>
        %parallel_loop3A_138 = tpu.unpack_subelements %parallel_loop3A_136, 1 {pack_format = #tpu.pack_format<interleaved>} : vector<32xi16> -> vector<16xi32>
        tpu.vector_store_idx %arg8[%parallel_loop3A_137], %broadcast_in_dim3A_2 {add = true} : memref<10240xf32, #tpu.memory_space<vmem>>[vector<16xi32>], vector<16xf32>,
        tpu.vector_store_idx %arg8[%parallel_loop3A_138], %broadcast_in_dim3A_2 {add = true} : memref<10240xf32, #tpu.memory_space<vmem>>[vector<16xi32>], vector<16xf32>,
        %parallel_loop3A_139 = arith.constant 256 : i32
        %parallel_loop3A_140 = arith.muli %parallel_loop3A_90, %parallel_loop3A_139 : i32
        %parallel_loop3A_141 = arith.constant 96 : i32
        %parallel_loop3A_142 = arith.addi %parallel_loop3A_140, %parallel_loop3A_141 : i32
        %parallel_loop3A_143 = arith.index_cast %parallel_loop3A_142 : i32 to index
        %parallel_loop3A_144 = tpu.vector_load %arg10[%parallel_loop3A_143] {strides = array<i32>} : memref<6400xi16, #tpu.memory_space<vmem>>, vector<32xi16>,
        %parallel_loop3A_145 = tpu.unpack_subelements %parallel_loop3A_144, 0 {pack_format = #tpu.pack_format<interleaved>} : vector<32xi16> -> vector<16xi32>
        %parallel_loop3A_146 = tpu.unpack_subelements %parallel_loop3A_144, 1 {pack_format = #tpu.pack_format<interleaved>} : vector<32xi16> -> vector<16xi32>
        tpu.vector_store_idx %arg8[%parallel_loop3A_145], %broadcast_in_dim3A_2 {add = true} : memref<10240xf32, #tpu.memory_space<vmem>>[vector<16xi32>], vector<16xf32>,
        tpu.vector_store_idx %arg8[%parallel_loop3A_146], %broadcast_in_dim3A_2 {add = true} : memref<10240xf32, #tpu.memory_space<vmem>>[vector<16xi32>], vector<16xf32>,
        %parallel_loop3A_147 = arith.constant 256 : i32
        %parallel_loop3A_148 = arith.muli %parallel_loop3A_90, %parallel_loop3A_147 : i32
        %parallel_loop3A_149 = arith.constant 112 : i32
        %parallel_loop3A_150 = arith.addi %parallel_loop3A_148, %parallel_loop3A_149 : i32
        %parallel_loop3A_151 = arith.index_cast %parallel_loop3A_150 : i32 to index
        %parallel_loop3A_152 = tpu.vector_load %arg10[%parallel_loop3A_151] {strides = array<i32>} : memref<6400xi16, #tpu.memory_space<vmem>>, vector<32xi16>,
        %parallel_loop3A_153 = tpu.unpack_subelements %parallel_loop3A_152, 0 {pack_format = #tpu.pack_format<interleaved>} : vector<32xi16> -> vector<16xi32>
        %parallel_loop3A_154 = tpu.unpack_subelements %parallel_loop3A_152, 1 {pack_format = #tpu.pack_format<interleaved>} : vector<32xi16> -> vector<16xi32>
        tpu.vector_store_idx %arg8[%parallel_loop3A_153], %broadcast_in_dim3A_2 {add = true} : memref<10240xf32, #tpu.memory_space<vmem>>[vector<16xi32>], vector<16xf32>,
        tpu.vector_store_idx %arg8[%parallel_loop3A_154], %broadcast_in_dim3A_2 {add = true} : memref<10240xf32, #tpu.memory_space<vmem>>[vector<16xi32>], vector<16xf32>,
      } {sc.loop_unroll_factor = 1 : i64, sc.parallel_access}
    } else {
    }
    %dma_wait3A_63 = arith.constant 0 : i32
    %dma_wait3A_64 = tpu.memref_slice %arg4[%dma_wait3A_63] : memref<640000xi16, #tpu.memory_space<hbm>> -> memref<6400xi16, #tpu.memory_space<hbm>>
    %dma_wait3A_65 = arith.constant 0 : i32
    %dma_wait3A_66 = tpu.memref_slice %arg4[%dma_wait3A_65] : memref<640000xi16, #tpu.memory_space<hbm>> -> memref<6400xi16, #tpu.memory_space<hbm>>
    tpu.wait_dma2 semaphore(%arg17 : memref<!tpu.dma_semaphore, #tpu.memory_space<semaphore_mem>>) src(%dma_wait3A_66 : memref<6400xi16, #tpu.memory_space<hbm>>) dst(%arg12 : memref<6400xi16, #tpu.memory_space<vmem>>)
    %dma_wait3A_67 = arith.constant 0 : i32
    %dma_wait3A_68 = tpu.memref_slice %arg4[%dma_wait3A_67] : memref<640000xi16, #tpu.memory_space<hbm>> -> memref<6400xi16, #tpu.memory_space<hbm>>
    %dma_wait3A_69 = arith.constant 0 : i32
    %dma_wait3A_70 = tpu.memref_slice %arg4[%dma_wait3A_69] : memref<640000xi16, #tpu.memory_space<hbm>> -> memref<6400xi16, #tpu.memory_space<hbm>>
    tpu.wait_dma2 semaphore(%arg17 : memref<!tpu.dma_semaphore, #tpu.memory_space<semaphore_mem>>) src(%dma_wait3A_70 : memref<6400xi16, #tpu.memory_space<hbm>>) dst(%arg13 : memref<6400xi16, #tpu.memory_space<vmem>>)
    %dma_wait3A_71 = arith.constant 0 : i32
    %dma_wait3A_72 = tpu.memref_slice %arg3[%dma_wait3A_71] : memref<5120000xbf16, #tpu.memory_space<hbm>> -> memref<6400xbf16, #tpu.memory_space<hbm>>
    %dma_wait3A_73 = arith.constant 0 : i32
    %dma_wait3A_74 = tpu.memref_slice %arg3[%dma_wait3A_73] : memref<5120000xbf16, #tpu.memory_space<hbm>> -> memref<6400xbf16, #tpu.memory_space<hbm>>
    tpu.wait_dma2 semaphore(%arg17 : memref<!tpu.dma_semaphore, #tpu.memory_space<semaphore_mem>>) src(%dma_wait3A_74 : memref<6400xbf16, #tpu.memory_space<hbm>>) dst(%arg14 : memref<6400xbf16, #tpu.memory_space<vmem>>)
    %mul3A_75 = arith.constant 32 : i32
    %mul3A_76 = arith.muli %arg0, %mul3A_75 : i32
    %add3A_77 = arith.addi %mul3A_76, %arg1 : i32
    %mul3A_78 = arith.constant 10240 : i32
    %mul3A_79 = arith.muli %add3A_77, %mul3A_78 : i32
    "tpu.region"() ({
      %run_scoped3A = tpu.sem_alloc : memref<!tpu.dma_semaphore, #tpu.memory_space<semaphore_mem>>
      %dma_start3A_87 = tpu.memref_slice %arg5[%mul3A_79] : memref<655360xf32, #tpu.memory_space<hbm>> -> memref<10240xf32, #tpu.memory_space<hbm>>
      %dma_start3A_88 = tpu.memref_slice %arg5[%mul3A_79] : memref<655360xf32, #tpu.memory_space<hbm>> -> memref<10240xf32, #tpu.memory_space<hbm>>
      tpu.enqueue_dma source(%arg7 : memref<10240xf32, #tpu.memory_space<vmem>>) target(%dma_start3A_88 : memref<10240xf32, #tpu.memory_space<hbm>>) target_semaphore(%run_scoped3A : memref<!tpu.dma_semaphore, #tpu.memory_space<semaphore_mem>>)
      %dma_wait3A_89 = tpu.memref_slice %arg5[%mul3A_79] : memref<655360xf32, #tpu.memory_space<hbm>> -> memref<10240xf32, #tpu.memory_space<hbm>>
      %dma_wait3A_90 = tpu.memref_slice %arg5[%mul3A_79] : memref<655360xf32, #tpu.memory_space<hbm>> -> memref<10240xf32, #tpu.memory_space<hbm>>
      tpu.wait_dma2 semaphore(%run_scoped3A : memref<!tpu.dma_semaphore, #tpu.memory_space<semaphore_mem>>) src(%arg7 : memref<10240xf32, #tpu.memory_space<vmem>>) dst(%dma_wait3A_90 : memref<10240xf32, #tpu.memory_space<hbm>>)
      tpu.yield
    }) : () -> ()
    %mul3A_80 = arith.constant 32 : i32
    %mul3A_81 = arith.muli %arg0, %mul3A_80 : i32
    %add3A_82 = arith.constant 16 : i32
    %add3A_83 = arith.addi %mul3A_81, %add3A_82 : i32
    %add3A_84 = arith.addi %add3A_83, %arg1 : i32
    %mul3A_85 = arith.constant 10240 : i32
    %mul3A_86 = arith.muli %add3A_84, %mul3A_85 : i32
    "tpu.region"() ({
      %run_scoped3A = tpu.sem_alloc : memref<!tpu.dma_semaphore, #tpu.memory_space<semaphore_mem>>
      %dma_start3A_87 = tpu.memref_slice %arg5[%mul3A_86] : memref<655360xf32, #tpu.memory_space<hbm>> -> memref<10240xf32, #tpu.memory_space<hbm>>
      %dma_start3A_88 = tpu.memref_slice %arg5[%mul3A_86] : memref<655360xf32, #tpu.memory_space<hbm>> -> memref<10240xf32, #tpu.memory_space<hbm>>
      tpu.enqueue_dma source(%arg8 : memref<10240xf32, #tpu.memory_space<vmem>>) target(%dma_start3A_88 : memref<10240xf32, #tpu.memory_space<hbm>>) target_semaphore(%run_scoped3A : memref<!tpu.dma_semaphore, #tpu.memory_space<semaphore_mem>>)
      %dma_wait3A_89 = tpu.memref_slice %arg5[%mul3A_86] : memref<655360xf32, #tpu.memory_space<hbm>> -> memref<10240xf32, #tpu.memory_space<hbm>>
      %dma_wait3A_90 = tpu.memref_slice %arg5[%mul3A_86] : memref<655360xf32, #tpu.memory_space<hbm>> -> memref<10240xf32, #tpu.memory_space<hbm>>
      tpu.wait_dma2 semaphore(%run_scoped3A : memref<!tpu.dma_semaphore, #tpu.memory_space<semaphore_mem>>) src(%arg8 : memref<10240xf32, #tpu.memory_space<vmem>>) dst(%dma_wait3A_90 : memref<10240xf32, #tpu.memory_space<hbm>>)
      tpu.yield
    }) : () -> ()
    return
  }
}

module attributes {stable_mosaic.version = 14 : i64} {
  func.func @_pre_body(%arg0: i32, %arg1: memref<5120x128xf32, #tpu.memory_space<vmem>>, %arg2: memref<4x160000xf32, #tpu.memory_space<vmem>>, %arg3: memref<128x16xf32, #tpu.memory_space<vmem>>, %arg4: memref<16x1xf32, #tpu.memory_space<vmem>>, %arg5: memref<4x16xf32, #tpu.memory_space<vmem>>, %arg6: memref<16x5120xf32, #tpu.memory_space<vmem>>, %arg7: memref<16x160000xbf16, #tpu.memory_space<vmem>>) attributes {dimension_semantics = [#tpu.dimension_semantics<arbitrary>], iteration_bounds = array<i64: 2>, scalar_prefetch = 0 : i64, scratch_operands = 0 : i64, tpu.core_type = #tpu.core_type<tc>, window_params = [{transform_indices = @transform_0, window_bounds = array<i64: 5120, 128>}, {transform_indices = @transform_1, window_bounds = array<i64: 4, 160000>}, {pipeline_mode = #tpu.pipeline_mode<synchronous>, transform_indices = @transform_2, window_bounds = array<i64: 128, 16>}, {pipeline_mode = #tpu.pipeline_mode<synchronous>, transform_indices = @transform_3, window_bounds = array<i64: 16, 1>}, {pipeline_mode = #tpu.pipeline_mode<synchronous>, transform_indices = @transform_4, window_bounds = array<i64: 4, 16>}, {transform_indices = @transform_5, window_bounds = array<i64: 16, 5120>}, {transform_indices = @transform_6, window_bounds = array<i64: 16, 160000>}]} {
    %get3A = arith.constant 0 : index
    %get3A_0 = arith.constant 0 : index
    %get3A_1 = vector.load %arg3[%get3A, %get3A_0] : memref<128x16xf32, #tpu.memory_space<vmem>>, vector<128x16xf32>
    %get3A_2 = arith.constant 0 : index
    %get3A_3 = arith.constant 0 : index
    %get3A_4 = vector.load %arg1[%get3A_2, %get3A_3] : memref<5120x128xf32, #tpu.memory_space<vmem>>, vector<5120x128xf32>
    %dot_general3A = arith.constant dense<0.000000e+00> : vector<16x5120xf32>
    %dot_general3A_5 = tpu.matmul %get3A_1, %get3A_4, %dot_general3A {dimension_numbers = #tpu.dot_dimension_numbers<[0], [1], [1], [0], [0, 1, 1, 0], [], []>, transpose_lhs_hint = false} : vector<128x16xf32>, vector<5120x128xf32>, vector<16x5120xf32> -> vector<16x5120xf32>
    %get3A_6 = arith.constant 0 : index
    %get3A_7 = arith.constant 0 : index
    %get3A_8 = vector.load %arg4[%get3A_6, %get3A_7] : memref<16x1xf32, #tpu.memory_space<vmem>>, vector<16x1xf32>
    %add3A = vector.broadcast %get3A_8 : vector<16x1xf32> to vector<16x5120xf32>
    %add3A_9 = arith.addf %dot_general3A_5, %add3A : vector<16x5120xf32>
    %swap3A = arith.constant 0 : index
    %swap3A_10 = arith.constant 0 : index
    %swap3A_11 = vector.load %arg6[%swap3A, %swap3A_10] : memref<16x5120xf32, #tpu.memory_space<vmem>>, vector<16x5120xf32>
    tpu.vector_store %arg6[%swap3A, %swap3A_10], %add3A_9 {strides = array<i32>} : memref<16x5120xf32, #tpu.memory_space<vmem>>, vector<16x5120xf32>,
    %get3A_12 = arith.constant 0 : index
    %get3A_13 = arith.constant 0 : index
    %get3A_14 = vector.load %arg5[%get3A_12, %get3A_13] : memref<4x16xf32, #tpu.memory_space<vmem>>, vector<4x16xf32>
    %get3A_15 = arith.constant 0 : index
    %get3A_16 = arith.constant 0 : index
    %get3A_17 = vector.load %arg2[%get3A_15, %get3A_16] : memref<4x160000xf32, #tpu.memory_space<vmem>>, vector<4x160000xf32>
    %dot_general3A_18 = arith.constant dense<0.000000e+00> : vector<16x160000xf32>
    %dot_general3A_19 = tpu.matmul %get3A_14, %get3A_17, %dot_general3A_18 {dimension_numbers = #tpu.dot_dimension_numbers<[0], [0], [1], [1], [0, 1, 1, 1], [], []>, transpose_lhs_hint = false} : vector<4x16xf32>, vector<4x160000xf32>, vector<16x160000xf32> -> vector<16x160000xf32>
    %convert_element_type3A = arith.truncf %dot_general3A_19 : vector<16x160000xf32> to vector<16x160000xbf16>
    %swap3A_20 = arith.constant 0 : index
    %swap3A_21 = arith.constant 0 : index
    %swap3A_22 = vector.load %arg7[%swap3A_20, %swap3A_21] : memref<16x160000xbf16, #tpu.memory_space<vmem>>, vector<16x160000xbf16>
    tpu.vector_store %arg7[%swap3A_20, %swap3A_21], %convert_element_type3A {strides = array<i32>} : memref<16x160000xbf16, #tpu.memory_space<vmem>>, vector<16x160000xbf16>,
    return
  }
  func.func @transform_0(%arg0: i32) -> (i32, i32) {
    %c0_i32 = arith.constant 0 : i32
    %c0_i32_0 = arith.constant 0 : i32
    return %arg0, %c0_i32 : i32, i32
  }
  func.func @transform_1(%arg0: i32) -> (i32, i32) {
    %c0_i32 = arith.constant 0 : i32
    %c0_i32_0 = arith.constant 0 : i32
    return %c0_i32, %arg0 : i32, i32
  }
  func.func @transform_2(%arg0: i32) -> (i32, i32) {
    %c0_i32 = arith.constant 0 : i32
    %c0_i32_0 = arith.constant 0 : i32
    %c0_i32_1 = arith.constant 0 : i32
    return %c0_i32, %c0_i32_0 : i32, i32
  }
  func.func @transform_3(%arg0: i32) -> (i32, i32) {
    %c0_i32 = arith.constant 0 : i32
    %c0_i32_0 = arith.constant 0 : i32
    %c0_i32_1 = arith.constant 0 : i32
    return %c0_i32, %c0_i32_0 : i32, i32
  }
  func.func @transform_4(%arg0: i32) -> (i32, i32) {
    %c0_i32 = arith.constant 0 : i32
    %c0_i32_0 = arith.constant 0 : i32
    %c0_i32_1 = arith.constant 0 : i32
    return %c0_i32, %c0_i32_0 : i32, i32
  }
  func.func @transform_5(%arg0: i32) -> (i32, i32) {
    %c0_i32 = arith.constant 0 : i32
    %c0_i32_0 = arith.constant 0 : i32
    return %c0_i32, %arg0 : i32, i32
  }
  func.func @transform_6(%arg0: i32) -> (i32, i32) {
    %c0_i32 = arith.constant 0 : i32
    %c0_i32_0 = arith.constant 0 : i32
    return %c0_i32, %arg0 : i32, i32
  }
}

module attributes {stable_mosaic.version = 14 : i64} {
  func.func @_post_body(%arg0: i32, %arg1: memref<2x32x5120xf32, #tpu.memory_space<vmem>>, %arg2: memref<5120x128xf32, #tpu.memory_space<vmem>>, %arg3: memref<5120x1xi32, #tpu.memory_space<vmem>>, %arg4: memref<128x512xf32, #tpu.memory_space<vmem>>, %arg5: memref<64x16xf32, #tpu.memory_space<vmem>>, %arg6: memref<16x512xf32, #tpu.memory_space<vmem>>, %arg7: memref<1x512xf32, #tpu.memory_space<vmem>>, %arg8: memref<16x4xf32, #tpu.memory_space<vmem>>, %arg9: memref<1x4xf32, #tpu.memory_space<vmem>>, %arg10: memref<4x512xf32, #tpu.memory_space<vmem>>, %arg11: memref<512x128xf32, #tpu.memory_space<vmem>>, %arg12: memref<1x128xf32, #tpu.memory_space<vmem>>, %arg13: memref<1x128xf32, #tpu.memory_space<vmem>>, %arg14: memref<1x128xf32, #tpu.memory_space<vmem>>, %arg15: memref<5120x128xf32, #tpu.memory_space<vmem>>) attributes {dimension_semantics = [#tpu.dimension_semantics<arbitrary>], iteration_bounds = array<i64: 2>, scalar_prefetch = 0 : i64, scratch_operands = 0 : i64, tpu.core_type = #tpu.core_type<tc>, window_params = [{transform_indices = @transform_0, window_bounds = array<i64: 2, 32, 5120>}, {transform_indices = @transform_1, window_bounds = array<i64: 5120, 128>}, {transform_indices = @transform_2, window_bounds = array<i64: 5120, 1>}, {pipeline_mode = #tpu.pipeline_mode<synchronous>, transform_indices = @transform_3, window_bounds = array<i64: 128, 512>}, {pipeline_mode = #tpu.pipeline_mode<synchronous>, transform_indices = @transform_4, window_bounds = array<i64: 64, 16>}, {pipeline_mode = #tpu.pipeline_mode<synchronous>, transform_indices = @transform_5, window_bounds = array<i64: 16, 512>}, {pipeline_mode = #tpu.pipeline_mode<synchronous>, transform_indices = @transform_6, window_bounds = array<i64: 1, 512>}, {pipeline_mode = #tpu.pipeline_mode<synchronous>, transform_indices = @transform_7, window_bounds = array<i64: 16, 4>}, {pipeline_mode = #tpu.pipeline_mode<synchronous>, transform_indices = @transform_8, window_bounds = array<i64: 1, 4>}, {pipeline_mode = #tpu.pipeline_mode<synchronous>, transform_indices = @transform_9, window_bounds = array<i64: 4, 512>}, {pipeline_mode = #tpu.pipeline_mode<synchronous>, transform_indices = @transform_10, window_bounds = array<i64: 512, 128>}, {pipeline_mode = #tpu.pipeline_mode<synchronous>, transform_indices = @transform_11, window_bounds = array<i64: 1, 128>}, {pipeline_mode = #tpu.pipeline_mode<synchronous>, transform_indices = @transform_12, window_bounds = array<i64: 1, 128>}, {pipeline_mode = #tpu.pipeline_mode<synchronous>, transform_indices = @transform_13, window_bounds = array<i64: 1, 128>}, {transform_indices = @transform_14, window_bounds = array<i64: 5120, 128>}]} {
    %get3A = arith.constant 0 : index
    %get3A_0 = arith.constant 0 : index
    %get3A_1 = arith.constant 0 : index
    %get3A_2 = vector.load %arg1[%get3A, %get3A_0, %get3A_1] : memref<2x32x5120xf32, #tpu.memory_space<vmem>>, vector<1x32x5120xf32>
    %get3A_3 = vector.shape_cast %get3A_2 : vector<1x32x5120xf32> to vector<32x5120xf32>
    %get3A_4 = arith.constant 1 : index
    %get3A_5 = arith.constant 0 : index
    %get3A_6 = arith.constant 0 : index
    %get3A_7 = vector.load %arg1[%get3A_4, %get3A_5, %get3A_6] : memref<2x32x5120xf32, #tpu.memory_space<vmem>>, vector<1x32x5120xf32>
    %get3A_8 = vector.shape_cast %get3A_7 : vector<1x32x5120xf32> to vector<32x5120xf32>
    %add3A = arith.addf %get3A_3, %get3A_8 : vector<32x5120xf32>
    %slice3A = vector.extract_strided_slice %add3A {offsets = [0, 0], sizes = [16, 5120], strides = [1, 1]} : vector<32x5120xf32> to vector<16x5120xf32>
    %slice3A_9 = vector.extract_strided_slice %add3A {offsets = [16, 0], sizes = [16, 5120], strides = [1, 1]} : vector<32x5120xf32> to vector<16x5120xf32>
    %reduce_sum3A = arith.constant dense<0.000000e+00> : vector<5120xf32>
    %reduce_sum3A_10 = vector.multi_reduction <add>, %slice3A_9, %reduce_sum3A [0] : vector<16x5120xf32> to vector<5120xf32>
    %broadcast_in_dim3A = vector.shape_cast %reduce_sum3A_10 : vector<5120xf32> to vector<1x5120xf32>
    %max3A = arith.constant 1.000000e+00 : f32
    %max3A_11 = vector.broadcast %max3A : f32 to vector<1x5120xf32>
    %max3A_12 = arith.maximumf %broadcast_in_dim3A, %max3A_11 : vector<1x5120xf32>
    %div3A = arith.constant 1.000000e+00 : f32
    %div3A_13 = vector.broadcast %div3A : f32 to vector<1x5120xf32>
    %div3A_14 = arith.divf %div3A_13, %max3A_12 : vector<1x5120xf32>
    %get3A_15 = arith.constant 0 : index
    %get3A_16 = arith.constant 0 : index
    %get3A_17 = vector.load %arg8[%get3A_15, %get3A_16] : memref<16x4xf32, #tpu.memory_space<vmem>>, vector<16x4xf32>
    %get3A_18 = arith.constant 0 : index
    %get3A_19 = arith.constant 0 : index
    %get3A_20 = vector.load %arg10[%get3A_18, %get3A_19] : memref<4x512xf32, #tpu.memory_space<vmem>>, vector<4x512xf32>
    %dot_general3A = arith.constant dense<0.000000e+00> : vector<16x512xf32>
    %dot_general3A_21 = tpu.matmul %get3A_17, %get3A_20, %dot_general3A {dimension_numbers = #tpu.dot_dimension_numbers<[1], [0], [0], [1], [0, 0, 1, 1], [], []>, transpose_lhs_hint = false} : vector<16x4xf32>, vector<4x512xf32>, vector<16x512xf32> -> vector<16x512xf32>
    %get3A_22 = arith.constant 0 : index
    %get3A_23 = arith.constant 0 : index
    %get3A_24 = vector.load %arg9[%get3A_22, %get3A_23] : memref<1x4xf32, #tpu.memory_space<vmem>>, vector<1x4xf32>
    %get3A_25 = arith.constant 0 : index
    %get3A_26 = arith.constant 0 : index
    %get3A_27 = vector.load %arg10[%get3A_25, %get3A_26] : memref<4x512xf32, #tpu.memory_space<vmem>>, vector<4x512xf32>
    %dot_general3A_28 = arith.constant dense<0.000000e+00> : vector<1x512xf32>
    %dot_general3A_29 = tpu.matmul %get3A_24, %get3A_27, %dot_general3A_28 {dimension_numbers = #tpu.dot_dimension_numbers<[1], [0], [0], [1], [0, 0, 1, 1], [], []>, transpose_lhs_hint = false} : vector<1x4xf32>, vector<4x512xf32>, vector<1x512xf32> -> vector<1x512xf32>
    %mul3A = vector.broadcast %div3A_14 : vector<1x5120xf32> to vector<16x5120xf32>
    %mul3A_30 = arith.mulf %slice3A, %mul3A : vector<16x5120xf32>
    %dot_general3A_31 = arith.constant dense<0.000000e+00> : vector<5120x512xf32>
    %dot_general3A_32 = tpu.matmul %mul3A_30, %dot_general3A_21, %dot_general3A_31 {dimension_numbers = #tpu.dot_dimension_numbers<[0], [0], [1], [1], [0, 1, 1, 1], [], []>, transpose_lhs_hint = false} : vector<16x5120xf32>, vector<16x512xf32>, vector<5120x512xf32> -> vector<5120x512xf32>
    %mul3A_33 = arith.mulf %broadcast_in_dim3A, %div3A_14 : vector<1x5120xf32>
    %dot_general3A_34 = arith.constant dense<0.000000e+00> : vector<5120x512xf32>
    %dot_general3A_35 = tpu.matmul %mul3A_33, %dot_general3A_29, %dot_general3A_34 {dimension_numbers = #tpu.dot_dimension_numbers<[0], [0], [1], [1], [0, 1, 1, 1], [], []>, transpose_lhs_hint = false} : vector<1x5120xf32>, vector<1x512xf32>, vector<5120x512xf32> -> vector<5120x512xf32>
    %get3A_36 = arith.constant 0 : index
    %get3A_37 = arith.constant 0 : index
    %get3A_38 = vector.load %arg3[%get3A_36, %get3A_37] : memref<5120x1xi32, #tpu.memory_space<vmem>>, vector<5120x1xi32>
    %iota3A = tpu.iota {dimensions = array<i32: 1>} : vector<1x64xi32>
    %eq3A = vector.broadcast %get3A_38 : vector<5120x1xi32> to vector<5120x64xi32>
    %eq3A_39 = vector.broadcast %iota3A : vector<1x64xi32> to vector<5120x64xi32>
    %eq3A_40 = arith.cmpi eq, %eq3A, %eq3A_39 : vector<5120x64xi32>
    %convert_element_type3A = arith.extui %eq3A_40 : vector<5120x64xi1> to vector<5120x64xi32>
    %convert_element_type3A_41 = arith.sitofp %convert_element_type3A : vector<5120x64xi32> to vector<5120x64xf32>
    %get3A_42 = arith.constant 0 : index
    %get3A_43 = arith.constant 0 : index
    %get3A_44 = vector.load %arg5[%get3A_42, %get3A_43] : memref<64x16xf32, #tpu.memory_space<vmem>>, vector<64x16xf32>
    %get3A_45 = arith.constant 0 : index
    %get3A_46 = arith.constant 0 : index
    %get3A_47 = vector.load %arg6[%get3A_45, %get3A_46] : memref<16x512xf32, #tpu.memory_space<vmem>>, vector<16x512xf32>
    %dot_general3A_48 = arith.constant dense<0.000000e+00> : vector<64x512xf32>
    %dot_general3A_49 = tpu.matmul %get3A_44, %get3A_47, %dot_general3A_48 {dimension_numbers = #tpu.dot_dimension_numbers<[1], [0], [0], [1], [0, 0, 1, 1], [], []>, transpose_lhs_hint = false} : vector<64x16xf32>, vector<16x512xf32>, vector<64x512xf32> -> vector<64x512xf32>
    %get3A_50 = arith.constant 0 : index
    %get3A_51 = arith.constant 0 : index
    %get3A_52 = vector.load %arg2[%get3A_50, %get3A_51] : memref<5120x128xf32, #tpu.memory_space<vmem>>, vector<5120x128xf32>
    %get3A_53 = arith.constant 0 : index
    %get3A_54 = arith.constant 0 : index
    %get3A_55 = vector.load %arg4[%get3A_53, %get3A_54] : memref<128x512xf32, #tpu.memory_space<vmem>>, vector<128x512xf32>
    %dot_general3A_56 = arith.constant dense<0.000000e+00> : vector<5120x512xf32>
    %dot_general3A_57 = tpu.matmul %get3A_52, %get3A_55, %dot_general3A_56 {dimension_numbers = #tpu.dot_dimension_numbers<[1], [0], [0], [1], [0, 0, 1, 1], [], []>, transpose_lhs_hint = false} : vector<5120x128xf32>, vector<128x512xf32>, vector<5120x512xf32> -> vector<5120x512xf32>
    %dot_general3A_58 = arith.constant dense<0.000000e+00> : vector<5120x512xf32>
    %dot_general3A_59 = tpu.matmul %convert_element_type3A_41, %dot_general3A_49, %dot_general3A_58 {dimension_numbers = #tpu.dot_dimension_numbers<[1], [0], [0], [1], [0, 0, 1, 1], [], []>, transpose_lhs_hint = false} : vector<5120x64xf32>, vector<64x512xf32>, vector<5120x512xf32> -> vector<5120x512xf32>
    %add3A_60 = arith.addf %dot_general3A_57, %dot_general3A_59 : vector<5120x512xf32>
    %get3A_61 = arith.constant 0 : index
    %get3A_62 = arith.constant 0 : index
    %get3A_63 = vector.load %arg7[%get3A_61, %get3A_62] : memref<1x512xf32, #tpu.memory_space<vmem>>, vector<1x512xf32>
    %add3A_64 = vector.broadcast %get3A_63 : vector<1x512xf32> to vector<5120x512xf32>
    %add3A_65 = arith.addf %add3A_60, %add3A_64 : vector<5120x512xf32>
    %add3A_66 = arith.addf %add3A_65, %dot_general3A_32 : vector<5120x512xf32>
    %add3A_67 = arith.addf %add3A_66, %dot_general3A_35 : vector<5120x512xf32>
    %max3A_68 = arith.constant 0.000000e+00 : f32
    %max3A_69 = vector.broadcast %max3A_68 : f32 to vector<5120x512xf32>
    %max3A_70 = arith.maximumf %add3A_67, %max3A_69 : vector<5120x512xf32>
    %get3A_71 = arith.constant 0 : index
    %get3A_72 = arith.constant 0 : index
    %get3A_73 = vector.load %arg11[%get3A_71, %get3A_72] : memref<512x128xf32, #tpu.memory_space<vmem>>, vector<512x128xf32>
    %dot_general3A_74 = arith.constant dense<0.000000e+00> : vector<5120x128xf32>
    %dot_general3A_75 = tpu.matmul %max3A_70, %get3A_73, %dot_general3A_74 {dimension_numbers = #tpu.dot_dimension_numbers<[1], [0], [0], [1], [0, 0, 1, 1], [], []>, transpose_lhs_hint = false} : vector<5120x512xf32>, vector<512x128xf32>, vector<5120x128xf32> -> vector<5120x128xf32>
    %get3A_76 = arith.constant 0 : index
    %get3A_77 = arith.constant 0 : index
    %get3A_78 = vector.load %arg12[%get3A_76, %get3A_77] : memref<1x128xf32, #tpu.memory_space<vmem>>, vector<1x128xf32>
    %add3A_79 = vector.broadcast %get3A_78 : vector<1x128xf32> to vector<5120x128xf32>
    %add3A_80 = arith.addf %dot_general3A_75, %add3A_79 : vector<5120x128xf32>
    %add3A_81 = arith.addf %add3A_80, %get3A_52 : vector<5120x128xf32>
    %reduce_sum3A_82 = arith.constant dense<0.000000e+00> : vector<5120xf32>
    %reduce_sum3A_83 = vector.multi_reduction <add>, %add3A_81, %reduce_sum3A_82 [1] : vector<5120x128xf32> to vector<5120xf32>
    %broadcast_in_dim3A_84 = vector.shape_cast %reduce_sum3A_83 : vector<5120xf32> to vector<5120x1xf32>
    %div3A_85 = arith.constant 1.280000e+02 : f32
    %div3A_86 = vector.broadcast %div3A_85 : f32 to vector<5120x1xf32>
    %div3A_87 = arith.divf %broadcast_in_dim3A_84, %div3A_86 : vector<5120x1xf32>
    %sub3A = vector.broadcast %div3A_87 : vector<5120x1xf32> to vector<5120x128xf32>
    %sub3A_88 = arith.subf %add3A_81, %sub3A : vector<5120x128xf32>
    %mul3A_89 = arith.mulf %sub3A_88, %sub3A_88 : vector<5120x128xf32>
    %reduce_sum3A_90 = arith.constant dense<0.000000e+00> : vector<5120xf32>
    %reduce_sum3A_91 = vector.multi_reduction <add>, %mul3A_89, %reduce_sum3A_90 [1] : vector<5120x128xf32> to vector<5120xf32>
    %broadcast_in_dim3A_92 = vector.shape_cast %reduce_sum3A_91 : vector<5120xf32> to vector<5120x1xf32>
    %div3A_93 = arith.constant 1.280000e+02 : f32
    %div3A_94 = vector.broadcast %div3A_93 : f32 to vector<5120x1xf32>
    %div3A_95 = arith.divf %broadcast_in_dim3A_92, %div3A_94 : vector<5120x1xf32>
    %add3A_96 = arith.constant 9.99999974E-6 : f32
    %add3A_97 = vector.broadcast %add3A_96 : f32 to vector<5120x1xf32>
    %add3A_98 = arith.addf %div3A_95, %add3A_97 : vector<5120x1xf32>
    %rsqrt3A = math.rsqrt %add3A_98 : vector<5120x1xf32>
    %mul3A_99 = vector.broadcast %rsqrt3A : vector<5120x1xf32> to vector<5120x128xf32>
    %mul3A_100 = arith.mulf %sub3A_88, %mul3A_99 : vector<5120x128xf32>
    %get3A_101 = arith.constant 0 : index
    %get3A_102 = arith.constant 0 : index
    %get3A_103 = vector.load %arg13[%get3A_101, %get3A_102] : memref<1x128xf32, #tpu.memory_space<vmem>>, vector<1x128xf32>
    %mul3A_104 = vector.broadcast %get3A_103 : vector<1x128xf32> to vector<5120x128xf32>
    %mul3A_105 = arith.mulf %mul3A_100, %mul3A_104 : vector<5120x128xf32>
    %get3A_106 = arith.constant 0 : index
    %get3A_107 = arith.constant 0 : index
    %get3A_108 = vector.load %arg14[%get3A_106, %get3A_107] : memref<1x128xf32, #tpu.memory_space<vmem>>, vector<1x128xf32>
    %add3A_109 = vector.broadcast %get3A_108 : vector<1x128xf32> to vector<5120x128xf32>
    %add3A_110 = arith.addf %mul3A_105, %add3A_109 : vector<5120x128xf32>
    %swap3A = arith.constant 0 : index
    %swap3A_111 = arith.constant 0 : index
    %swap3A_112 = vector.load %arg15[%swap3A, %swap3A_111] : memref<5120x128xf32, #tpu.memory_space<vmem>>, vector<5120x128xf32>
    tpu.vector_store %arg15[%swap3A, %swap3A_111], %add3A_110 {strides = array<i32>} : memref<5120x128xf32, #tpu.memory_space<vmem>>, vector<5120x128xf32>,
    return
  }
  func.func @transform_0(%arg0: i32) -> (i32, i32, i32) {
    %c0_i32 = arith.constant 0 : i32
    %c0_i32_0 = arith.constant 0 : i32
    %c0_i32_1 = arith.constant 0 : i32
    return %c0_i32, %c0_i32_0, %arg0 : i32, i32, i32
  }
  func.func @transform_1(%arg0: i32) -> (i32, i32) {
    %c0_i32 = arith.constant 0 : i32
    %c0_i32_0 = arith.constant 0 : i32
    return %arg0, %c0_i32 : i32, i32
  }
  func.func @transform_2(%arg0: i32) -> (i32, i32) {
    %c0_i32 = arith.constant 0 : i32
    %c0_i32_0 = arith.constant 0 : i32
    return %arg0, %c0_i32 : i32, i32
  }
  func.func @transform_3(%arg0: i32) -> (i32, i32) {
    %c0_i32 = arith.constant 0 : i32
    %c0_i32_0 = arith.constant 0 : i32
    %c0_i32_1 = arith.constant 0 : i32
    return %c0_i32, %c0_i32_0 : i32, i32
  }
  func.func @transform_4(%arg0: i32) -> (i32, i32) {
    %c0_i32 = arith.constant 0 : i32
    %c0_i32_0 = arith.constant 0 : i32
    %c0_i32_1 = arith.constant 0 : i32
    return %c0_i32, %c0_i32_0 : i32, i32
  }
  func.func @transform_5(%arg0: i32) -> (i32, i32) {
    %c0_i32 = arith.constant 0 : i32
    %c0_i32_0 = arith.constant 0 : i32
    %c0_i32_1 = arith.constant 0 : i32
    return %c0_i32, %c0_i32_0 : i32, i32
  }
  func.func @transform_6(%arg0: i32) -> (i32, i32) {
    %c0_i32 = arith.constant 0 : i32
    %c0_i32_0 = arith.constant 0 : i32
    %c0_i32_1 = arith.constant 0 : i32
    return %c0_i32, %c0_i32_0 : i32, i32
  }
  func.func @transform_7(%arg0: i32) -> (i32, i32) {
    %c0_i32 = arith.constant 0 : i32
    %c0_i32_0 = arith.constant 0 : i32
    %c0_i32_1 = arith.constant 0 : i32
    return %c0_i32, %c0_i32_0 : i32, i32
  }
  func.func @transform_8(%arg0: i32) -> (i32, i32) {
    %c0_i32 = arith.constant 0 : i32
    %c0_i32_0 = arith.constant 0 : i32
    %c0_i32_1 = arith.constant 0 : i32
    return %c0_i32, %c0_i32_0 : i32, i32
  }
  func.func @transform_9(%arg0: i32) -> (i32, i32) {
    %c0_i32 = arith.constant 0 : i32
    %c0_i32_0 = arith.constant 0 : i32
    %c0_i32_1 = arith.constant 0 : i32
    return %c0_i32, %c0_i32_0 : i32, i32
  }
  func.func @transform_10(%arg0: i32) -> (i32, i32) {
    %c0_i32 = arith.constant 0 : i32
    %c0_i32_0 = arith.constant 0 : i32
    %c0_i32_1 = arith.constant 0 : i32
    return %c0_i32, %c0_i32_0 : i32, i32
  }
  func.func @transform_11(%arg0: i32) -> (i32, i32) {
    %c0_i32 = arith.constant 0 : i32
    %c0_i32_0 = arith.constant 0 : i32
    %c0_i32_1 = arith.constant 0 : i32
    return %c0_i32, %c0_i32_0 : i32, i32
  }
  func.func @transform_12(%arg0: i32) -> (i32, i32) {
    %c0_i32 = arith.constant 0 : i32
    %c0_i32_0 = arith.constant 0 : i32
    %c0_i32_1 = arith.constant 0 : i32
    return %c0_i32, %c0_i32_0 : i32, i32
  }
  func.func @transform_13(%arg0: i32) -> (i32, i32) {
    %c0_i32 = arith.constant 0 : i32
    %c0_i32_0 = arith.constant 0 : i32
    %c0_i32_1 = arith.constant 0 : i32
    return %c0_i32, %c0_i32_0 : i32, i32
  }
  func.func @transform_14(%arg0: i32) -> (i32, i32) {
    %c0_i32 = arith.constant 0 : i32
    %c0_i32_0 = arith.constant 0 : i32
    return %arg0, %c0_i32 : i32, i32
  }
}

</mosaic_0001>

<sc_bundles>
// kernel: kernel.5.cloned.1.call-start
scs
__scs_entry_jumppad:
0x0: {  	(pc) =	sbr.rel $0x88, $3  }
0x1: {  	(tag) =	ssettag $0x0;
	lr =	simm.s32 $0x1  }
0x2: {  	[smem:$0x3F92] =	sst lr;
	_ =	strace $0xD0000000  }
0x3: {  	_ = 	snop  }
0x4: {  	_ = 	snop  }
0x5: {  	_ = 	snop  }
0x6: {  	_ = 	snop  }
0x7: {  	_ = 	snop  }
__scs_overlays_trampoline_lowered:
0x8: {  	[smem:$0x3FA1] =	sst s0  }
0x9: {  	[smem:$0x3FA2] =	sst s1  }
0xa: {  	[smem:$0x3FA3] =	sst s2  }
0xb: {  	[smem:$0x3FA4] =	sst s3  }
0xc: {  	[smem:$0x3FA5] =	sst s4  }
0xd: {  	[smem:$0x3FA6] =	sst s5  }
0xe: {  	[smem:$0x3FA7] =	sst s6  }
0xf: {  	[smem:$0x3FA8] =	sst s7  }
0x10: {  	[smem:$0x3FA9] =	sst s8  }
0x11: {  	[smem:$0x3FAA] =	sst s9;
	s0 =	simm.s32 @!p0 $0x0  }
0x12: {  	s1 =	sld [smem:$0x3F90];
	s0 =	simm.s32 @p0 $0x1  }
0x13: {  	[smem:$0x3FAB] =	sst s0;
	s0 =	simm.s32 @!p1 $0x0  }
0x14: {  	s2 =	sld [smem:$0x3F8F];
	s0 =	simm.s32 @p1 $0x1  }
0x15: {  	[smem:$0x3FAC] =	sst s0;
	s0 =	simm.s32 @!p2 $0x0  }
0x16: {  	s3 =	sld [smem:$0x3FDB];
	s0 =	simm.s32 @p2 $0x1  }
0x17: {  	s4 =	simm.s32 $0x1BF5;
	[smem:$0x3FAE] =	sst s0  }
0x18: {  	s0 =	sld [smem:$0x3F91];
	_ =	swait.ge [sflag:s4], $0x0  }
0x19: {  	s7 =	sld [smem:$0x3F92]  }
0x1a: {  	s8 =	sadd.s32 $0xFFFFE003, lr  }
0x1b: {  	s9 =	sadd.s32 $0xFFFFFEF7, lr;
	s5 =	simm.s32 $0xFFFFFFFF;
	p2 =	slt.u32 s8, $0xFFFFF086  }
0x1c: {  	p1 =	slt.u32 s9, $0xF7A;
	s5 =	simm.s32 @!p2 $0x0  }
0x1d: {  	s5 =	simm.s32 @p1 $0x1;
	p0 =	seq.s32 s7, s2  }
0x1e: {  	s7 =	smul.u32 @!p0 $0xF7A, s2;
	p2 =	seq.s32 @!p0 s5, $0x0  }
0x1f: {  	s9 =	smul.u32 $0xF7A, s1;
	s8 =	simm.s32 @!p0 $0x1BF5;
	p2 =	por !p2, p0  }
0x20: {  	[sflag:s8] =	ssyncset.s32 @!p0 $0xFFFFF086;
	s6 =	sadd.s32 @!p0 s3, s7;
	s7 =	simm.s32 @!p0 $0x108  }
0x21: {  	s3 =	sadd.s32 s3, s9;
	s6 =	sadd.s32 @!p0 $0x88, s6;
	s7 =	simm.s32 @p2 $0x1082  }
0x22: {  	[simem:s7], [sflag:s8] =	dma.local @!p0 [hbm:s6], $0xF7A  }
0x23: {  	s9 =	sor.u32 $0xD0000000, s2;
	s6 =	simm.s32 $0x108;
	_ =	swait.ge @!p0 [sflag:s8], $0x0  }
0x24: {  	s3 =	sadd.s32 $0x88, s3;
	s6 =	simm.s32 @!p1 $0x1082;
	[sflag:s4] =	ssyncset.s32 $0xFFFFF086  }
0x25: {  	[simem:s6], [sflag:s4] =	dma.local [hbm:s3], $0xF7A  }
0x26: {  	[smem:$0x3F92] =	sst s1;
	(tag) =	ssettag s2;
	_ =	strace s9  }
0x27: {  	s1 =	sld [smem:$0x3FA2]  }
0x28: {  	s2 =	sld [smem:$0x3FA3]  }
0x29: {  	s4 =	sld [smem:$0x3FA5]  }
0x2a: {  	p0 =	seq.s32 s5, $0x0;
	s5 =	sld [smem:$0x3FA6]  }
0x2b: {  	s6 =	sld [smem:$0x3FA7]  }
0x2c: {  	s7 =	sld [smem:$0x3FA8]  }
0x2d: {  	s3 =	simm.s32 $0x108;
	s8 =	sld [smem:$0x3FA9]  }
0x2e: {  	s3 =	simm.s32 @!p0 $0x1082;
	s9 =	sld [smem:$0x3FAA]  }
0x2f: {  	lr =	sadd.s32 s0, s3;
	s0 =	sld [smem:$0x3FA1]  }
0x30: {  	s3 =	sld [smem:$0x3FA4]  }
0x31: {  	[smem:$0x3FAD] =	sst s10  }
0x32: {  	s10 =	sld [smem:$0x3FAB];
	_ =	sdelay $0x3  }
0x33: {  	p0 =	seq.s32 s10, $0x1;
	s10 =	sld [smem:$0x3FAD];
	_ =	sdelay $0x3  }
0x34: {  	[smem:$0x3FAD] =	sst s10  }
0x35: {  	s10 =	sld [smem:$0x3FAC];
	_ =	sdelay $0x3  }
0x36: {  	p1 =	seq.s32 s10, $0x1;
	s10 =	sld [smem:$0x3FAD];
	_ =	sdelay $0x3  }
0x37: {  	[smem:$0x3FAD] =	sst s10  }
0x38: {  	s10 =	sld [smem:$0x3FAE]  }
0x39: {  	_ = 	snop;
	(pc) =	sbr.ind lr, $3  }
0x3a: {  	_ = 	snop  }
0x3b: {  	_ = 	snop  }
0x3c: {  	p2 =	seq.s32 s10, $0x1;
	s10 =	sld [smem:$0x3FAD]  }
0x3d: {  	_ =	shalt  }
0x3e: {  	_ =	shalt  }
0x3f: {  	_ =	shalt  }
0x40: {  	_ =	shalt  }
0x41: {  	_ =	shalt  }
0x42: {  	_ =	shalt  }
0x43: {  	_ =	shalt  }
0x44: {  	_ =	shalt  }
0x45: {  	_ =	shalt  }
0x46: {  	_ =	shalt  }
0x47: {  	_ =	shalt  }
0x48: {  	_ =	shalt  }
0x49: {  	_ =	shalt  }
0x4a: {  	_ =	shalt  }
0x4b: {  	_ =	shalt  }
0x4c: {  	_ =	shalt  }
0x4d: {  	_ =	shalt  }
0x4e: {  	_ =	shalt  }
0x4f: {  	_ =	shalt  }
0x50: {  	_ =	shalt  }
0x51: {  	_ =	shalt  }
0x52: {  	_ =	shalt  }
0x53: {  	_ =	shalt  }
0x54: {  	_ =	shalt  }
0x55: {  	_ =	shalt  }
0x56: {  	_ =	shalt  }
0x57: {  	_ =	shalt  }
0x58: {  	_ =	shalt  }
0x59: {  	_ =	shalt  }
0x5a: {  	_ =	shalt  }
0x5b: {  	_ =	shalt  }
0x5c: {  	_ =	shalt  }
0x5d: {  	_ =	shalt  }
0x5e: {  	_ =	shalt  }
0x5f: {  	_ =	shalt  }
0x60: {  	_ =	shalt  }
0x61: {  	_ =	shalt  }
0x62: {  	_ =	shalt  }
0x63: {  	_ =	shalt  }
0x64: {  	_ =	shalt  }
0x65: {  	_ =	shalt  }
0x66: {  	_ =	shalt  }
0x67: {  	_ =	shalt  }
0x68: {  	_ =	shalt  }
0x69: {  	_ =	shalt  }
0x6a: {  	_ =	shalt  }
0x6b: {  	_ =	shalt  }
0x6c: {  	_ =	shalt  }
0x6d: {  	_ =	shalt  }
0x6e: {  	_ =	shalt  }
0x6f: {  	_ =	shalt  }
0x70: {  	_ =	shalt  }
0x71: {  	_ =	shalt  }
0x72: {  	_ =	shalt  }
0x73: {  	_ =	shalt  }
0x74: {  	_ =	shalt  }
0x75: {  	_ =	shalt  }
0x76: {  	_ =	shalt  }
0x77: {  	_ =	shalt  }
0x78: {  	_ =	shalt  }
0x79: {  	_ =	shalt  }
0x7a: {  	_ =	shalt  }
0x7b: {  	_ =	shalt  }
0x7c: {  	_ =	shalt  }
0x7d: {  	_ =	shalt  }
0x7e: {  	_ =	shalt  }
0x7f: {  	_ =	shalt  }
0x80: {  	_ =	shalt  }
0x81: {  	_ =	shalt  }
0x82: {  	_ =	shalt  }
0x83: {  	_ =	shalt  }
0x84: {  	_ =	shalt  }
0x85: {  	_ =	shalt  }
0x86: {  	_ =	shalt  }
0x87: {  	_ =	shalt  }
.Lfunc_end0:
.L_simem_size_0:
called_computation_lowered:
.L_overlay_start_0:
0x88: {  	s2 =	sld [smem:$0x3FD9]  }
0x89: {  	s3 =	sld [smem:$0x3FFE];
	_ =	sdelay $0x1  }
0x8a: {  	s1 =	srdreg.scid  }
0x8b: {  	s0 =	sand.u32 $0x1, s1  }
0x8c: {  	s17 =	sshll.u32 s0, $0xA;
	s2 =	sadd.s32 s3, s2  }
0x8d: {  	s2 =	sadd.s32 s2, s17  }
0x8e: {  	[smem:$0x3FB9] =	sst s2  }
0x8f: {  	_ = 	snop  }
0x90: {  	s2 =	sld [smem:$0x3FD0];
	(tm) =	ssettm $0x1  }
0x91: {  	s18 =	sld [smem:$0x3FFB];
	_ =	sdelay $0x3  }
0x92: {  	_ =	strace s18  }
0x93: {  	s3 =	sld [smem:$0x3FFC];
	_ =	sdelay $0x3  }
0x94: {  	_ =	strace s3  }
0x95: {  	s3 =	sld [smem:$0x3FFD];
	_ =	sdelay $0x3  }
0x96: {  	_ =	strace s3  }
0x97: {  	_ =	strace $0x8FFFFFFF  }
0x98: {  	s19 =	sld [smem:$0x3FDB];
	_ =	sdelay $0x1  }
0x99: {  	s4 =	simm.s32 $_scs_section_size  }
0x9a: {  	s5 =	simm.s32 $_size__tile_overlayer_lowered;
	s6 =	simm.s32 $_tile_overlayer_lowered  }
0x9b: {  	s22 =	simm.s32 $0x1BFF;
	s21 =	sshll.u32 s6, $0x1;
	s3 =	sadd.s32 s4, s19  }
0x9c: {  	s7 =	simm.s32 $0x0;
	s20 =	sshll.u32 s5, $0x1;
	s5 =	sadd.s32 s21, s3  }
0x9d: {  	[timem:s7], [sflag:s22] =	dma.local [hbm:s5], s20  }
0x9e: {  	_ =	swait.ge [sflag:s22], s20  }
0x9f: {  	s4 =	ssub.s32 $0x0, s20;
	[sflag:s22] =	ssyncset.done $0x0  }
0xa0: {  	[sflag:s22] =	ssyncadd.s32 s4;
	_ =	sdelay $0x1  }
0xa1: {  	s23 =	simm.s32 $0x1B8B  }
0xa2: {  	_ =	swait.ge [sflag:s23], $0x1  }
0xa3: {  	[sflag:s23] =	ssyncset.done $0x0  }
0xa4: {  	s25 =	simm.s32 $0x1B8E;
	s24 =	sld [smem:$0x3FFE];
	[sflag:s23] =	ssyncadd.s32 $0xFFFFFFFF  }
0xa5: {  	s26 =	simm.s32 $execute0_lowered;
	[smem:$0x3FD2] =	sst s25  }
0xa6: {  	s5 =	sshll.u32 s26, $0x1;
	_ =	strace $0x80000046;
	[dreg:$0x1] =	wrdreg $0xFFFFFFFF  }
0xa7: {  	s28 =	simm.s32 $_size_execute0_lowered;
	s3 =	sadd.s32 s3, s5;
	[dreg:$0x0] =	wrdreg $0x0  }
0xa8: {  	s5 =	sshll.u32 s28, $0x1;
	[dreg:$0x2] =	wrdreg s3  }
0xa9: {  	[dreg:$0x3] =	wrdreg s5  }
0xaa: {  	[dreg:$0x4] =	wrdreg $0xC0  }
0xab: {  	_ =	task [dreg:s7], $0x5FFFF  }
0xac: {  	[dreg:$0x1] =	wrdreg $0xFFFFFFFF  }
0xad: {  	[dreg:$0x0] =	wrdreg $0x60  }
0xae: {  	[dreg:$0x2] =	wrdreg s24  }
0xaf: {  	[dreg:$0x3] =	wrdreg s2  }
0xb0: {  	[dreg:$0x4] =	wrdreg $0x9  }
0xb1: {  	_ =	task.clear_ibuf [dreg:s7], $0x5FFFF;
	_ =	strace $0x90000046  }
0xb2: {  	s29 =	simm.s32 $0x9;
	_ =	strace $0x80000048  }
0xb3: {  	_ =	swait.ge [sflag:s29], $0x1  }
0xb4: {  	[sflag:s29] =	ssyncadd.s32 $0xFFFFFFFF  }
0xb5: {  	_ =	strace $0x90000048  }
0xb6: {  	_ =	sfence  }
0xb7: {  	s30 =	sld [smem:$0x0];
	_ =	sdelay $0x2  }
0xb8: {  	s31 =	sshll.u32 s1, $0xD;
	s1 =	sshrl.u32 s1, $0x2  }
0xb9: {  	s3 =	sand.u32 $0x4000, s31;
	s1 =	sadd.s32 s1, s30  }
0xba: {  	s0 =	sor.u32 s3, s0;
	s1 =	sshll.u32 s1, $0x11  }
0xbb: {  	s0 =	sor.u32 s1, s0  }
0xbc: {  	s0 =	sadd.s32 $0x8F2B, s0  }
0xbd: {  	[sflag:s0] =	ssyncadd.remote.s32 $0x1  }
0xbe: {  	_ =	sfence.sel $0xFFFF  }
0xbf: {  	[dreg:$0x0] =	wrdreg $0xFFFFFFFF;
	(pc) =	sbr.abs _section_cstart, $3  }
0xc0: {  	[dreg:$0x1] =	wrdreg $0xFFFFFFFF  }
0xc1: {  	_ =	task.clear_ibuf [dreg:s7], $0x2FFFF;
	_ =	strace $0x9FFFFFFF  }
0xc2: {  	(tm) =	ssettm $0x7FFFFFFF  }
0xc3: {  	_ =	shalt  }
tec
execute0_lowered:
.L_overlay_start_1:
0x0: {  	(tag) =	ssettag $0x1  }
0x1: {  	s0 =	rddreg [dreg:$0x0]  }
0x2: {  	s6 =	rddreg [dreg:$0x1];
	s1 =	stileid.u32  }
0x3: {  	s2 =	simm.s32 $0x0;
	s4 =	srdreg.scid;
	s18 =	simm.s32 $0x7800  }
0x4: {  	s19 =	simm.s32 $0x8480;
	s28 =	simm.s32 $0x5000;
	s29 =	simm.s32 $0x3  }
0x5: {  	s30 =	simm.s32 $0x4;
	s31 =	simm.s32 $0x0;
	s3 =	smul.u32 $0x500, s1  }
0x6: {  	[smem:$0x7FF] =	sst s2;
	s8 =	sand.u32 $0x1, s4;
	s4 =	sadd.s32 $0x55200, s0  }
0x7: {  	s5 =	smul.u32 $0x4E200, s1;
	p0 =	sne.s32 s1, $0x8;
	_ =	strace $0x80000047  }
0x8: {  	s9 =	smul.u32 $0x27100, s8;
	s20 =	ssub.s32 $0x2, s8;
	s8 =	sshll.u32 s8, $0x5  }
0x9: {  	s7 =	sadd.s32 s3, s0;
	s3 =	sadd.s32 $0x7000, s0;
	s10 =	sshrl.u32 s20, $0x1  }
0xa: {  	s8 =	sor.u32 s1, s8;
	s11 =	sshrl.u32 s9, $0x4;
	s0 =	ssub.s32 s20, s10  }
0xb: {  	s7 =	sadd.s32 $0x2000, s7;
	s22 =	sadd.s32 s9, s5;
	s23 =	sadd.s32 $0x1900, s9  }
0xc: {  	s8 =	smul.u32 $0x500, s8;
	s14 =	sadd.s32 $0x3200, s9;
	s15 =	sadd.s32 $0x4B00, s9  }
0xd: {  	s20 =	simm.s32 $0x9100;
	[dreg:$0x3] =	wrdreg s7;
	s7 =	sadd.s32 s4, s11  }
0xe: {  	s10 =	sshrl.u32 s22, $0x4;
	s12 =	sshrl.u32 s23, $0x4;
	s0 =	smax.u32 s0, $0x1  }
0xf: {  	s11 =	sadd.s32 s5, s23;
	s21 =	sadd.s32 $0x4E20, s7;
	[dreg:$0xb] =	wrdreg s0  }
0x10: {  	s22 =	simm.s32 $0xAA00;
	s10 =	sadd.s32 s3, s10;
	[dreg:$0x4] =	wrdreg s21  }
0x11: {  	s23 =	simm.s32 $0xB680;
	s24 =	sadd.s32 s4, s12;
	[dreg:$0x5] =	wrdreg s10  }
.Ltmp0:
0x12: {  	s26 =	sadd.s32 $0x4FB0, s7;
	[dreg:$0x6] =	wrdreg s24;
	(pc) =	sbr.rel .LBB2_1-.Ltmp0, $4  }
0x13: {  	s25 =	sshrl.u32 s11, $0x4;
	s6 =	sadd.s32 s6, s8;
	[dreg:$0x7] =	wrdreg s26  }
0x14: {  	s10 =	sadd.s32 s3, s25;
	[dreg:$0x9] =	wrdreg s6;
	s6 =	sadd.s32 $0x5000, s6  }
0x15: {  	s21 =	simm.s32 $0x9D80;
	s24 =	simm.s32 $0x1;
	[dreg:$0x8] =	wrdreg s10  }
0x16: {  	v0 =	vimm.f32 $0.0e+00;
	v1 =	vimm.f32 $1.000000000e+00;
	s25 =	simm.s32 $0x2;
	s26 =	simm.s32 $0x2800;
	[dreg:$0xa] =	wrdreg s6  }
.LBB2_23:
0x17: {  	_ =	swait.ge [sflag:s29], $0xC80  }
0x18: {  	[sflag:s29] =	ssyncset.done $0x0  }
0x19: {  	[sflag:s29] =	ssyncadd.s32 $0xFFFFF380  }
0x1a: {  	_ =	swait.ge [sflag:s29], $0xC80  }
0x1b: {  	[sflag:s29] =	ssyncset.done $0x0  }
0x1c: {  	[sflag:s29] =	ssyncadd.s32 $0xFFFFF380  }
0x1d: {  	_ =	swait.ge [sflag:s29], $0xC80  }
0x1e: {  	[sflag:s29] =	ssyncset.done $0x0  }
0x1f: {  	s0 =	rddreg [dreg:$0x9];
	[sflag:s29] =	ssyncadd.s32 $0xFFFFF380  }
0x20: {  	[hbm4b:s0+s2] =	stream.linear.scatter [tilespmem:s26], [sflag:$0x4], $0x2800, $0x38;
	[tilespmem:$0xC300] =	vst v63  }
0x21: {  	_ =	swait.ge [sflag:s30], $0x2800  }
0x22: {  	[sflag:s30] =	ssyncset.done $0x0  }
0x23: {  	s16 =	rddreg [dreg:$0xa];
	[sflag:s30] =	ssyncadd.s32 $0xFFFFD800  }
0x24: {  	[hbm4b:s16+s2] =	stream.linear.scatter [tilespmem:s28], [sflag:$0x4], $0x2800, $0x38;
	[tilespmem:$0xC300] =	vst v63  }
0x25: {  	_ =	swait.ge [sflag:s30], $0x2800  }
0x26: {  	s31 =	sadd.s32 $0x1, s31;
	s17 =	rddreg [dreg:$0xb]  }
0x27: {  	p1 =	sne.s32 s31, s17  }
.Ltmp1:
0x28: {  	_ = 	snop;
	(pc) =	sbr.rel @!p1 .LBB2_24-.Ltmp1, $3  }
0x29: {  	_ =	sdelay $0x1  }
0x2a: {  	[sflag:s30] =	ssyncset.done $0x0  }
0x2b: {  	[sflag:s30] =	ssyncadd.s32 $0xFFFFD800  }
.LBB2_1:
0x2c: {  	s0 =	rddreg [dreg:$0x3]  }
0x2d: {  	[tilespmem:s2], [sflag:$0x1] =	stream.linear.gather [hbm4b:s0+s2], $0x2800, $0x38;
	[tilespmem:$0xC300] =	vst v63  }
0x2e: {  	_ = 	snop  }
0x2f: {  	[tilespmem:s18], [sflag:$0x2] =	stream.linear.gather [hbm4b:s7+s2], $0xC80, $0x38;
	[tilespmem:$0xC300] =	vst v63  }
0x30: {  	s11 =	rddreg [dreg:$0x4]  }
0x31: {  	[tilespmem:s19], [sflag:$0x2] =	stream.linear.gather [hbm4b:s11+s2], $0xC80, $0x38;
	[tilespmem:$0xC300] =	vst v63  }
0x32: {  	s12 =	rddreg [dreg:$0x5]  }
0x33: {  	[tilespmem:s20], [sflag:$0x2] =	stream.linear.gather [hbm4b:s12+s2], $0xC80, $0x38;
	[tilespmem:$0xC300] =	vst v63  }
0x34: {  	s13 =	rddreg [dreg:$0x6]  }
0x35: {  	[tilespmem:s21], [sflag:$0x3] =	stream.linear.gather [hbm4b:s13+s2], $0xC80, $0x38;
	[tilespmem:$0xC300] =	vst v63  }
0x36: {  	s16 =	rddreg [dreg:$0x7]  }
0x37: {  	[tilespmem:s22], [sflag:$0x3] =	stream.linear.gather [hbm4b:s16+s2], $0xC80, $0x38;
	[tilespmem:$0xC300] =	vst v63  }
0x38: {  	s17 =	rddreg [dreg:$0x8];
	s6 =	simm.s32 $0x2820  }
0x39: {  	[tilespmem:s23], [sflag:$0x3] =	stream.linear.gather [hbm4b:s17+s2], $0xC80, $0x38;
	[tilespmem:$0xC300] =	vst v63  }
0x3a: {  	[tilespmem:s6+$0xFFFFFFF0] =	vst v0  }
0x3b: {  	[tilespmem:s6+$0x0] =	vst v0  }
0x3c: {  	[tilespmem:s6+$0x10] =	vst v0  }
0x3d: {  	s0 =	simm.s32 $0x5020;
	[tilespmem:s6+$0xFFFFFFE0] =	vst v0  }
0x3e: {  	[tilespmem:s0+$0xFFFFFFF0] =	vst v0  }
0x3f: {  	[tilespmem:s0+$0x0] =	vst v0  }
0x40: {  	[tilespmem:s0+$0x10] =	vst v0  }
0x41: {  	s8 =	simm.s32 $0x2860;
	s6 =	simm.s32 $0x0;
	[tilespmem:s0+$0xFFFFFFE0] =	vst v0  }
.LBB2_2:
0x42: {  	[tilespmem:s8+$0xFFFFFFF0] =	vst v0;
	s0 =	sadd.s32 $0x40, s0  }
0x43: {  	s6 =	sadd.s32 $0x4, s6;
	[tilespmem:s0+$0xFFFFFFF0] =	vst v0  }
0x44: {  	p1 =	slt.u32 s6, $0x27C;
	[tilespmem:s8+$0x0] =	vst v0  }
.Ltmp2:
0x45: {  	[tilespmem:s0+$0x0] =	vst v0;
	(pc) =	sbr.rel @p1 .LBB2_2-.Ltmp2, $4  }
0x46: {  	[tilespmem:s8+$0x10] =	vst v0  }
0x47: {  	[tilespmem:s0+$0x10] =	vst v0  }
0x48: {  	[tilespmem:s8+$0xFFFFFFE0] =	vst v0  }
0x49: {  	s8 =	sadd.s32 $0x40, s8;
	[tilespmem:s0+$0xFFFFFFE0] =	vst v0  }
.Ltmp3:
0x4a: {  	(pc) =	sbr.rel .LBB2_4-.Ltmp3, $4  }
0x4b: {  	_ = 	snop  }
0x4c: {  	_ =	swait.ge [sflag:s24], $0x2800  }
0x4d: {  	[sflag:s24] =	ssyncset.done $0x0  }
0x4e: {  	s0 =	simm.s32 $0x0;
	[sflag:s24] =	ssyncadd.s32 $0xFFFFD800  }
.LBB2_16:
0x4f: {  	s6 =	smin.u32 s6, $0x15  }
0x50: {  	s6 =	smul.u32 $0x1900, s6;
	_ =	sdelay $0x1  }
0x51: {  	s6 =	sadd.s32 s6, s15  }
0x52: {  	s0 =	sadd.s32 $0x1, s0;
	s8 =	sshrl.u32 s6, $0x4  }
0x53: {  	p1 =	sne.s32 s0, $0xC;
	s8 =	sadd.s32 s4, s8  }
0x54: {  	[tilespmem:s21], [sflag:$0x3] =	stream.linear.gather [hbm4b:s8+s2], $0xC80, $0x38;
	[tilespmem:$0xC300] =	vst v63  }
.Ltmp4:
0x55: {  	s6 =	sadd.s32 s5, s6;
	(pc) =	sbr.rel @!p1 .LBB2_17-.Ltmp4, $4  }
0x56: {  	s6 =	sshrl.u32 s6, $0x4;
	s8 =	sadd.s32 $0x4E20, s8  }
0x57: {  	[tilespmem:s22], [sflag:$0x3] =	stream.linear.gather [hbm4b:s8+s2], $0xC80, $0x38;
	[tilespmem:$0xC300] =	vst v63  }
0x58: {  	s6 =	sadd.s32 s3, s6  }
0x59: {  	[tilespmem:s23], [sflag:$0x3] =	stream.linear.gather [hbm4b:s6+s2], $0xC80, $0x38;
	[tilespmem:$0xC300] =	vst v63  }
.LBB2_4:
0x5a: {  	_ =	swait.ge [sflag:s25], $0xC80  }
0x5b: {  	[sflag:s25] =	ssyncset.done $0x0  }
0x5c: {  	[sflag:s25] =	ssyncadd.s32 $0xFFFFF380  }
0x5d: {  	_ =	swait.ge [sflag:s25], $0xC80  }
0x5e: {  	[sflag:s25] =	ssyncset.done $0x0  }
0x5f: {  	[sflag:s25] =	ssyncadd.s32 $0xFFFFF380  }
0x60: {  	_ =	swait.ge [sflag:s25], $0xC80  }
0x61: {  	[sflag:s25] =	ssyncset.done $0x0  }
0x62: {  	s11 =	simm.s32 $0x0;
	[sflag:s25] =	ssyncadd.s32 $0xFFFFF380  }
0x63: {  	v2 =	vld [tilespmem:s11+$0x7800];
	_ =	sdelay $0x4  }
0x64: {  	v3 =	vunpack.i.l.s16.s32 v2;
	_ =	sdelay $0x2  }
0x65: {  	v4 =	vld [tilespmem:s11+$0x8480]  }
0x66: {  	v5 =	vld [tilespmem:s11+$0x9100]  }
0x67: {  	v3 =	vld.idx.msk [tilespmem:v3+s2+$0x0], $0xffff;
	_ =	sdelay $0x2  }
0x68: {  	v6 =	vunpack.i.l.s16.s32 v4  }
0x69: {  	v7 =	vunpack.i.l.bf16.f32 v5;
	v2 =	vunpack.i.u.s16.s32 v2  }
0x6a: {  	v3 =	vadd.f32 v3, v7;
	_ =	sdelay $0x1  }
0x6b: {  	v3 =	vmax.f32 v3, $0.0e+00  }
0x6c: {  	[tilespmem:v6+s26+$0x0] =	vst.idx.add.f32.msk $0xffff, v3  }
0x6d: {  	v2 =	vld.idx.msk [tilespmem:v2+s2+$0x0], $0xffff;
	_ =	sdelay $0x2  }
0x6e: {  	v3 =	vunpack.i.u.s16.s32 v4  }
0x6f: {  	v4 =	vunpack.i.u.bf16.f32 v5  }
0x70: {  	v2 =	vadd.f32 v2, v4;
	_ =	sdelay $0x1  }
0x71: {  	v2 =	vmax.f32 v2, $0.0e+00  }
0x72: {  	[tilespmem:v3+s26+$0x0] =	vst.idx.add.f32.msk $0xffff, v2  }
0x73: {  	v2 =	vld [tilespmem:s11+$0x7810];
	_ =	sdelay $0x4  }
0x74: {  	v3 =	vunpack.i.l.s16.s32 v2;
	_ =	sdelay $0x2  }
0x75: {  	v4 =	vld [tilespmem:s11+$0x8490]  }
0x76: {  	v5 =	vld [tilespmem:s11+$0x9110]  }
0x77: {  	v3 =	vld.idx.msk [tilespmem:v3+s2+$0x0], $0xffff;
	_ =	sdelay $0x2  }
0x78: {  	v6 =	vunpack.i.l.s16.s32 v4  }
0x79: {  	v7 =	vunpack.i.l.bf16.f32 v5;
	v2 =	vunpack.i.u.s16.s32 v2  }
0x7a: {  	v3 =	vadd.f32 v3, v7;
	_ =	sdelay $0x1  }
0x7b: {  	v3 =	vmax.f32 v3, $0.0e+00  }
0x7c: {  	[tilespmem:v6+s26+$0x0] =	vst.idx.add.f32.msk $0xffff, v3  }
0x7d: {  	s6 =	simm.s32 $0x80;
	v2 =	vld.idx.msk [tilespmem:v2+s2+$0x0], $0xffff  }
0x7e: {  	v3 =	vld [tilespmem:s6+$0x7800];
	_ =	sdelay $0x1  }
0x7f: {  	v4 =	vunpack.i.u.s16.s32 v4  }
0x80: {  	v5 =	vunpack.i.u.bf16.f32 v5  }
0x81: {  	v2 =	vadd.f32 v2, v5  }
0x82: {  	v5 =	vunpack.i.l.s16.s32 v3  }
0x83: {  	v6 =	vld [tilespmem:s6+$0x9100];
	v2 =	vmax.f32 v2, $0.0e+00  }
0x84: {  	[tilespmem:v4+s26+$0x0] =	vst.idx.add.f32.msk $0xffff, v2  }
0x85: {  	v4 =	vld [tilespmem:s6+$0x8480]  }
0x86: {  	v2 =	vld [tilespmem:s11+$0x7820]  }
0x87: {  	v5 =	vld.idx.msk [tilespmem:v5+s2+$0x0], $0xffff;
	_ =	sdelay $0x2  }
0x88: {  	v8 =	vunpack.i.l.s16.s32 v4  }
0x89: {  	v9 =	vunpack.i.l.bf16.f32 v6;
	v7 =	vunpack.i.l.s16.s32 v2  }
0x8a: {  	v3 =	vunpack.i.u.s16.s32 v3;
	v5 =	vadd.f32 v5, v9  }
0x8b: {  	v10 =	vld [tilespmem:s11+$0x84A0]  }
0x8c: {  	v9 =	vld [tilespmem:s11+$0x9120];
	v5 =	vmax.f32 v5, $0.0e+00  }
0x8d: {  	[tilespmem:v8+s26+$0x0] =	vst.idx.add.f32.msk $0xffff, v5  }
0x8e: {  	v7 =	vld.idx.msk [tilespmem:v7+s2+$0x0], $0xffff  }
0x8f: {  	v3 =	vld.idx.msk [tilespmem:v3+s2+$0x0], $0xffff;
	_ =	sdelay $0x1  }
0x90: {  	v5 =	vunpack.i.l.s16.s32 v10  }
0x91: {  	v4 =	vunpack.i.u.s16.s32 v4;
	v8 =	vunpack.i.l.bf16.f32 v9  }
0x92: {  	v6 =	vunpack.i.u.bf16.f32 v6;
	v2 =	vunpack.i.u.s16.s32 v2;
	v7 =	vadd.f32 v7, v8  }
0x93: {  	v3 =	vadd.f32 v3, v6  }
0x94: {  	v7 =	vmax.f32 v7, $0.0e+00  }
0x95: {  	v3 =	vmax.f32 v3, $0.0e+00;
	[tilespmem:v5+s26+$0x0] =	vst.idx.add.f32.msk $0xffff, v7  }
0x96: {  	[tilespmem:v4+s26+$0x0] =	vst.idx.add.f32.msk $0xffff, v3  }
0x97: {  	v2 =	vld.idx.msk [tilespmem:v2+s2+$0x0], $0xffff  }
0x98: {  	v3 =	vld [tilespmem:s6+$0x7810];
	_ =	sdelay $0x1  }
0x99: {  	v4 =	vunpack.i.u.s16.s32 v10  }
0x9a: {  	v5 =	vunpack.i.u.bf16.f32 v9  }
0x9b: {  	v2 =	vadd.f32 v2, v5  }
0x9c: {  	v5 =	vunpack.i.l.s16.s32 v3  }
0x9d: {  	v6 =	vld [tilespmem:s6+$0x9110];
	v2 =	vmax.f32 v2, $0.0e+00  }
0x9e: {  	[tilespmem:v4+s26+$0x0] =	vst.idx.add.f32.msk $0xffff, v2  }
0x9f: {  	v4 =	vld [tilespmem:s6+$0x8490]  }
0xa0: {  	v2 =	vld [tilespmem:s11+$0x7830]  }
0xa1: {  	v5 =	vld.idx.msk [tilespmem:v5+s2+$0x0], $0xffff;
	_ =	sdelay $0x2  }
0xa2: {  	v8 =	vunpack.i.l.s16.s32 v4  }
0xa3: {  	v9 =	vunpack.i.l.bf16.f32 v6;
	v7 =	vunpack.i.l.s16.s32 v2  }
0xa4: {  	v3 =	vunpack.i.u.s16.s32 v3;
	v5 =	vadd.f32 v5, v9  }
0xa5: {  	v10 =	vld [tilespmem:s11+$0x84B0]  }
0xa6: {  	v9 =	vld [tilespmem:s11+$0x9130];
	v5 =	vmax.f32 v5, $0.0e+00  }
0xa7: {  	[tilespmem:v8+s26+$0x0] =	vst.idx.add.f32.msk $0xffff, v5  }
0xa8: {  	v7 =	vld.idx.msk [tilespmem:v7+s2+$0x0], $0xffff  }
0xa9: {  	v3 =	vld.idx.msk [tilespmem:v3+s2+$0x0], $0xffff;
	_ =	sdelay $0x1  }
0xaa: {  	v5 =	vunpack.i.l.s16.s32 v10  }
0xab: {  	v4 =	vunpack.i.u.s16.s32 v4;
	v8 =	vunpack.i.l.bf16.f32 v9  }
0xac: {  	v6 =	vunpack.i.u.bf16.f32 v6;
	v2 =	vunpack.i.u.s16.s32 v2;
	v7 =	vadd.f32 v7, v8  }
0xad: {  	s8 =	simm.s32 $0x100;
	v3 =	vadd.f32 v3, v6  }
0xae: {  	v8 =	vld [tilespmem:s8+$0x7800];
	v7 =	vmax.f32 v7, $0.0e+00  }
0xaf: {  	v3 =	vmax.f32 v3, $0.0e+00;
	[tilespmem:v5+s26+$0x0] =	vst.idx.add.f32.msk $0xffff, v7  }
0xb0: {  	[tilespmem:v4+s26+$0x0] =	vst.idx.add.f32.msk $0xffff, v3  }
0xb1: {  	v2 =	vld.idx.msk [tilespmem:v2+s2+$0x0], $0xffff  }
0xb2: {  	v3 =	vld [tilespmem:s6+$0x7820]  }
0xb3: {  	v4 =	vunpack.i.l.s16.s32 v8;
	_ =	sdelay $0x2  }
0xb4: {  	v9 =	vunpack.i.u.bf16.f32 v9;
	v6 =	vld [tilespmem:s8+$0x8480];
	v5 =	vunpack.i.u.s16.s32 v10  }
0xb5: {  	v7 =	vld [tilespmem:s8+$0x9100];
	v2 =	vadd.f32 v2, v9;
	v9 =	vunpack.i.l.s16.s32 v3  }
0xb6: {  	v4 =	vld.idx.msk [tilespmem:v4+s2+$0x0], $0xffff  }
0xb7: {  	v10 =	vld [tilespmem:s6+$0x84A0]  }
0xb8: {  	v11 =	vld [tilespmem:s6+$0x9120];
	v2 =	vmax.f32 v2, $0.0e+00  }
0xb9: {  	[tilespmem:v5+s26+$0x0] =	vst.idx.add.f32.msk $0xffff, v2;
	v2 =	vunpack.i.l.s16.s32 v6  }
0xba: {  	v8 =	vunpack.i.u.s16.s32 v8;
	v5 =	vunpack.i.l.bf16.f32 v7;
	v9 =	vld.idx.msk [tilespmem:v9+s2+$0x0], $0xffff  }
0xbb: {  	v4 =	vadd.f32 v4, v5;
	v5 =	vld [tilespmem:s11+$0x7840];
	_ =	sdelay $0x1  }
0xbc: {  	v12 =	vunpack.i.l.s16.s32 v10;
	v4 =	vmax.f32 v4, $0.0e+00  }
0xbd: {  	v3 =	vunpack.i.u.s16.s32 v3;
	[tilespmem:v2+s26+$0x0] =	vst.idx.add.f32.msk $0xffff, v4;
	v2 =	vunpack.i.l.bf16.f32 v11  }
0xbe: {  	v4 =	vld.idx.msk [tilespmem:v8+s2+$0x0], $0xffff;
	v2 =	vadd.f32 v9, v2  }
0xbf: {  	v8 =	vunpack.i.l.s16.s32 v5  }
0xc0: {  	v9 =	vld [tilespmem:s11+$0x84C0];
	v2 =	vmax.f32 v2, $0.0e+00  }
0xc1: {  	v6 =	vunpack.i.u.s16.s32 v6;
	[tilespmem:v12+s26+$0x0] =	vst.idx.add.f32.msk $0xffff, v2  }
0xc2: {  	v7 =	vunpack.i.u.bf16.f32 v7;
	v2 =	vld.idx.msk [tilespmem:v3+s2+$0x0], $0xffff  }
0xc3: {  	v3 =	vadd.f32 v4, v7;
	v4 =	vld [tilespmem:s11+$0x9140]  }
0xc4: {  	v7 =	vld.idx.msk [tilespmem:v8+s2+$0x0], $0xffff  }
0xc5: {  	v8 =	vunpack.i.u.s16.s32 v10;
	v3 =	vmax.f32 v3, $0.0e+00  }
0xc6: {  	[tilespmem:v6+s26+$0x0] =	vst.idx.add.f32.msk $0xffff, v3;
	v3 =	vunpack.i.u.bf16.f32 v11  }
0xc7: {  	v6 =	vld [tilespmem:s8+$0x7810];
	v2 =	vadd.f32 v2, v3  }
0xc8: {  	v10 =	vunpack.i.l.s16.s32 v9;
	v3 =	vunpack.i.l.bf16.f32 v4  }
0xc9: {  	v5 =	vunpack.i.u.s16.s32 v5;
	v3 =	vadd.f32 v7, v3;
	v2 =	vmax.f32 v2, $0.0e+00  }
0xca: {  	[tilespmem:v8+s26+$0x0] =	vst.idx.add.f32.msk $0xffff, v2  }
0xcb: {  	v2 =	vmax.f32 v3, $0.0e+00;
	v3 =	vld [tilespmem:s6+$0x7830]  }
0xcc: {  	v7 =	vunpack.i.l.s16.s32 v6  }
0xcd: {  	[tilespmem:v10+s26+$0x0] =	vst.idx.add.f32.msk $0xffff, v2  }
0xce: {  	v2 =	vld.idx.msk [tilespmem:v5+s2+$0x0], $0xffff  }
0xcf: {  	v5 =	vld [tilespmem:s8+$0x8490]  }
0xd0: {  	v8 =	vld [tilespmem:s8+$0x9110];
	v10 =	vunpack.i.l.s16.s32 v3  }
0xd1: {  	v7 =	vld.idx.msk [tilespmem:v7+s2+$0x0], $0xffff  }
0xd2: {  	v9 =	vunpack.i.u.s16.s32 v9  }
0xd3: {  	v4 =	vunpack.i.u.bf16.f32 v4;
	v11 =	vld [tilespmem:s6+$0x84B0]  }
0xd4: {  	v12 =	vunpack.i.l.s16.s32 v5;
	v2 =	vadd.f32 v2, v4;
	v4 =	vld [tilespmem:s6+$0x9130]  }
0xd5: {  	v6 =	vunpack.i.u.s16.s32 v6;
	v13 =	vunpack.i.l.bf16.f32 v8;
	v10 =	vld.idx.msk [tilespmem:v10+s2+$0x0], $0xffff  }
0xd6: {  	v2 =	vmax.f32 v2, $0.0e+00;
	v7 =	vadd.f32 v7, v13  }
0xd7: {  	[tilespmem:v9+s26+$0x0] =	vst.idx.add.f32.msk $0xffff, v2  }
0xd8: {  	v9 =	vld [tilespmem:s11+$0x7850];
	v2 =	vmax.f32 v7, $0.0e+00;
	v7 =	vunpack.i.l.s16.s32 v11  }
0xd9: {  	[tilespmem:v12+s26+$0x0] =	vst.idx.add.f32.msk $0xffff, v2;
	v2 =	vunpack.i.l.bf16.f32 v4  }
0xda: {  	v3 =	vunpack.i.u.s16.s32 v3;
	v6 =	vld.idx.msk [tilespmem:v6+s2+$0x0], $0xffff;
	v2 =	vadd.f32 v10, v2;
	_ =	sdelay $0x1  }
0xdb: {  	v2 =	vmax.f32 v2, $0.0e+00  }
0xdc: {  	s9 =	simm.s32 $0x180;
	v5 =	vunpack.i.u.s16.s32 v5;
	[tilespmem:v7+s26+$0x0] =	vst.idx.add.f32.msk $0xffff, v2  }
0xdd: {  	v2 =	vunpack.i.u.bf16.f32 v8;
	v7 =	vld [tilespmem:s9+$0x7800]  }
0xde: {  	v3 =	vld.idx.msk [tilespmem:v3+s2+$0x0], $0xffff;
	v2 =	vadd.f32 v6, v2;
	v6 =	vunpack.i.l.s16.s32 v9  }
0xdf: {  	v10 =	vld [tilespmem:s11+$0x9150]  }
0xe0: {  	v8 =	vld [tilespmem:s11+$0x84D0];
	v2 =	vmax.f32 v2, $0.0e+00  }
0xe1: {  	[tilespmem:v5+s26+$0x0] =	vst.idx.add.f32.msk $0xffff, v2;
	v2 =	vunpack.i.u.s16.s32 v11  }
0xe2: {  	v4 =	vunpack.i.u.bf16.f32 v4;
	v11 =	vunpack.i.l.s16.s32 v7;
	v5 =	vld [tilespmem:s8+$0x7820]  }
0xe3: {  	v3 =	vadd.f32 v3, v4;
	v6 =	vld.idx.msk [tilespmem:v6+s2+$0x0], $0xffff  }
0xe4: {  	v12 =	vld [tilespmem:s9+$0x8480]  }
0xe5: {  	v4 =	vld [tilespmem:s9+$0x9100];
	v3 =	vmax.f32 v3, $0.0e+00  }
0xe6: {  	[tilespmem:v2+s26+$0x0] =	vst.idx.add.f32.msk $0xffff, v3;
	v3 =	vunpack.i.l.s16.s32 v8  }
0xe7: {  	v13 =	vunpack.i.l.bf16.f32 v10;
	v11 =	vld.idx.msk [tilespmem:v11+s2+$0x0], $0xffff;
	v2 =	vunpack.i.l.s16.s32 v5  }
0xe8: {  	v15 =	vld [tilespmem:s8+$0x84A0];
	v6 =	vadd.f32 v6, v13  }
0xe9: {  	v9 =	vunpack.i.u.s16.s32 v9;
	v14 =	vld [tilespmem:s6+$0x7840]  }
0xea: {  	v16 =	vunpack.i.l.s16.s32 v12;
	v13 =	vld [tilespmem:s8+$0x9120];
	v6 =	vmax.f32 v6, $0.0e+00  }
0xeb: {  	v7 =	vunpack.i.u.s16.s32 v7;
	v17 =	vunpack.i.l.bf16.f32 v4;
	[tilespmem:v3+s26+$0x0] =	vst.idx.add.f32.msk $0xffff, v6  }
0xec: {  	v3 =	vadd.f32 v11, v17;
	v2 =	vld.idx.msk [tilespmem:v2+s2+$0x0], $0xffff;
	_ =	sdelay $0x1  }
0xed: {  	v6 =	vld.idx.msk [tilespmem:v9+s2+$0x0], $0xffff;
	v9 =	vunpack.i.l.s16.s32 v14;
	v3 =	vmax.f32 v3, $0.0e+00  }
0xee: {  	v17 =	vunpack.i.l.s16.s32 v15;
	[tilespmem:v16+s26+$0x0] =	vst.idx.add.f32.msk $0xffff, v3  }
0xef: {  	v18 =	vunpack.i.l.bf16.f32 v13;
	v3 =	vunpack.i.u.s16.s32 v5;
	v7 =	vld.idx.msk [tilespmem:v7+s2+$0x0], $0xffff  }
0xf0: {  	v11 =	vld [tilespmem:s6+$0x84C0];
	v5 =	vunpack.i.u.s16.s32 v8;
	v2 =	vadd.f32 v2, v18  }
0xf1: {  	v10 =	vunpack.i.u.bf16.f32 v10;
	v8 =	vld [tilespmem:s6+$0x9140]  }
0xf2: {  	v6 =	vadd.f32 v6, v10;
	v9 =	vld.idx.msk [tilespmem:v9+s2+$0x0], $0xffff;
	v10 =	vunpack.i.u.s16.s32 v12;
	v2 =	vmax.f32 v2, $0.0e+00  }
0xf3: {  	[tilespmem:v17+s26+$0x0] =	vst.idx.add.f32.msk $0xffff, v2;
	v2 =	vunpack.i.u.bf16.f32 v4  }
0xf4: {  	v4 =	vmax.f32 v6, $0.0e+00;
	v3 =	vld.idx.msk [tilespmem:v3+s2+$0x0], $0xffff;
	v2 =	vadd.f32 v7, v2  }
0xf5: {  	[tilespmem:v5+s26+$0x0] =	vst.idx.add.f32.msk $0xffff, v4;
	v4 =	vunpack.i.l.s16.s32 v11  }
0xf6: {  	v6 =	vunpack.i.l.bf16.f32 v8;
	v7 =	vunpack.i.u.s16.s32 v14;
	v5 =	vld [tilespmem:s11+$0x7860];
	v2 =	vmax.f32 v2, $0.0e+00  }
0xf7: {  	v6 =	vadd.f32 v9, v6;
	v9 =	vunpack.i.u.s16.s32 v15;
	[tilespmem:v10+s26+$0x0] =	vst.idx.add.f32.msk $0xffff, v2  }
0xf8: {  	v2 =	vunpack.i.u.bf16.f32 v13;
	v10 =	vld [tilespmem:s9+$0x7810]  }
0xf9: {  	v12 =	vld [tilespmem:s9+$0x9110];
	v2 =	vadd.f32 v3, v2;
	v3 =	vmax.f32 v6, $0.0e+00  }
0xfa: {  	[tilespmem:v4+s26+$0x0] =	vst.idx.add.f32.msk $0xffff, v3  }
0xfb: {  	v2 =	vmax.f32 v2, $0.0e+00;
	v4 =	vld.idx.msk [tilespmem:v7+s2+$0x0], $0xffff  }
0xfc: {  	v3 =	vunpack.i.l.s16.s32 v5;
	[tilespmem:v9+s26+$0x0] =	vst.idx.add.f32.msk $0xffff, v2  }
0xfd: {  	v2 =	vld [tilespmem:s8+$0x7830]  }
0xfe: {  	v6 =	vld [tilespmem:s11+$0x9160];
	v7 =	vunpack.i.l.s16.s32 v10  }
0xff: {  	v11 =	vunpack.i.u.s16.s32 v11;
	v9 =	vld [tilespmem:s11+$0x84E0]  }
0x100: {  	v8 =	vunpack.i.u.bf16.f32 v8;
	v14 =	vld [tilespmem:s8+$0x9130]  }
0x101: {  	v3 =	vld.idx.msk [tilespmem:v3+s2+$0x0], $0xffff;
	v4 =	vadd.f32 v4, v8  }
0x102: {  	v8 =	vld [tilespmem:s9+$0x8490];
	v13 =	vunpack.i.l.s16.s32 v2  }
0x103: {  	v7 =	vld.idx.msk [tilespmem:v7+s2+$0x0], $0xffff;
	v4 =	vmax.f32 v4, $0.0e+00  }
0x104: {  	v15 =	vunpack.i.l.s16.s32 v9;
	[tilespmem:v11+s26+$0x0] =	vst.idx.add.f32.msk $0xffff, v4  }
0x105: {  	v5 =	vunpack.i.u.s16.s32 v5;
	v4 =	vunpack.i.l.bf16.f32 v6;
	v11 =	vld [tilespmem:s8+$0x84B0]  }
0x106: {  	v3 =	vadd.f32 v3, v4;
	v16 =	vld [tilespmem:s6+$0x7850]  }
0x107: {  	v4 =	vld.idx.msk [tilespmem:v13+s2+$0x0], $0xffff;
	v13 =	vunpack.i.l.s16.s32 v8  }
0x108: {  	v17 =	vunpack.i.l.bf16.f32 v12;
	v3 =	vmax.f32 v3, $0.0e+00  }
0x109: {  	v10 =	vunpack.i.u.s16.s32 v10;
	v7 =	vadd.f32 v7, v17;
	[tilespmem:v15+s26+$0x0] =	vst.idx.add.f32.msk $0xffff, v3  }
0x10a: {  	v3 =	vld.idx.msk [tilespmem:v5+s2+$0x0], $0xffff;
	v5 =	vunpack.i.l.s16.s32 v11  }
0x10b: {  	v2 =	vunpack.i.u.s16.s32 v2;
	v15 =	vunpack.i.l.bf16.f32 v14;
	v17 =	vld [tilespmem:s6+$0x84D0];
	v7 =	vmax.f32 v7, $0.0e+00  }
0x10c: {  	[tilespmem:v13+s26+$0x0] =	vst.idx.add.f32.msk $0xffff, v7;
	v4 =	vadd.f32 v4, v15;
	v7 =	vunpack.i.l.s16.s32 v16  }
0x10d: {  	v13 =	vld [tilespmem:s6+$0x9150]  }
0x10e: {  	v9 =	vunpack.i.u.s16.s32 v9;
	v10 =	vld.idx.msk [tilespmem:v10+s2+$0x0], $0xffff;
	v4 =	vmax.f32 v4, $0.0e+00  }
0x10f: {  	[tilespmem:v5+s26+$0x0] =	vst.idx.add.f32.msk $0xffff, v4;
	v4 =	vunpack.i.u.bf16.f32 v6  }
0x110: {  	v2 =	vld.idx.msk [tilespmem:v2+s2+$0x0], $0xffff;
	v3 =	vadd.f32 v3, v4  }
0x111: {  	s10 =	simm.s32 $0x200;
	v6 =	vld.idx.msk [tilespmem:v7+s2+$0x0], $0xffff  }
0x112: {  	v5 =	vunpack.i.u.s16.s32 v8;
	v7 =	vld [tilespmem:s10+$0x7800];
	v3 =	vmax.f32 v3, $0.0e+00  }
0x113: {  	v4 =	vunpack.i.u.bf16.f32 v12;
	[tilespmem:v9+s26+$0x0] =	vst.idx.add.f32.msk $0xffff, v3  }
0x114: {  	v4 =	vadd.f32 v10, v4;
	v3 =	vld [tilespmem:s10+$0x9100]  }
0x115: {  	v9 =	vld [tilespmem:s10+$0x8480]  }
0x116: {  	v8 =	vunpack.i.u.s16.s32 v11;
	v4 =	vmax.f32 v4, $0.0e+00;
	v19 =	vld [tilespmem:s11+$0x84F0]  }
0x117: {  	[tilespmem:v5+s26+$0x0] =	vst.idx.add.f32.msk $0xffff, v4;
	v4 =	vunpack.i.u.bf16.f32 v14  }
0x118: {  	v5 =	vld [tilespmem:s9+$0x7820];
	v2 =	vadd.f32 v2, v4;
	v4 =	vunpack.i.l.s16.s32 v7  }
0x119: {  	v21 =	vld [tilespmem:s11+$0x9170]  }
0x11a: {  	v11 =	vunpack.i.l.s16.s32 v17;
	v10 =	vld [tilespmem:s9+$0x84A0];
	v2 =	vmax.f32 v2, $0.0e+00  }
0x11b: {  	[tilespmem:v8+s26+$0x0] =	vst.idx.add.f32.msk $0xffff, v2;
	v2 =	vunpack.i.u.s16.s32 v16;
	v8 =	vunpack.i.l.bf16.f32 v13  }
0x11c: {  	v6 =	vadd.f32 v6, v8;
	v14 =	vld [tilespmem:s8+$0x7840]  }
0x11d: {  	v8 =	vunpack.i.l.s16.s32 v5;
	v4 =	vld.idx.msk [tilespmem:v4+s2+$0x0], $0xffff  }
0x11e: {  	v12 =	vld [tilespmem:s9+$0x9120];
	v6 =	vmax.f32 v6, $0.0e+00  }
0x11f: {  	[tilespmem:v11+s26+$0x0] =	vst.idx.add.f32.msk $0xffff, v6  }
0x120: {  	v11 =	vunpack.i.l.s16.s32 v9;
	v2 =	vld.idx.msk [tilespmem:v2+s2+$0x0], $0xffff  }
0x121: {  	v7 =	vunpack.i.u.s16.s32 v7;
	v15 =	vunpack.i.l.bf16.f32 v3;
	v16 =	vld [tilespmem:s11+$0x7870]  }
0x122: {  	v8 =	vld.idx.msk [tilespmem:v8+s2+$0x0], $0xffff;
	v4 =	vadd.f32 v4, v15;
	v15 =	vunpack.i.l.s16.s32 v14  }
0x123: {  	v17 =	vunpack.i.u.s16.s32 v17;
	v18 =	vld [tilespmem:s8+$0x9140]  }
0x124: {  	v13 =	vunpack.i.u.bf16.f32 v13;
	v6 =	vld [tilespmem:s8+$0x84C0];
	v4 =	vmax.f32 v4, $0.0e+00  }
0x125: {  	v20 =	vunpack.i.l.s16.s32 v10;
	v2 =	vadd.f32 v2, v13;
	[tilespmem:v11+s26+$0x0] =	vst.idx.add.f32.msk $0xffff, v4  }
0x126: {  	v13 =	vunpack.i.l.bf16.f32 v12;
	v4 =	vunpack.i.u.s16.s32 v5;
	v5 =	vld.idx.msk [tilespmem:v7+s2+$0x0], $0xffff  }
0x127: {  	v11 =	vunpack.i.l.s16.s32 v16;
	v7 =	vadd.f32 v8, v13;
	v8 =	vld.idx.msk [tilespmem:v15+s2+$0x0], $0xffff;
	v2 =	vmax.f32 v2, $0.0e+00  }
0x128: {  	[tilespmem:v17+s26+$0x0] =	vst.idx.add.f32.msk $0xffff, v2  }
0x129: {  	v7 =	vmax.f32 v7, $0.0e+00;
	v15 =	vld [tilespmem:s6+$0x7860]  }
0x12a: {  	[tilespmem:v20+s26+$0x0] =	vst.idx.add.f32.msk $0xffff, v7;
	v7 =	vunpack.i.u.s16.s32 v9  }
0x12b: {  	v2 =	vunpack.i.u.bf16.f32 v3;
	v4 =	vld.idx.msk [tilespmem:v4+s2+$0x0], $0xffff  }
0x12c: {  	v11 =	vld.idx.msk [tilespmem:v11+s2+$0x0], $0xffff;
	v3 =	vadd.f32 v5, v2;
	v5 =	vunpack.i.l.s16.s32 v6  }
0x12d: {  	v13 =	vunpack.i.u.s16.s32 v14;
	v9 =	vunpack.i.l.bf16.f32 v18;
	v2 =	vld [tilespmem:s6+$0x9160]  }
0x12e: {  	v8 =	vadd.f32 v8, v9;
	v9 =	vmax.f32 v3, $0.0e+00;
	v3 =	vld [tilespmem:s6+$0x84E0]  }
0x12f: {  	v10 =	vunpack.i.u.s16.s32 v10;
	[tilespmem:v7+s26+$0x0] =	vst.idx.add.f32.msk $0xffff, v9;
	v7 =	vunpack.i.u.bf16.f32 v12  }
0x130: {  	v14 =	vld [tilespmem:s10+$0x7810];
	v4 =	vadd.f32 v4, v7;
	v7 =	vmax.f32 v8, $0.0e+00  }
0x131: {  	[tilespmem:v5+s26+$0x0] =	vst.idx.add.f32.msk $0xffff, v7  }
0x132: {  	v5 =	vunpack.i.l.s16.s32 v19;
	v7 =	vld.idx.msk [tilespmem:v13+s2+$0x0], $0xffff  }
0x133: {  	v12 =	vunpack.i.l.bf16.f32 v21;
	v8 =	vunpack.i.l.s16.s32 v15;
	v4 =	vmax.f32 v4, $0.0e+00;
	v13 =	vld [tilespmem:s10+$0x8490]  }
0x134: {  	v9 =	vunpack.i.u.s16.s32 v16;
	[tilespmem:v10+s26+$0x0] =	vst.idx.add.f32.msk $0xffff, v4;
	v4 =	vadd.f32 v11, v12  }
0x135: {  	v11 =	vld [tilespmem:s9+$0x7830]  }
0x136: {  	v12 =	vld [tilespmem:s10+$0x9110];
	v10 =	vunpack.i.l.s16.s32 v14;
	v4 =	vmax.f32 v4, $0.0e+00  }
0x137: {  	[tilespmem:v5+s26+$0x0] =	vst.idx.add.f32.msk $0xffff, v4;
	v4 =	vunpack.i.u.s16.s32 v6  }
0x138: {  	v8 =	vld.idx.msk [tilespmem:v8+s2+$0x0], $0xffff;
	v6 =	vunpack.i.u.bf16.f32 v18  }
0x139: {  	v5 =	vld.idx.msk [tilespmem:v9+s2+$0x0], $0xffff;
	v6 =	vadd.f32 v7, v6  }
0x13a: {  	v9 =	vld [tilespmem:s9+$0x9130];
	v7 =	vunpack.i.l.s16.s32 v11  }
0x13b: {  	v17 =	vunpack.i.l.s16.s32 v3;
	v6 =	vmax.f32 v6, $0.0e+00;
	v16 =	vld.idx.msk [tilespmem:v10+s2+$0x0], $0xffff  }
0x13c: {  	v10 =	vunpack.i.l.bf16.f32 v2;
	[tilespmem:v4+s26+$0x0] =	vst.idx.add.f32.msk $0xffff, v6;
	v4 =	vunpack.i.u.s16.s32 v15  }
0x13d: {  	v6 =	vadd.f32 v8, v10;
	v10 =	vld [tilespmem:s9+$0x84B0]  }
0x13e: {  	v8 =	vld [tilespmem:s8+$0x7850]  }
0x13f: {  	v6 =	vmax.f32 v6, $0.0e+00;
	v18 =	vld.idx.msk [tilespmem:v7+s2+$0x0], $0xffff  }
0x140: {  	v15 =	vunpack.i.l.s16.s32 v13;
	v7 =	vunpack.i.l.bf16.f32 v12;
	[tilespmem:v17+s26+$0x0] =	vst.idx.add.f32.msk $0xffff, v6  }
0x141: {  	v63 =	vunpack.i.u.s16.s32 v14;
	v14 =	vadd.f32 v16, v7;
	v7 =	vld.idx.msk [tilespmem:v4+s2+$0x0], $0xffff;
	v4 =	vunpack.i.u.bf16.f32 v21  }
0x142: {  	v5 =	vadd.f32 v5, v4;
	v4 =	vunpack.i.u.s16.s32 v19;
	_ =	sdelay $0x1  }
0x143: {  	v6 =	vld [tilespmem:s8+$0x84D0];
	v17 =	vmax.f32 v14, $0.0e+00;
	v14 =	vunpack.i.l.s16.s32 v10  }
0x144: {  	v16 =	vunpack.i.l.bf16.f32 v9;
	[tilespmem:v15+s26+$0x0] =	vst.idx.add.f32.msk $0xffff, v17;
	v15 =	vunpack.i.u.s16.s32 v11  }
0x145: {  	s11 =	simm.s32 $0xA00;
	v11 =	vunpack.i.l.s16.s32 v8;
	v17 =	vld.idx.msk [tilespmem:v63+s2+$0x0], $0xffff;
	v16 =	vadd.f32 v18, v16;
	v5 =	vmax.f32 v5, $0.0e+00  }
.LBB2_5:
0x146: {  	s12 =	sshra.s32 s11, $0x2;
	p1 =	sne.s32 s11, $0x3000;
	s11 =	sadd.s32 $0x200, s11;
	[tilespmem:v4+s26+$0x0] =	vst.idx.add.f32.msk $0xffff, v5  }
0x147: {  	v3 =	vunpack.i.u.s16.s32 v3;
	v4 =	vmax.f32 v16, $0.0e+00;
	v5 =	vld [tilespmem:s8+$0x9150]  }
0x148: {  	v2 =	vunpack.i.u.bf16.f32 v2;
	[tilespmem:v14+s26+$0x0] =	vst.idx.add.f32.msk $0xffff, v4  }
0x149: {  	v2 =	vadd.f32 v7, v2;
	v4 =	vunpack.i.u.s16.s32 v13;
	v13 =	vld.idx.msk [tilespmem:v15+s2+$0x0], $0xffff  }
0x14a: {  	v7 =	vunpack.i.u.bf16.f32 v12;
	v11 =	vld.idx.msk [tilespmem:v11+s2+$0x0], $0xffff  }
0x14b: {  	v2 =	vmax.f32 v2, $0.0e+00;
	v7 =	vadd.f32 v17, v7;
	v12 =	vld [tilespmem:s12+$0x7800]  }
0x14c: {  	[tilespmem:v3+s26+$0x0] =	vst.idx.add.f32.msk $0xffff, v2  }
0x14d: {  	v3 =	vmax.f32 v7, $0.0e+00;
	v7 =	vunpack.i.u.s16.s32 v10;
	v2 =	vld [tilespmem:s12+$0x9100]  }
0x14e: {  	[tilespmem:v4+s26+$0x0] =	vst.idx.add.f32.msk $0xffff, v3;
	v3 =	vunpack.i.u.bf16.f32 v9  }
0x14f: {  	v4 =	vld [tilespmem:s10+$0x7820];
	v3 =	vadd.f32 v13, v3  }
0x150: {  	v9 =	vunpack.i.l.s16.s32 v12;
	v10 =	vld [tilespmem:s12+$0x8480]  }
0x151: {  	v14 =	vunpack.i.l.s16.s32 v6;
	v13 =	vld [tilespmem:s10+$0x84A0];
	v3 =	vmax.f32 v3, $0.0e+00  }
0x152: {  	v15 =	vunpack.i.l.bf16.f32 v2;
	[tilespmem:v7+s26+$0x0] =	vst.idx.add.f32.msk $0xffff, v3;
	v3 =	vunpack.i.u.s16.s32 v8;
	v7 =	vunpack.i.l.bf16.f32 v5  }
0x153: {  	v8 =	vld [tilespmem:s10+$0x9120];
	v7 =	vadd.f32 v11, v7  }
0x154: {  	v11 =	vunpack.i.l.s16.s32 v4;
	v16 =	vld [tilespmem:s9+$0x7840]  }
0x155: {  	v17 =	vunpack.i.l.s16.s32 v10;
	v9 =	vld.idx.msk [tilespmem:v9+s2+$0x0], $0xffff;
	v7 =	vmax.f32 v7, $0.0e+00  }
0x156: {  	[tilespmem:v14+s26+$0x0] =	vst.idx.add.f32.msk $0xffff, v7  }
0x157: {  	v3 =	vld.idx.msk [tilespmem:v3+s2+$0x0], $0xffff  }
0x158: {  	v7 =	vunpack.i.l.bf16.f32 v8;
	v14 =	vld [tilespmem:s9+$0x84C0]  }
0x159: {  	v11 =	vld.idx.msk [tilespmem:v11+s2+$0x0], $0xffff  }
0x15a: {  	v12 =	vunpack.i.u.s16.s32 v12;
	v18 =	vld [tilespmem:s6+$0x7870]  }
0x15b: {  	v9 =	vadd.f32 v9, v15;
	v15 =	vunpack.i.l.s16.s32 v16;
	v19 =	vld [tilespmem:s9+$0x9140]  }
0x15c: {  	v6 =	vunpack.i.u.s16.s32 v6;
	v5 =	vunpack.i.u.bf16.f32 v5;
	v20 =	vld [tilespmem:s6+$0x84F0]  }
0x15d: {  	v21 =	vunpack.i.l.s16.s32 v13;
	v9 =	vmax.f32 v9, $0.0e+00;
	v3 =	vadd.f32 v3, v5;
	v5 =	vld [tilespmem:s6+$0x9170];
	s6 =	smov.u32 s8;
	s8 =	smov.u32 s9;
	s9 =	smov.u32 s10  }
0x15e: {  	v4 =	vunpack.i.u.s16.s32 v4;
	s10 =	smov.u32 s12;
	[tilespmem:v17+s26+$0x0] =	vst.idx.add.f32.msk $0xffff, v9  }
0x15f: {  	v9 =	vunpack.i.u.s16.s32 v10;
	v7 =	vadd.f32 v11, v7;
	v10 =	vld.idx.msk [tilespmem:v12+s2+$0x0], $0xffff  }
0x160: {  	v2 =	vunpack.i.u.bf16.f32 v2;
	v3 =	vmax.f32 v3, $0.0e+00;
	v11 =	vld.idx.msk [tilespmem:v15+s2+$0x0], $0xffff  }
0x161: {  	v7 =	vmax.f32 v7, $0.0e+00;
	[tilespmem:v6+s26+$0x0] =	vst.idx.add.f32.msk $0xffff, v3;
	v3 =	vunpack.i.l.s16.s32 v18  }
0x162: {  	[tilespmem:v21+s26+$0x0] =	vst.idx.add.f32.msk $0xffff, v7  }
0x163: {  	v4 =	vld.idx.msk [tilespmem:v4+s2+$0x0], $0xffff  }
0x164: {  	v6 =	vld [tilespmem:s6+$0x7860]  }
0x165: {  	v12 =	vunpack.i.l.bf16.f32 v19;
	v7 =	vadd.f32 v10, v2;
	v10 =	vunpack.i.l.s16.s32 v14;
	v2 =	vld [tilespmem:s6+$0x9160]  }
0x166: {  	v15 =	vunpack.i.u.s16.s32 v16;
	v11 =	vadd.f32 v11, v12;
	v12 =	vld.idx.msk [tilespmem:v3+s2+$0x0], $0xffff  }
0x167: {  	v13 =	vunpack.i.u.s16.s32 v13;
	v7 =	vmax.f32 v7, $0.0e+00;
	v3 =	vld [tilespmem:s6+$0x84E0]  }
0x168: {  	[tilespmem:v9+s26+$0x0] =	vst.idx.add.f32.msk $0xffff, v7;
	v7 =	vunpack.i.u.bf16.f32 v8  }
0x169: {  	v8 =	vld [tilespmem:s10+$0x7810];
	v4 =	vadd.f32 v4, v7;
	v7 =	vmax.f32 v11, $0.0e+00;
	v9 =	vunpack.i.l.s16.s32 v6  }
0x16a: {  	[tilespmem:v10+s26+$0x0] =	vst.idx.add.f32.msk $0xffff, v7;
	v7 =	vunpack.i.l.s16.s32 v20  }
0x16b: {  	v11 =	vunpack.i.u.s16.s32 v18;
	v4 =	vmax.f32 v4, $0.0e+00;
	v10 =	vld.idx.msk [tilespmem:v15+s2+$0x0], $0xffff;
	v15 =	vunpack.i.l.bf16.f32 v5  }
0x16c: {  	[tilespmem:v13+s26+$0x0] =	vst.idx.add.f32.msk $0xffff, v4;
	v4 =	vadd.f32 v12, v15  }
0x16d: {  	v15 =	vld [tilespmem:s9+$0x7830]  }
0x16e: {  	v16 =	vunpack.i.l.s16.s32 v8;
	v17 =	vld.idx.msk [tilespmem:v9+s2+$0x0], $0xffff;
	v4 =	vmax.f32 v4, $0.0e+00  }
0x16f: {  	[tilespmem:v7+s26+$0x0] =	vst.idx.add.f32.msk $0xffff, v4  }
0x170: {  	v4 =	vunpack.i.u.s16.s32 v14;
	v7 =	vunpack.i.u.bf16.f32 v19;
	v11 =	vld.idx.msk [tilespmem:v11+s2+$0x0], $0xffff  }
0x171: {  	v7 =	vadd.f32 v10, v7;
	v12 =	vld [tilespmem:s10+$0x9110]  }
0x172: {  	v13 =	vld [tilespmem:s10+$0x8490];
	v14 =	vunpack.i.l.s16.s32 v15  }
0x173: {  	v10 =	vunpack.i.l.bf16.f32 v2;
	v16 =	vld.idx.msk [tilespmem:v16+s2+$0x0], $0xffff  }
0x174: {  	v18 =	vunpack.i.l.s16.s32 v3;
	v7 =	vmax.f32 v7, $0.0e+00;
	v17 =	vadd.f32 v17, v10;
	v9 =	vld [tilespmem:s9+$0x9130]  }
0x175: {  	v6 =	vunpack.i.u.s16.s32 v6;
	[tilespmem:v4+s26+$0x0] =	vst.idx.add.f32.msk $0xffff, v7  }
0x176: {  	v10 =	vld [tilespmem:s9+$0x84B0]  }
0x177: {  	v4 =	vunpack.i.l.bf16.f32 v12;
	v19 =	vunpack.i.l.s16.s32 v13;
	v21 =	vld.idx.msk [tilespmem:v14+s2+$0x0], $0xffff  }
0x178: {  	v22 =	vunpack.i.u.s16.s32 v8;
	v7 =	vmax.f32 v17, $0.0e+00;
	v8 =	vld [tilespmem:s8+$0x7850]  }
.Ltmp5:
0x179: {  	v14 =	vadd.f32 v16, v4;
	v4 =	vunpack.i.u.s16.s32 v20;
	v16 =	vunpack.i.l.bf16.f32 v9;
	[tilespmem:v18+s26+$0x0] =	vst.idx.add.f32.msk $0xffff, v7;
	(pc) =	sbr.rel @p1 .LBB2_5-.Ltmp5, $4  }
0x17a: {  	v5 =	vunpack.i.u.bf16.f32 v5;
	v7 =	vld.idx.msk [tilespmem:v6+s2+$0x0], $0xffff  }
0x17b: {  	v5 =	vadd.f32 v11, v5;
	v17 =	vmax.f32 v14, $0.0e+00;
	v14 =	vunpack.i.l.s16.s32 v10;
	v6 =	vld [tilespmem:s8+$0x84D0]  }
0x17c: {  	v15 =	vunpack.i.u.s16.s32 v15;
	[tilespmem:v19+s26+$0x0] =	vst.idx.add.f32.msk $0xffff, v17  }
0x17d: {  	v5 =	vmax.f32 v5, $0.0e+00;
	v16 =	vadd.f32 v21, v16;
	v17 =	vld.idx.msk [tilespmem:v22+s2+$0x0], $0xffff;
	v11 =	vunpack.i.l.s16.s32 v8  }
0x17e: {  	_ =	sdelay $0x1  }
0x17f: {  	v13 =	vunpack.i.u.s16.s32 v13  }
0x180: {  	v12 =	vunpack.i.u.bf16.f32 v12  }
0x181: {  	v12 =	vadd.f32 v17, v12;
	_ =	sdelay $0x1  }
0x182: {  	v12 =	vmax.f32 v12, $0.0e+00  }
0x183: {  	[tilespmem:v13+s26+$0x0] =	vst.idx.add.f32.msk $0xffff, v12  }
0x184: {  	v12 =	vld [tilespmem:s10+$0x7820];
	_ =	sdelay $0x4  }
0x185: {  	v61 =	vunpack.i.l.s16.s32 v12;
	_ =	sdelay $0x2  }
0x186: {  	v62 =	vld [tilespmem:s10+$0x84A0]  }
0x187: {  	v18 =	vld [tilespmem:s10+$0x9120]  }
0x188: {  	v13 =	vld.idx.msk [tilespmem:v61+s2+$0x0], $0xffff;
	_ =	sdelay $0x2  }
0x189: {  	v19 =	vunpack.i.l.s16.s32 v62  }
0x18a: {  	v20 =	vunpack.i.l.bf16.f32 v18;
	v12 =	vunpack.i.u.s16.s32 v12  }
0x18b: {  	v13 =	vadd.f32 v13, v20;
	_ =	sdelay $0x1  }
0x18c: {  	v13 =	vmax.f32 v13, $0.0e+00  }
0x18d: {  	[tilespmem:v19+s26+$0x0] =	vst.idx.add.f32.msk $0xffff, v13  }
0x18e: {  	v12 =	vld.idx.msk [tilespmem:v12+s2+$0x0], $0xffff;
	_ =	sdelay $0x2  }
0x18f: {  	v63 =	vunpack.i.u.s16.s32 v62  }
0x190: {  	v20 =	vunpack.i.u.bf16.f32 v18  }
0x191: {  	v12 =	vadd.f32 v12, v20;
	_ =	sdelay $0x1  }
0x192: {  	v12 =	vmax.f32 v12, $0.0e+00  }
0x193: {  	[tilespmem:v63+s26+$0x0] =	vst.idx.add.f32.msk $0xffff, v12  }
0x194: {  	v12 =	vld [tilespmem:s10+$0x7830];
	_ =	sdelay $0x4  }
0x195: {  	v21 =	vunpack.i.l.s16.s32 v12;
	_ =	sdelay $0x2  }
0x196: {  	v22 =	vld [tilespmem:s10+$0x84B0]  }
0x197: {  	v23 =	vld [tilespmem:s10+$0x9130]  }
0x198: {  	v13 =	vld.idx.msk [tilespmem:v21+s2+$0x0], $0xffff;
	_ =	sdelay $0x2  }
0x199: {  	v16 =	vmax.f32 v16, $0.0e+00;
	v24 =	vunpack.i.l.s16.s32 v22  }
0x19a: {  	[tilespmem:v14+s26+$0x0] =	vst.idx.add.f32.msk $0xffff, v16;
	v25 =	vunpack.i.l.bf16.f32 v23;
	v12 =	vunpack.i.u.s16.s32 v12  }
0x19b: {  	v15 =	vld.idx.msk [tilespmem:v15+s2+$0x0], $0xffff;
	v13 =	vadd.f32 v13, v25;
	_ =	sdelay $0x1  }
0x19c: {  	v13 =	vmax.f32 v13, $0.0e+00  }
0x19d: {  	v10 =	vunpack.i.u.s16.s32 v10;
	[tilespmem:v24+s26+$0x0] =	vst.idx.add.f32.msk $0xffff, v13  }
0x19e: {  	v9 =	vunpack.i.u.bf16.f32 v9;
	v12 =	vld.idx.msk [tilespmem:v12+s2+$0x0], $0xffff  }
0x19f: {  	v9 =	vadd.f32 v15, v9;
	_ =	sdelay $0x1  }
0x1a0: {  	v9 =	vmax.f32 v9, $0.0e+00;
	v26 =	vunpack.i.u.s16.s32 v22  }
0x1a1: {  	[tilespmem:v10+s26+$0x0] =	vst.idx.add.f32.msk $0xffff, v9;
	v27 =	vunpack.i.u.bf16.f32 v23  }
0x1a2: {  	v10 =	vld [tilespmem:s9+$0x7840];
	v9 =	vadd.f32 v12, v27;
	_ =	sdelay $0x1  }
0x1a3: {  	v9 =	vmax.f32 v9, $0.0e+00  }
0x1a4: {  	[tilespmem:v26+s26+$0x0] =	vst.idx.add.f32.msk $0xffff, v9  }
0x1a5: {  	v9 =	vld [tilespmem:s10+$0x7840]  }
0x1a6: {  	v28 =	vunpack.i.l.s16.s32 v10;
	_ =	sdelay $0x2  }
0x1a7: {  	v29 =	vld [tilespmem:s9+$0x84C0]  }
0x1a8: {  	v30 =	vld [tilespmem:s9+$0x9140];
	v31 =	vunpack.i.l.s16.s32 v9  }
0x1a9: {  	v12 =	vld.idx.msk [tilespmem:v28+s2+$0x0], $0xffff;
	_ =	sdelay $0x1  }
0x1aa: {  	v32 =	vld [tilespmem:s10+$0x84C0]  }
0x1ab: {  	v33 =	vunpack.i.l.s16.s32 v29;
	v34 =	vld [tilespmem:s10+$0x9140]  }
0x1ac: {  	v35 =	vunpack.i.l.bf16.f32 v30;
	v10 =	vunpack.i.u.s16.s32 v10;
	v15 =	vld.idx.msk [tilespmem:v31+s2+$0x0], $0xffff  }
0x1ad: {  	v12 =	vadd.f32 v12, v35;
	_ =	sdelay $0x1  }
0x1ae: {  	v12 =	vmax.f32 v12, $0.0e+00;
	v36 =	vunpack.i.l.s16.s32 v32  }
0x1af: {  	[tilespmem:v33+s26+$0x0] =	vst.idx.add.f32.msk $0xffff, v12;
	v37 =	vunpack.i.l.bf16.f32 v34;
	v9 =	vunpack.i.u.s16.s32 v9  }
0x1b0: {  	v10 =	vld.idx.msk [tilespmem:v10+s2+$0x0], $0xffff;
	v12 =	vadd.f32 v15, v37;
	_ =	sdelay $0x1  }
0x1b1: {  	v12 =	vmax.f32 v12, $0.0e+00  }
0x1b2: {  	v13 =	vunpack.i.u.s16.s32 v29;
	[tilespmem:v36+s26+$0x0] =	vst.idx.add.f32.msk $0xffff, v12  }
0x1b3: {  	v38 =	vunpack.i.u.bf16.f32 v30;
	v9 =	vld.idx.msk [tilespmem:v9+s2+$0x0], $0xffff  }
0x1b4: {  	v10 =	vadd.f32 v10, v38;
	_ =	sdelay $0x1  }
0x1b5: {  	v39 =	vunpack.i.u.s16.s32 v32;
	v10 =	vmax.f32 v10, $0.0e+00  }
0x1b6: {  	v40 =	vunpack.i.u.bf16.f32 v34;
	[tilespmem:v13+s26+$0x0] =	vst.idx.add.f32.msk $0xffff, v10  }
0x1b7: {  	v13 =	vld [tilespmem:s9+$0x7850];
	v9 =	vadd.f32 v9, v40;
	_ =	sdelay $0x1  }
0x1b8: {  	v9 =	vmax.f32 v9, $0.0e+00  }
0x1b9: {  	[tilespmem:v39+s26+$0x0] =	vst.idx.add.f32.msk $0xffff, v9  }
0x1ba: {  	v9 =	vld [tilespmem:s10+$0x7850]  }
0x1bb: {  	v41 =	vunpack.i.l.s16.s32 v13  }
0x1bc: {  	v42 =	vld [tilespmem:s8+$0x9150]  }
0x1bd: {  	v11 =	vld.idx.msk [tilespmem:v11+s2+$0x0], $0xffff  }
0x1be: {  	v43 =	vld [tilespmem:s9+$0x84D0]  }
0x1bf: {  	v44 =	vld [tilespmem:s9+$0x9150];
	v45 =	vunpack.i.l.s16.s32 v9  }
0x1c0: {  	v46 =	vunpack.i.l.s16.s32 v6;
	v10 =	vld.idx.msk [tilespmem:v41+s2+$0x0], $0xffff  }
0x1c1: {  	v8 =	vunpack.i.u.s16.s32 v8;
	v47 =	vunpack.i.l.bf16.f32 v42  }
0x1c2: {  	v11 =	vadd.f32 v11, v47;
	v48 =	vld [tilespmem:s10+$0x84D0]  }
0x1c3: {  	v49 =	vunpack.i.l.s16.s32 v43;
	v50 =	vld [tilespmem:s10+$0x9150]  }
0x1c4: {  	v11 =	vmax.f32 v11, $0.0e+00;
	v13 =	vunpack.i.u.s16.s32 v13;
	v21 =	vunpack.i.l.bf16.f32 v44;
	v16 =	vld.idx.msk [tilespmem:v45+s2+$0x0], $0xffff  }
0x1c5: {  	[tilespmem:v46+s26+$0x0] =	vst.idx.add.f32.msk $0xffff, v11;
	v10 =	vadd.f32 v10, v21  }
0x1c6: {  	v8 =	vld.idx.msk [tilespmem:v8+s2+$0x0], $0xffff  }
0x1c7: {  	v10 =	vmax.f32 v10, $0.0e+00;
	v51 =	vunpack.i.l.s16.s32 v48  }
0x1c8: {  	[tilespmem:v49+s26+$0x0] =	vst.idx.add.f32.msk $0xffff, v10;
	v9 =	vunpack.i.u.s16.s32 v9;
	v52 =	vunpack.i.l.bf16.f32 v50  }
0x1c9: {  	v53 =	vunpack.i.u.s16.s32 v6;
	v13 =	vld.idx.msk [tilespmem:v13+s2+$0x0], $0xffff;
	v10 =	vadd.f32 v16, v52  }
0x1ca: {  	v12 =	vunpack.i.u.bf16.f32 v42  }
0x1cb: {  	v8 =	vadd.f32 v8, v12;
	v10 =	vmax.f32 v10, $0.0e+00  }
0x1cc: {  	v54 =	vunpack.i.u.s16.s32 v43;
	[tilespmem:v51+s26+$0x0] =	vst.idx.add.f32.msk $0xffff, v10  }
0x1cd: {  	v55 =	vunpack.i.u.bf16.f32 v44;
	v8 =	vmax.f32 v8, $0.0e+00;
	v9 =	vld.idx.msk [tilespmem:v9+s2+$0x0], $0xffff  }
0x1ce: {  	[tilespmem:v53+s26+$0x0] =	vst.idx.add.f32.msk $0xffff, v8;
	v56 =	vadd.f32 v13, v55  }
0x1cf: {  	v8 =	vld [tilespmem:s8+$0x7860]  }
0x1d0: {  	v57 =	vunpack.i.u.s16.s32 v48;
	v6 =	vmax.f32 v56, $0.0e+00  }
0x1d1: {  	v58 =	vunpack.i.u.bf16.f32 v50;
	[tilespmem:v54+s26+$0x0] =	vst.idx.add.f32.msk $0xffff, v6  }
0x1d2: {  	v59 =	vld [tilespmem:s9+$0x7860];
	v6 =	vadd.f32 v9, v58;
	_ =	sdelay $0x1  }
0x1d3: {  	v60 =	vunpack.i.l.s16.s32 v8;
	v6 =	vmax.f32 v6, $0.0e+00  }
0x1d4: {  	[tilespmem:v57+s26+$0x0] =	vst.idx.add.f32.msk $0xffff, v6  }
0x1d5: {  	v6 =	vld [tilespmem:s10+$0x7860]  }
0x1d6: {  	v61 =	vld [tilespmem:s8+$0x84E0];
	v62 =	vunpack.i.l.s16.s32 v59  }
0x1d7: {  	v63 =	vld [tilespmem:s8+$0x9160]  }
0x1d8: {  	v9 =	vld.idx.msk [tilespmem:v60+s2+$0x0], $0xffff  }
0x1d9: {  	v24 =	vld [tilespmem:s9+$0x84E0]  }
0x1da: {  	v25 =	vld [tilespmem:s9+$0x9160];
	v26 =	vunpack.i.l.s16.s32 v6  }
0x1db: {  	v27 =	vunpack.i.l.s16.s32 v61;
	v12 =	vld.idx.msk [tilespmem:v62+s2+$0x0], $0xffff  }
0x1dc: {  	v28 =	vunpack.i.l.bf16.f32 v63;
	v8 =	vunpack.i.u.s16.s32 v8  }
0x1dd: {  	v3 =	vunpack.i.u.s16.s32 v3;
	v2 =	vunpack.i.u.bf16.f32 v2;
	v29 =	vld [tilespmem:s10+$0x84E0];
	v9 =	vadd.f32 v9, v28  }
0x1de: {  	v2 =	vadd.f32 v7, v2;
	v30 =	vunpack.i.l.s16.s32 v24;
	v31 =	vld [tilespmem:s10+$0x9160]  }
0x1df: {  	v32 =	vunpack.i.l.bf16.f32 v25;
	v11 =	vunpack.i.u.s16.s32 v59;
	v9 =	vmax.f32 v9, $0.0e+00;
	v16 =	vld.idx.msk [tilespmem:v26+s2+$0x0], $0xffff  }
0x1e0: {  	v33 =	vadd.f32 v12, v32;
	[tilespmem:v27+s26+$0x0] =	vst.idx.add.f32.msk $0xffff, v9  }
0x1e1: {  	v2 =	vmax.f32 v2, $0.0e+00;
	v8 =	vld.idx.msk [tilespmem:v8+s2+$0x0], $0xffff  }
0x1e2: {  	[tilespmem:v3+s26+$0x0] =	vst.idx.add.f32.msk $0xffff, v2;
	v2 =	vmax.f32 v33, $0.0e+00;
	v3 =	vunpack.i.l.s16.s32 v29  }
0x1e3: {  	[tilespmem:v30+s26+$0x0] =	vst.idx.add.f32.msk $0xffff, v2;
	v2 =	vunpack.i.l.bf16.f32 v31;
	v6 =	vunpack.i.u.s16.s32 v6  }
0x1e4: {  	v34 =	vunpack.i.u.s16.s32 v61;
	v35 =	vld.idx.msk [tilespmem:v11+s2+$0x0], $0xffff;
	v2 =	vadd.f32 v16, v2  }
0x1e5: {  	v37 =	vunpack.i.u.bf16.f32 v63  }
0x1e6: {  	v36 =	vld [tilespmem:s6+$0x7870];
	v8 =	vadd.f32 v8, v37;
	v2 =	vmax.f32 v2, $0.0e+00  }
0x1e7: {  	v38 =	vunpack.i.u.s16.s32 v24;
	[tilespmem:v3+s26+$0x0] =	vst.idx.add.f32.msk $0xffff, v2  }
0x1e8: {  	v2 =	vmax.f32 v8, $0.0e+00;
	v3 =	vunpack.i.u.bf16.f32 v25;
	v6 =	vld.idx.msk [tilespmem:v6+s2+$0x0], $0xffff  }
0x1e9: {  	[tilespmem:v34+s26+$0x0] =	vst.idx.add.f32.msk $0xffff, v2;
	v2 =	vadd.f32 v35, v3  }
0x1ea: {  	v41 =	vld [tilespmem:s6+$0x9170]  }
0x1eb: {  	v40 =	vunpack.i.u.s16.s32 v29;
	v7 =	vld [tilespmem:s8+$0x7870];
	v2 =	vmax.f32 v2, $0.0e+00  }
0x1ec: {  	[tilespmem:v38+s26+$0x0] =	vst.idx.add.f32.msk $0xffff, v2;
	v2 =	vunpack.i.u.bf16.f32 v31  }
0x1ed: {  	v11 =	vld [tilespmem:s9+$0x7870];
	v2 =	vadd.f32 v6, v2  }
0x1ee: {  	v39 =	vld [tilespmem:s6+$0x84F0]  }
0x1ef: {  	v43 =	vld [tilespmem:s8+$0x84F0];
	v2 =	vmax.f32 v2, $0.0e+00  }
0x1f0: {  	v3 =	vunpack.i.l.s16.s32 v36;
	[tilespmem:v40+s26+$0x0] =	vst.idx.add.f32.msk $0xffff, v2  }
0x1f1: {  	v42 =	vunpack.i.l.s16.s32 v7;
	v2 =	vld [tilespmem:s10+$0x7870]  }
0x1f2: {  	v45 =	vld [tilespmem:s8+$0x9170];
	v44 =	vunpack.i.l.s16.s32 v11  }
0x1f3: {  	v46 =	vld [tilespmem:s9+$0x84F0]  }
0x1f4: {  	v47 =	vld [tilespmem:s9+$0x9170]  }
0x1f5: {  	v3 =	vld.idx.msk [tilespmem:v3+s2+$0x0], $0xffff  }
0x1f6: {  	v12 =	vld.idx.msk [tilespmem:v42+s2+$0x0], $0xffff;
	v48 =	vunpack.i.l.s16.s32 v2  }
0x1f7: {  	v13 =	vld.idx.msk [tilespmem:v44+s2+$0x0], $0xffff  }
0x1f8: {  	v49 =	vunpack.i.l.s16.s32 v39  }
0x1f9: {  	v50 =	vunpack.i.l.bf16.f32 v41;
	v51 =	vunpack.i.l.s16.s32 v43;
	v52 =	vld [tilespmem:s10+$0x84F0]  }
0x1fa: {  	v53 =	vunpack.i.l.bf16.f32 v45;
	v22 =	vunpack.i.l.s16.s32 v46;
	v23 =	vld [tilespmem:s10+$0x9170];
	v3 =	vadd.f32 v3, v50  }
0x1fb: {  	v10 =	vunpack.i.u.s16.s32 v36;
	v54 =	vunpack.i.l.bf16.f32 v47;
	v12 =	vadd.f32 v12, v53;
	v17 =	vld.idx.msk [tilespmem:v48+s2+$0x0], $0xffff  }
0x1fc: {  	v7 =	vunpack.i.u.s16.s32 v7;
	v3 =	vmax.f32 v3, $0.0e+00;
	v13 =	vadd.f32 v13, v54  }
0x1fd: {  	v11 =	vunpack.i.u.s16.s32 v11;
	[tilespmem:v49+s26+$0x0] =	vst.idx.add.f32.msk $0xffff, v3;
	v3 =	vmax.f32 v12, $0.0e+00  }
0x1fe: {  	v55 =	vunpack.i.l.s16.s32 v52;
	[tilespmem:v51+s26+$0x0] =	vst.idx.add.f32.msk $0xffff, v3;
	v3 =	vmax.f32 v13, $0.0e+00  }
0x1ff: {  	v2 =	vunpack.i.u.s16.s32 v2;
	[tilespmem:v22+s26+$0x0] =	vst.idx.add.f32.msk $0xffff, v3;
	v3 =	vunpack.i.l.bf16.f32 v23  }
0x200: {  	v10 =	vld.idx.msk [tilespmem:v10+s2+$0x0], $0xffff;
	v3 =	vadd.f32 v17, v3  }
0x201: {  	v7 =	vld.idx.msk [tilespmem:v7+s2+$0x0], $0xffff  }
0x202: {  	v11 =	vld.idx.msk [tilespmem:v11+s2+$0x0], $0xffff;
	v3 =	vmax.f32 v3, $0.0e+00  }
0x203: {  	[tilespmem:v55+s26+$0x0] =	vst.idx.add.f32.msk $0xffff, v3  }
0x204: {  	v3 =	vunpack.i.u.s16.s32 v39;
	v2 =	vld.idx.msk [tilespmem:v2+s2+$0x0], $0xffff  }
0x205: {  	s6 =	sshll.u32 s0, $0x1;
	v6 =	vunpack.i.u.bf16.f32 v41;
	v56 =	vunpack.i.u.s16.s32 v43  }
0x206: {  	s8 =	sand.u32 $0xE, s6;
	v57 =	vunpack.i.u.bf16.f32 v45;
	v58 =	vunpack.i.u.s16.s32 v46;
	v6 =	vadd.f32 v10, v6  }
0x207: {  	p1 =	sne.s32 s1, s8;
	v59 =	vunpack.i.u.bf16.f32 v47;
	v60 =	vunpack.i.u.s16.s32 v52;
	v7 =	vadd.f32 v7, v57  }
.Ltmp6:
0x208: {  	[tilespmem:v4+s26+$0x0] =	vst.idx.add.f32.msk $0xffff, v5;
	v63 =	vunpack.i.u.bf16.f32 v23;
	v61 =	vmax.f32 v6, $0.0e+00;
	v62 =	vadd.f32 v11, v59;
	(pc) =	sbr.rel @p1 .LBB2_10-.Ltmp6, $4  }
0x209: {  	[tilespmem:v3+s26+$0x0] =	vst.idx.add.f32.msk $0xffff, v61;
	v3 =	vmax.f32 v7, $0.0e+00;
	v2 =	vadd.f32 v2, v63  }
0x20a: {  	[tilespmem:v56+s26+$0x0] =	vst.idx.add.f32.msk $0xffff, v3;
	v3 =	vmax.f32 v62, $0.0e+00  }
0x20b: {  	[tilespmem:v58+s26+$0x0] =	vst.idx.add.f32.msk $0xffff, v3;
	v2 =	vmax.f32 v2, $0.0e+00  }
0x20c: {  	s9 =	simm.s32 $0x0;
	[tilespmem:v60+s26+$0x0] =	vst.idx.add.f32.msk $0xffff, v2  }
0x20d: {  	s10 =	simm.s32 $0x0  }
0x20e: {  	v2 =	vld [tilespmem:s10+$0x8480];
	_ =	sdelay $0x4  }
0x20f: {  	v3 =	vunpack.i.l.s16.s32 v2  }
0x210: {  	v2 =	vunpack.i.u.s16.s32 v2;
	_ =	sdelay $0x3  }
0x211: {  	[tilespmem:v3+s28+$0x0] =	vst.idx.add.f32.msk $0xffff, v1  }
0x212: {  	[tilespmem:v2+s28+$0x0] =	vst.idx.add.f32.msk $0xffff, v1  }
0x213: {  	v2 =	vld [tilespmem:s10+$0x8490];
	_ =	sdelay $0x4  }
0x214: {  	v3 =	vunpack.i.l.s16.s32 v2  }
0x215: {  	v2 =	vunpack.i.u.s16.s32 v2;
	_ =	sdelay $0x1  }
0x216: {  	s11 =	simm.s32 $0x80  }
0x217: {  	v4 =	vld [tilespmem:s11+$0x8480]  }
0x218: {  	[tilespmem:v3+s28+$0x0] =	vst.idx.add.f32.msk $0xffff, v1  }
0x219: {  	[tilespmem:v2+s28+$0x0] =	vst.idx.add.f32.msk $0xffff, v1  }
0x21a: {  	v2 =	vld [tilespmem:s10+$0x84A0];
	_ =	sdelay $0x1  }
0x21b: {  	v3 =	vunpack.i.l.s16.s32 v4  }
0x21c: {  	v4 =	vunpack.i.u.s16.s32 v4;
	_ =	sdelay $0x1  }
0x21d: {  	v5 =	vunpack.i.l.s16.s32 v2  }
0x21e: {  	v2 =	vunpack.i.u.s16.s32 v2  }
0x21f: {  	[tilespmem:v3+s28+$0x0] =	vst.idx.add.f32.msk $0xffff, v1  }
0x220: {  	[tilespmem:v4+s28+$0x0] =	vst.idx.add.f32.msk $0xffff, v1  }
0x221: {  	v3 =	vld [tilespmem:s11+$0x8490]  }
0x222: {  	[tilespmem:v5+s28+$0x0] =	vst.idx.add.f32.msk $0xffff, v1  }
0x223: {  	[tilespmem:v2+s28+$0x0] =	vst.idx.add.f32.msk $0xffff, v1  }
0x224: {  	v2 =	vld [tilespmem:s10+$0x84B0];
	_ =	sdelay $0x1  }
0x225: {  	v4 =	vunpack.i.l.s16.s32 v3  }
0x226: {  	v3 =	vunpack.i.u.s16.s32 v3;
	_ =	sdelay $0x1  }
0x227: {  	s12 =	simm.s32 $0x100;
	v5 =	vunpack.i.l.s16.s32 v2  }
0x228: {  	v6 =	vld [tilespmem:s12+$0x8480];
	v2 =	vunpack.i.u.s16.s32 v2  }
0x229: {  	[tilespmem:v4+s28+$0x0] =	vst.idx.add.f32.msk $0xffff, v1  }
0x22a: {  	[tilespmem:v3+s28+$0x0] =	vst.idx.add.f32.msk $0xffff, v1  }
0x22b: {  	v3 =	vld [tilespmem:s11+$0x84A0]  }
0x22c: {  	[tilespmem:v5+s28+$0x0] =	vst.idx.add.f32.msk $0xffff, v1  }
0x22d: {  	[tilespmem:v2+s28+$0x0] =	vst.idx.add.f32.msk $0xffff, v1;
	v2 =	vunpack.i.l.s16.s32 v6  }
0x22e: {  	v5 =	vunpack.i.u.s16.s32 v6  }
0x22f: {  	v4 =	vld [tilespmem:s10+$0x84C0]  }
0x230: {  	v6 =	vunpack.i.l.s16.s32 v3  }
0x231: {  	v3 =	vunpack.i.u.s16.s32 v3  }
0x232: {  	[tilespmem:v2+s28+$0x0] =	vst.idx.add.f32.msk $0xffff, v1  }
0x233: {  	[tilespmem:v5+s28+$0x0] =	vst.idx.add.f32.msk $0xffff, v1  }
0x234: {  	v2 =	vunpack.i.l.s16.s32 v4;
	v5 =	vld [tilespmem:s12+$0x8490]  }
0x235: {  	[tilespmem:v6+s28+$0x0] =	vst.idx.add.f32.msk $0xffff, v1;
	v4 =	vunpack.i.u.s16.s32 v4  }
0x236: {  	[tilespmem:v3+s28+$0x0] =	vst.idx.add.f32.msk $0xffff, v1  }
0x237: {  	v3 =	vld [tilespmem:s11+$0x84B0];
	_ =	sdelay $0x1  }
0x238: {  	[tilespmem:v2+s28+$0x0] =	vst.idx.add.f32.msk $0xffff, v1;
	v2 =	vunpack.i.l.s16.s32 v5  }
0x239: {  	[tilespmem:v4+s28+$0x0] =	vst.idx.add.f32.msk $0xffff, v1;
	v5 =	vunpack.i.u.s16.s32 v5  }
0x23a: {  	v4 =	vld [tilespmem:s10+$0x84D0]  }
0x23b: {  	s16 =	simm.s32 $0x180;
	v6 =	vunpack.i.l.s16.s32 v3  }
0x23c: {  	v7 =	vld [tilespmem:s16+$0x8480];
	v3 =	vunpack.i.u.s16.s32 v3  }
0x23d: {  	[tilespmem:v2+s28+$0x0] =	vst.idx.add.f32.msk $0xffff, v1  }
0x23e: {  	[tilespmem:v5+s28+$0x0] =	vst.idx.add.f32.msk $0xffff, v1  }
0x23f: {  	v2 =	vunpack.i.l.s16.s32 v4;
	v5 =	vld [tilespmem:s12+$0x84A0]  }
0x240: {  	[tilespmem:v6+s28+$0x0] =	vst.idx.add.f32.msk $0xffff, v1;
	v4 =	vunpack.i.u.s16.s32 v4  }
0x241: {  	[tilespmem:v3+s28+$0x0] =	vst.idx.add.f32.msk $0xffff, v1;
	v3 =	vunpack.i.l.s16.s32 v7;
	_ =	sdelay $0x1  }
0x242: {  	v6 =	vunpack.i.u.s16.s32 v7;
	v8 =	vld [tilespmem:s11+$0x84C0]  }
0x243: {  	[tilespmem:v2+s28+$0x0] =	vst.idx.add.f32.msk $0xffff, v1;
	v2 =	vunpack.i.l.s16.s32 v5  }
0x244: {  	[tilespmem:v4+s28+$0x0] =	vst.idx.add.f32.msk $0xffff, v1;
	v4 =	vunpack.i.u.s16.s32 v5  }
0x245: {  	[tilespmem:v3+s28+$0x0] =	vst.idx.add.f32.msk $0xffff, v1  }
0x246: {  	v7 =	vld [tilespmem:s10+$0x84E0]  }
0x247: {  	[tilespmem:v6+s28+$0x0] =	vst.idx.add.f32.msk $0xffff, v1;
	v9 =	vunpack.i.l.s16.s32 v8  }
0x248: {  	[tilespmem:v2+s28+$0x0] =	vst.idx.add.f32.msk $0xffff, v1  }
0x249: {  	[tilespmem:v4+s28+$0x0] =	vst.idx.add.f32.msk $0xffff, v1;
	v4 =	vunpack.i.u.s16.s32 v8  }
0x24a: {  	v6 =	vld [tilespmem:s16+$0x8490]  }
0x24b: {  	v2 =	vunpack.i.l.s16.s32 v7  }
0x24c: {  	[tilespmem:v9+s28+$0x0] =	vst.idx.add.f32.msk $0xffff, v1;
	v3 =	vunpack.i.u.s16.s32 v7  }
0x24d: {  	s17 =	simm.s32 $0x800;
	v5 =	vld [tilespmem:s12+$0x84B0]  }
.LBB2_8:
0x24e: {  	p1 =	sne.s32 s17, $0x3000;
	[tilespmem:v4+s28+$0x0] =	vst.idx.add.f32.msk $0xffff, v1  }
0x24f: {  	v4 =	vunpack.i.l.s16.s32 v6;
	v7 =	vld [tilespmem:s11+$0x84D0]  }
0x250: {  	v6 =	vunpack.i.u.s16.s32 v6;
	[tilespmem:v2+s28+$0x0] =	vst.idx.add.f32.msk $0xffff, v1  }
0x251: {  	[tilespmem:v3+s28+$0x0] =	vst.idx.add.f32.msk $0xffff, v1  }
0x252: {  	s13 =	sshra.s32 s17, $0x2;
	v2 =	vunpack.i.l.s16.s32 v5;
	v3 =	vld [tilespmem:s10+$0x84F0];
	s10 =	smov.u32 s11;
	s11 =	smov.u32 s12  }
0x253: {  	v5 =	vunpack.i.u.s16.s32 v5;
	s12 =	smov.u32 s16;
	s16 =	smov.u32 s13;
	v8 =	vld [tilespmem:s13+$0x8480]  }
0x254: {  	[tilespmem:v4+s28+$0x0] =	vst.idx.add.f32.msk $0xffff, v1  }
0x255: {  	v4 =	vunpack.i.l.s16.s32 v7;
	[tilespmem:v6+s28+$0x0] =	vst.idx.add.f32.msk $0xffff, v1  }
0x256: {  	v7 =	vunpack.i.u.s16.s32 v7;
	v6 =	vld [tilespmem:s12+$0x84A0]  }
0x257: {  	[tilespmem:v2+s28+$0x0] =	vst.idx.add.f32.msk $0xffff, v1;
	v2 =	vunpack.i.l.s16.s32 v3  }
0x258: {  	v3 =	vunpack.i.u.s16.s32 v3;
	[tilespmem:v5+s28+$0x0] =	vst.idx.add.f32.msk $0xffff, v1  }
0x259: {  	v5 =	vld [tilespmem:s11+$0x84C0]  }
0x25a: {  	v9 =	vunpack.i.l.s16.s32 v8;
	[tilespmem:v4+s28+$0x0] =	vst.idx.add.f32.msk $0xffff, v1  }
0x25b: {  	v4 =	vunpack.i.u.s16.s32 v8;
	[tilespmem:v7+s28+$0x0] =	vst.idx.add.f32.msk $0xffff, v1  }
0x25c: {  	[tilespmem:v2+s28+$0x0] =	vst.idx.add.f32.msk $0xffff, v1  }
0x25d: {  	v2 =	vunpack.i.l.s16.s32 v6;
	[tilespmem:v3+s28+$0x0] =	vst.idx.add.f32.msk $0xffff, v1  }
0x25e: {  	v3 =	vunpack.i.u.s16.s32 v6;
	v7 =	vld [tilespmem:s10+$0x84E0]  }
0x25f: {  	[tilespmem:v9+s28+$0x0] =	vst.idx.add.f32.msk $0xffff, v1  }
0x260: {  	v8 =	vunpack.i.l.s16.s32 v5;
	[tilespmem:v4+s28+$0x0] =	vst.idx.add.f32.msk $0xffff, v1  }
.Ltmp7:
0x261: {  	v4 =	vunpack.i.u.s16.s32 v5;
	v6 =	vld [tilespmem:s16+$0x8490];
	(pc) =	sbr.rel @p1 .LBB2_8-.Ltmp7, $4  }
0x262: {  	[tilespmem:v2+s28+$0x0] =	vst.idx.add.f32.msk $0xffff, v1  }
0x263: {  	[tilespmem:v3+s28+$0x0] =	vst.idx.add.f32.msk $0xffff, v1;
	v2 =	vunpack.i.l.s16.s32 v7  }
0x264: {  	v3 =	vunpack.i.u.s16.s32 v7;
	v5 =	vld [tilespmem:s12+$0x84B0]  }
0x265: {  	s17 =	sadd.s32 $0x200, s17;
	[tilespmem:v8+s28+$0x0] =	vst.idx.add.f32.msk $0xffff, v1  }
0x266: {  	v7 =	vunpack.i.l.s16.s32 v6  }
0x267: {  	v45 =	vunpack.i.u.s16.s32 v6;
	_ =	sdelay $0x3  }
0x268: {  	[tilespmem:v7+s28+$0x0] =	vst.idx.add.f32.msk $0xffff, v1  }
0x269: {  	[tilespmem:v45+s28+$0x0] =	vst.idx.add.f32.msk $0xffff, v1  }
0x26a: {  	v6 =	vld [tilespmem:s16+$0x84A0];
	_ =	sdelay $0x4  }
0x26b: {  	v46 =	vunpack.i.l.s16.s32 v6  }
0x26c: {  	v6 =	vunpack.i.u.s16.s32 v6;
	_ =	sdelay $0x3  }
0x26d: {  	[tilespmem:v46+s28+$0x0] =	vst.idx.add.f32.msk $0xffff, v1  }
0x26e: {  	v47 =	vunpack.i.l.s16.s32 v5;
	[tilespmem:v6+s28+$0x0] =	vst.idx.add.f32.msk $0xffff, v1  }
0x26f: {  	v48 =	vunpack.i.u.s16.s32 v5;
	v6 =	vld [tilespmem:s16+$0x84B0];
	_ =	sdelay $0x3  }
0x270: {  	[tilespmem:v47+s28+$0x0] =	vst.idx.add.f32.msk $0xffff, v1  }
0x271: {  	[tilespmem:v48+s28+$0x0] =	vst.idx.add.f32.msk $0xffff, v1;
	v8 =	vunpack.i.l.s16.s32 v6  }
0x272: {  	v5 =	vld [tilespmem:s12+$0x84C0];
	v6 =	vunpack.i.u.s16.s32 v6;
	_ =	sdelay $0x3  }
0x273: {  	[tilespmem:v8+s28+$0x0] =	vst.idx.add.f32.msk $0xffff, v1  }
0x274: {  	v49 =	vunpack.i.l.s16.s32 v5;
	[tilespmem:v6+s28+$0x0] =	vst.idx.add.f32.msk $0xffff, v1  }
0x275: {  	v5 =	vunpack.i.u.s16.s32 v5;
	v6 =	vld [tilespmem:s16+$0x84C0];
	_ =	sdelay $0x3  }
0x276: {  	[tilespmem:v49+s28+$0x0] =	vst.idx.add.f32.msk $0xffff, v1  }
0x277: {  	[tilespmem:v5+s28+$0x0] =	vst.idx.add.f32.msk $0xffff, v1;
	v50 =	vunpack.i.l.s16.s32 v6  }
0x278: {  	v5 =	vld [tilespmem:s12+$0x84D0];
	v6 =	vunpack.i.u.s16.s32 v6;
	_ =	sdelay $0x1  }
0x279: {  	[tilespmem:v4+s28+$0x0] =	vst.idx.add.f32.msk $0xffff, v1  }
0x27a: {  	v51 =	vld [tilespmem:s11+$0x84D0]  }
0x27b: {  	[tilespmem:v50+s28+$0x0] =	vst.idx.add.f32.msk $0xffff, v1  }
0x27c: {  	v55 =	vunpack.i.l.s16.s32 v5;
	[tilespmem:v6+s28+$0x0] =	vst.idx.add.f32.msk $0xffff, v1  }
0x27d: {  	v5 =	vunpack.i.u.s16.s32 v5;
	v54 =	vld [tilespmem:s16+$0x84D0];
	_ =	sdelay $0x1  }
0x27e: {  	v52 =	vunpack.i.l.s16.s32 v51  }
0x27f: {  	[tilespmem:v2+s28+$0x0] =	vst.idx.add.f32.msk $0xffff, v1;
	v53 =	vunpack.i.u.s16.s32 v51  }
0x280: {  	[tilespmem:v55+s28+$0x0] =	vst.idx.add.f32.msk $0xffff, v1  }
0x281: {  	[tilespmem:v5+s28+$0x0] =	vst.idx.add.f32.msk $0xffff, v1;
	v56 =	vunpack.i.l.s16.s32 v54  }
0x282: {  	v5 =	vld [tilespmem:s12+$0x84E0];
	v7 =	vunpack.i.u.s16.s32 v54  }
0x283: {  	[tilespmem:v52+s28+$0x0] =	vst.idx.add.f32.msk $0xffff, v1  }
0x284: {  	[tilespmem:v53+s28+$0x0] =	vst.idx.add.f32.msk $0xffff, v1  }
0x285: {  	v6 =	vld [tilespmem:s11+$0x84E0]  }
0x286: {  	[tilespmem:v56+s28+$0x0] =	vst.idx.add.f32.msk $0xffff, v1  }
0x287: {  	v2 =	vunpack.i.l.s16.s32 v5;
	[tilespmem:v7+s28+$0x0] =	vst.idx.add.f32.msk $0xffff, v1  }
0x288: {  	v5 =	vunpack.i.u.s16.s32 v5;
	v7 =	vld [tilespmem:s16+$0x84E0];
	_ =	sdelay $0x1  }
0x289: {  	[tilespmem:v3+s28+$0x0] =	vst.idx.add.f32.msk $0xffff, v1;
	v57 =	vunpack.i.l.s16.s32 v6  }
0x28a: {  	v3 =	vld [tilespmem:s10+$0x84F0];
	v6 =	vunpack.i.u.s16.s32 v6  }
0x28b: {  	[tilespmem:v2+s28+$0x0] =	vst.idx.add.f32.msk $0xffff, v1  }
0x28c: {  	[tilespmem:v5+s28+$0x0] =	vst.idx.add.f32.msk $0xffff, v1;
	v58 =	vunpack.i.l.s16.s32 v7  }
0x28d: {  	v2 =	vld [tilespmem:s12+$0x84F0];
	v7 =	vunpack.i.u.s16.s32 v7  }
0x28e: {  	[tilespmem:v57+s28+$0x0] =	vst.idx.add.f32.msk $0xffff, v1  }
0x28f: {  	[tilespmem:v6+s28+$0x0] =	vst.idx.add.f32.msk $0xffff, v1  }
0x290: {  	v6 =	vld [tilespmem:s11+$0x84F0]  }
0x291: {  	[tilespmem:v58+s28+$0x0] =	vst.idx.add.f32.msk $0xffff, v1  }
0x292: {  	v59 =	vunpack.i.l.s16.s32 v3;
	[tilespmem:v7+s28+$0x0] =	vst.idx.add.f32.msk $0xffff, v1  }
0x293: {  	v3 =	vunpack.i.u.s16.s32 v3;
	v60 =	vld [tilespmem:s16+$0x84F0]  }
0x294: {  	v62 =	vunpack.i.l.s16.s32 v2  }
0x295: {  	v2 =	vunpack.i.u.s16.s32 v2  }
0x296: {  	v61 =	vunpack.i.l.s16.s32 v6  }
0x297: {  	[tilespmem:v59+s28+$0x0] =	vst.idx.add.f32.msk $0xffff, v1;
	v6 =	vunpack.i.u.s16.s32 v6  }
0x298: {  	[tilespmem:v3+s28+$0x0] =	vst.idx.add.f32.msk $0xffff, v1;
	v3 =	vunpack.i.l.s16.s32 v60  }
0x299: {  	[tilespmem:v62+s28+$0x0] =	vst.idx.add.f32.msk $0xffff, v1;
	v63 =	vunpack.i.u.s16.s32 v60  }
0x29a: {  	[tilespmem:v2+s28+$0x0] =	vst.idx.add.f32.msk $0xffff, v1  }
0x29b: {  	[tilespmem:v61+s28+$0x0] =	vst.idx.add.f32.msk $0xffff, v1  }
0x29c: {  	[tilespmem:v6+s28+$0x0] =	vst.idx.add.f32.msk $0xffff, v1  }
0x29d: {  	[tilespmem:v3+s28+$0x0] =	vst.idx.add.f32.msk $0xffff, v1  }
0x29e: {  	[tilespmem:v63+s28+$0x0] =	vst.idx.add.f32.msk $0xffff, v1  }
.LBB2_10:
0x29f: {  	s10 =	smul.u32 $0x3200, s0;
	_ =	sdelay $0x1  }
0x2a0: {  	s10 =	sadd.s32 s10, s14  }
0x2a1: {  	s11 =	sshrl.u32 s10, $0x4  }
0x2a2: {  	s10 =	sadd.s32 s5, s10;
	s11 =	sadd.s32 s4, s11  }
0x2a3: {  	[tilespmem:s18], [sflag:$0x2] =	stream.linear.gather [hbm4b:s11+s9], $0xC80, $0x38;
	[tilespmem:$0xC300] =	vst v63  }
0x2a4: {  	s10 =	sshrl.u32 s10, $0x4;
	s11 =	sadd.s32 $0x4E20, s11  }
0x2a5: {  	[tilespmem:s19], [sflag:$0x2] =	stream.linear.gather [hbm4b:s11+s9], $0xC80, $0x38;
	[tilespmem:$0xC300] =	vst v63  }
0x2a6: {  	s10 =	sadd.s32 s3, s10  }
0x2a7: {  	[tilespmem:s20], [sflag:$0x2] =	stream.linear.gather [hbm4b:s10+s9], $0xC80, $0x38;
	[tilespmem:$0xC300] =	vst v63  }
0x2a8: {  	_ =	swait.ge [sflag:s29], $0xC80  }
0x2a9: {  	[sflag:s29] =	ssyncset.done $0x0  }
0x2aa: {  	[sflag:s29] =	ssyncadd.s32 $0xFFFFF380  }
0x2ab: {  	_ =	swait.ge [sflag:s29], $0xC80  }
0x2ac: {  	[sflag:s29] =	ssyncset.done $0x0  }
0x2ad: {  	[sflag:s29] =	ssyncadd.s32 $0xFFFFF380  }
0x2ae: {  	_ =	swait.ge [sflag:s29], $0xC80  }
0x2af: {  	[sflag:s29] =	ssyncset.done $0x0  }
0x2b0: {  	s16 =	simm.s32 $0x0;
	[sflag:s29] =	ssyncadd.s32 $0xFFFFF380  }
0x2b1: {  	v2 =	vld [tilespmem:s16+$0x9D80];
	_ =	sdelay $0x4  }
0x2b2: {  	v3 =	vunpack.i.l.s16.s32 v2;
	_ =	sdelay $0x2  }
0x2b3: {  	v4 =	vld [tilespmem:s16+$0xAA00]  }
0x2b4: {  	v5 =	vld [tilespmem:s16+$0xB680]  }
0x2b5: {  	v3 =	vld.idx.msk [tilespmem:v3+s2+$0x0], $0xffff;
	_ =	sdelay $0x2  }
0x2b6: {  	v6 =	vunpack.i.l.s16.s32 v4  }
0x2b7: {  	v7 =	vunpack.i.l.bf16.f32 v5;
	v2 =	vunpack.i.u.s16.s32 v2  }
0x2b8: {  	v3 =	vadd.f32 v3, v7;
	_ =	sdelay $0x1  }
0x2b9: {  	v3 =	vmax.f32 v3, $0.0e+00  }
0x2ba: {  	[tilespmem:v6+s26+$0x0] =	vst.idx.add.f32.msk $0xffff, v3  }
0x2bb: {  	v2 =	vld.idx.msk [tilespmem:v2+s2+$0x0], $0xffff;
	_ =	sdelay $0x2  }
0x2bc: {  	v3 =	vunpack.i.u.s16.s32 v4  }
0x2bd: {  	v4 =	vunpack.i.u.bf16.f32 v5  }
0x2be: {  	v2 =	vadd.f32 v2, v4;
	_ =	sdelay $0x1  }
0x2bf: {  	v2 =	vmax.f32 v2, $0.0e+00  }
0x2c0: {  	[tilespmem:v3+s26+$0x0] =	vst.idx.add.f32.msk $0xffff, v2  }
0x2c1: {  	v2 =	vld [tilespmem:s16+$0x9D90];
	_ =	sdelay $0x4  }
0x2c2: {  	v3 =	vunpack.i.l.s16.s32 v2;
	_ =	sdelay $0x2  }
0x2c3: {  	v4 =	vld [tilespmem:s16+$0xAA10]  }
0x2c4: {  	v5 =	vld [tilespmem:s16+$0xB690]  }
0x2c5: {  	v3 =	vld.idx.msk [tilespmem:v3+s2+$0x0], $0xffff;
	_ =	sdelay $0x2  }
0x2c6: {  	v6 =	vunpack.i.l.s16.s32 v4  }
0x2c7: {  	v7 =	vunpack.i.l.bf16.f32 v5;
	v2 =	vunpack.i.u.s16.s32 v2  }
0x2c8: {  	v3 =	vadd.f32 v3, v7;
	_ =	sdelay $0x1  }
0x2c9: {  	v3 =	vmax.f32 v3, $0.0e+00  }
0x2ca: {  	[tilespmem:v6+s26+$0x0] =	vst.idx.add.f32.msk $0xffff, v3  }
0x2cb: {  	s9 =	simm.s32 $0x80;
	v2 =	vld.idx.msk [tilespmem:v2+s2+$0x0], $0xffff  }
0x2cc: {  	v3 =	vld [tilespmem:s9+$0x9D80];
	_ =	sdelay $0x1  }
0x2cd: {  	v4 =	vunpack.i.u.s16.s32 v4  }
0x2ce: {  	v5 =	vunpack.i.u.bf16.f32 v5  }
0x2cf: {  	v2 =	vadd.f32 v2, v5  }
0x2d0: {  	v5 =	vunpack.i.l.s16.s32 v3  }
0x2d1: {  	v6 =	vld [tilespmem:s9+$0xB680];
	v2 =	vmax.f32 v2, $0.0e+00  }
0x2d2: {  	[tilespmem:v4+s26+$0x0] =	vst.idx.add.f32.msk $0xffff, v2  }
0x2d3: {  	v4 =	vld [tilespmem:s9+$0xAA00]  }
0x2d4: {  	v2 =	vld [tilespmem:s16+$0x9DA0]  }
0x2d5: {  	v5 =	vld.idx.msk [tilespmem:v5+s2+$0x0], $0xffff;
	_ =	sdelay $0x2  }
0x2d6: {  	v8 =	vunpack.i.l.s16.s32 v4  }
0x2d7: {  	v9 =	vunpack.i.l.bf16.f32 v6;
	v7 =	vunpack.i.l.s16.s32 v2  }
0x2d8: {  	v3 =	vunpack.i.u.s16.s32 v3;
	v5 =	vadd.f32 v5, v9  }
0x2d9: {  	v10 =	vld [tilespmem:s16+$0xAA20]  }
0x2da: {  	v9 =	vld [tilespmem:s16+$0xB6A0];
	v5 =	vmax.f32 v5, $0.0e+00  }
0x2db: {  	[tilespmem:v8+s26+$0x0] =	vst.idx.add.f32.msk $0xffff, v5  }
0x2dc: {  	v7 =	vld.idx.msk [tilespmem:v7+s2+$0x0], $0xffff  }
0x2dd: {  	v3 =	vld.idx.msk [tilespmem:v3+s2+$0x0], $0xffff;
	_ =	sdelay $0x1  }
0x2de: {  	v5 =	vunpack.i.l.s16.s32 v10  }
0x2df: {  	v4 =	vunpack.i.u.s16.s32 v4;
	v8 =	vunpack.i.l.bf16.f32 v9  }
0x2e0: {  	v6 =	vunpack.i.u.bf16.f32 v6;
	v2 =	vunpack.i.u.s16.s32 v2;
	v7 =	vadd.f32 v7, v8  }
0x2e1: {  	v3 =	vadd.f32 v3, v6  }
0x2e2: {  	v7 =	vmax.f32 v7, $0.0e+00  }
0x2e3: {  	v3 =	vmax.f32 v3, $0.0e+00;
	[tilespmem:v5+s26+$0x0] =	vst.idx.add.f32.msk $0xffff, v7  }
0x2e4: {  	[tilespmem:v4+s26+$0x0] =	vst.idx.add.f32.msk $0xffff, v3  }
0x2e5: {  	v2 =	vld.idx.msk [tilespmem:v2+s2+$0x0], $0xffff  }
0x2e6: {  	v3 =	vld [tilespmem:s9+$0x9D90];
	_ =	sdelay $0x1  }
0x2e7: {  	v4 =	vunpack.i.u.s16.s32 v10  }
0x2e8: {  	v5 =	vunpack.i.u.bf16.f32 v9  }
0x2e9: {  	v2 =	vadd.f32 v2, v5  }
0x2ea: {  	v5 =	vunpack.i.l.s16.s32 v3  }
0x2eb: {  	v6 =	vld [tilespmem:s9+$0xB690];
	v2 =	vmax.f32 v2, $0.0e+00  }
0x2ec: {  	[tilespmem:v4+s26+$0x0] =	vst.idx.add.f32.msk $0xffff, v2  }
0x2ed: {  	v4 =	vld [tilespmem:s9+$0xAA10]  }
0x2ee: {  	v2 =	vld [tilespmem:s16+$0x9DB0]  }
0x2ef: {  	v5 =	vld.idx.msk [tilespmem:v5+s2+$0x0], $0xffff;
	_ =	sdelay $0x2  }
0x2f0: {  	v8 =	vunpack.i.l.s16.s32 v4  }
0x2f1: {  	v9 =	vunpack.i.l.bf16.f32 v6;
	v7 =	vunpack.i.l.s16.s32 v2  }
0x2f2: {  	v3 =	vunpack.i.u.s16.s32 v3;
	v5 =	vadd.f32 v5, v9  }
0x2f3: {  	v10 =	vld [tilespmem:s16+$0xAA30]  }
0x2f4: {  	v9 =	vld [tilespmem:s16+$0xB6B0];
	v5 =	vmax.f32 v5, $0.0e+00  }
0x2f5: {  	[tilespmem:v8+s26+$0x0] =	vst.idx.add.f32.msk $0xffff, v5  }
0x2f6: {  	v7 =	vld.idx.msk [tilespmem:v7+s2+$0x0], $0xffff  }
0x2f7: {  	v3 =	vld.idx.msk [tilespmem:v3+s2+$0x0], $0xffff;
	_ =	sdelay $0x1  }
0x2f8: {  	v5 =	vunpack.i.l.s16.s32 v10  }
0x2f9: {  	v4 =	vunpack.i.u.s16.s32 v4;
	v8 =	vunpack.i.l.bf16.f32 v9  }
0x2fa: {  	v6 =	vunpack.i.u.bf16.f32 v6;
	v2 =	vunpack.i.u.s16.s32 v2;
	v7 =	vadd.f32 v7, v8  }
0x2fb: {  	s10 =	simm.s32 $0x100;
	v3 =	vadd.f32 v3, v6  }
0x2fc: {  	v8 =	vld [tilespmem:s10+$0x9D80];
	v7 =	vmax.f32 v7, $0.0e+00  }
0x2fd: {  	v3 =	vmax.f32 v3, $0.0e+00;
	[tilespmem:v5+s26+$0x0] =	vst.idx.add.f32.msk $0xffff, v7  }
0x2fe: {  	[tilespmem:v4+s26+$0x0] =	vst.idx.add.f32.msk $0xffff, v3  }
0x2ff: {  	v2 =	vld.idx.msk [tilespmem:v2+s2+$0x0], $0xffff  }
0x300: {  	v3 =	vld [tilespmem:s9+$0x9DA0]  }
0x301: {  	v4 =	vunpack.i.l.s16.s32 v8;
	_ =	sdelay $0x2  }
0x302: {  	v9 =	vunpack.i.u.bf16.f32 v9;
	v6 =	vld [tilespmem:s10+$0xAA00];
	v5 =	vunpack.i.u.s16.s32 v10  }
0x303: {  	v7 =	vld [tilespmem:s10+$0xB680];
	v2 =	vadd.f32 v2, v9;
	v9 =	vunpack.i.l.s16.s32 v3  }
0x304: {  	v4 =	vld.idx.msk [tilespmem:v4+s2+$0x0], $0xffff  }
0x305: {  	v10 =	vld [tilespmem:s9+$0xAA20]  }
0x306: {  	v11 =	vld [tilespmem:s9+$0xB6A0];
	v2 =	vmax.f32 v2, $0.0e+00  }
0x307: {  	[tilespmem:v5+s26+$0x0] =	vst.idx.add.f32.msk $0xffff, v2;
	v2 =	vunpack.i.l.s16.s32 v6  }
0x308: {  	v8 =	vunpack.i.u.s16.s32 v8;
	v5 =	vunpack.i.l.bf16.f32 v7;
	v9 =	vld.idx.msk [tilespmem:v9+s2+$0x0], $0xffff  }
0x309: {  	v4 =	vadd.f32 v4, v5;
	v5 =	vld [tilespmem:s16+$0x9DC0];
	_ =	sdelay $0x1  }
0x30a: {  	v12 =	vunpack.i.l.s16.s32 v10;
	v4 =	vmax.f32 v4, $0.0e+00  }
0x30b: {  	v3 =	vunpack.i.u.s16.s32 v3;
	[tilespmem:v2+s26+$0x0] =	vst.idx.add.f32.msk $0xffff, v4;
	v2 =	vunpack.i.l.bf16.f32 v11  }
0x30c: {  	v4 =	vld.idx.msk [tilespmem:v8+s2+$0x0], $0xffff;
	v2 =	vadd.f32 v9, v2  }
0x30d: {  	v8 =	vunpack.i.l.s16.s32 v5  }
0x30e: {  	v9 =	vld [tilespmem:s16+$0xAA40];
	v2 =	vmax.f32 v2, $0.0e+00  }
0x30f: {  	v6 =	vunpack.i.u.s16.s32 v6;
	[tilespmem:v12+s26+$0x0] =	vst.idx.add.f32.msk $0xffff, v2  }
0x310: {  	v7 =	vunpack.i.u.bf16.f32 v7;
	v2 =	vld.idx.msk [tilespmem:v3+s2+$0x0], $0xffff  }
0x311: {  	v3 =	vadd.f32 v4, v7;
	v4 =	vld [tilespmem:s16+$0xB6C0]  }
0x312: {  	v7 =	vld.idx.msk [tilespmem:v8+s2+$0x0], $0xffff  }
0x313: {  	v8 =	vunpack.i.u.s16.s32 v10;
	v3 =	vmax.f32 v3, $0.0e+00  }
0x314: {  	[tilespmem:v6+s26+$0x0] =	vst.idx.add.f32.msk $0xffff, v3;
	v3 =	vunpack.i.u.bf16.f32 v11  }
0x315: {  	v6 =	vld [tilespmem:s10+$0x9D90];
	v2 =	vadd.f32 v2, v3  }
0x316: {  	v10 =	vunpack.i.l.s16.s32 v9;
	v3 =	vunpack.i.l.bf16.f32 v4  }
0x317: {  	v5 =	vunpack.i.u.s16.s32 v5;
	v3 =	vadd.f32 v7, v3;
	v2 =	vmax.f32 v2, $0.0e+00  }
0x318: {  	[tilespmem:v8+s26+$0x0] =	vst.idx.add.f32.msk $0xffff, v2  }
0x319: {  	v2 =	vmax.f32 v3, $0.0e+00;
	v3 =	vld [tilespmem:s9+$0x9DB0]  }
0x31a: {  	v7 =	vunpack.i.l.s16.s32 v6  }
0x31b: {  	[tilespmem:v10+s26+$0x0] =	vst.idx.add.f32.msk $0xffff, v2  }
0x31c: {  	v2 =	vld.idx.msk [tilespmem:v5+s2+$0x0], $0xffff  }
0x31d: {  	v5 =	vld [tilespmem:s10+$0xAA10]  }
0x31e: {  	v8 =	vld [tilespmem:s10+$0xB690];
	v10 =	vunpack.i.l.s16.s32 v3  }
0x31f: {  	v7 =	vld.idx.msk [tilespmem:v7+s2+$0x0], $0xffff  }
0x320: {  	v9 =	vunpack.i.u.s16.s32 v9  }
0x321: {  	v4 =	vunpack.i.u.bf16.f32 v4;
	v11 =	vld [tilespmem:s9+$0xAA30]  }
0x322: {  	v12 =	vunpack.i.l.s16.s32 v5;
	v2 =	vadd.f32 v2, v4;
	v4 =	vld [tilespmem:s9+$0xB6B0]  }
0x323: {  	v6 =	vunpack.i.u.s16.s32 v6;
	v13 =	vunpack.i.l.bf16.f32 v8;
	v10 =	vld.idx.msk [tilespmem:v10+s2+$0x0], $0xffff  }
0x324: {  	v2 =	vmax.f32 v2, $0.0e+00;
	v7 =	vadd.f32 v7, v13  }
0x325: {  	[tilespmem:v9+s26+$0x0] =	vst.idx.add.f32.msk $0xffff, v2  }
0x326: {  	v9 =	vld [tilespmem:s16+$0x9DD0];
	v2 =	vmax.f32 v7, $0.0e+00;
	v7 =	vunpack.i.l.s16.s32 v11  }
0x327: {  	[tilespmem:v12+s26+$0x0] =	vst.idx.add.f32.msk $0xffff, v2;
	v2 =	vunpack.i.l.bf16.f32 v4  }
0x328: {  	v3 =	vunpack.i.u.s16.s32 v3;
	v6 =	vld.idx.msk [tilespmem:v6+s2+$0x0], $0xffff;
	v2 =	vadd.f32 v10, v2;
	_ =	sdelay $0x1  }
0x329: {  	v2 =	vmax.f32 v2, $0.0e+00  }
0x32a: {  	s11 =	simm.s32 $0x180;
	v5 =	vunpack.i.u.s16.s32 v5;
	[tilespmem:v7+s26+$0x0] =	vst.idx.add.f32.msk $0xffff, v2  }
0x32b: {  	v2 =	vunpack.i.u.bf16.f32 v8;
	v7 =	vld [tilespmem:s11+$0x9D80]  }
0x32c: {  	v3 =	vld.idx.msk [tilespmem:v3+s2+$0x0], $0xffff;
	v2 =	vadd.f32 v6, v2;
	v6 =	vunpack.i.l.s16.s32 v9  }
0x32d: {  	v10 =	vld [tilespmem:s16+$0xB6D0]  }
0x32e: {  	v8 =	vld [tilespmem:s16+$0xAA50];
	v2 =	vmax.f32 v2, $0.0e+00  }
0x32f: {  	[tilespmem:v5+s26+$0x0] =	vst.idx.add.f32.msk $0xffff, v2;
	v2 =	vunpack.i.u.s16.s32 v11  }
0x330: {  	v4 =	vunpack.i.u.bf16.f32 v4;
	v11 =	vunpack.i.l.s16.s32 v7;
	v5 =	vld [tilespmem:s10+$0x9DA0]  }
0x331: {  	v3 =	vadd.f32 v3, v4;
	v6 =	vld.idx.msk [tilespmem:v6+s2+$0x0], $0xffff  }
0x332: {  	v12 =	vld [tilespmem:s11+$0xAA00]  }
0x333: {  	v4 =	vld [tilespmem:s11+$0xB680];
	v3 =	vmax.f32 v3, $0.0e+00  }
0x334: {  	[tilespmem:v2+s26+$0x0] =	vst.idx.add.f32.msk $0xffff, v3;
	v3 =	vunpack.i.l.s16.s32 v8  }
0x335: {  	v13 =	vunpack.i.l.bf16.f32 v10;
	v11 =	vld.idx.msk [tilespmem:v11+s2+$0x0], $0xffff;
	v2 =	vunpack.i.l.s16.s32 v5  }
0x336: {  	v15 =	vld [tilespmem:s10+$0xAA20];
	v6 =	vadd.f32 v6, v13  }
0x337: {  	v9 =	vunpack.i.u.s16.s32 v9;
	v14 =	vld [tilespmem:s9+$0x9DC0]  }
0x338: {  	v16 =	vunpack.i.l.s16.s32 v12;
	v13 =	vld [tilespmem:s10+$0xB6A0];
	v6 =	vmax.f32 v6, $0.0e+00  }
0x339: {  	v7 =	vunpack.i.u.s16.s32 v7;
	v17 =	vunpack.i.l.bf16.f32 v4;
	[tilespmem:v3+s26+$0x0] =	vst.idx.add.f32.msk $0xffff, v6  }
0x33a: {  	v3 =	vadd.f32 v11, v17;
	v2 =	vld.idx.msk [tilespmem:v2+s2+$0x0], $0xffff;
	_ =	sdelay $0x1  }
0x33b: {  	v6 =	vld.idx.msk [tilespmem:v9+s2+$0x0], $0xffff;
	v9 =	vunpack.i.l.s16.s32 v14;
	v3 =	vmax.f32 v3, $0.0e+00  }
0x33c: {  	v17 =	vunpack.i.l.s16.s32 v15;
	[tilespmem:v16+s26+$0x0] =	vst.idx.add.f32.msk $0xffff, v3  }
0x33d: {  	v18 =	vunpack.i.l.bf16.f32 v13;
	v3 =	vunpack.i.u.s16.s32 v5;
	v7 =	vld.idx.msk [tilespmem:v7+s2+$0x0], $0xffff  }
0x33e: {  	v11 =	vld [tilespmem:s9+$0xAA40];
	v5 =	vunpack.i.u.s16.s32 v8;
	v2 =	vadd.f32 v2, v18  }
0x33f: {  	v10 =	vunpack.i.u.bf16.f32 v10;
	v8 =	vld [tilespmem:s9+$0xB6C0]  }
0x340: {  	v6 =	vadd.f32 v6, v10;
	v9 =	vld.idx.msk [tilespmem:v9+s2+$0x0], $0xffff;
	v10 =	vunpack.i.u.s16.s32 v12;
	v2 =	vmax.f32 v2, $0.0e+00  }
0x341: {  	[tilespmem:v17+s26+$0x0] =	vst.idx.add.f32.msk $0xffff, v2;
	v2 =	vunpack.i.u.bf16.f32 v4  }
0x342: {  	v4 =	vmax.f32 v6, $0.0e+00;
	v3 =	vld.idx.msk [tilespmem:v3+s2+$0x0], $0xffff;
	v2 =	vadd.f32 v7, v2  }
0x343: {  	[tilespmem:v5+s26+$0x0] =	vst.idx.add.f32.msk $0xffff, v4;
	v4 =	vunpack.i.l.s16.s32 v11  }
0x344: {  	v6 =	vunpack.i.l.bf16.f32 v8;
	v7 =	vunpack.i.u.s16.s32 v14;
	v5 =	vld [tilespmem:s16+$0x9DE0];
	v2 =	vmax.f32 v2, $0.0e+00  }
0x345: {  	v6 =	vadd.f32 v9, v6;
	v9 =	vunpack.i.u.s16.s32 v15;
	[tilespmem:v10+s26+$0x0] =	vst.idx.add.f32.msk $0xffff, v2  }
0x346: {  	v2 =	vunpack.i.u.bf16.f32 v13;
	v10 =	vld [tilespmem:s11+$0x9D90]  }
0x347: {  	v12 =	vld [tilespmem:s11+$0xB690];
	v2 =	vadd.f32 v3, v2;
	v3 =	vmax.f32 v6, $0.0e+00  }
0x348: {  	[tilespmem:v4+s26+$0x0] =	vst.idx.add.f32.msk $0xffff, v3  }
0x349: {  	v2 =	vmax.f32 v2, $0.0e+00;
	v4 =	vld.idx.msk [tilespmem:v7+s2+$0x0], $0xffff  }
0x34a: {  	v3 =	vunpack.i.l.s16.s32 v5;
	[tilespmem:v9+s26+$0x0] =	vst.idx.add.f32.msk $0xffff, v2  }
0x34b: {  	v2 =	vld [tilespmem:s10+$0x9DB0]  }
0x34c: {  	v6 =	vld [tilespmem:s16+$0xB6E0];
	v7 =	vunpack.i.l.s16.s32 v10  }
0x34d: {  	v11 =	vunpack.i.u.s16.s32 v11;
	v9 =	vld [tilespmem:s16+$0xAA60]  }
0x34e: {  	v8 =	vunpack.i.u.bf16.f32 v8;
	v14 =	vld [tilespmem:s10+$0xB6B0]  }
0x34f: {  	v3 =	vld.idx.msk [tilespmem:v3+s2+$0x0], $0xffff;
	v4 =	vadd.f32 v4, v8  }
0x350: {  	v8 =	vld [tilespmem:s11+$0xAA10];
	v13 =	vunpack.i.l.s16.s32 v2  }
0x351: {  	v7 =	vld.idx.msk [tilespmem:v7+s2+$0x0], $0xffff;
	v4 =	vmax.f32 v4, $0.0e+00  }
0x352: {  	v15 =	vunpack.i.l.s16.s32 v9;
	[tilespmem:v11+s26+$0x0] =	vst.idx.add.f32.msk $0xffff, v4  }
0x353: {  	v5 =	vunpack.i.u.s16.s32 v5;
	v4 =	vunpack.i.l.bf16.f32 v6;
	v11 =	vld [tilespmem:s10+$0xAA30]  }
0x354: {  	v3 =	vadd.f32 v3, v4;
	v16 =	vld [tilespmem:s9+$0x9DD0]  }
0x355: {  	v4 =	vld.idx.msk [tilespmem:v13+s2+$0x0], $0xffff;
	v13 =	vunpack.i.l.s16.s32 v8  }
0x356: {  	v17 =	vunpack.i.l.bf16.f32 v12;
	v3 =	vmax.f32 v3, $0.0e+00  }
0x357: {  	v10 =	vunpack.i.u.s16.s32 v10;
	v7 =	vadd.f32 v7, v17;
	[tilespmem:v15+s26+$0x0] =	vst.idx.add.f32.msk $0xffff, v3  }
0x358: {  	v3 =	vld.idx.msk [tilespmem:v5+s2+$0x0], $0xffff;
	v5 =	vunpack.i.l.s16.s32 v11  }
0x359: {  	v2 =	vunpack.i.u.s16.s32 v2;
	v15 =	vunpack.i.l.bf16.f32 v14;
	v17 =	vld [tilespmem:s9+$0xAA50];
	v7 =	vmax.f32 v7, $0.0e+00  }
0x35a: {  	[tilespmem:v13+s26+$0x0] =	vst.idx.add.f32.msk $0xffff, v7;
	v4 =	vadd.f32 v4, v15;
	v7 =	vunpack.i.l.s16.s32 v16  }
0x35b: {  	v13 =	vld [tilespmem:s9+$0xB6D0]  }
0x35c: {  	v9 =	vunpack.i.u.s16.s32 v9;
	v10 =	vld.idx.msk [tilespmem:v10+s2+$0x0], $0xffff;
	v4 =	vmax.f32 v4, $0.0e+00  }
0x35d: {  	[tilespmem:v5+s26+$0x0] =	vst.idx.add.f32.msk $0xffff, v4;
	v4 =	vunpack.i.u.bf16.f32 v6  }
0x35e: {  	v2 =	vld.idx.msk [tilespmem:v2+s2+$0x0], $0xffff;
	v3 =	vadd.f32 v3, v4  }
0x35f: {  	s12 =	simm.s32 $0x200;
	v6 =	vld.idx.msk [tilespmem:v7+s2+$0x0], $0xffff  }
0x360: {  	v5 =	vunpack.i.u.s16.s32 v8;
	v7 =	vld [tilespmem:s12+$0x9D80];
	v3 =	vmax.f32 v3, $0.0e+00  }
0x361: {  	v4 =	vunpack.i.u.bf16.f32 v12;
	[tilespmem:v9+s26+$0x0] =	vst.idx.add.f32.msk $0xffff, v3  }
0x362: {  	v4 =	vadd.f32 v10, v4;
	v3 =	vld [tilespmem:s12+$0xB680]  }
0x363: {  	v9 =	vld [tilespmem:s12+$0xAA00]  }
0x364: {  	v8 =	vunpack.i.u.s16.s32 v11;
	v4 =	vmax.f32 v4, $0.0e+00;
	v19 =	vld [tilespmem:s16+$0xAA70]  }
0x365: {  	[tilespmem:v5+s26+$0x0] =	vst.idx.add.f32.msk $0xffff, v4;
	v4 =	vunpack.i.u.bf16.f32 v14  }
0x366: {  	v5 =	vld [tilespmem:s11+$0x9DA0];
	v2 =	vadd.f32 v2, v4;
	v4 =	vunpack.i.l.s16.s32 v7  }
0x367: {  	v21 =	vld [tilespmem:s16+$0xB6F0]  }
0x368: {  	v11 =	vunpack.i.l.s16.s32 v17;
	v10 =	vld [tilespmem:s11+$0xAA20];
	v2 =	vmax.f32 v2, $0.0e+00  }
0x369: {  	[tilespmem:v8+s26+$0x0] =	vst.idx.add.f32.msk $0xffff, v2;
	v2 =	vunpack.i.u.s16.s32 v16;
	v8 =	vunpack.i.l.bf16.f32 v13  }
0x36a: {  	v6 =	vadd.f32 v6, v8;
	v14 =	vld [tilespmem:s10+$0x9DC0]  }
0x36b: {  	v8 =	vunpack.i.l.s16.s32 v5;
	v4 =	vld.idx.msk [tilespmem:v4+s2+$0x0], $0xffff  }
0x36c: {  	v12 =	vld [tilespmem:s11+$0xB6A0];
	v6 =	vmax.f32 v6, $0.0e+00  }
0x36d: {  	[tilespmem:v11+s26+$0x0] =	vst.idx.add.f32.msk $0xffff, v6  }
0x36e: {  	v11 =	vunpack.i.l.s16.s32 v9;
	v2 =	vld.idx.msk [tilespmem:v2+s2+$0x0], $0xffff  }
0x36f: {  	v7 =	vunpack.i.u.s16.s32 v7;
	v15 =	vunpack.i.l.bf16.f32 v3;
	v16 =	vld [tilespmem:s16+$0x9DF0]  }
0x370: {  	v8 =	vld.idx.msk [tilespmem:v8+s2+$0x0], $0xffff;
	v4 =	vadd.f32 v4, v15;
	v15 =	vunpack.i.l.s16.s32 v14  }
0x371: {  	v17 =	vunpack.i.u.s16.s32 v17;
	v18 =	vld [tilespmem:s10+$0xB6C0]  }
0x372: {  	v13 =	vunpack.i.u.bf16.f32 v13;
	v6 =	vld [tilespmem:s10+$0xAA40];
	v4 =	vmax.f32 v4, $0.0e+00  }
0x373: {  	v20 =	vunpack.i.l.s16.s32 v10;
	v2 =	vadd.f32 v2, v13;
	[tilespmem:v11+s26+$0x0] =	vst.idx.add.f32.msk $0xffff, v4  }
0x374: {  	v13 =	vunpack.i.l.bf16.f32 v12;
	v4 =	vunpack.i.u.s16.s32 v5;
	v5 =	vld.idx.msk [tilespmem:v7+s2+$0x0], $0xffff  }
0x375: {  	v11 =	vunpack.i.l.s16.s32 v16;
	v7 =	vadd.f32 v8, v13;
	v8 =	vld.idx.msk [tilespmem:v15+s2+$0x0], $0xffff;
	v2 =	vmax.f32 v2, $0.0e+00  }
0x376: {  	[tilespmem:v17+s26+$0x0] =	vst.idx.add.f32.msk $0xffff, v2  }
0x377: {  	v7 =	vmax.f32 v7, $0.0e+00;
	v15 =	vld [tilespmem:s9+$0x9DE0]  }
0x378: {  	[tilespmem:v20+s26+$0x0] =	vst.idx.add.f32.msk $0xffff, v7;
	v7 =	vunpack.i.u.s16.s32 v9  }
0x379: {  	v2 =	vunpack.i.u.bf16.f32 v3;
	v4 =	vld.idx.msk [tilespmem:v4+s2+$0x0], $0xffff  }
0x37a: {  	v11 =	vld.idx.msk [tilespmem:v11+s2+$0x0], $0xffff;
	v3 =	vadd.f32 v5, v2;
	v5 =	vunpack.i.l.s16.s32 v6  }
0x37b: {  	v13 =	vunpack.i.u.s16.s32 v14;
	v9 =	vunpack.i.l.bf16.f32 v18;
	v2 =	vld [tilespmem:s9+$0xB6E0]  }
0x37c: {  	v8 =	vadd.f32 v8, v9;
	v9 =	vmax.f32 v3, $0.0e+00;
	v3 =	vld [tilespmem:s9+$0xAA60]  }
0x37d: {  	v10 =	vunpack.i.u.s16.s32 v10;
	[tilespmem:v7+s26+$0x0] =	vst.idx.add.f32.msk $0xffff, v9;
	v7 =	vunpack.i.u.bf16.f32 v12  }
0x37e: {  	v14 =	vld [tilespmem:s12+$0x9D90];
	v4 =	vadd.f32 v4, v7;
	v7 =	vmax.f32 v8, $0.0e+00  }
0x37f: {  	[tilespmem:v5+s26+$0x0] =	vst.idx.add.f32.msk $0xffff, v7  }
0x380: {  	v5 =	vunpack.i.l.s16.s32 v19;
	v7 =	vld.idx.msk [tilespmem:v13+s2+$0x0], $0xffff  }
0x381: {  	v12 =	vunpack.i.l.bf16.f32 v21;
	v8 =	vunpack.i.l.s16.s32 v15;
	v4 =	vmax.f32 v4, $0.0e+00;
	v13 =	vld [tilespmem:s12+$0xAA10]  }
0x382: {  	v9 =	vunpack.i.u.s16.s32 v16;
	[tilespmem:v10+s26+$0x0] =	vst.idx.add.f32.msk $0xffff, v4;
	v4 =	vadd.f32 v11, v12  }
0x383: {  	v11 =	vld [tilespmem:s11+$0x9DB0]  }
0x384: {  	v12 =	vld [tilespmem:s12+$0xB690];
	v10 =	vunpack.i.l.s16.s32 v14;
	v4 =	vmax.f32 v4, $0.0e+00  }
0x385: {  	[tilespmem:v5+s26+$0x0] =	vst.idx.add.f32.msk $0xffff, v4;
	v4 =	vunpack.i.u.s16.s32 v6  }
0x386: {  	v8 =	vld.idx.msk [tilespmem:v8+s2+$0x0], $0xffff;
	v6 =	vunpack.i.u.bf16.f32 v18  }
0x387: {  	v5 =	vld.idx.msk [tilespmem:v9+s2+$0x0], $0xffff;
	v6 =	vadd.f32 v7, v6  }
0x388: {  	v9 =	vld [tilespmem:s11+$0xB6B0];
	v7 =	vunpack.i.l.s16.s32 v11  }
0x389: {  	v17 =	vunpack.i.l.s16.s32 v3;
	v6 =	vmax.f32 v6, $0.0e+00;
	v16 =	vld.idx.msk [tilespmem:v10+s2+$0x0], $0xffff  }
0x38a: {  	v10 =	vunpack.i.l.bf16.f32 v2;
	[tilespmem:v4+s26+$0x0] =	vst.idx.add.f32.msk $0xffff, v6;
	v4 =	vunpack.i.u.s16.s32 v15  }
0x38b: {  	v6 =	vadd.f32 v8, v10;
	v10 =	vld [tilespmem:s11+$0xAA30]  }
0x38c: {  	v8 =	vld [tilespmem:s10+$0x9DD0]  }
0x38d: {  	v6 =	vmax.f32 v6, $0.0e+00;
	v18 =	vld.idx.msk [tilespmem:v7+s2+$0x0], $0xffff  }
0x38e: {  	v15 =	vunpack.i.l.s16.s32 v13;
	v7 =	vunpack.i.l.bf16.f32 v12;
	[tilespmem:v17+s26+$0x0] =	vst.idx.add.f32.msk $0xffff, v6  }
0x38f: {  	v63 =	vunpack.i.u.s16.s32 v14;
	v14 =	vadd.f32 v16, v7;
	v7 =	vld.idx.msk [tilespmem:v4+s2+$0x0], $0xffff;
	v4 =	vunpack.i.u.bf16.f32 v21  }
0x390: {  	v5 =	vadd.f32 v5, v4;
	v4 =	vunpack.i.u.s16.s32 v19;
	_ =	sdelay $0x1  }
0x391: {  	v6 =	vld [tilespmem:s10+$0xAA50];
	v17 =	vmax.f32 v14, $0.0e+00;
	v14 =	vunpack.i.l.s16.s32 v10  }
0x392: {  	v16 =	vunpack.i.l.bf16.f32 v9;
	[tilespmem:v15+s26+$0x0] =	vst.idx.add.f32.msk $0xffff, v17;
	v15 =	vunpack.i.u.s16.s32 v11  }
0x393: {  	s16 =	simm.s32 $0xA00;
	v11 =	vunpack.i.l.s16.s32 v8;
	v17 =	vld.idx.msk [tilespmem:v63+s2+$0x0], $0xffff;
	v16 =	vadd.f32 v18, v16;
	v5 =	vmax.f32 v5, $0.0e+00  }
.LBB2_11:
0x394: {  	s17 =	sshra.s32 s16, $0x2;
	p1 =	sne.s32 s16, $0x3000;
	s16 =	sadd.s32 $0x200, s16;
	[tilespmem:v4+s26+$0x0] =	vst.idx.add.f32.msk $0xffff, v5  }
0x395: {  	v3 =	vunpack.i.u.s16.s32 v3;
	v4 =	vmax.f32 v16, $0.0e+00;
	v5 =	vld [tilespmem:s10+$0xB6D0]  }
0x396: {  	v2 =	vunpack.i.u.bf16.f32 v2;
	[tilespmem:v14+s26+$0x0] =	vst.idx.add.f32.msk $0xffff, v4  }
0x397: {  	v2 =	vadd.f32 v7, v2;
	v4 =	vunpack.i.u.s16.s32 v13;
	v13 =	vld.idx.msk [tilespmem:v15+s2+$0x0], $0xffff  }
0x398: {  	v7 =	vunpack.i.u.bf16.f32 v12;
	v11 =	vld.idx.msk [tilespmem:v11+s2+$0x0], $0xffff  }
0x399: {  	v2 =	vmax.f32 v2, $0.0e+00;
	v7 =	vadd.f32 v17, v7;
	v12 =	vld [tilespmem:s17+$0x9D80]  }
0x39a: {  	[tilespmem:v3+s26+$0x0] =	vst.idx.add.f32.msk $0xffff, v2  }
0x39b: {  	v3 =	vmax.f32 v7, $0.0e+00;
	v7 =	vunpack.i.u.s16.s32 v10;
	v2 =	vld [tilespmem:s17+$0xB680]  }
0x39c: {  	[tilespmem:v4+s26+$0x0] =	vst.idx.add.f32.msk $0xffff, v3;
	v3 =	vunpack.i.u.bf16.f32 v9  }
0x39d: {  	v4 =	vld [tilespmem:s12+$0x9DA0];
	v3 =	vadd.f32 v13, v3  }
0x39e: {  	v9 =	vunpack.i.l.s16.s32 v12;
	v10 =	vld [tilespmem:s17+$0xAA00]  }
0x39f: {  	v14 =	vunpack.i.l.s16.s32 v6;
	v13 =	vld [tilespmem:s12+$0xAA20];
	v3 =	vmax.f32 v3, $0.0e+00  }
0x3a0: {  	v15 =	vunpack.i.l.bf16.f32 v2;
	[tilespmem:v7+s26+$0x0] =	vst.idx.add.f32.msk $0xffff, v3;
	v3 =	vunpack.i.u.s16.s32 v8;
	v7 =	vunpack.i.l.bf16.f32 v5  }
0x3a1: {  	v8 =	vld [tilespmem:s12+$0xB6A0];
	v7 =	vadd.f32 v11, v7  }
0x3a2: {  	v11 =	vunpack.i.l.s16.s32 v4;
	v16 =	vld [tilespmem:s11+$0x9DC0]  }
0x3a3: {  	v17 =	vunpack.i.l.s16.s32 v10;
	v9 =	vld.idx.msk [tilespmem:v9+s2+$0x0], $0xffff;
	v7 =	vmax.f32 v7, $0.0e+00  }
0x3a4: {  	[tilespmem:v14+s26+$0x0] =	vst.idx.add.f32.msk $0xffff, v7  }
0x3a5: {  	v3 =	vld.idx.msk [tilespmem:v3+s2+$0x0], $0xffff  }
0x3a6: {  	v7 =	vunpack.i.l.bf16.f32 v8;
	v14 =	vld [tilespmem:s11+$0xAA40]  }
0x3a7: {  	v11 =	vld.idx.msk [tilespmem:v11+s2+$0x0], $0xffff  }
0x3a8: {  	v12 =	vunpack.i.u.s16.s32 v12;
	v18 =	vld [tilespmem:s9+$0x9DF0]  }
0x3a9: {  	v9 =	vadd.f32 v9, v15;
	v15 =	vunpack.i.l.s16.s32 v16;
	v19 =	vld [tilespmem:s11+$0xB6C0]  }
0x3aa: {  	v6 =	vunpack.i.u.s16.s32 v6;
	v5 =	vunpack.i.u.bf16.f32 v5;
	v20 =	vld [tilespmem:s9+$0xAA70]  }
0x3ab: {  	v21 =	vunpack.i.l.s16.s32 v13;
	v9 =	vmax.f32 v9, $0.0e+00;
	v3 =	vadd.f32 v3, v5;
	v5 =	vld [tilespmem:s9+$0xB6F0];
	s9 =	smov.u32 s10;
	s10 =	smov.u32 s11;
	s11 =	smov.u32 s12  }
0x3ac: {  	v4 =	vunpack.i.u.s16.s32 v4;
	s12 =	smov.u32 s17;
	[tilespmem:v17+s26+$0x0] =	vst.idx.add.f32.msk $0xffff, v9  }
0x3ad: {  	v9 =	vunpack.i.u.s16.s32 v10;
	v7 =	vadd.f32 v11, v7;
	v10 =	vld.idx.msk [tilespmem:v12+s2+$0x0], $0xffff  }
0x3ae: {  	v2 =	vunpack.i.u.bf16.f32 v2;
	v3 =	vmax.f32 v3, $0.0e+00;
	v11 =	vld.idx.msk [tilespmem:v15+s2+$0x0], $0xffff  }
0x3af: {  	v7 =	vmax.f32 v7, $0.0e+00;
	[tilespmem:v6+s26+$0x0] =	vst.idx.add.f32.msk $0xffff, v3;
	v3 =	vunpack.i.l.s16.s32 v18  }
0x3b0: {  	[tilespmem:v21+s26+$0x0] =	vst.idx.add.f32.msk $0xffff, v7  }
0x3b1: {  	v4 =	vld.idx.msk [tilespmem:v4+s2+$0x0], $0xffff  }
0x3b2: {  	v6 =	vld [tilespmem:s9+$0x9DE0]  }
0x3b3: {  	v12 =	vunpack.i.l.bf16.f32 v19;
	v7 =	vadd.f32 v10, v2;
	v10 =	vunpack.i.l.s16.s32 v14;
	v2 =	vld [tilespmem:s9+$0xB6E0]  }
0x3b4: {  	v15 =	vunpack.i.u.s16.s32 v16;
	v11 =	vadd.f32 v11, v12;
	v12 =	vld.idx.msk [tilespmem:v3+s2+$0x0], $0xffff  }
0x3b5: {  	v13 =	vunpack.i.u.s16.s32 v13;
	v7 =	vmax.f32 v7, $0.0e+00;
	v3 =	vld [tilespmem:s9+$0xAA60]  }
0x3b6: {  	[tilespmem:v9+s26+$0x0] =	vst.idx.add.f32.msk $0xffff, v7;
	v7 =	vunpack.i.u.bf16.f32 v8  }
0x3b7: {  	v8 =	vld [tilespmem:s12+$0x9D90];
	v4 =	vadd.f32 v4, v7;
	v7 =	vmax.f32 v11, $0.0e+00;
	v9 =	vunpack.i.l.s16.s32 v6  }
0x3b8: {  	[tilespmem:v10+s26+$0x0] =	vst.idx.add.f32.msk $0xffff, v7;
	v7 =	vunpack.i.l.s16.s32 v20  }
0x3b9: {  	v11 =	vunpack.i.u.s16.s32 v18;
	v4 =	vmax.f32 v4, $0.0e+00;
	v10 =	vld.idx.msk [tilespmem:v15+s2+$0x0], $0xffff;
	v15 =	vunpack.i.l.bf16.f32 v5  }
0x3ba: {  	[tilespmem:v13+s26+$0x0] =	vst.idx.add.f32.msk $0xffff, v4;
	v4 =	vadd.f32 v12, v15  }
0x3bb: {  	v15 =	vld [tilespmem:s11+$0x9DB0]  }
0x3bc: {  	v16 =	vunpack.i.l.s16.s32 v8;
	v17 =	vld.idx.msk [tilespmem:v9+s2+$0x0], $0xffff;
	v4 =	vmax.f32 v4, $0.0e+00  }
0x3bd: {  	[tilespmem:v7+s26+$0x0] =	vst.idx.add.f32.msk $0xffff, v4  }
0x3be: {  	v4 =	vunpack.i.u.s16.s32 v14;
	v7 =	vunpack.i.u.bf16.f32 v19;
	v11 =	vld.idx.msk [tilespmem:v11+s2+$0x0], $0xffff  }
0x3bf: {  	v7 =	vadd.f32 v10, v7;
	v12 =	vld [tilespmem:s12+$0xB690]  }
0x3c0: {  	v13 =	vld [tilespmem:s12+$0xAA10];
	v14 =	vunpack.i.l.s16.s32 v15  }
0x3c1: {  	v10 =	vunpack.i.l.bf16.f32 v2;
	v16 =	vld.idx.msk [tilespmem:v16+s2+$0x0], $0xffff  }
0x3c2: {  	v18 =	vunpack.i.l.s16.s32 v3;
	v7 =	vmax.f32 v7, $0.0e+00;
	v17 =	vadd.f32 v17, v10;
	v9 =	vld [tilespmem:s11+$0xB6B0]  }
0x3c3: {  	v6 =	vunpack.i.u.s16.s32 v6;
	[tilespmem:v4+s26+$0x0] =	vst.idx.add.f32.msk $0xffff, v7  }
0x3c4: {  	v10 =	vld [tilespmem:s11+$0xAA30]  }
0x3c5: {  	v4 =	vunpack.i.l.bf16.f32 v12;
	v19 =	vunpack.i.l.s16.s32 v13;
	v21 =	vld.idx.msk [tilespmem:v14+s2+$0x0], $0xffff  }
0x3c6: {  	v22 =	vunpack.i.u.s16.s32 v8;
	v7 =	vmax.f32 v17, $0.0e+00;
	v8 =	vld [tilespmem:s10+$0x9DD0]  }
.Ltmp8:
0x3c7: {  	v14 =	vadd.f32 v16, v4;
	v4 =	vunpack.i.u.s16.s32 v20;
	v16 =	vunpack.i.l.bf16.f32 v9;
	[tilespmem:v18+s26+$0x0] =	vst.idx.add.f32.msk $0xffff, v7;
	(pc) =	sbr.rel @p1 .LBB2_11-.Ltmp8, $4  }
0x3c8: {  	v5 =	vunpack.i.u.bf16.f32 v5;
	v7 =	vld.idx.msk [tilespmem:v6+s2+$0x0], $0xffff  }
0x3c9: {  	v5 =	vadd.f32 v11, v5;
	v17 =	vmax.f32 v14, $0.0e+00;
	v14 =	vunpack.i.l.s16.s32 v10;
	v6 =	vld [tilespmem:s10+$0xAA50]  }
0x3ca: {  	v15 =	vunpack.i.u.s16.s32 v15;
	[tilespmem:v19+s26+$0x0] =	vst.idx.add.f32.msk $0xffff, v17  }
0x3cb: {  	v5 =	vmax.f32 v5, $0.0e+00;
	v16 =	vadd.f32 v21, v16;
	v17 =	vld.idx.msk [tilespmem:v22+s2+$0x0], $0xffff;
	v11 =	vunpack.i.l.s16.s32 v8  }
0x3cc: {  	_ =	sdelay $0x1  }
0x3cd: {  	v13 =	vunpack.i.u.s16.s32 v13  }
0x3ce: {  	v12 =	vunpack.i.u.bf16.f32 v12  }
0x3cf: {  	v12 =	vadd.f32 v17, v12;
	_ =	sdelay $0x1  }
0x3d0: {  	v12 =	vmax.f32 v12, $0.0e+00  }
0x3d1: {  	[tilespmem:v13+s26+$0x0] =	vst.idx.add.f32.msk $0xffff, v12  }
0x3d2: {  	v12 =	vld [tilespmem:s12+$0x9DA0];
	_ =	sdelay $0x4  }
0x3d3: {  	v61 =	vunpack.i.l.s16.s32 v12;
	_ =	sdelay $0x2  }
0x3d4: {  	v62 =	vld [tilespmem:s12+$0xAA20]  }
0x3d5: {  	v18 =	vld [tilespmem:s12+$0xB6A0]  }
0x3d6: {  	v13 =	vld.idx.msk [tilespmem:v61+s2+$0x0], $0xffff;
	_ =	sdelay $0x2  }
0x3d7: {  	v19 =	vunpack.i.l.s16.s32 v62  }
0x3d8: {  	v20 =	vunpack.i.l.bf16.f32 v18;
	v12 =	vunpack.i.u.s16.s32 v12  }
0x3d9: {  	v13 =	vadd.f32 v13, v20;
	_ =	sdelay $0x1  }
0x3da: {  	v13 =	vmax.f32 v13, $0.0e+00  }
0x3db: {  	[tilespmem:v19+s26+$0x0] =	vst.idx.add.f32.msk $0xffff, v13  }
0x3dc: {  	v12 =	vld.idx.msk [tilespmem:v12+s2+$0x0], $0xffff;
	_ =	sdelay $0x2  }
0x3dd: {  	v63 =	vunpack.i.u.s16.s32 v62  }
0x3de: {  	v20 =	vunpack.i.u.bf16.f32 v18  }
0x3df: {  	v12 =	vadd.f32 v12, v20;
	_ =	sdelay $0x1  }
0x3e0: {  	v12 =	vmax.f32 v12, $0.0e+00  }
0x3e1: {  	[tilespmem:v63+s26+$0x0] =	vst.idx.add.f32.msk $0xffff, v12  }
0x3e2: {  	v12 =	vld [tilespmem:s12+$0x9DB0];
	_ =	sdelay $0x4  }
0x3e3: {  	v21 =	vunpack.i.l.s16.s32 v12;
	_ =	sdelay $0x2  }
0x3e4: {  	v22 =	vld [tilespmem:s12+$0xAA30]  }
0x3e5: {  	v23 =	vld [tilespmem:s12+$0xB6B0]  }
0x3e6: {  	v13 =	vld.idx.msk [tilespmem:v21+s2+$0x0], $0xffff;
	_ =	sdelay $0x2  }
0x3e7: {  	v16 =	vmax.f32 v16, $0.0e+00;
	v24 =	vunpack.i.l.s16.s32 v22  }
0x3e8: {  	[tilespmem:v14+s26+$0x0] =	vst.idx.add.f32.msk $0xffff, v16;
	v25 =	vunpack.i.l.bf16.f32 v23;
	v12 =	vunpack.i.u.s16.s32 v12  }
0x3e9: {  	v15 =	vld.idx.msk [tilespmem:v15+s2+$0x0], $0xffff;
	v13 =	vadd.f32 v13, v25;
	_ =	sdelay $0x1  }
0x3ea: {  	v13 =	vmax.f32 v13, $0.0e+00  }
0x3eb: {  	v10 =	vunpack.i.u.s16.s32 v10;
	[tilespmem:v24+s26+$0x0] =	vst.idx.add.f32.msk $0xffff, v13  }
0x3ec: {  	v9 =	vunpack.i.u.bf16.f32 v9;
	v12 =	vld.idx.msk [tilespmem:v12+s2+$0x0], $0xffff  }
0x3ed: {  	v9 =	vadd.f32 v15, v9;
	_ =	sdelay $0x1  }
0x3ee: {  	v9 =	vmax.f32 v9, $0.0e+00;
	v26 =	vunpack.i.u.s16.s32 v22  }
0x3ef: {  	[tilespmem:v10+s26+$0x0] =	vst.idx.add.f32.msk $0xffff, v9;
	v27 =	vunpack.i.u.bf16.f32 v23  }
0x3f0: {  	v10 =	vld [tilespmem:s11+$0x9DC0];
	v9 =	vadd.f32 v12, v27;
	_ =	sdelay $0x1  }
0x3f1: {  	v9 =	vmax.f32 v9, $0.0e+00  }
0x3f2: {  	[tilespmem:v26+s26+$0x0] =	vst.idx.add.f32.msk $0xffff, v9  }
0x3f3: {  	v9 =	vld [tilespmem:s12+$0x9DC0]  }
0x3f4: {  	v28 =	vunpack.i.l.s16.s32 v10;
	_ =	sdelay $0x2  }
0x3f5: {  	v29 =	vld [tilespmem:s11+$0xAA40]  }
0x3f6: {  	v30 =	vld [tilespmem:s11+$0xB6C0];
	v31 =	vunpack.i.l.s16.s32 v9  }
0x3f7: {  	v12 =	vld.idx.msk [tilespmem:v28+s2+$0x0], $0xffff;
	_ =	sdelay $0x1  }
0x3f8: {  	v32 =	vld [tilespmem:s12+$0xAA40]  }
0x3f9: {  	v33 =	vunpack.i.l.s16.s32 v29;
	v34 =	vld [tilespmem:s12+$0xB6C0]  }
0x3fa: {  	v35 =	vunpack.i.l.bf16.f32 v30;
	v10 =	vunpack.i.u.s16.s32 v10;
	v15 =	vld.idx.msk [tilespmem:v31+s2+$0x0], $0xffff  }
0x3fb: {  	v12 =	vadd.f32 v12, v35;
	_ =	sdelay $0x1  }
0x3fc: {  	v12 =	vmax.f32 v12, $0.0e+00;
	v36 =	vunpack.i.l.s16.s32 v32  }
0x3fd: {  	[tilespmem:v33+s26+$0x0] =	vst.idx.add.f32.msk $0xffff, v12;
	v37 =	vunpack.i.l.bf16.f32 v34;
	v9 =	vunpack.i.u.s16.s32 v9  }
0x3fe: {  	v10 =	vld.idx.msk [tilespmem:v10+s2+$0x0], $0xffff;
	v12 =	vadd.f32 v15, v37;
	_ =	sdelay $0x1  }
0x3ff: {  	v12 =	vmax.f32 v12, $0.0e+00  }
0x400: {  	v13 =	vunpack.i.u.s16.s32 v29;
	[tilespmem:v36+s26+$0x0] =	vst.idx.add.f32.msk $0xffff, v12  }
0x401: {  	v38 =	vunpack.i.u.bf16.f32 v30;
	v9 =	vld.idx.msk [tilespmem:v9+s2+$0x0], $0xffff  }
0x402: {  	v10 =	vadd.f32 v10, v38;
	_ =	sdelay $0x1  }
0x403: {  	v39 =	vunpack.i.u.s16.s32 v32;
	v10 =	vmax.f32 v10, $0.0e+00  }
0x404: {  	v40 =	vunpack.i.u.bf16.f32 v34;
	[tilespmem:v13+s26+$0x0] =	vst.idx.add.f32.msk $0xffff, v10  }
0x405: {  	v13 =	vld [tilespmem:s11+$0x9DD0];
	v9 =	vadd.f32 v9, v40;
	_ =	sdelay $0x1  }
0x406: {  	v9 =	vmax.f32 v9, $0.0e+00  }
0x407: {  	[tilespmem:v39+s26+$0x0] =	vst.idx.add.f32.msk $0xffff, v9  }
0x408: {  	v9 =	vld [tilespmem:s12+$0x9DD0]  }
0x409: {  	v41 =	vunpack.i.l.s16.s32 v13  }
0x40a: {  	v42 =	vld [tilespmem:s10+$0xB6D0]  }
0x40b: {  	v11 =	vld.idx.msk [tilespmem:v11+s2+$0x0], $0xffff  }
0x40c: {  	v43 =	vld [tilespmem:s11+$0xAA50]  }
0x40d: {  	v44 =	vld [tilespmem:s11+$0xB6D0];
	v45 =	vunpack.i.l.s16.s32 v9  }
0x40e: {  	v46 =	vunpack.i.l.s16.s32 v6;
	v10 =	vld.idx.msk [tilespmem:v41+s2+$0x0], $0xffff  }
0x40f: {  	v8 =	vunpack.i.u.s16.s32 v8;
	v47 =	vunpack.i.l.bf16.f32 v42  }
0x410: {  	v11 =	vadd.f32 v11, v47;
	v48 =	vld [tilespmem:s12+$0xAA50]  }
0x411: {  	v49 =	vunpack.i.l.s16.s32 v43;
	v50 =	vld [tilespmem:s12+$0xB6D0]  }
0x412: {  	v11 =	vmax.f32 v11, $0.0e+00;
	v13 =	vunpack.i.u.s16.s32 v13;
	v21 =	vunpack.i.l.bf16.f32 v44;
	v16 =	vld.idx.msk [tilespmem:v45+s2+$0x0], $0xffff  }
0x413: {  	[tilespmem:v46+s26+$0x0] =	vst.idx.add.f32.msk $0xffff, v11;
	v10 =	vadd.f32 v10, v21  }
0x414: {  	v8 =	vld.idx.msk [tilespmem:v8+s2+$0x0], $0xffff  }
0x415: {  	v10 =	vmax.f32 v10, $0.0e+00;
	v51 =	vunpack.i.l.s16.s32 v48  }
0x416: {  	[tilespmem:v49+s26+$0x0] =	vst.idx.add.f32.msk $0xffff, v10;
	v9 =	vunpack.i.u.s16.s32 v9;
	v52 =	vunpack.i.l.bf16.f32 v50  }
0x417: {  	v53 =	vunpack.i.u.s16.s32 v6;
	v13 =	vld.idx.msk [tilespmem:v13+s2+$0x0], $0xffff;
	v10 =	vadd.f32 v16, v52  }
0x418: {  	v12 =	vunpack.i.u.bf16.f32 v42  }
0x419: {  	v8 =	vadd.f32 v8, v12;
	v10 =	vmax.f32 v10, $0.0e+00  }
0x41a: {  	v54 =	vunpack.i.u.s16.s32 v43;
	[tilespmem:v51+s26+$0x0] =	vst.idx.add.f32.msk $0xffff, v10  }
0x41b: {  	v55 =	vunpack.i.u.bf16.f32 v44;
	v8 =	vmax.f32 v8, $0.0e+00;
	v9 =	vld.idx.msk [tilespmem:v9+s2+$0x0], $0xffff  }
0x41c: {  	[tilespmem:v53+s26+$0x0] =	vst.idx.add.f32.msk $0xffff, v8;
	v56 =	vadd.f32 v13, v55  }
0x41d: {  	v8 =	vld [tilespmem:s10+$0x9DE0]  }
0x41e: {  	v57 =	vunpack.i.u.s16.s32 v48;
	v6 =	vmax.f32 v56, $0.0e+00  }
0x41f: {  	v58 =	vunpack.i.u.bf16.f32 v50;
	[tilespmem:v54+s26+$0x0] =	vst.idx.add.f32.msk $0xffff, v6  }
0x420: {  	v59 =	vld [tilespmem:s11+$0x9DE0];
	v6 =	vadd.f32 v9, v58;
	_ =	sdelay $0x1  }
0x421: {  	v60 =	vunpack.i.l.s16.s32 v8;
	v6 =	vmax.f32 v6, $0.0e+00  }
0x422: {  	[tilespmem:v57+s26+$0x0] =	vst.idx.add.f32.msk $0xffff, v6  }
0x423: {  	v6 =	vld [tilespmem:s12+$0x9DE0]  }
0x424: {  	v61 =	vld [tilespmem:s10+$0xAA60];
	v62 =	vunpack.i.l.s16.s32 v59  }
0x425: {  	v63 =	vld [tilespmem:s10+$0xB6E0]  }
0x426: {  	v9 =	vld.idx.msk [tilespmem:v60+s2+$0x0], $0xffff  }
0x427: {  	v24 =	vld [tilespmem:s11+$0xAA60]  }
0x428: {  	v25 =	vld [tilespmem:s11+$0xB6E0];
	v26 =	vunpack.i.l.s16.s32 v6  }
0x429: {  	v27 =	vunpack.i.l.s16.s32 v61;
	v12 =	vld.idx.msk [tilespmem:v62+s2+$0x0], $0xffff  }
0x42a: {  	v28 =	vunpack.i.l.bf16.f32 v63;
	v8 =	vunpack.i.u.s16.s32 v8  }
0x42b: {  	v3 =	vunpack.i.u.s16.s32 v3;
	v2 =	vunpack.i.u.bf16.f32 v2;
	v29 =	vld [tilespmem:s12+$0xAA60];
	v9 =	vadd.f32 v9, v28  }
0x42c: {  	v2 =	vadd.f32 v7, v2;
	v30 =	vunpack.i.l.s16.s32 v24;
	v31 =	vld [tilespmem:s12+$0xB6E0]  }
0x42d: {  	v32 =	vunpack.i.l.bf16.f32 v25;
	v11 =	vunpack.i.u.s16.s32 v59;
	v9 =	vmax.f32 v9, $0.0e+00;
	v16 =	vld.idx.msk [tilespmem:v26+s2+$0x0], $0xffff  }
0x42e: {  	v33 =	vadd.f32 v12, v32;
	[tilespmem:v27+s26+$0x0] =	vst.idx.add.f32.msk $0xffff, v9  }
0x42f: {  	v2 =	vmax.f32 v2, $0.0e+00;
	v8 =	vld.idx.msk [tilespmem:v8+s2+$0x0], $0xffff  }
0x430: {  	[tilespmem:v3+s26+$0x0] =	vst.idx.add.f32.msk $0xffff, v2;
	v2 =	vmax.f32 v33, $0.0e+00;
	v3 =	vunpack.i.l.s16.s32 v29  }
0x431: {  	[tilespmem:v30+s26+$0x0] =	vst.idx.add.f32.msk $0xffff, v2;
	v2 =	vunpack.i.l.bf16.f32 v31;
	v6 =	vunpack.i.u.s16.s32 v6  }
0x432: {  	v34 =	vunpack.i.u.s16.s32 v61;
	v35 =	vld.idx.msk [tilespmem:v11+s2+$0x0], $0xffff;
	v2 =	vadd.f32 v16, v2  }
0x433: {  	v37 =	vunpack.i.u.bf16.f32 v63  }
0x434: {  	v36 =	vld [tilespmem:s9+$0x9DF0];
	v8 =	vadd.f32 v8, v37;
	v2 =	vmax.f32 v2, $0.0e+00  }
0x435: {  	v38 =	vunpack.i.u.s16.s32 v24;
	[tilespmem:v3+s26+$0x0] =	vst.idx.add.f32.msk $0xffff, v2  }
0x436: {  	v2 =	vmax.f32 v8, $0.0e+00;
	v3 =	vunpack.i.u.bf16.f32 v25;
	v6 =	vld.idx.msk [tilespmem:v6+s2+$0x0], $0xffff  }
0x437: {  	[tilespmem:v34+s26+$0x0] =	vst.idx.add.f32.msk $0xffff, v2;
	v2 =	vadd.f32 v35, v3  }
0x438: {  	v41 =	vld [tilespmem:s9+$0xB6F0]  }
0x439: {  	v40 =	vunpack.i.u.s16.s32 v29;
	v7 =	vld [tilespmem:s10+$0x9DF0];
	v2 =	vmax.f32 v2, $0.0e+00  }
0x43a: {  	[tilespmem:v38+s26+$0x0] =	vst.idx.add.f32.msk $0xffff, v2;
	v2 =	vunpack.i.u.bf16.f32 v31  }
0x43b: {  	v11 =	vld [tilespmem:s11+$0x9DF0];
	v2 =	vadd.f32 v6, v2  }
0x43c: {  	v39 =	vld [tilespmem:s9+$0xAA70]  }
0x43d: {  	v43 =	vld [tilespmem:s10+$0xAA70];
	v2 =	vmax.f32 v2, $0.0e+00  }
0x43e: {  	v3 =	vunpack.i.l.s16.s32 v36;
	[tilespmem:v40+s26+$0x0] =	vst.idx.add.f32.msk $0xffff, v2  }
0x43f: {  	v42 =	vunpack.i.l.s16.s32 v7;
	v2 =	vld [tilespmem:s12+$0x9DF0]  }
0x440: {  	v45 =	vld [tilespmem:s10+$0xB6F0];
	v44 =	vunpack.i.l.s16.s32 v11  }
0x441: {  	v46 =	vld [tilespmem:s11+$0xAA70]  }
0x442: {  	v47 =	vld [tilespmem:s11+$0xB6F0]  }
0x443: {  	v3 =	vld.idx.msk [tilespmem:v3+s2+$0x0], $0xffff  }
0x444: {  	v12 =	vld.idx.msk [tilespmem:v42+s2+$0x0], $0xffff;
	v48 =	vunpack.i.l.s16.s32 v2  }
0x445: {  	v13 =	vld.idx.msk [tilespmem:v44+s2+$0x0], $0xffff  }
0x446: {  	v49 =	vunpack.i.l.s16.s32 v39  }
0x447: {  	v50 =	vunpack.i.l.bf16.f32 v41;
	v51 =	vunpack.i.l.s16.s32 v43;
	v52 =	vld [tilespmem:s12+$0xAA70]  }
0x448: {  	v53 =	vunpack.i.l.bf16.f32 v45;
	v22 =	vunpack.i.l.s16.s32 v46;
	v23 =	vld [tilespmem:s12+$0xB6F0];
	v3 =	vadd.f32 v3, v50  }
0x449: {  	v10 =	vunpack.i.u.s16.s32 v36;
	v54 =	vunpack.i.l.bf16.f32 v47;
	v12 =	vadd.f32 v12, v53;
	v17 =	vld.idx.msk [tilespmem:v48+s2+$0x0], $0xffff  }
0x44a: {  	v7 =	vunpack.i.u.s16.s32 v7;
	v3 =	vmax.f32 v3, $0.0e+00;
	v13 =	vadd.f32 v13, v54  }
0x44b: {  	v11 =	vunpack.i.u.s16.s32 v11;
	[tilespmem:v49+s26+$0x0] =	vst.idx.add.f32.msk $0xffff, v3;
	v3 =	vmax.f32 v12, $0.0e+00  }
0x44c: {  	v55 =	vunpack.i.l.s16.s32 v52;
	[tilespmem:v51+s26+$0x0] =	vst.idx.add.f32.msk $0xffff, v3;
	v3 =	vmax.f32 v13, $0.0e+00  }
0x44d: {  	v2 =	vunpack.i.u.s16.s32 v2;
	[tilespmem:v22+s26+$0x0] =	vst.idx.add.f32.msk $0xffff, v3;
	v3 =	vunpack.i.l.bf16.f32 v23  }
0x44e: {  	v10 =	vld.idx.msk [tilespmem:v10+s2+$0x0], $0xffff;
	v3 =	vadd.f32 v17, v3  }
0x44f: {  	v7 =	vld.idx.msk [tilespmem:v7+s2+$0x0], $0xffff  }
0x450: {  	v11 =	vld.idx.msk [tilespmem:v11+s2+$0x0], $0xffff;
	v3 =	vmax.f32 v3, $0.0e+00  }
0x451: {  	[tilespmem:v55+s26+$0x0] =	vst.idx.add.f32.msk $0xffff, v3  }
0x452: {  	v3 =	vunpack.i.u.s16.s32 v39;
	v2 =	vld.idx.msk [tilespmem:v2+s2+$0x0], $0xffff  }
0x453: {  	v6 =	vunpack.i.u.bf16.f32 v41;
	v56 =	vunpack.i.u.s16.s32 v43  }
0x454: {  	s8 =	sor.u32 $0x1, s8;
	v57 =	vunpack.i.u.bf16.f32 v45;
	v58 =	vunpack.i.u.s16.s32 v46;
	v6 =	vadd.f32 v10, v6  }
0x455: {  	p1 =	sne.s32 s1, s8;
	v59 =	vunpack.i.u.bf16.f32 v47;
	v60 =	vunpack.i.u.s16.s32 v52;
	v7 =	vadd.f32 v7, v57  }
.Ltmp9:
0x456: {  	[tilespmem:v4+s26+$0x0] =	vst.idx.add.f32.msk $0xffff, v5;
	v63 =	vunpack.i.u.bf16.f32 v23;
	v61 =	vmax.f32 v6, $0.0e+00;
	v62 =	vadd.f32 v11, v59;
	(pc) =	sbr.rel @p1 .LBB2_16-.Ltmp9, $4  }
0x457: {  	[tilespmem:v3+s26+$0x0] =	vst.idx.add.f32.msk $0xffff, v61;
	v3 =	vmax.f32 v7, $0.0e+00;
	v2 =	vadd.f32 v2, v63  }
0x458: {  	[tilespmem:v56+s26+$0x0] =	vst.idx.add.f32.msk $0xffff, v3;
	v3 =	vmax.f32 v62, $0.0e+00  }
0x459: {  	[tilespmem:v58+s26+$0x0] =	vst.idx.add.f32.msk $0xffff, v3;
	v2 =	vmax.f32 v2, $0.0e+00  }
0x45a: {  	[tilespmem:v60+s26+$0x0] =	vst.idx.add.f32.msk $0xffff, v2  }
0x45b: {  	s8 =	simm.s32 $0x0  }
0x45c: {  	v2 =	vld [tilespmem:s8+$0xAA00];
	_ =	sdelay $0x4  }
0x45d: {  	v3 =	vunpack.i.l.s16.s32 v2  }
0x45e: {  	v2 =	vunpack.i.u.s16.s32 v2;
	_ =	sdelay $0x3  }
0x45f: {  	[tilespmem:v3+s28+$0x0] =	vst.idx.add.f32.msk $0xffff, v1  }
0x460: {  	[tilespmem:v2+s28+$0x0] =	vst.idx.add.f32.msk $0xffff, v1  }
0x461: {  	v2 =	vld [tilespmem:s8+$0xAA10];
	_ =	sdelay $0x4  }
0x462: {  	v3 =	vunpack.i.l.s16.s32 v2  }
0x463: {  	v2 =	vunpack.i.u.s16.s32 v2;
	_ =	sdelay $0x1  }
0x464: {  	s9 =	simm.s32 $0x80  }
0x465: {  	v4 =	vld [tilespmem:s9+$0xAA00]  }
0x466: {  	[tilespmem:v3+s28+$0x0] =	vst.idx.add.f32.msk $0xffff, v1  }
0x467: {  	[tilespmem:v2+s28+$0x0] =	vst.idx.add.f32.msk $0xffff, v1  }
0x468: {  	v2 =	vld [tilespmem:s8+$0xAA20];
	_ =	sdelay $0x1  }
0x469: {  	v3 =	vunpack.i.l.s16.s32 v4  }
0x46a: {  	v4 =	vunpack.i.u.s16.s32 v4;
	_ =	sdelay $0x1  }
0x46b: {  	v5 =	vunpack.i.l.s16.s32 v2  }
0x46c: {  	v2 =	vunpack.i.u.s16.s32 v2  }
0x46d: {  	[tilespmem:v3+s28+$0x0] =	vst.idx.add.f32.msk $0xffff, v1  }
0x46e: {  	[tilespmem:v4+s28+$0x0] =	vst.idx.add.f32.msk $0xffff, v1  }
0x46f: {  	v3 =	vld [tilespmem:s9+$0xAA10]  }
0x470: {  	[tilespmem:v5+s28+$0x0] =	vst.idx.add.f32.msk $0xffff, v1  }
0x471: {  	[tilespmem:v2+s28+$0x0] =	vst.idx.add.f32.msk $0xffff, v1  }
0x472: {  	v2 =	vld [tilespmem:s8+$0xAA30];
	_ =	sdelay $0x1  }
0x473: {  	v4 =	vunpack.i.l.s16.s32 v3  }
0x474: {  	v3 =	vunpack.i.u.s16.s32 v3;
	_ =	sdelay $0x1  }
0x475: {  	s10 =	simm.s32 $0x100;
	v5 =	vunpack.i.l.s16.s32 v2  }
0x476: {  	v6 =	vld [tilespmem:s10+$0xAA00];
	v2 =	vunpack.i.u.s16.s32 v2  }
0x477: {  	[tilespmem:v4+s28+$0x0] =	vst.idx.add.f32.msk $0xffff, v1  }
0x478: {  	[tilespmem:v3+s28+$0x0] =	vst.idx.add.f32.msk $0xffff, v1  }
0x479: {  	v3 =	vld [tilespmem:s9+$0xAA20]  }
0x47a: {  	[tilespmem:v5+s28+$0x0] =	vst.idx.add.f32.msk $0xffff, v1  }
0x47b: {  	[tilespmem:v2+s28+$0x0] =	vst.idx.add.f32.msk $0xffff, v1;
	v2 =	vunpack.i.l.s16.s32 v6  }
0x47c: {  	v5 =	vunpack.i.u.s16.s32 v6  }
0x47d: {  	v4 =	vld [tilespmem:s8+$0xAA40]  }
0x47e: {  	v6 =	vunpack.i.l.s16.s32 v3  }
0x47f: {  	v3 =	vunpack.i.u.s16.s32 v3  }
0x480: {  	[tilespmem:v2+s28+$0x0] =	vst.idx.add.f32.msk $0xffff, v1  }
0x481: {  	[tilespmem:v5+s28+$0x0] =	vst.idx.add.f32.msk $0xffff, v1  }
0x482: {  	v2 =	vunpack.i.l.s16.s32 v4;
	v5 =	vld [tilespmem:s10+$0xAA10]  }
0x483: {  	[tilespmem:v6+s28+$0x0] =	vst.idx.add.f32.msk $0xffff, v1;
	v4 =	vunpack.i.u.s16.s32 v4  }
0x484: {  	[tilespmem:v3+s28+$0x0] =	vst.idx.add.f32.msk $0xffff, v1  }
0x485: {  	v3 =	vld [tilespmem:s9+$0xAA30];
	_ =	sdelay $0x1  }
0x486: {  	[tilespmem:v2+s28+$0x0] =	vst.idx.add.f32.msk $0xffff, v1;
	v2 =	vunpack.i.l.s16.s32 v5  }
0x487: {  	[tilespmem:v4+s28+$0x0] =	vst.idx.add.f32.msk $0xffff, v1;
	v5 =	vunpack.i.u.s16.s32 v5  }
0x488: {  	v4 =	vld [tilespmem:s8+$0xAA50]  }
0x489: {  	s11 =	simm.s32 $0x180;
	v6 =	vunpack.i.l.s16.s32 v3  }
0x48a: {  	v7 =	vld [tilespmem:s11+$0xAA00];
	v3 =	vunpack.i.u.s16.s32 v3  }
0x48b: {  	[tilespmem:v2+s28+$0x0] =	vst.idx.add.f32.msk $0xffff, v1  }
0x48c: {  	[tilespmem:v5+s28+$0x0] =	vst.idx.add.f32.msk $0xffff, v1  }
0x48d: {  	v2 =	vunpack.i.l.s16.s32 v4;
	v5 =	vld [tilespmem:s10+$0xAA20]  }
0x48e: {  	[tilespmem:v6+s28+$0x0] =	vst.idx.add.f32.msk $0xffff, v1;
	v4 =	vunpack.i.u.s16.s32 v4  }
0x48f: {  	[tilespmem:v3+s28+$0x0] =	vst.idx.add.f32.msk $0xffff, v1;
	v3 =	vunpack.i.l.s16.s32 v7;
	_ =	sdelay $0x1  }
0x490: {  	v6 =	vunpack.i.u.s16.s32 v7;
	v8 =	vld [tilespmem:s9+$0xAA40]  }
0x491: {  	[tilespmem:v2+s28+$0x0] =	vst.idx.add.f32.msk $0xffff, v1;
	v2 =	vunpack.i.l.s16.s32 v5  }
0x492: {  	[tilespmem:v4+s28+$0x0] =	vst.idx.add.f32.msk $0xffff, v1;
	v4 =	vunpack.i.u.s16.s32 v5  }
0x493: {  	[tilespmem:v3+s28+$0x0] =	vst.idx.add.f32.msk $0xffff, v1  }
0x494: {  	v7 =	vld [tilespmem:s8+$0xAA60]  }
0x495: {  	[tilespmem:v6+s28+$0x0] =	vst.idx.add.f32.msk $0xffff, v1;
	v9 =	vunpack.i.l.s16.s32 v8  }
0x496: {  	[tilespmem:v2+s28+$0x0] =	vst.idx.add.f32.msk $0xffff, v1  }
0x497: {  	[tilespmem:v4+s28+$0x0] =	vst.idx.add.f32.msk $0xffff, v1;
	v4 =	vunpack.i.u.s16.s32 v8  }
0x498: {  	v6 =	vld [tilespmem:s11+$0xAA10]  }
0x499: {  	v2 =	vunpack.i.l.s16.s32 v7  }
0x49a: {  	[tilespmem:v9+s28+$0x0] =	vst.idx.add.f32.msk $0xffff, v1;
	v3 =	vunpack.i.u.s16.s32 v7  }
0x49b: {  	s12 =	simm.s32 $0x800;
	v5 =	vld [tilespmem:s10+$0xAA30]  }
.LBB2_14:
0x49c: {  	p1 =	sne.s32 s12, $0x3000;
	[tilespmem:v4+s28+$0x0] =	vst.idx.add.f32.msk $0xffff, v1  }
0x49d: {  	v4 =	vunpack.i.l.s16.s32 v6;
	v7 =	vld [tilespmem:s9+$0xAA50]  }
0x49e: {  	v6 =	vunpack.i.u.s16.s32 v6;
	[tilespmem:v2+s28+$0x0] =	vst.idx.add.f32.msk $0xffff, v1  }
0x49f: {  	[tilespmem:v3+s28+$0x0] =	vst.idx.add.f32.msk $0xffff, v1  }
0x4a0: {  	s13 =	sshra.s32 s12, $0x2;
	v2 =	vunpack.i.l.s16.s32 v5;
	v3 =	vld [tilespmem:s8+$0xAA70];
	s8 =	smov.u32 s9;
	s9 =	smov.u32 s10  }
0x4a1: {  	v5 =	vunpack.i.u.s16.s32 v5;
	s10 =	smov.u32 s11;
	s11 =	smov.u32 s13;
	v8 =	vld [tilespmem:s13+$0xAA00]  }
0x4a2: {  	[tilespmem:v4+s28+$0x0] =	vst.idx.add.f32.msk $0xffff, v1  }
0x4a3: {  	v4 =	vunpack.i.l.s16.s32 v7;
	[tilespmem:v6+s28+$0x0] =	vst.idx.add.f32.msk $0xffff, v1  }
0x4a4: {  	v7 =	vunpack.i.u.s16.s32 v7;
	v6 =	vld [tilespmem:s10+$0xAA20]  }
0x4a5: {  	[tilespmem:v2+s28+$0x0] =	vst.idx.add.f32.msk $0xffff, v1;
	v2 =	vunpack.i.l.s16.s32 v3  }
0x4a6: {  	v3 =	vunpack.i.u.s16.s32 v3;
	[tilespmem:v5+s28+$0x0] =	vst.idx.add.f32.msk $0xffff, v1  }
0x4a7: {  	v5 =	vld [tilespmem:s9+$0xAA40]  }
0x4a8: {  	v9 =	vunpack.i.l.s16.s32 v8;
	[tilespmem:v4+s28+$0x0] =	vst.idx.add.f32.msk $0xffff, v1  }
0x4a9: {  	v4 =	vunpack.i.u.s16.s32 v8;
	[tilespmem:v7+s28+$0x0] =	vst.idx.add.f32.msk $0xffff, v1  }
0x4aa: {  	[tilespmem:v2+s28+$0x0] =	vst.idx.add.f32.msk $0xffff, v1  }
0x4ab: {  	v2 =	vunpack.i.l.s16.s32 v6;
	[tilespmem:v3+s28+$0x0] =	vst.idx.add.f32.msk $0xffff, v1  }
0x4ac: {  	v3 =	vunpack.i.u.s16.s32 v6;
	v7 =	vld [tilespmem:s8+$0xAA60]  }
0x4ad: {  	[tilespmem:v9+s28+$0x0] =	vst.idx.add.f32.msk $0xffff, v1  }
0x4ae: {  	v8 =	vunpack.i.l.s16.s32 v5;
	[tilespmem:v4+s28+$0x0] =	vst.idx.add.f32.msk $0xffff, v1  }
.Ltmp10:
0x4af: {  	v4 =	vunpack.i.u.s16.s32 v5;
	v6 =	vld [tilespmem:s11+$0xAA10];
	(pc) =	sbr.rel @p1 .LBB2_14-.Ltmp10, $4  }
0x4b0: {  	[tilespmem:v2+s28+$0x0] =	vst.idx.add.f32.msk $0xffff, v1  }
0x4b1: {  	[tilespmem:v3+s28+$0x0] =	vst.idx.add.f32.msk $0xffff, v1;
	v2 =	vunpack.i.l.s16.s32 v7  }
0x4b2: {  	v3 =	vunpack.i.u.s16.s32 v7;
	v5 =	vld [tilespmem:s10+$0xAA30]  }
0x4b3: {  	s12 =	sadd.s32 $0x200, s12;
	[tilespmem:v8+s28+$0x0] =	vst.idx.add.f32.msk $0xffff, v1  }
0x4b4: {  	v7 =	vunpack.i.l.s16.s32 v6  }
0x4b5: {  	v45 =	vunpack.i.u.s16.s32 v6;
	_ =	sdelay $0x3  }
0x4b6: {  	[tilespmem:v7+s28+$0x0] =	vst.idx.add.f32.msk $0xffff, v1  }
0x4b7: {  	[tilespmem:v45+s28+$0x0] =	vst.idx.add.f32.msk $0xffff, v1  }
0x4b8: {  	v6 =	vld [tilespmem:s11+$0xAA20];
	_ =	sdelay $0x4  }
0x4b9: {  	v46 =	vunpack.i.l.s16.s32 v6  }
0x4ba: {  	v6 =	vunpack.i.u.s16.s32 v6;
	_ =	sdelay $0x3  }
0x4bb: {  	[tilespmem:v46+s28+$0x0] =	vst.idx.add.f32.msk $0xffff, v1  }
0x4bc: {  	v47 =	vunpack.i.l.s16.s32 v5;
	[tilespmem:v6+s28+$0x0] =	vst.idx.add.f32.msk $0xffff, v1  }
0x4bd: {  	v48 =	vunpack.i.u.s16.s32 v5;
	v6 =	vld [tilespmem:s11+$0xAA30];
	_ =	sdelay $0x3  }
0x4be: {  	[tilespmem:v47+s28+$0x0] =	vst.idx.add.f32.msk $0xffff, v1  }
0x4bf: {  	[tilespmem:v48+s28+$0x0] =	vst.idx.add.f32.msk $0xffff, v1;
	v8 =	vunpack.i.l.s16.s32 v6  }
0x4c0: {  	v5 =	vld [tilespmem:s10+$0xAA40];
	v6 =	vunpack.i.u.s16.s32 v6;
	_ =	sdelay $0x3  }
0x4c1: {  	[tilespmem:v8+s28+$0x0] =	vst.idx.add.f32.msk $0xffff, v1  }
0x4c2: {  	v49 =	vunpack.i.l.s16.s32 v5;
	[tilespmem:v6+s28+$0x0] =	vst.idx.add.f32.msk $0xffff, v1  }
0x4c3: {  	v5 =	vunpack.i.u.s16.s32 v5;
	v6 =	vld [tilespmem:s11+$0xAA40];
	_ =	sdelay $0x3  }
0x4c4: {  	[tilespmem:v49+s28+$0x0] =	vst.idx.add.f32.msk $0xffff, v1  }
0x4c5: {  	[tilespmem:v5+s28+$0x0] =	vst.idx.add.f32.msk $0xffff, v1;
	v50 =	vunpack.i.l.s16.s32 v6  }
0x4c6: {  	v5 =	vld [tilespmem:s10+$0xAA50];
	v6 =	vunpack.i.u.s16.s32 v6;
	_ =	sdelay $0x1  }
0x4c7: {  	[tilespmem:v4+s28+$0x0] =	vst.idx.add.f32.msk $0xffff, v1  }
0x4c8: {  	v51 =	vld [tilespmem:s9+$0xAA50]  }
0x4c9: {  	[tilespmem:v50+s28+$0x0] =	vst.idx.add.f32.msk $0xffff, v1  }
0x4ca: {  	v55 =	vunpack.i.l.s16.s32 v5;
	[tilespmem:v6+s28+$0x0] =	vst.idx.add.f32.msk $0xffff, v1  }
0x4cb: {  	v5 =	vunpack.i.u.s16.s32 v5;
	v54 =	vld [tilespmem:s11+$0xAA50];
	_ =	sdelay $0x1  }
0x4cc: {  	v52 =	vunpack.i.l.s16.s32 v51  }
0x4cd: {  	[tilespmem:v2+s28+$0x0] =	vst.idx.add.f32.msk $0xffff, v1;
	v53 =	vunpack.i.u.s16.s32 v51  }
0x4ce: {  	[tilespmem:v55+s28+$0x0] =	vst.idx.add.f32.msk $0xffff, v1  }
0x4cf: {  	[tilespmem:v5+s28+$0x0] =	vst.idx.add.f32.msk $0xffff, v1;
	v56 =	vunpack.i.l.s16.s32 v54  }
0x4d0: {  	v5 =	vld [tilespmem:s10+$0xAA60];
	v7 =	vunpack.i.u.s16.s32 v54  }
0x4d1: {  	[tilespmem:v52+s28+$0x0] =	vst.idx.add.f32.msk $0xffff, v1  }
0x4d2: {  	[tilespmem:v53+s28+$0x0] =	vst.idx.add.f32.msk $0xffff, v1  }
0x4d3: {  	v6 =	vld [tilespmem:s9+$0xAA60]  }
0x4d4: {  	[tilespmem:v56+s28+$0x0] =	vst.idx.add.f32.msk $0xffff, v1  }
0x4d5: {  	v2 =	vunpack.i.l.s16.s32 v5;
	[tilespmem:v7+s28+$0x0] =	vst.idx.add.f32.msk $0xffff, v1  }
0x4d6: {  	v5 =	vunpack.i.u.s16.s32 v5;
	v7 =	vld [tilespmem:s11+$0xAA60];
	_ =	sdelay $0x1  }
0x4d7: {  	[tilespmem:v3+s28+$0x0] =	vst.idx.add.f32.msk $0xffff, v1;
	v57 =	vunpack.i.l.s16.s32 v6  }
0x4d8: {  	v3 =	vld [tilespmem:s8+$0xAA70];
	v6 =	vunpack.i.u.s16.s32 v6  }
0x4d9: {  	[tilespmem:v2+s28+$0x0] =	vst.idx.add.f32.msk $0xffff, v1  }
0x4da: {  	[tilespmem:v5+s28+$0x0] =	vst.idx.add.f32.msk $0xffff, v1;
	v58 =	vunpack.i.l.s16.s32 v7  }
0x4db: {  	v2 =	vld [tilespmem:s10+$0xAA70];
	v7 =	vunpack.i.u.s16.s32 v7  }
0x4dc: {  	[tilespmem:v57+s28+$0x0] =	vst.idx.add.f32.msk $0xffff, v1  }
0x4dd: {  	[tilespmem:v6+s28+$0x0] =	vst.idx.add.f32.msk $0xffff, v1  }
0x4de: {  	v6 =	vld [tilespmem:s9+$0xAA70]  }
0x4df: {  	[tilespmem:v58+s28+$0x0] =	vst.idx.add.f32.msk $0xffff, v1  }
0x4e0: {  	v59 =	vunpack.i.l.s16.s32 v3;
	[tilespmem:v7+s28+$0x0] =	vst.idx.add.f32.msk $0xffff, v1  }
0x4e1: {  	v3 =	vunpack.i.u.s16.s32 v3;
	v60 =	vld [tilespmem:s11+$0xAA70]  }
0x4e2: {  	v62 =	vunpack.i.l.s16.s32 v2  }
0x4e3: {  	v2 =	vunpack.i.u.s16.s32 v2  }
0x4e4: {  	v61 =	vunpack.i.l.s16.s32 v6  }
0x4e5: {  	[tilespmem:v59+s28+$0x0] =	vst.idx.add.f32.msk $0xffff, v1;
	v6 =	vunpack.i.u.s16.s32 v6  }
0x4e6: {  	[tilespmem:v3+s28+$0x0] =	vst.idx.add.f32.msk $0xffff, v1;
	v3 =	vunpack.i.l.s16.s32 v60  }
0x4e7: {  	[tilespmem:v62+s28+$0x0] =	vst.idx.add.f32.msk $0xffff, v1;
	v63 =	vunpack.i.u.s16.s32 v60  }
.Ltmp11:
0x4e8: {  	[tilespmem:v2+s28+$0x0] =	vst.idx.add.f32.msk $0xffff, v1;
	(pc) =	sbr.rel .LBB2_16-.Ltmp11, $4  }
0x4e9: {  	[tilespmem:v61+s28+$0x0] =	vst.idx.add.f32.msk $0xffff, v1  }
0x4ea: {  	[tilespmem:v6+s28+$0x0] =	vst.idx.add.f32.msk $0xffff, v1  }
0x4eb: {  	[tilespmem:v3+s28+$0x0] =	vst.idx.add.f32.msk $0xffff, v1  }
0x4ec: {  	[tilespmem:v63+s28+$0x0] =	vst.idx.add.f32.msk $0xffff, v1  }
.LBB2_17:
0x4ed: {  	_ =	swait.ge [sflag:s25], $0xC80  }
0x4ee: {  	[sflag:s25] =	ssyncset.done $0x0  }
0x4ef: {  	[sflag:s25] =	ssyncadd.s32 $0xFFFFF380  }
0x4f0: {  	_ =	swait.ge [sflag:s25], $0xC80  }
0x4f1: {  	[sflag:s25] =	ssyncset.done $0x0  }
0x4f2: {  	[sflag:s25] =	ssyncadd.s32 $0xFFFFF380  }
0x4f3: {  	_ =	swait.ge [sflag:s25], $0xC80  }
0x4f4: {  	[sflag:s25] =	ssyncset.done $0x0  }
0x4f5: {  	s10 =	simm.s32 $0x0;
	[sflag:s25] =	ssyncadd.s32 $0xFFFFF380  }
0x4f6: {  	v2 =	vld [tilespmem:s10+$0x7800];
	_ =	sdelay $0x4  }
0x4f7: {  	v3 =	vunpack.i.l.s16.s32 v2;
	_ =	sdelay $0x2  }
0x4f8: {  	v4 =	vld [tilespmem:s10+$0x8480]  }
0x4f9: {  	v5 =	vld [tilespmem:s10+$0x9100]  }
0x4fa: {  	v3 =	vld.idx.msk [tilespmem:v3+s2+$0x0], $0xffff;
	_ =	sdelay $0x2  }
0x4fb: {  	v6 =	vunpack.i.l.s16.s32 v4  }
0x4fc: {  	v7 =	vunpack.i.l.bf16.f32 v5;
	v2 =	vunpack.i.u.s16.s32 v2  }
0x4fd: {  	v3 =	vadd.f32 v3, v7;
	_ =	sdelay $0x1  }
0x4fe: {  	v3 =	vmax.f32 v3, $0.0e+00  }
0x4ff: {  	[tilespmem:v6+s26+$0x0] =	vst.idx.add.f32.msk $0xffff, v3  }
0x500: {  	v2 =	vld.idx.msk [tilespmem:v2+s2+$0x0], $0xffff;
	_ =	sdelay $0x2  }
0x501: {  	v3 =	vunpack.i.u.s16.s32 v4  }
0x502: {  	v4 =	vunpack.i.u.bf16.f32 v5  }
0x503: {  	v2 =	vadd.f32 v2, v4;
	_ =	sdelay $0x1  }
0x504: {  	v2 =	vmax.f32 v2, $0.0e+00  }
0x505: {  	[tilespmem:v3+s26+$0x0] =	vst.idx.add.f32.msk $0xffff, v2  }
0x506: {  	v2 =	vld [tilespmem:s10+$0x7810];
	_ =	sdelay $0x4  }
0x507: {  	v3 =	vunpack.i.l.s16.s32 v2;
	_ =	sdelay $0x2  }
0x508: {  	v4 =	vld [tilespmem:s10+$0x8490]  }
0x509: {  	v5 =	vld [tilespmem:s10+$0x9110]  }
0x50a: {  	v3 =	vld.idx.msk [tilespmem:v3+s2+$0x0], $0xffff;
	_ =	sdelay $0x2  }
0x50b: {  	v6 =	vunpack.i.l.s16.s32 v4  }
0x50c: {  	v7 =	vunpack.i.l.bf16.f32 v5;
	v2 =	vunpack.i.u.s16.s32 v2  }
0x50d: {  	v3 =	vadd.f32 v3, v7;
	_ =	sdelay $0x1  }
0x50e: {  	v3 =	vmax.f32 v3, $0.0e+00  }
0x50f: {  	[tilespmem:v6+s26+$0x0] =	vst.idx.add.f32.msk $0xffff, v3  }
0x510: {  	s0 =	simm.s32 $0x80;
	v2 =	vld.idx.msk [tilespmem:v2+s2+$0x0], $0xffff  }
0x511: {  	v3 =	vld [tilespmem:s0+$0x7800];
	_ =	sdelay $0x1  }
0x512: {  	v4 =	vunpack.i.u.s16.s32 v4  }
0x513: {  	v5 =	vunpack.i.u.bf16.f32 v5  }
0x514: {  	v2 =	vadd.f32 v2, v5  }
0x515: {  	v5 =	vunpack.i.l.s16.s32 v3  }
0x516: {  	v6 =	vld [tilespmem:s0+$0x9100];
	v2 =	vmax.f32 v2, $0.0e+00  }
0x517: {  	[tilespmem:v4+s26+$0x0] =	vst.idx.add.f32.msk $0xffff, v2  }
0x518: {  	v4 =	vld [tilespmem:s0+$0x8480]  }
0x519: {  	v2 =	vld [tilespmem:s10+$0x7820]  }
0x51a: {  	v5 =	vld.idx.msk [tilespmem:v5+s2+$0x0], $0xffff;
	_ =	sdelay $0x2  }
0x51b: {  	v8 =	vunpack.i.l.s16.s32 v4  }
0x51c: {  	v9 =	vunpack.i.l.bf16.f32 v6;
	v7 =	vunpack.i.l.s16.s32 v2  }
0x51d: {  	v3 =	vunpack.i.u.s16.s32 v3;
	v5 =	vadd.f32 v5, v9  }
0x51e: {  	v10 =	vld [tilespmem:s10+$0x84A0]  }
0x51f: {  	v9 =	vld [tilespmem:s10+$0x9120];
	v5 =	vmax.f32 v5, $0.0e+00  }
0x520: {  	[tilespmem:v8+s26+$0x0] =	vst.idx.add.f32.msk $0xffff, v5  }
0x521: {  	v7 =	vld.idx.msk [tilespmem:v7+s2+$0x0], $0xffff  }
0x522: {  	v3 =	vld.idx.msk [tilespmem:v3+s2+$0x0], $0xffff;
	_ =	sdelay $0x1  }
0x523: {  	v5 =	vunpack.i.l.s16.s32 v10  }
0x524: {  	v4 =	vunpack.i.u.s16.s32 v4;
	v8 =	vunpack.i.l.bf16.f32 v9  }
0x525: {  	v6 =	vunpack.i.u.bf16.f32 v6;
	v2 =	vunpack.i.u.s16.s32 v2;
	v7 =	vadd.f32 v7, v8  }
0x526: {  	v3 =	vadd.f32 v3, v6  }
0x527: {  	v7 =	vmax.f32 v7, $0.0e+00  }
0x528: {  	v3 =	vmax.f32 v3, $0.0e+00;
	[tilespmem:v5+s26+$0x0] =	vst.idx.add.f32.msk $0xffff, v7  }
0x529: {  	[tilespmem:v4+s26+$0x0] =	vst.idx.add.f32.msk $0xffff, v3  }
0x52a: {  	v2 =	vld.idx.msk [tilespmem:v2+s2+$0x0], $0xffff  }
0x52b: {  	v3 =	vld [tilespmem:s0+$0x7810];
	_ =	sdelay $0x1  }
0x52c: {  	v4 =	vunpack.i.u.s16.s32 v10  }
0x52d: {  	v5 =	vunpack.i.u.bf16.f32 v9  }
0x52e: {  	v2 =	vadd.f32 v2, v5  }
0x52f: {  	v5 =	vunpack.i.l.s16.s32 v3  }
0x530: {  	v6 =	vld [tilespmem:s0+$0x9110];
	v2 =	vmax.f32 v2, $0.0e+00  }
0x531: {  	[tilespmem:v4+s26+$0x0] =	vst.idx.add.f32.msk $0xffff, v2  }
0x532: {  	v4 =	vld [tilespmem:s0+$0x8490]  }
0x533: {  	v2 =	vld [tilespmem:s10+$0x7830]  }
0x534: {  	v5 =	vld.idx.msk [tilespmem:v5+s2+$0x0], $0xffff;
	_ =	sdelay $0x2  }
0x535: {  	v8 =	vunpack.i.l.s16.s32 v4  }
0x536: {  	v9 =	vunpack.i.l.bf16.f32 v6;
	v7 =	vunpack.i.l.s16.s32 v2  }
0x537: {  	v3 =	vunpack.i.u.s16.s32 v3;
	v5 =	vadd.f32 v5, v9  }
0x538: {  	v10 =	vld [tilespmem:s10+$0x84B0]  }
0x539: {  	v9 =	vld [tilespmem:s10+$0x9130];
	v5 =	vmax.f32 v5, $0.0e+00  }
0x53a: {  	[tilespmem:v8+s26+$0x0] =	vst.idx.add.f32.msk $0xffff, v5  }
0x53b: {  	v7 =	vld.idx.msk [tilespmem:v7+s2+$0x0], $0xffff  }
0x53c: {  	v3 =	vld.idx.msk [tilespmem:v3+s2+$0x0], $0xffff;
	_ =	sdelay $0x1  }
0x53d: {  	v5 =	vunpack.i.l.s16.s32 v10  }
0x53e: {  	v4 =	vunpack.i.u.s16.s32 v4;
	v8 =	vunpack.i.l.bf16.f32 v9  }
0x53f: {  	v6 =	vunpack.i.u.bf16.f32 v6;
	v2 =	vunpack.i.u.s16.s32 v2;
	v7 =	vadd.f32 v7, v8  }
0x540: {  	s6 =	simm.s32 $0x100;
	v3 =	vadd.f32 v3, v6  }
0x541: {  	v8 =	vld [tilespmem:s6+$0x7800];
	v7 =	vmax.f32 v7, $0.0e+00  }
0x542: {  	v3 =	vmax.f32 v3, $0.0e+00;
	[tilespmem:v5+s26+$0x0] =	vst.idx.add.f32.msk $0xffff, v7  }
0x543: {  	[tilespmem:v4+s26+$0x0] =	vst.idx.add.f32.msk $0xffff, v3  }
0x544: {  	v2 =	vld.idx.msk [tilespmem:v2+s2+$0x0], $0xffff  }
0x545: {  	v3 =	vld [tilespmem:s0+$0x7820]  }
0x546: {  	v4 =	vunpack.i.l.s16.s32 v8;
	_ =	sdelay $0x2  }
0x547: {  	v9 =	vunpack.i.u.bf16.f32 v9;
	v6 =	vld [tilespmem:s6+$0x8480];
	v5 =	vunpack.i.u.s16.s32 v10  }
0x548: {  	v7 =	vld [tilespmem:s6+$0x9100];
	v2 =	vadd.f32 v2, v9;
	v9 =	vunpack.i.l.s16.s32 v3  }
0x549: {  	v4 =	vld.idx.msk [tilespmem:v4+s2+$0x0], $0xffff  }
0x54a: {  	v10 =	vld [tilespmem:s0+$0x84A0]  }
0x54b: {  	v11 =	vld [tilespmem:s0+$0x9120];
	v2 =	vmax.f32 v2, $0.0e+00  }
0x54c: {  	[tilespmem:v5+s26+$0x0] =	vst.idx.add.f32.msk $0xffff, v2;
	v2 =	vunpack.i.l.s16.s32 v6  }
0x54d: {  	v8 =	vunpack.i.u.s16.s32 v8;
	v5 =	vunpack.i.l.bf16.f32 v7;
	v9 =	vld.idx.msk [tilespmem:v9+s2+$0x0], $0xffff  }
0x54e: {  	v4 =	vadd.f32 v4, v5;
	v5 =	vld [tilespmem:s10+$0x7840];
	_ =	sdelay $0x1  }
0x54f: {  	v12 =	vunpack.i.l.s16.s32 v10;
	v4 =	vmax.f32 v4, $0.0e+00  }
0x550: {  	v3 =	vunpack.i.u.s16.s32 v3;
	[tilespmem:v2+s26+$0x0] =	vst.idx.add.f32.msk $0xffff, v4;
	v2 =	vunpack.i.l.bf16.f32 v11  }
0x551: {  	v4 =	vld.idx.msk [tilespmem:v8+s2+$0x0], $0xffff;
	v2 =	vadd.f32 v9, v2  }
0x552: {  	v8 =	vunpack.i.l.s16.s32 v5  }
0x553: {  	v9 =	vld [tilespmem:s10+$0x84C0];
	v2 =	vmax.f32 v2, $0.0e+00  }
0x554: {  	v6 =	vunpack.i.u.s16.s32 v6;
	[tilespmem:v12+s26+$0x0] =	vst.idx.add.f32.msk $0xffff, v2  }
0x555: {  	v7 =	vunpack.i.u.bf16.f32 v7;
	v2 =	vld.idx.msk [tilespmem:v3+s2+$0x0], $0xffff  }
0x556: {  	v3 =	vadd.f32 v4, v7;
	v4 =	vld [tilespmem:s10+$0x9140]  }
0x557: {  	v7 =	vld.idx.msk [tilespmem:v8+s2+$0x0], $0xffff  }
0x558: {  	v8 =	vunpack.i.u.s16.s32 v10;
	v3 =	vmax.f32 v3, $0.0e+00  }
0x559: {  	[tilespmem:v6+s26+$0x0] =	vst.idx.add.f32.msk $0xffff, v3;
	v3 =	vunpack.i.u.bf16.f32 v11  }
0x55a: {  	v6 =	vld [tilespmem:s6+$0x7810];
	v2 =	vadd.f32 v2, v3  }
0x55b: {  	v10 =	vunpack.i.l.s16.s32 v9;
	v3 =	vunpack.i.l.bf16.f32 v4  }
0x55c: {  	v5 =	vunpack.i.u.s16.s32 v5;
	v3 =	vadd.f32 v7, v3;
	v2 =	vmax.f32 v2, $0.0e+00  }
0x55d: {  	[tilespmem:v8+s26+$0x0] =	vst.idx.add.f32.msk $0xffff, v2  }
0x55e: {  	v2 =	vmax.f32 v3, $0.0e+00;
	v3 =	vld [tilespmem:s0+$0x7830]  }
0x55f: {  	v7 =	vunpack.i.l.s16.s32 v6  }
0x560: {  	[tilespmem:v10+s26+$0x0] =	vst.idx.add.f32.msk $0xffff, v2  }
0x561: {  	v2 =	vld.idx.msk [tilespmem:v5+s2+$0x0], $0xffff  }
0x562: {  	v5 =	vld [tilespmem:s6+$0x8490]  }
0x563: {  	v8 =	vld [tilespmem:s6+$0x9110];
	v10 =	vunpack.i.l.s16.s32 v3  }
0x564: {  	v7 =	vld.idx.msk [tilespmem:v7+s2+$0x0], $0xffff  }
0x565: {  	v9 =	vunpack.i.u.s16.s32 v9  }
0x566: {  	v4 =	vunpack.i.u.bf16.f32 v4;
	v11 =	vld [tilespmem:s0+$0x84B0]  }
0x567: {  	v12 =	vunpack.i.l.s16.s32 v5;
	v2 =	vadd.f32 v2, v4;
	v4 =	vld [tilespmem:s0+$0x9130]  }
0x568: {  	v6 =	vunpack.i.u.s16.s32 v6;
	v13 =	vunpack.i.l.bf16.f32 v8;
	v10 =	vld.idx.msk [tilespmem:v10+s2+$0x0], $0xffff  }
0x569: {  	v2 =	vmax.f32 v2, $0.0e+00;
	v7 =	vadd.f32 v7, v13  }
0x56a: {  	[tilespmem:v9+s26+$0x0] =	vst.idx.add.f32.msk $0xffff, v2  }
0x56b: {  	v9 =	vld [tilespmem:s10+$0x7850];
	v2 =	vmax.f32 v7, $0.0e+00;
	v7 =	vunpack.i.l.s16.s32 v11  }
0x56c: {  	[tilespmem:v12+s26+$0x0] =	vst.idx.add.f32.msk $0xffff, v2;
	v2 =	vunpack.i.l.bf16.f32 v4  }
0x56d: {  	v3 =	vunpack.i.u.s16.s32 v3;
	v6 =	vld.idx.msk [tilespmem:v6+s2+$0x0], $0xffff;
	v2 =	vadd.f32 v10, v2;
	_ =	sdelay $0x1  }
0x56e: {  	v2 =	vmax.f32 v2, $0.0e+00  }
0x56f: {  	s8 =	simm.s32 $0x180;
	v5 =	vunpack.i.u.s16.s32 v5;
	[tilespmem:v7+s26+$0x0] =	vst.idx.add.f32.msk $0xffff, v2  }
0x570: {  	v2 =	vunpack.i.u.bf16.f32 v8;
	v7 =	vld [tilespmem:s8+$0x7800]  }
0x571: {  	v3 =	vld.idx.msk [tilespmem:v3+s2+$0x0], $0xffff;
	v2 =	vadd.f32 v6, v2;
	v6 =	vunpack.i.l.s16.s32 v9  }
0x572: {  	v10 =	vld [tilespmem:s10+$0x9150]  }
0x573: {  	v8 =	vld [tilespmem:s10+$0x84D0];
	v2 =	vmax.f32 v2, $0.0e+00  }
0x574: {  	[tilespmem:v5+s26+$0x0] =	vst.idx.add.f32.msk $0xffff, v2;
	v2 =	vunpack.i.u.s16.s32 v11  }
0x575: {  	v4 =	vunpack.i.u.bf16.f32 v4;
	v11 =	vunpack.i.l.s16.s32 v7;
	v5 =	vld [tilespmem:s6+$0x7820]  }
0x576: {  	v3 =	vadd.f32 v3, v4;
	v6 =	vld.idx.msk [tilespmem:v6+s2+$0x0], $0xffff  }
0x577: {  	v12 =	vld [tilespmem:s8+$0x8480]  }
0x578: {  	v4 =	vld [tilespmem:s8+$0x9100];
	v3 =	vmax.f32 v3, $0.0e+00  }
0x579: {  	[tilespmem:v2+s26+$0x0] =	vst.idx.add.f32.msk $0xffff, v3;
	v3 =	vunpack.i.l.s16.s32 v8  }
0x57a: {  	v13 =	vunpack.i.l.bf16.f32 v10;
	v11 =	vld.idx.msk [tilespmem:v11+s2+$0x0], $0xffff;
	v2 =	vunpack.i.l.s16.s32 v5  }
0x57b: {  	v15 =	vld [tilespmem:s6+$0x84A0];
	v6 =	vadd.f32 v6, v13  }
0x57c: {  	v9 =	vunpack.i.u.s16.s32 v9;
	v14 =	vld [tilespmem:s0+$0x7840]  }
0x57d: {  	v16 =	vunpack.i.l.s16.s32 v12;
	v13 =	vld [tilespmem:s6+$0x9120];
	v6 =	vmax.f32 v6, $0.0e+00  }
0x57e: {  	v7 =	vunpack.i.u.s16.s32 v7;
	v17 =	vunpack.i.l.bf16.f32 v4;
	[tilespmem:v3+s26+$0x0] =	vst.idx.add.f32.msk $0xffff, v6  }
0x57f: {  	v3 =	vadd.f32 v11, v17;
	v2 =	vld.idx.msk [tilespmem:v2+s2+$0x0], $0xffff;
	_ =	sdelay $0x1  }
0x580: {  	v6 =	vld.idx.msk [tilespmem:v9+s2+$0x0], $0xffff;
	v9 =	vunpack.i.l.s16.s32 v14;
	v3 =	vmax.f32 v3, $0.0e+00  }
0x581: {  	v17 =	vunpack.i.l.s16.s32 v15;
	[tilespmem:v16+s26+$0x0] =	vst.idx.add.f32.msk $0xffff, v3  }
0x582: {  	v18 =	vunpack.i.l.bf16.f32 v13;
	v3 =	vunpack.i.u.s16.s32 v5;
	v7 =	vld.idx.msk [tilespmem:v7+s2+$0x0], $0xffff  }
0x583: {  	v11 =	vld [tilespmem:s0+$0x84C0];
	v5 =	vunpack.i.u.s16.s32 v8;
	v2 =	vadd.f32 v2, v18  }
0x584: {  	v10 =	vunpack.i.u.bf16.f32 v10;
	v8 =	vld [tilespmem:s0+$0x9140]  }
0x585: {  	v6 =	vadd.f32 v6, v10;
	v9 =	vld.idx.msk [tilespmem:v9+s2+$0x0], $0xffff;
	v10 =	vunpack.i.u.s16.s32 v12;
	v2 =	vmax.f32 v2, $0.0e+00  }
0x586: {  	[tilespmem:v17+s26+$0x0] =	vst.idx.add.f32.msk $0xffff, v2;
	v2 =	vunpack.i.u.bf16.f32 v4  }
0x587: {  	v4 =	vmax.f32 v6, $0.0e+00;
	v3 =	vld.idx.msk [tilespmem:v3+s2+$0x0], $0xffff;
	v2 =	vadd.f32 v7, v2  }
0x588: {  	[tilespmem:v5+s26+$0x0] =	vst.idx.add.f32.msk $0xffff, v4;
	v4 =	vunpack.i.l.s16.s32 v11  }
0x589: {  	v6 =	vunpack.i.l.bf16.f32 v8;
	v7 =	vunpack.i.u.s16.s32 v14;
	v5 =	vld [tilespmem:s10+$0x7860];
	v2 =	vmax.f32 v2, $0.0e+00  }
0x58a: {  	v6 =	vadd.f32 v9, v6;
	v9 =	vunpack.i.u.s16.s32 v15;
	[tilespmem:v10+s26+$0x0] =	vst.idx.add.f32.msk $0xffff, v2  }
0x58b: {  	v2 =	vunpack.i.u.bf16.f32 v13;
	v10 =	vld [tilespmem:s8+$0x7810]  }
0x58c: {  	v12 =	vld [tilespmem:s8+$0x9110];
	v2 =	vadd.f32 v3, v2;
	v3 =	vmax.f32 v6, $0.0e+00  }
0x58d: {  	[tilespmem:v4+s26+$0x0] =	vst.idx.add.f32.msk $0xffff, v3  }
0x58e: {  	v2 =	vmax.f32 v2, $0.0e+00;
	v4 =	vld.idx.msk [tilespmem:v7+s2+$0x0], $0xffff  }
0x58f: {  	v3 =	vunpack.i.l.s16.s32 v5;
	[tilespmem:v9+s26+$0x0] =	vst.idx.add.f32.msk $0xffff, v2  }
0x590: {  	v2 =	vld [tilespmem:s6+$0x7830]  }
0x591: {  	v6 =	vld [tilespmem:s10+$0x9160];
	v7 =	vunpack.i.l.s16.s32 v10  }
0x592: {  	v11 =	vunpack.i.u.s16.s32 v11;
	v9 =	vld [tilespmem:s10+$0x84E0]  }
0x593: {  	v8 =	vunpack.i.u.bf16.f32 v8;
	v14 =	vld [tilespmem:s6+$0x9130]  }
0x594: {  	v3 =	vld.idx.msk [tilespmem:v3+s2+$0x0], $0xffff;
	v4 =	vadd.f32 v4, v8  }
0x595: {  	v8 =	vld [tilespmem:s8+$0x8490];
	v13 =	vunpack.i.l.s16.s32 v2  }
0x596: {  	v7 =	vld.idx.msk [tilespmem:v7+s2+$0x0], $0xffff;
	v4 =	vmax.f32 v4, $0.0e+00  }
0x597: {  	v15 =	vunpack.i.l.s16.s32 v9;
	[tilespmem:v11+s26+$0x0] =	vst.idx.add.f32.msk $0xffff, v4  }
0x598: {  	v5 =	vunpack.i.u.s16.s32 v5;
	v4 =	vunpack.i.l.bf16.f32 v6;
	v11 =	vld [tilespmem:s6+$0x84B0]  }
0x599: {  	v3 =	vadd.f32 v3, v4;
	v16 =	vld [tilespmem:s0+$0x7850]  }
0x59a: {  	v4 =	vld.idx.msk [tilespmem:v13+s2+$0x0], $0xffff;
	v13 =	vunpack.i.l.s16.s32 v8  }
0x59b: {  	v17 =	vunpack.i.l.bf16.f32 v12;
	v3 =	vmax.f32 v3, $0.0e+00  }
0x59c: {  	v10 =	vunpack.i.u.s16.s32 v10;
	v7 =	vadd.f32 v7, v17;
	[tilespmem:v15+s26+$0x0] =	vst.idx.add.f32.msk $0xffff, v3  }
0x59d: {  	v3 =	vld.idx.msk [tilespmem:v5+s2+$0x0], $0xffff;
	v5 =	vunpack.i.l.s16.s32 v11  }
0x59e: {  	v2 =	vunpack.i.u.s16.s32 v2;
	v15 =	vunpack.i.l.bf16.f32 v14;
	v17 =	vld [tilespmem:s0+$0x84D0];
	v7 =	vmax.f32 v7, $0.0e+00  }
0x59f: {  	[tilespmem:v13+s26+$0x0] =	vst.idx.add.f32.msk $0xffff, v7;
	v4 =	vadd.f32 v4, v15;
	v7 =	vunpack.i.l.s16.s32 v16  }
0x5a0: {  	v13 =	vld [tilespmem:s0+$0x9150]  }
0x5a1: {  	v9 =	vunpack.i.u.s16.s32 v9;
	v10 =	vld.idx.msk [tilespmem:v10+s2+$0x0], $0xffff;
	v4 =	vmax.f32 v4, $0.0e+00  }
0x5a2: {  	[tilespmem:v5+s26+$0x0] =	vst.idx.add.f32.msk $0xffff, v4;
	v4 =	vunpack.i.u.bf16.f32 v6  }
0x5a3: {  	v2 =	vld.idx.msk [tilespmem:v2+s2+$0x0], $0xffff;
	v3 =	vadd.f32 v3, v4  }
0x5a4: {  	s9 =	simm.s32 $0x200;
	v6 =	vld.idx.msk [tilespmem:v7+s2+$0x0], $0xffff  }
0x5a5: {  	v5 =	vunpack.i.u.s16.s32 v8;
	v7 =	vld [tilespmem:s9+$0x7800];
	v3 =	vmax.f32 v3, $0.0e+00  }
0x5a6: {  	v4 =	vunpack.i.u.bf16.f32 v12;
	[tilespmem:v9+s26+$0x0] =	vst.idx.add.f32.msk $0xffff, v3  }
0x5a7: {  	v4 =	vadd.f32 v10, v4;
	v3 =	vld [tilespmem:s9+$0x9100]  }
0x5a8: {  	v9 =	vld [tilespmem:s9+$0x8480]  }
0x5a9: {  	v8 =	vunpack.i.u.s16.s32 v11;
	v4 =	vmax.f32 v4, $0.0e+00;
	v19 =	vld [tilespmem:s10+$0x84F0]  }
0x5aa: {  	[tilespmem:v5+s26+$0x0] =	vst.idx.add.f32.msk $0xffff, v4;
	v4 =	vunpack.i.u.bf16.f32 v14  }
0x5ab: {  	v5 =	vld [tilespmem:s8+$0x7820];
	v2 =	vadd.f32 v2, v4;
	v4 =	vunpack.i.l.s16.s32 v7  }
0x5ac: {  	v21 =	vld [tilespmem:s10+$0x9170]  }
0x5ad: {  	v11 =	vunpack.i.l.s16.s32 v17;
	v10 =	vld [tilespmem:s8+$0x84A0];
	v2 =	vmax.f32 v2, $0.0e+00  }
0x5ae: {  	[tilespmem:v8+s26+$0x0] =	vst.idx.add.f32.msk $0xffff, v2;
	v2 =	vunpack.i.u.s16.s32 v16;
	v8 =	vunpack.i.l.bf16.f32 v13  }
0x5af: {  	v6 =	vadd.f32 v6, v8;
	v14 =	vld [tilespmem:s6+$0x7840]  }
0x5b0: {  	v8 =	vunpack.i.l.s16.s32 v5;
	v4 =	vld.idx.msk [tilespmem:v4+s2+$0x0], $0xffff  }
0x5b1: {  	v12 =	vld [tilespmem:s8+$0x9120];
	v6 =	vmax.f32 v6, $0.0e+00  }
0x5b2: {  	[tilespmem:v11+s26+$0x0] =	vst.idx.add.f32.msk $0xffff, v6  }
0x5b3: {  	v11 =	vunpack.i.l.s16.s32 v9;
	v2 =	vld.idx.msk [tilespmem:v2+s2+$0x0], $0xffff  }
0x5b4: {  	v7 =	vunpack.i.u.s16.s32 v7;
	v15 =	vunpack.i.l.bf16.f32 v3;
	v16 =	vld [tilespmem:s10+$0x7870]  }
0x5b5: {  	v8 =	vld.idx.msk [tilespmem:v8+s2+$0x0], $0xffff;
	v4 =	vadd.f32 v4, v15;
	v15 =	vunpack.i.l.s16.s32 v14  }
0x5b6: {  	v17 =	vunpack.i.u.s16.s32 v17;
	v18 =	vld [tilespmem:s6+$0x9140]  }
0x5b7: {  	v13 =	vunpack.i.u.bf16.f32 v13;
	v6 =	vld [tilespmem:s6+$0x84C0];
	v4 =	vmax.f32 v4, $0.0e+00  }
0x5b8: {  	v20 =	vunpack.i.l.s16.s32 v10;
	v2 =	vadd.f32 v2, v13;
	[tilespmem:v11+s26+$0x0] =	vst.idx.add.f32.msk $0xffff, v4  }
0x5b9: {  	v13 =	vunpack.i.l.bf16.f32 v12;
	v4 =	vunpack.i.u.s16.s32 v5;
	v5 =	vld.idx.msk [tilespmem:v7+s2+$0x0], $0xffff  }
0x5ba: {  	v11 =	vunpack.i.l.s16.s32 v16;
	v7 =	vadd.f32 v8, v13;
	v8 =	vld.idx.msk [tilespmem:v15+s2+$0x0], $0xffff;
	v2 =	vmax.f32 v2, $0.0e+00  }
0x5bb: {  	[tilespmem:v17+s26+$0x0] =	vst.idx.add.f32.msk $0xffff, v2  }
0x5bc: {  	v7 =	vmax.f32 v7, $0.0e+00;
	v15 =	vld [tilespmem:s0+$0x7860]  }
0x5bd: {  	[tilespmem:v20+s26+$0x0] =	vst.idx.add.f32.msk $0xffff, v7;
	v7 =	vunpack.i.u.s16.s32 v9  }
0x5be: {  	v2 =	vunpack.i.u.bf16.f32 v3;
	v4 =	vld.idx.msk [tilespmem:v4+s2+$0x0], $0xffff  }
0x5bf: {  	v11 =	vld.idx.msk [tilespmem:v11+s2+$0x0], $0xffff;
	v3 =	vadd.f32 v5, v2;
	v5 =	vunpack.i.l.s16.s32 v6  }
0x5c0: {  	v13 =	vunpack.i.u.s16.s32 v14;
	v9 =	vunpack.i.l.bf16.f32 v18;
	v2 =	vld [tilespmem:s0+$0x9160]  }
0x5c1: {  	v8 =	vadd.f32 v8, v9;
	v9 =	vmax.f32 v3, $0.0e+00;
	v3 =	vld [tilespmem:s0+$0x84E0]  }
0x5c2: {  	v10 =	vunpack.i.u.s16.s32 v10;
	[tilespmem:v7+s26+$0x0] =	vst.idx.add.f32.msk $0xffff, v9;
	v7 =	vunpack.i.u.bf16.f32 v12  }
0x5c3: {  	v14 =	vld [tilespmem:s9+$0x7810];
	v4 =	vadd.f32 v4, v7;
	v7 =	vmax.f32 v8, $0.0e+00  }
0x5c4: {  	[tilespmem:v5+s26+$0x0] =	vst.idx.add.f32.msk $0xffff, v7  }
0x5c5: {  	v5 =	vunpack.i.l.s16.s32 v19;
	v7 =	vld.idx.msk [tilespmem:v13+s2+$0x0], $0xffff  }
0x5c6: {  	v12 =	vunpack.i.l.bf16.f32 v21;
	v8 =	vunpack.i.l.s16.s32 v15;
	v4 =	vmax.f32 v4, $0.0e+00;
	v13 =	vld [tilespmem:s9+$0x8490]  }
0x5c7: {  	v9 =	vunpack.i.u.s16.s32 v16;
	[tilespmem:v10+s26+$0x0] =	vst.idx.add.f32.msk $0xffff, v4;
	v4 =	vadd.f32 v11, v12  }
0x5c8: {  	v11 =	vld [tilespmem:s8+$0x7830]  }
0x5c9: {  	v12 =	vld [tilespmem:s9+$0x9110];
	v10 =	vunpack.i.l.s16.s32 v14;
	v4 =	vmax.f32 v4, $0.0e+00  }
0x5ca: {  	[tilespmem:v5+s26+$0x0] =	vst.idx.add.f32.msk $0xffff, v4;
	v4 =	vunpack.i.u.s16.s32 v6  }
0x5cb: {  	v8 =	vld.idx.msk [tilespmem:v8+s2+$0x0], $0xffff;
	v6 =	vunpack.i.u.bf16.f32 v18  }
0x5cc: {  	v5 =	vld.idx.msk [tilespmem:v9+s2+$0x0], $0xffff;
	v6 =	vadd.f32 v7, v6  }
0x5cd: {  	v9 =	vld [tilespmem:s8+$0x9130];
	v7 =	vunpack.i.l.s16.s32 v11  }
0x5ce: {  	v17 =	vunpack.i.l.s16.s32 v3;
	v6 =	vmax.f32 v6, $0.0e+00;
	v16 =	vld.idx.msk [tilespmem:v10+s2+$0x0], $0xffff  }
0x5cf: {  	v10 =	vunpack.i.l.bf16.f32 v2;
	[tilespmem:v4+s26+$0x0] =	vst.idx.add.f32.msk $0xffff, v6;
	v4 =	vunpack.i.u.s16.s32 v15  }
0x5d0: {  	v6 =	vadd.f32 v8, v10;
	v10 =	vld [tilespmem:s8+$0x84B0]  }
0x5d1: {  	v8 =	vld [tilespmem:s6+$0x7850]  }
0x5d2: {  	v6 =	vmax.f32 v6, $0.0e+00;
	v18 =	vld.idx.msk [tilespmem:v7+s2+$0x0], $0xffff  }
0x5d3: {  	v15 =	vunpack.i.l.s16.s32 v13;
	v7 =	vunpack.i.l.bf16.f32 v12;
	[tilespmem:v17+s26+$0x0] =	vst.idx.add.f32.msk $0xffff, v6  }
0x5d4: {  	v63 =	vunpack.i.u.s16.s32 v14;
	v14 =	vadd.f32 v16, v7;
	v7 =	vld.idx.msk [tilespmem:v4+s2+$0x0], $0xffff;
	v4 =	vunpack.i.u.bf16.f32 v21  }
0x5d5: {  	v5 =	vadd.f32 v5, v4;
	v4 =	vunpack.i.u.s16.s32 v19;
	_ =	sdelay $0x1  }
0x5d6: {  	v6 =	vld [tilespmem:s6+$0x84D0];
	v17 =	vmax.f32 v14, $0.0e+00;
	v14 =	vunpack.i.l.s16.s32 v10  }
0x5d7: {  	v16 =	vunpack.i.l.bf16.f32 v9;
	[tilespmem:v15+s26+$0x0] =	vst.idx.add.f32.msk $0xffff, v17;
	v15 =	vunpack.i.u.s16.s32 v11  }
0x5d8: {  	s10 =	simm.s32 $0xA00;
	v11 =	vunpack.i.l.s16.s32 v8;
	v17 =	vld.idx.msk [tilespmem:v63+s2+$0x0], $0xffff;
	v16 =	vadd.f32 v18, v16;
	v5 =	vmax.f32 v5, $0.0e+00  }
.LBB2_18:
0x5d9: {  	s11 =	sshra.s32 s10, $0x2;
	p1 =	sne.s32 s10, $0x3000;
	s10 =	sadd.s32 $0x200, s10;
	[tilespmem:v4+s26+$0x0] =	vst.idx.add.f32.msk $0xffff, v5  }
0x5da: {  	v3 =	vunpack.i.u.s16.s32 v3;
	v4 =	vmax.f32 v16, $0.0e+00;
	v5 =	vld [tilespmem:s6+$0x9150]  }
0x5db: {  	v2 =	vunpack.i.u.bf16.f32 v2;
	[tilespmem:v14+s26+$0x0] =	vst.idx.add.f32.msk $0xffff, v4  }
0x5dc: {  	v2 =	vadd.f32 v7, v2;
	v4 =	vunpack.i.u.s16.s32 v13;
	v13 =	vld.idx.msk [tilespmem:v15+s2+$0x0], $0xffff  }
0x5dd: {  	v7 =	vunpack.i.u.bf16.f32 v12;
	v11 =	vld.idx.msk [tilespmem:v11+s2+$0x0], $0xffff  }
0x5de: {  	v2 =	vmax.f32 v2, $0.0e+00;
	v7 =	vadd.f32 v17, v7;
	v12 =	vld [tilespmem:s11+$0x7800]  }
0x5df: {  	[tilespmem:v3+s26+$0x0] =	vst.idx.add.f32.msk $0xffff, v2  }
0x5e0: {  	v3 =	vmax.f32 v7, $0.0e+00;
	v7 =	vunpack.i.u.s16.s32 v10;
	v2 =	vld [tilespmem:s11+$0x9100]  }
0x5e1: {  	[tilespmem:v4+s26+$0x0] =	vst.idx.add.f32.msk $0xffff, v3;
	v3 =	vunpack.i.u.bf16.f32 v9  }
0x5e2: {  	v4 =	vld [tilespmem:s9+$0x7820];
	v3 =	vadd.f32 v13, v3  }
0x5e3: {  	v9 =	vunpack.i.l.s16.s32 v12;
	v10 =	vld [tilespmem:s11+$0x8480]  }
0x5e4: {  	v14 =	vunpack.i.l.s16.s32 v6;
	v13 =	vld [tilespmem:s9+$0x84A0];
	v3 =	vmax.f32 v3, $0.0e+00  }
0x5e5: {  	v15 =	vunpack.i.l.bf16.f32 v2;
	[tilespmem:v7+s26+$0x0] =	vst.idx.add.f32.msk $0xffff, v3;
	v3 =	vunpack.i.u.s16.s32 v8;
	v7 =	vunpack.i.l.bf16.f32 v5  }
0x5e6: {  	v8 =	vld [tilespmem:s9+$0x9120];
	v7 =	vadd.f32 v11, v7  }
0x5e7: {  	v11 =	vunpack.i.l.s16.s32 v4;
	v16 =	vld [tilespmem:s8+$0x7840]  }
0x5e8: {  	v17 =	vunpack.i.l.s16.s32 v10;
	v9 =	vld.idx.msk [tilespmem:v9+s2+$0x0], $0xffff;
	v7 =	vmax.f32 v7, $0.0e+00  }
0x5e9: {  	[tilespmem:v14+s26+$0x0] =	vst.idx.add.f32.msk $0xffff, v7  }
0x5ea: {  	v3 =	vld.idx.msk [tilespmem:v3+s2+$0x0], $0xffff  }
0x5eb: {  	v7 =	vunpack.i.l.bf16.f32 v8;
	v14 =	vld [tilespmem:s8+$0x84C0]  }
0x5ec: {  	v11 =	vld.idx.msk [tilespmem:v11+s2+$0x0], $0xffff  }
0x5ed: {  	v12 =	vunpack.i.u.s16.s32 v12;
	v18 =	vld [tilespmem:s0+$0x7870]  }
0x5ee: {  	v9 =	vadd.f32 v9, v15;
	v15 =	vunpack.i.l.s16.s32 v16;
	v19 =	vld [tilespmem:s8+$0x9140]  }
0x5ef: {  	v6 =	vunpack.i.u.s16.s32 v6;
	v5 =	vunpack.i.u.bf16.f32 v5;
	v20 =	vld [tilespmem:s0+$0x84F0]  }
0x5f0: {  	v21 =	vunpack.i.l.s16.s32 v13;
	v9 =	vmax.f32 v9, $0.0e+00;
	v3 =	vadd.f32 v3, v5;
	v5 =	vld [tilespmem:s0+$0x9170];
	s0 =	smov.u32 s6;
	s6 =	smov.u32 s8;
	s8 =	smov.u32 s9  }
0x5f1: {  	v4 =	vunpack.i.u.s16.s32 v4;
	s9 =	smov.u32 s11;
	[tilespmem:v17+s26+$0x0] =	vst.idx.add.f32.msk $0xffff, v9  }
0x5f2: {  	v9 =	vunpack.i.u.s16.s32 v10;
	v7 =	vadd.f32 v11, v7;
	v10 =	vld.idx.msk [tilespmem:v12+s2+$0x0], $0xffff  }
0x5f3: {  	v2 =	vunpack.i.u.bf16.f32 v2;
	v3 =	vmax.f32 v3, $0.0e+00;
	v11 =	vld.idx.msk [tilespmem:v15+s2+$0x0], $0xffff  }
0x5f4: {  	v7 =	vmax.f32 v7, $0.0e+00;
	[tilespmem:v6+s26+$0x0] =	vst.idx.add.f32.msk $0xffff, v3;
	v3 =	vunpack.i.l.s16.s32 v18  }
0x5f5: {  	[tilespmem:v21+s26+$0x0] =	vst.idx.add.f32.msk $0xffff, v7  }
0x5f6: {  	v4 =	vld.idx.msk [tilespmem:v4+s2+$0x0], $0xffff  }
0x5f7: {  	v6 =	vld [tilespmem:s0+$0x7860]  }
0x5f8: {  	v12 =	vunpack.i.l.bf16.f32 v19;
	v7 =	vadd.f32 v10, v2;
	v10 =	vunpack.i.l.s16.s32 v14;
	v2 =	vld [tilespmem:s0+$0x9160]  }
0x5f9: {  	v15 =	vunpack.i.u.s16.s32 v16;
	v11 =	vadd.f32 v11, v12;
	v12 =	vld.idx.msk [tilespmem:v3+s2+$0x0], $0xffff  }
0x5fa: {  	v13 =	vunpack.i.u.s16.s32 v13;
	v7 =	vmax.f32 v7, $0.0e+00;
	v3 =	vld [tilespmem:s0+$0x84E0]  }
0x5fb: {  	[tilespmem:v9+s26+$0x0] =	vst.idx.add.f32.msk $0xffff, v7;
	v7 =	vunpack.i.u.bf16.f32 v8  }
0x5fc: {  	v8 =	vld [tilespmem:s9+$0x7810];
	v4 =	vadd.f32 v4, v7;
	v7 =	vmax.f32 v11, $0.0e+00;
	v9 =	vunpack.i.l.s16.s32 v6  }
0x5fd: {  	[tilespmem:v10+s26+$0x0] =	vst.idx.add.f32.msk $0xffff, v7;
	v7 =	vunpack.i.l.s16.s32 v20  }
0x5fe: {  	v11 =	vunpack.i.u.s16.s32 v18;
	v4 =	vmax.f32 v4, $0.0e+00;
	v10 =	vld.idx.msk [tilespmem:v15+s2+$0x0], $0xffff;
	v15 =	vunpack.i.l.bf16.f32 v5  }
0x5ff: {  	[tilespmem:v13+s26+$0x0] =	vst.idx.add.f32.msk $0xffff, v4;
	v4 =	vadd.f32 v12, v15  }
0x600: {  	v15 =	vld [tilespmem:s8+$0x7830]  }
0x601: {  	v16 =	vunpack.i.l.s16.s32 v8;
	v17 =	vld.idx.msk [tilespmem:v9+s2+$0x0], $0xffff;
	v4 =	vmax.f32 v4, $0.0e+00  }
0x602: {  	[tilespmem:v7+s26+$0x0] =	vst.idx.add.f32.msk $0xffff, v4  }
0x603: {  	v4 =	vunpack.i.u.s16.s32 v14;
	v7 =	vunpack.i.u.bf16.f32 v19;
	v11 =	vld.idx.msk [tilespmem:v11+s2+$0x0], $0xffff  }
0x604: {  	v7 =	vadd.f32 v10, v7;
	v12 =	vld [tilespmem:s9+$0x9110]  }
0x605: {  	v13 =	vld [tilespmem:s9+$0x8490];
	v14 =	vunpack.i.l.s16.s32 v15  }
0x606: {  	v10 =	vunpack.i.l.bf16.f32 v2;
	v16 =	vld.idx.msk [tilespmem:v16+s2+$0x0], $0xffff  }
0x607: {  	v18 =	vunpack.i.l.s16.s32 v3;
	v7 =	vmax.f32 v7, $0.0e+00;
	v17 =	vadd.f32 v17, v10;
	v9 =	vld [tilespmem:s8+$0x9130]  }
0x608: {  	v6 =	vunpack.i.u.s16.s32 v6;
	[tilespmem:v4+s26+$0x0] =	vst.idx.add.f32.msk $0xffff, v7  }
0x609: {  	v10 =	vld [tilespmem:s8+$0x84B0]  }
0x60a: {  	v4 =	vunpack.i.l.bf16.f32 v12;
	v19 =	vunpack.i.l.s16.s32 v13;
	v21 =	vld.idx.msk [tilespmem:v14+s2+$0x0], $0xffff  }
0x60b: {  	v22 =	vunpack.i.u.s16.s32 v8;
	v7 =	vmax.f32 v17, $0.0e+00;
	v8 =	vld [tilespmem:s6+$0x7850]  }
.Ltmp12:
0x60c: {  	v14 =	vadd.f32 v16, v4;
	v4 =	vunpack.i.u.s16.s32 v20;
	v16 =	vunpack.i.l.bf16.f32 v9;
	[tilespmem:v18+s26+$0x0] =	vst.idx.add.f32.msk $0xffff, v7;
	(pc) =	sbr.rel @p1 .LBB2_18-.Ltmp12, $4  }
0x60d: {  	v5 =	vunpack.i.u.bf16.f32 v5;
	v7 =	vld.idx.msk [tilespmem:v6+s2+$0x0], $0xffff  }
0x60e: {  	v5 =	vadd.f32 v11, v5;
	v17 =	vmax.f32 v14, $0.0e+00;
	v14 =	vunpack.i.l.s16.s32 v10;
	v6 =	vld [tilespmem:s6+$0x84D0]  }
0x60f: {  	v15 =	vunpack.i.u.s16.s32 v15;
	[tilespmem:v19+s26+$0x0] =	vst.idx.add.f32.msk $0xffff, v17  }
0x610: {  	v5 =	vmax.f32 v5, $0.0e+00;
	v16 =	vadd.f32 v21, v16;
	v17 =	vld.idx.msk [tilespmem:v22+s2+$0x0], $0xffff;
	v11 =	vunpack.i.l.s16.s32 v8  }
0x611: {  	_ =	sdelay $0x1  }
0x612: {  	v13 =	vunpack.i.u.s16.s32 v13  }
0x613: {  	v12 =	vunpack.i.u.bf16.f32 v12  }
0x614: {  	v12 =	vadd.f32 v17, v12;
	_ =	sdelay $0x1  }
0x615: {  	v12 =	vmax.f32 v12, $0.0e+00  }
0x616: {  	[tilespmem:v13+s26+$0x0] =	vst.idx.add.f32.msk $0xffff, v12  }
0x617: {  	v12 =	vld [tilespmem:s9+$0x7820];
	_ =	sdelay $0x4  }
0x618: {  	v61 =	vunpack.i.l.s16.s32 v12;
	_ =	sdelay $0x2  }
0x619: {  	v62 =	vld [tilespmem:s9+$0x84A0]  }
0x61a: {  	v18 =	vld [tilespmem:s9+$0x9120]  }
0x61b: {  	v13 =	vld.idx.msk [tilespmem:v61+s2+$0x0], $0xffff;
	_ =	sdelay $0x2  }
0x61c: {  	v19 =	vunpack.i.l.s16.s32 v62  }
0x61d: {  	v20 =	vunpack.i.l.bf16.f32 v18;
	v12 =	vunpack.i.u.s16.s32 v12  }
0x61e: {  	v13 =	vadd.f32 v13, v20;
	_ =	sdelay $0x1  }
0x61f: {  	v13 =	vmax.f32 v13, $0.0e+00  }
0x620: {  	[tilespmem:v19+s26+$0x0] =	vst.idx.add.f32.msk $0xffff, v13  }
0x621: {  	v12 =	vld.idx.msk [tilespmem:v12+s2+$0x0], $0xffff;
	_ =	sdelay $0x2  }
0x622: {  	v63 =	vunpack.i.u.s16.s32 v62  }
0x623: {  	v20 =	vunpack.i.u.bf16.f32 v18  }
0x624: {  	v12 =	vadd.f32 v12, v20;
	_ =	sdelay $0x1  }
0x625: {  	v12 =	vmax.f32 v12, $0.0e+00  }
0x626: {  	[tilespmem:v63+s26+$0x0] =	vst.idx.add.f32.msk $0xffff, v12  }
0x627: {  	v12 =	vld [tilespmem:s9+$0x7830];
	_ =	sdelay $0x4  }
0x628: {  	v21 =	vunpack.i.l.s16.s32 v12;
	_ =	sdelay $0x2  }
0x629: {  	v22 =	vld [tilespmem:s9+$0x84B0]  }
0x62a: {  	v23 =	vld [tilespmem:s9+$0x9130]  }
0x62b: {  	v13 =	vld.idx.msk [tilespmem:v21+s2+$0x0], $0xffff;
	_ =	sdelay $0x2  }
0x62c: {  	v16 =	vmax.f32 v16, $0.0e+00;
	v24 =	vunpack.i.l.s16.s32 v22  }
0x62d: {  	[tilespmem:v14+s26+$0x0] =	vst.idx.add.f32.msk $0xffff, v16;
	v25 =	vunpack.i.l.bf16.f32 v23;
	v12 =	vunpack.i.u.s16.s32 v12  }
0x62e: {  	v15 =	vld.idx.msk [tilespmem:v15+s2+$0x0], $0xffff;
	v13 =	vadd.f32 v13, v25;
	_ =	sdelay $0x1  }
0x62f: {  	v13 =	vmax.f32 v13, $0.0e+00  }
0x630: {  	v10 =	vunpack.i.u.s16.s32 v10;
	[tilespmem:v24+s26+$0x0] =	vst.idx.add.f32.msk $0xffff, v13  }
0x631: {  	v9 =	vunpack.i.u.bf16.f32 v9;
	v12 =	vld.idx.msk [tilespmem:v12+s2+$0x0], $0xffff  }
0x632: {  	v9 =	vadd.f32 v15, v9;
	_ =	sdelay $0x1  }
0x633: {  	v9 =	vmax.f32 v9, $0.0e+00;
	v26 =	vunpack.i.u.s16.s32 v22  }
0x634: {  	[tilespmem:v10+s26+$0x0] =	vst.idx.add.f32.msk $0xffff, v9;
	v27 =	vunpack.i.u.bf16.f32 v23  }
0x635: {  	v10 =	vld [tilespmem:s8+$0x7840];
	v9 =	vadd.f32 v12, v27;
	_ =	sdelay $0x1  }
0x636: {  	v9 =	vmax.f32 v9, $0.0e+00  }
0x637: {  	[tilespmem:v26+s26+$0x0] =	vst.idx.add.f32.msk $0xffff, v9  }
0x638: {  	v9 =	vld [tilespmem:s9+$0x7840]  }
0x639: {  	v28 =	vunpack.i.l.s16.s32 v10;
	_ =	sdelay $0x2  }
0x63a: {  	v29 =	vld [tilespmem:s8+$0x84C0]  }
0x63b: {  	v30 =	vld [tilespmem:s8+$0x9140];
	v31 =	vunpack.i.l.s16.s32 v9  }
0x63c: {  	v12 =	vld.idx.msk [tilespmem:v28+s2+$0x0], $0xffff;
	_ =	sdelay $0x1  }
0x63d: {  	v32 =	vld [tilespmem:s9+$0x84C0]  }
0x63e: {  	v33 =	vunpack.i.l.s16.s32 v29;
	v34 =	vld [tilespmem:s9+$0x9140]  }
0x63f: {  	v35 =	vunpack.i.l.bf16.f32 v30;
	v10 =	vunpack.i.u.s16.s32 v10;
	v15 =	vld.idx.msk [tilespmem:v31+s2+$0x0], $0xffff  }
0x640: {  	v12 =	vadd.f32 v12, v35;
	_ =	sdelay $0x1  }
0x641: {  	v12 =	vmax.f32 v12, $0.0e+00;
	v36 =	vunpack.i.l.s16.s32 v32  }
0x642: {  	[tilespmem:v33+s26+$0x0] =	vst.idx.add.f32.msk $0xffff, v12;
	v37 =	vunpack.i.l.bf16.f32 v34;
	v9 =	vunpack.i.u.s16.s32 v9  }
0x643: {  	v10 =	vld.idx.msk [tilespmem:v10+s2+$0x0], $0xffff;
	v12 =	vadd.f32 v15, v37;
	_ =	sdelay $0x1  }
0x644: {  	v12 =	vmax.f32 v12, $0.0e+00  }
0x645: {  	v13 =	vunpack.i.u.s16.s32 v29;
	[tilespmem:v36+s26+$0x0] =	vst.idx.add.f32.msk $0xffff, v12  }
0x646: {  	v38 =	vunpack.i.u.bf16.f32 v30;
	v9 =	vld.idx.msk [tilespmem:v9+s2+$0x0], $0xffff  }
0x647: {  	v10 =	vadd.f32 v10, v38;
	_ =	sdelay $0x1  }
0x648: {  	v39 =	vunpack.i.u.s16.s32 v32;
	v10 =	vmax.f32 v10, $0.0e+00  }
0x649: {  	v40 =	vunpack.i.u.bf16.f32 v34;
	[tilespmem:v13+s26+$0x0] =	vst.idx.add.f32.msk $0xffff, v10  }
0x64a: {  	v13 =	vld [tilespmem:s8+$0x7850];
	v9 =	vadd.f32 v9, v40;
	_ =	sdelay $0x1  }
0x64b: {  	v9 =	vmax.f32 v9, $0.0e+00  }
0x64c: {  	[tilespmem:v39+s26+$0x0] =	vst.idx.add.f32.msk $0xffff, v9  }
0x64d: {  	v9 =	vld [tilespmem:s9+$0x7850]  }
0x64e: {  	v41 =	vunpack.i.l.s16.s32 v13  }
0x64f: {  	v42 =	vld [tilespmem:s6+$0x9150]  }
0x650: {  	v11 =	vld.idx.msk [tilespmem:v11+s2+$0x0], $0xffff  }
0x651: {  	v43 =	vld [tilespmem:s8+$0x84D0]  }
0x652: {  	v44 =	vld [tilespmem:s8+$0x9150];
	v45 =	vunpack.i.l.s16.s32 v9  }
0x653: {  	v46 =	vunpack.i.l.s16.s32 v6;
	v10 =	vld.idx.msk [tilespmem:v41+s2+$0x0], $0xffff  }
0x654: {  	v8 =	vunpack.i.u.s16.s32 v8;
	v47 =	vunpack.i.l.bf16.f32 v42  }
0x655: {  	v11 =	vadd.f32 v11, v47;
	v48 =	vld [tilespmem:s9+$0x84D0]  }
0x656: {  	v49 =	vunpack.i.l.s16.s32 v43;
	v50 =	vld [tilespmem:s9+$0x9150]  }
0x657: {  	v11 =	vmax.f32 v11, $0.0e+00;
	v13 =	vunpack.i.u.s16.s32 v13;
	v21 =	vunpack.i.l.bf16.f32 v44;
	v16 =	vld.idx.msk [tilespmem:v45+s2+$0x0], $0xffff  }
0x658: {  	[tilespmem:v46+s26+$0x0] =	vst.idx.add.f32.msk $0xffff, v11;
	v10 =	vadd.f32 v10, v21  }
0x659: {  	v8 =	vld.idx.msk [tilespmem:v8+s2+$0x0], $0xffff  }
0x65a: {  	v10 =	vmax.f32 v10, $0.0e+00;
	v51 =	vunpack.i.l.s16.s32 v48  }
0x65b: {  	[tilespmem:v49+s26+$0x0] =	vst.idx.add.f32.msk $0xffff, v10;
	v9 =	vunpack.i.u.s16.s32 v9;
	v52 =	vunpack.i.l.bf16.f32 v50  }
0x65c: {  	v53 =	vunpack.i.u.s16.s32 v6;
	v13 =	vld.idx.msk [tilespmem:v13+s2+$0x0], $0xffff;
	v10 =	vadd.f32 v16, v52  }
0x65d: {  	v12 =	vunpack.i.u.bf16.f32 v42  }
0x65e: {  	v8 =	vadd.f32 v8, v12;
	v10 =	vmax.f32 v10, $0.0e+00  }
0x65f: {  	v54 =	vunpack.i.u.s16.s32 v43;
	[tilespmem:v51+s26+$0x0] =	vst.idx.add.f32.msk $0xffff, v10  }
0x660: {  	v55 =	vunpack.i.u.bf16.f32 v44;
	v8 =	vmax.f32 v8, $0.0e+00;
	v9 =	vld.idx.msk [tilespmem:v9+s2+$0x0], $0xffff  }
0x661: {  	[tilespmem:v53+s26+$0x0] =	vst.idx.add.f32.msk $0xffff, v8;
	v56 =	vadd.f32 v13, v55  }
0x662: {  	v8 =	vld [tilespmem:s6+$0x7860]  }
0x663: {  	v57 =	vunpack.i.u.s16.s32 v48;
	v6 =	vmax.f32 v56, $0.0e+00  }
0x664: {  	v58 =	vunpack.i.u.bf16.f32 v50;
	[tilespmem:v54+s26+$0x0] =	vst.idx.add.f32.msk $0xffff, v6  }
0x665: {  	v59 =	vld [tilespmem:s8+$0x7860];
	v6 =	vadd.f32 v9, v58;
	_ =	sdelay $0x1  }
0x666: {  	v60 =	vunpack.i.l.s16.s32 v8;
	v6 =	vmax.f32 v6, $0.0e+00  }
0x667: {  	[tilespmem:v57+s26+$0x0] =	vst.idx.add.f32.msk $0xffff, v6  }
0x668: {  	v6 =	vld [tilespmem:s9+$0x7860]  }
0x669: {  	v61 =	vld [tilespmem:s6+$0x84E0];
	v62 =	vunpack.i.l.s16.s32 v59  }
0x66a: {  	v63 =	vld [tilespmem:s6+$0x9160]  }
0x66b: {  	v9 =	vld.idx.msk [tilespmem:v60+s2+$0x0], $0xffff  }
0x66c: {  	v24 =	vld [tilespmem:s8+$0x84E0]  }
0x66d: {  	v25 =	vld [tilespmem:s8+$0x9160];
	v26 =	vunpack.i.l.s16.s32 v6  }
0x66e: {  	v27 =	vunpack.i.l.s16.s32 v61;
	v12 =	vld.idx.msk [tilespmem:v62+s2+$0x0], $0xffff  }
0x66f: {  	v28 =	vunpack.i.l.bf16.f32 v63;
	v8 =	vunpack.i.u.s16.s32 v8  }
0x670: {  	v3 =	vunpack.i.u.s16.s32 v3;
	v2 =	vunpack.i.u.bf16.f32 v2;
	v29 =	vld [tilespmem:s9+$0x84E0];
	v9 =	vadd.f32 v9, v28  }
0x671: {  	v2 =	vadd.f32 v7, v2;
	v30 =	vunpack.i.l.s16.s32 v24;
	v31 =	vld [tilespmem:s9+$0x9160]  }
0x672: {  	v32 =	vunpack.i.l.bf16.f32 v25;
	v11 =	vunpack.i.u.s16.s32 v59;
	v9 =	vmax.f32 v9, $0.0e+00;
	v16 =	vld.idx.msk [tilespmem:v26+s2+$0x0], $0xffff  }
0x673: {  	v33 =	vadd.f32 v12, v32;
	[tilespmem:v27+s26+$0x0] =	vst.idx.add.f32.msk $0xffff, v9  }
0x674: {  	v2 =	vmax.f32 v2, $0.0e+00;
	v8 =	vld.idx.msk [tilespmem:v8+s2+$0x0], $0xffff  }
0x675: {  	[tilespmem:v3+s26+$0x0] =	vst.idx.add.f32.msk $0xffff, v2;
	v2 =	vmax.f32 v33, $0.0e+00;
	v3 =	vunpack.i.l.s16.s32 v29  }
0x676: {  	[tilespmem:v30+s26+$0x0] =	vst.idx.add.f32.msk $0xffff, v2;
	v2 =	vunpack.i.l.bf16.f32 v31;
	v6 =	vunpack.i.u.s16.s32 v6  }
0x677: {  	v34 =	vunpack.i.u.s16.s32 v61;
	v35 =	vld.idx.msk [tilespmem:v11+s2+$0x0], $0xffff;
	v2 =	vadd.f32 v16, v2  }
0x678: {  	v37 =	vunpack.i.u.bf16.f32 v63  }
0x679: {  	v36 =	vld [tilespmem:s0+$0x7870];
	v8 =	vadd.f32 v8, v37;
	v2 =	vmax.f32 v2, $0.0e+00  }
0x67a: {  	v38 =	vunpack.i.u.s16.s32 v24;
	[tilespmem:v3+s26+$0x0] =	vst.idx.add.f32.msk $0xffff, v2  }
0x67b: {  	v2 =	vmax.f32 v8, $0.0e+00;
	v3 =	vunpack.i.u.bf16.f32 v25;
	v6 =	vld.idx.msk [tilespmem:v6+s2+$0x0], $0xffff  }
0x67c: {  	[tilespmem:v34+s26+$0x0] =	vst.idx.add.f32.msk $0xffff, v2;
	v2 =	vadd.f32 v35, v3  }
0x67d: {  	v41 =	vld [tilespmem:s0+$0x9170]  }
0x67e: {  	v40 =	vunpack.i.u.s16.s32 v29;
	v7 =	vld [tilespmem:s6+$0x7870];
	v2 =	vmax.f32 v2, $0.0e+00  }
0x67f: {  	[tilespmem:v38+s26+$0x0] =	vst.idx.add.f32.msk $0xffff, v2;
	v2 =	vunpack.i.u.bf16.f32 v31  }
0x680: {  	v11 =	vld [tilespmem:s8+$0x7870];
	v2 =	vadd.f32 v6, v2  }
0x681: {  	v39 =	vld [tilespmem:s0+$0x84F0]  }
0x682: {  	v43 =	vld [tilespmem:s6+$0x84F0];
	v2 =	vmax.f32 v2, $0.0e+00  }
0x683: {  	v3 =	vunpack.i.l.s16.s32 v36;
	[tilespmem:v40+s26+$0x0] =	vst.idx.add.f32.msk $0xffff, v2  }
0x684: {  	v42 =	vunpack.i.l.s16.s32 v7;
	v2 =	vld [tilespmem:s9+$0x7870]  }
0x685: {  	v45 =	vld [tilespmem:s6+$0x9170];
	v44 =	vunpack.i.l.s16.s32 v11  }
0x686: {  	v46 =	vld [tilespmem:s8+$0x84F0]  }
0x687: {  	v47 =	vld [tilespmem:s8+$0x9170]  }
0x688: {  	v3 =	vld.idx.msk [tilespmem:v3+s2+$0x0], $0xffff  }
0x689: {  	v12 =	vld.idx.msk [tilespmem:v42+s2+$0x0], $0xffff;
	v48 =	vunpack.i.l.s16.s32 v2  }
0x68a: {  	v13 =	vld.idx.msk [tilespmem:v44+s2+$0x0], $0xffff  }
0x68b: {  	v49 =	vunpack.i.l.s16.s32 v39  }
0x68c: {  	v50 =	vunpack.i.l.bf16.f32 v41;
	v51 =	vunpack.i.l.s16.s32 v43;
	v52 =	vld [tilespmem:s9+$0x84F0]  }
0x68d: {  	v53 =	vunpack.i.l.bf16.f32 v45;
	v22 =	vunpack.i.l.s16.s32 v46;
	v23 =	vld [tilespmem:s9+$0x9170];
	v3 =	vadd.f32 v3, v50  }
0x68e: {  	v10 =	vunpack.i.u.s16.s32 v36;
	v54 =	vunpack.i.l.bf16.f32 v47;
	v12 =	vadd.f32 v12, v53;
	v17 =	vld.idx.msk [tilespmem:v48+s2+$0x0], $0xffff  }
0x68f: {  	v7 =	vunpack.i.u.s16.s32 v7;
	v3 =	vmax.f32 v3, $0.0e+00;
	v13 =	vadd.f32 v13, v54  }
0x690: {  	v11 =	vunpack.i.u.s16.s32 v11;
	[tilespmem:v49+s26+$0x0] =	vst.idx.add.f32.msk $0xffff, v3;
	v3 =	vmax.f32 v12, $0.0e+00  }
0x691: {  	v55 =	vunpack.i.l.s16.s32 v52;
	[tilespmem:v51+s26+$0x0] =	vst.idx.add.f32.msk $0xffff, v3;
	v3 =	vmax.f32 v13, $0.0e+00  }
0x692: {  	v2 =	vunpack.i.u.s16.s32 v2;
	[tilespmem:v22+s26+$0x0] =	vst.idx.add.f32.msk $0xffff, v3;
	v3 =	vunpack.i.l.bf16.f32 v23  }
0x693: {  	v10 =	vld.idx.msk [tilespmem:v10+s2+$0x0], $0xffff;
	v3 =	vadd.f32 v17, v3  }
0x694: {  	v7 =	vld.idx.msk [tilespmem:v7+s2+$0x0], $0xffff  }
0x695: {  	v11 =	vld.idx.msk [tilespmem:v11+s2+$0x0], $0xffff;
	v3 =	vmax.f32 v3, $0.0e+00  }
0x696: {  	[tilespmem:v55+s26+$0x0] =	vst.idx.add.f32.msk $0xffff, v3  }
0x697: {  	v3 =	vunpack.i.u.s16.s32 v39;
	v2 =	vld.idx.msk [tilespmem:v2+s2+$0x0], $0xffff  }
0x698: {  	v6 =	vunpack.i.u.bf16.f32 v41;
	v56 =	vunpack.i.u.s16.s32 v43  }
0x699: {  	v57 =	vunpack.i.u.bf16.f32 v45;
	v58 =	vunpack.i.u.s16.s32 v46;
	v6 =	vadd.f32 v10, v6  }
0x69a: {  	v59 =	vunpack.i.u.bf16.f32 v47;
	v60 =	vunpack.i.u.s16.s32 v52;
	v7 =	vadd.f32 v7, v57  }
.Ltmp13:
0x69b: {  	[tilespmem:v4+s26+$0x0] =	vst.idx.add.f32.msk $0xffff, v5;
	v63 =	vunpack.i.u.bf16.f32 v23;
	v61 =	vmax.f32 v6, $0.0e+00;
	v62 =	vadd.f32 v11, v59;
	(pc) =	sbr.rel @p0 .LBB2_23-.Ltmp13, $4  }
0x69c: {  	[tilespmem:v3+s26+$0x0] =	vst.idx.add.f32.msk $0xffff, v61;
	v3 =	vmax.f32 v7, $0.0e+00;
	v2 =	vadd.f32 v2, v63  }
0x69d: {  	[tilespmem:v56+s26+$0x0] =	vst.idx.add.f32.msk $0xffff, v3;
	v3 =	vmax.f32 v62, $0.0e+00  }
0x69e: {  	[tilespmem:v58+s26+$0x0] =	vst.idx.add.f32.msk $0xffff, v3;
	v2 =	vmax.f32 v2, $0.0e+00  }
0x69f: {  	[tilespmem:v60+s26+$0x0] =	vst.idx.add.f32.msk $0xffff, v2  }
0x6a0: {  	s0 =	simm.s32 $0x0  }
0x6a1: {  	v2 =	vld [tilespmem:s0+$0x8480];
	_ =	sdelay $0x4  }
0x6a2: {  	v3 =	vunpack.i.l.s16.s32 v2  }
0x6a3: {  	v2 =	vunpack.i.u.s16.s32 v2;
	_ =	sdelay $0x3  }
0x6a4: {  	[tilespmem:v3+s28+$0x0] =	vst.idx.add.f32.msk $0xffff, v1  }
0x6a5: {  	[tilespmem:v2+s28+$0x0] =	vst.idx.add.f32.msk $0xffff, v1  }
0x6a6: {  	v2 =	vld [tilespmem:s0+$0x8490];
	_ =	sdelay $0x4  }
0x6a7: {  	v3 =	vunpack.i.l.s16.s32 v2  }
0x6a8: {  	v2 =	vunpack.i.u.s16.s32 v2;
	_ =	sdelay $0x1  }
0x6a9: {  	s6 =	simm.s32 $0x80  }
0x6aa: {  	v4 =	vld [tilespmem:s6+$0x8480]  }
0x6ab: {  	[tilespmem:v3+s28+$0x0] =	vst.idx.add.f32.msk $0xffff, v1  }
0x6ac: {  	[tilespmem:v2+s28+$0x0] =	vst.idx.add.f32.msk $0xffff, v1  }
0x6ad: {  	v2 =	vld [tilespmem:s0+$0x84A0];
	_ =	sdelay $0x1  }
0x6ae: {  	v3 =	vunpack.i.l.s16.s32 v4  }
0x6af: {  	v4 =	vunpack.i.u.s16.s32 v4;
	_ =	sdelay $0x1  }
0x6b0: {  	v5 =	vunpack.i.l.s16.s32 v2  }
0x6b1: {  	v2 =	vunpack.i.u.s16.s32 v2  }
0x6b2: {  	[tilespmem:v3+s28+$0x0] =	vst.idx.add.f32.msk $0xffff, v1  }
0x6b3: {  	[tilespmem:v4+s28+$0x0] =	vst.idx.add.f32.msk $0xffff, v1  }
0x6b4: {  	v3 =	vld [tilespmem:s6+$0x8490]  }
0x6b5: {  	[tilespmem:v5+s28+$0x0] =	vst.idx.add.f32.msk $0xffff, v1  }
0x6b6: {  	[tilespmem:v2+s28+$0x0] =	vst.idx.add.f32.msk $0xffff, v1  }
0x6b7: {  	v2 =	vld [tilespmem:s0+$0x84B0];
	_ =	sdelay $0x1  }
0x6b8: {  	v4 =	vunpack.i.l.s16.s32 v3  }
0x6b9: {  	v3 =	vunpack.i.u.s16.s32 v3;
	_ =	sdelay $0x1  }
0x6ba: {  	s8 =	simm.s32 $0x100;
	v5 =	vunpack.i.l.s16.s32 v2  }
0x6bb: {  	v6 =	vld [tilespmem:s8+$0x8480];
	v2 =	vunpack.i.u.s16.s32 v2  }
0x6bc: {  	[tilespmem:v4+s28+$0x0] =	vst.idx.add.f32.msk $0xffff, v1  }
0x6bd: {  	[tilespmem:v3+s28+$0x0] =	vst.idx.add.f32.msk $0xffff, v1  }
0x6be: {  	v3 =	vld [tilespmem:s6+$0x84A0]  }
0x6bf: {  	[tilespmem:v5+s28+$0x0] =	vst.idx.add.f32.msk $0xffff, v1  }
0x6c0: {  	[tilespmem:v2+s28+$0x0] =	vst.idx.add.f32.msk $0xffff, v1;
	v2 =	vunpack.i.l.s16.s32 v6  }
0x6c1: {  	v5 =	vunpack.i.u.s16.s32 v6  }
0x6c2: {  	v4 =	vld [tilespmem:s0+$0x84C0]  }
0x6c3: {  	v6 =	vunpack.i.l.s16.s32 v3  }
0x6c4: {  	v3 =	vunpack.i.u.s16.s32 v3  }
0x6c5: {  	[tilespmem:v2+s28+$0x0] =	vst.idx.add.f32.msk $0xffff, v1  }
0x6c6: {  	[tilespmem:v5+s28+$0x0] =	vst.idx.add.f32.msk $0xffff, v1  }
0x6c7: {  	v2 =	vunpack.i.l.s16.s32 v4;
	v5 =	vld [tilespmem:s8+$0x8490]  }
0x6c8: {  	[tilespmem:v6+s28+$0x0] =	vst.idx.add.f32.msk $0xffff, v1;
	v4 =	vunpack.i.u.s16.s32 v4  }
0x6c9: {  	[tilespmem:v3+s28+$0x0] =	vst.idx.add.f32.msk $0xffff, v1  }
0x6ca: {  	v3 =	vld [tilespmem:s6+$0x84B0];
	_ =	sdelay $0x1  }
0x6cb: {  	[tilespmem:v2+s28+$0x0] =	vst.idx.add.f32.msk $0xffff, v1;
	v2 =	vunpack.i.l.s16.s32 v5  }
0x6cc: {  	[tilespmem:v4+s28+$0x0] =	vst.idx.add.f32.msk $0xffff, v1;
	v5 =	vunpack.i.u.s16.s32 v5  }
0x6cd: {  	v4 =	vld [tilespmem:s0+$0x84D0]  }
0x6ce: {  	s9 =	simm.s32 $0x180;
	v6 =	vunpack.i.l.s16.s32 v3  }
0x6cf: {  	v7 =	vld [tilespmem:s9+$0x8480];
	v3 =	vunpack.i.u.s16.s32 v3  }
0x6d0: {  	[tilespmem:v2+s28+$0x0] =	vst.idx.add.f32.msk $0xffff, v1  }
0x6d1: {  	[tilespmem:v5+s28+$0x0] =	vst.idx.add.f32.msk $0xffff, v1  }
0x6d2: {  	v2 =	vunpack.i.l.s16.s32 v4;
	v5 =	vld [tilespmem:s8+$0x84A0]  }
0x6d3: {  	[tilespmem:v6+s28+$0x0] =	vst.idx.add.f32.msk $0xffff, v1;
	v4 =	vunpack.i.u.s16.s32 v4  }
0x6d4: {  	[tilespmem:v3+s28+$0x0] =	vst.idx.add.f32.msk $0xffff, v1;
	v3 =	vunpack.i.l.s16.s32 v7;
	_ =	sdelay $0x1  }
0x6d5: {  	v6 =	vunpack.i.u.s16.s32 v7;
	v8 =	vld [tilespmem:s6+$0x84C0]  }
0x6d6: {  	[tilespmem:v2+s28+$0x0] =	vst.idx.add.f32.msk $0xffff, v1;
	v2 =	vunpack.i.l.s16.s32 v5  }
0x6d7: {  	[tilespmem:v4+s28+$0x0] =	vst.idx.add.f32.msk $0xffff, v1;
	v4 =	vunpack.i.u.s16.s32 v5  }
0x6d8: {  	[tilespmem:v3+s28+$0x0] =	vst.idx.add.f32.msk $0xffff, v1  }
0x6d9: {  	v7 =	vld [tilespmem:s0+$0x84E0]  }
0x6da: {  	[tilespmem:v6+s28+$0x0] =	vst.idx.add.f32.msk $0xffff, v1;
	v9 =	vunpack.i.l.s16.s32 v8  }
0x6db: {  	[tilespmem:v2+s28+$0x0] =	vst.idx.add.f32.msk $0xffff, v1  }
0x6dc: {  	[tilespmem:v4+s28+$0x0] =	vst.idx.add.f32.msk $0xffff, v1;
	v4 =	vunpack.i.u.s16.s32 v8  }
0x6dd: {  	v6 =	vld [tilespmem:s9+$0x8490]  }
0x6de: {  	v2 =	vunpack.i.l.s16.s32 v7  }
0x6df: {  	[tilespmem:v9+s28+$0x0] =	vst.idx.add.f32.msk $0xffff, v1;
	v3 =	vunpack.i.u.s16.s32 v7  }
0x6e0: {  	s10 =	simm.s32 $0x800;
	v5 =	vld [tilespmem:s8+$0x84B0]  }
.LBB2_21:
0x6e1: {  	p1 =	sne.s32 s10, $0x3000;
	[tilespmem:v4+s28+$0x0] =	vst.idx.add.f32.msk $0xffff, v1  }
0x6e2: {  	v4 =	vunpack.i.l.s16.s32 v6;
	v7 =	vld [tilespmem:s6+$0x84D0]  }
0x6e3: {  	v6 =	vunpack.i.u.s16.s32 v6;
	[tilespmem:v2+s28+$0x0] =	vst.idx.add.f32.msk $0xffff, v1  }
0x6e4: {  	[tilespmem:v3+s28+$0x0] =	vst.idx.add.f32.msk $0xffff, v1  }
0x6e5: {  	s11 =	sshra.s32 s10, $0x2;
	v2 =	vunpack.i.l.s16.s32 v5;
	v3 =	vld [tilespmem:s0+$0x84F0];
	s0 =	smov.u32 s6;
	s6 =	smov.u32 s8  }
0x6e6: {  	v5 =	vunpack.i.u.s16.s32 v5;
	s8 =	smov.u32 s9;
	s9 =	smov.u32 s11;
	v8 =	vld [tilespmem:s11+$0x8480]  }
0x6e7: {  	[tilespmem:v4+s28+$0x0] =	vst.idx.add.f32.msk $0xffff, v1  }
0x6e8: {  	v4 =	vunpack.i.l.s16.s32 v7;
	[tilespmem:v6+s28+$0x0] =	vst.idx.add.f32.msk $0xffff, v1  }
0x6e9: {  	v7 =	vunpack.i.u.s16.s32 v7;
	v6 =	vld [tilespmem:s8+$0x84A0]  }
0x6ea: {  	[tilespmem:v2+s28+$0x0] =	vst.idx.add.f32.msk $0xffff, v1;
	v2 =	vunpack.i.l.s16.s32 v3  }
0x6eb: {  	v3 =	vunpack.i.u.s16.s32 v3;
	[tilespmem:v5+s28+$0x0] =	vst.idx.add.f32.msk $0xffff, v1  }
0x6ec: {  	v5 =	vld [tilespmem:s6+$0x84C0]  }
0x6ed: {  	v9 =	vunpack.i.l.s16.s32 v8;
	[tilespmem:v4+s28+$0x0] =	vst.idx.add.f32.msk $0xffff, v1  }
0x6ee: {  	v4 =	vunpack.i.u.s16.s32 v8;
	[tilespmem:v7+s28+$0x0] =	vst.idx.add.f32.msk $0xffff, v1  }
0x6ef: {  	[tilespmem:v2+s28+$0x0] =	vst.idx.add.f32.msk $0xffff, v1  }
0x6f0: {  	v2 =	vunpack.i.l.s16.s32 v6;
	[tilespmem:v3+s28+$0x0] =	vst.idx.add.f32.msk $0xffff, v1  }
0x6f1: {  	v3 =	vunpack.i.u.s16.s32 v6;
	v7 =	vld [tilespmem:s0+$0x84E0]  }
0x6f2: {  	[tilespmem:v9+s28+$0x0] =	vst.idx.add.f32.msk $0xffff, v1  }
0x6f3: {  	v8 =	vunpack.i.l.s16.s32 v5;
	[tilespmem:v4+s28+$0x0] =	vst.idx.add.f32.msk $0xffff, v1  }
.Ltmp14:
0x6f4: {  	v4 =	vunpack.i.u.s16.s32 v5;
	v6 =	vld [tilespmem:s9+$0x8490];
	(pc) =	sbr.rel @p1 .LBB2_21-.Ltmp14, $4  }
0x6f5: {  	[tilespmem:v2+s28+$0x0] =	vst.idx.add.f32.msk $0xffff, v1  }
0x6f6: {  	[tilespmem:v3+s28+$0x0] =	vst.idx.add.f32.msk $0xffff, v1;
	v2 =	vunpack.i.l.s16.s32 v7  }
0x6f7: {  	v3 =	vunpack.i.u.s16.s32 v7;
	v5 =	vld [tilespmem:s8+$0x84B0]  }
0x6f8: {  	s10 =	sadd.s32 $0x200, s10;
	[tilespmem:v8+s28+$0x0] =	vst.idx.add.f32.msk $0xffff, v1  }
0x6f9: {  	v7 =	vunpack.i.l.s16.s32 v6  }
0x6fa: {  	v45 =	vunpack.i.u.s16.s32 v6;
	_ =	sdelay $0x3  }
0x6fb: {  	[tilespmem:v7+s28+$0x0] =	vst.idx.add.f32.msk $0xffff, v1  }
0x6fc: {  	[tilespmem:v45+s28+$0x0] =	vst.idx.add.f32.msk $0xffff, v1  }
0x6fd: {  	v6 =	vld [tilespmem:s9+$0x84A0];
	_ =	sdelay $0x4  }
0x6fe: {  	v46 =	vunpack.i.l.s16.s32 v6  }
0x6ff: {  	v6 =	vunpack.i.u.s16.s32 v6;
	_ =	sdelay $0x3  }
0x700: {  	[tilespmem:v46+s28+$0x0] =	vst.idx.add.f32.msk $0xffff, v1  }
0x701: {  	v47 =	vunpack.i.l.s16.s32 v5;
	[tilespmem:v6+s28+$0x0] =	vst.idx.add.f32.msk $0xffff, v1  }
0x702: {  	v48 =	vunpack.i.u.s16.s32 v5;
	v6 =	vld [tilespmem:s9+$0x84B0];
	_ =	sdelay $0x3  }
0x703: {  	[tilespmem:v47+s28+$0x0] =	vst.idx.add.f32.msk $0xffff, v1  }
0x704: {  	[tilespmem:v48+s28+$0x0] =	vst.idx.add.f32.msk $0xffff, v1;
	v8 =	vunpack.i.l.s16.s32 v6  }
0x705: {  	v5 =	vld [tilespmem:s8+$0x84C0];
	v6 =	vunpack.i.u.s16.s32 v6;
	_ =	sdelay $0x3  }
0x706: {  	[tilespmem:v8+s28+$0x0] =	vst.idx.add.f32.msk $0xffff, v1  }
0x707: {  	v49 =	vunpack.i.l.s16.s32 v5;
	[tilespmem:v6+s28+$0x0] =	vst.idx.add.f32.msk $0xffff, v1  }
0x708: {  	v5 =	vunpack.i.u.s16.s32 v5;
	v6 =	vld [tilespmem:s9+$0x84C0];
	_ =	sdelay $0x3  }
0x709: {  	[tilespmem:v49+s28+$0x0] =	vst.idx.add.f32.msk $0xffff, v1  }
0x70a: {  	[tilespmem:v5+s28+$0x0] =	vst.idx.add.f32.msk $0xffff, v1;
	v50 =	vunpack.i.l.s16.s32 v6  }
0x70b: {  	v5 =	vld [tilespmem:s8+$0x84D0];
	v6 =	vunpack.i.u.s16.s32 v6;
	_ =	sdelay $0x1  }
0x70c: {  	[tilespmem:v4+s28+$0x0] =	vst.idx.add.f32.msk $0xffff, v1  }
0x70d: {  	v51 =	vld [tilespmem:s6+$0x84D0]  }
0x70e: {  	[tilespmem:v50+s28+$0x0] =	vst.idx.add.f32.msk $0xffff, v1  }
0x70f: {  	v55 =	vunpack.i.l.s16.s32 v5;
	[tilespmem:v6+s28+$0x0] =	vst.idx.add.f32.msk $0xffff, v1  }
0x710: {  	v5 =	vunpack.i.u.s16.s32 v5;
	v54 =	vld [tilespmem:s9+$0x84D0];
	_ =	sdelay $0x1  }
0x711: {  	v52 =	vunpack.i.l.s16.s32 v51  }
0x712: {  	[tilespmem:v2+s28+$0x0] =	vst.idx.add.f32.msk $0xffff, v1;
	v53 =	vunpack.i.u.s16.s32 v51  }
0x713: {  	[tilespmem:v55+s28+$0x0] =	vst.idx.add.f32.msk $0xffff, v1  }
0x714: {  	[tilespmem:v5+s28+$0x0] =	vst.idx.add.f32.msk $0xffff, v1;
	v56 =	vunpack.i.l.s16.s32 v54  }
0x715: {  	v5 =	vld [tilespmem:s8+$0x84E0];
	v7 =	vunpack.i.u.s16.s32 v54  }
0x716: {  	[tilespmem:v52+s28+$0x0] =	vst.idx.add.f32.msk $0xffff, v1  }
0x717: {  	[tilespmem:v53+s28+$0x0] =	vst.idx.add.f32.msk $0xffff, v1  }
0x718: {  	v6 =	vld [tilespmem:s6+$0x84E0]  }
0x719: {  	[tilespmem:v56+s28+$0x0] =	vst.idx.add.f32.msk $0xffff, v1  }
0x71a: {  	v2 =	vunpack.i.l.s16.s32 v5;
	[tilespmem:v7+s28+$0x0] =	vst.idx.add.f32.msk $0xffff, v1  }
0x71b: {  	v5 =	vunpack.i.u.s16.s32 v5;
	v7 =	vld [tilespmem:s9+$0x84E0];
	_ =	sdelay $0x1  }
0x71c: {  	[tilespmem:v3+s28+$0x0] =	vst.idx.add.f32.msk $0xffff, v1;
	v57 =	vunpack.i.l.s16.s32 v6  }
0x71d: {  	v3 =	vld [tilespmem:s0+$0x84F0];
	v6 =	vunpack.i.u.s16.s32 v6  }
0x71e: {  	[tilespmem:v2+s28+$0x0] =	vst.idx.add.f32.msk $0xffff, v1  }
0x71f: {  	[tilespmem:v5+s28+$0x0] =	vst.idx.add.f32.msk $0xffff, v1;
	v58 =	vunpack.i.l.s16.s32 v7  }
0x720: {  	v2 =	vld [tilespmem:s8+$0x84F0];
	v7 =	vunpack.i.u.s16.s32 v7  }
0x721: {  	[tilespmem:v57+s28+$0x0] =	vst.idx.add.f32.msk $0xffff, v1  }
0x722: {  	[tilespmem:v6+s28+$0x0] =	vst.idx.add.f32.msk $0xffff, v1  }
0x723: {  	v6 =	vld [tilespmem:s6+$0x84F0]  }
0x724: {  	[tilespmem:v58+s28+$0x0] =	vst.idx.add.f32.msk $0xffff, v1  }
0x725: {  	v59 =	vunpack.i.l.s16.s32 v3;
	[tilespmem:v7+s28+$0x0] =	vst.idx.add.f32.msk $0xffff, v1  }
0x726: {  	v3 =	vunpack.i.u.s16.s32 v3;
	v60 =	vld [tilespmem:s9+$0x84F0]  }
0x727: {  	v62 =	vunpack.i.l.s16.s32 v2  }
0x728: {  	v2 =	vunpack.i.u.s16.s32 v2  }
0x729: {  	v61 =	vunpack.i.l.s16.s32 v6  }
0x72a: {  	[tilespmem:v59+s28+$0x0] =	vst.idx.add.f32.msk $0xffff, v1;
	v6 =	vunpack.i.u.s16.s32 v6  }
0x72b: {  	[tilespmem:v3+s28+$0x0] =	vst.idx.add.f32.msk $0xffff, v1;
	v3 =	vunpack.i.l.s16.s32 v60  }
0x72c: {  	[tilespmem:v62+s28+$0x0] =	vst.idx.add.f32.msk $0xffff, v1;
	v63 =	vunpack.i.u.s16.s32 v60  }
.Ltmp15:
0x72d: {  	[tilespmem:v2+s28+$0x0] =	vst.idx.add.f32.msk $0xffff, v1;
	(pc) =	sbr.rel .LBB2_23-.Ltmp15, $4  }
0x72e: {  	[tilespmem:v61+s28+$0x0] =	vst.idx.add.f32.msk $0xffff, v1  }
0x72f: {  	[tilespmem:v6+s28+$0x0] =	vst.idx.add.f32.msk $0xffff, v1  }
0x730: {  	[tilespmem:v3+s28+$0x0] =	vst.idx.add.f32.msk $0xffff, v1  }
0x731: {  	[tilespmem:v63+s28+$0x0] =	vst.idx.add.f32.msk $0xffff, v1  }
.LBB2_24:
0x732: {  	_ =	sfence.sel $0x180000  }
0x733: {  	[bflag:$0x0] =	sbarrier.arrive $0xFFFF  }
0x734: {  	_ =	strace $0x90000047  }
0x735: {  	[bflag:$0x2] =	sbarrier.arrive $0xFFFF  }
0x736: {  	p0 =	sne.s32 s1, $0x0;
	s0 =	rddreg [dreg:$0x2]  }
0x737: {  	s0 =	sadd.s32 @!p0 $0x100000, s0  }
0x738: {  	[sflag:s0] =	ssyncadd.tile.s32 @!p0 $0x1;
	_ =	shalt  }
.Lfunc_end2:
_tile_overlayer_lowered:
.L_overlay_start_2:
0x739: {  	(tag) =	ssettag $0x2  }
0x73a: {  	s0 =	rddreg [dreg:$0x0];
	s2 =	stileid.u32  }
0x73b: {  	s1 =	rddreg [dreg:$0x1];
	p0 =	sne.s32 s2, $0x0  }
0x73c: {  	s3 =	rddreg [dreg:$0x2];
	[bflag:$0x3] =	sbarrier.arrive $0xFFFF;
	s2 =	simm.s32 @!p0 $0x1C04  }
0x73d: {  	[timem:s3], [sflag:s2] =	dma.local @!p0 [hbm:s0], s1  }
0x73e: {  	s0 =	simm.s32 @!p0 $0x4  }
0x73f: {  	_ =	swait.ge @!p0 [sflag:s0], s1  }
0x740: {  	s1 =	ssub.s32 @!p0 $0x0, s1;
	[sflag:s0] =	ssyncset.done @!p0 $0x0  }
0x741: {  	[sflag:s0] =	ssyncadd.s32 @!p0 s1  }
0x742: {  	[bflag:$0x3] =	sbarrier.arrive $0xFFFF  }
0x743: {  	_ =	shalt  }

</sc_bundles>
